<compile_context>
chip_gen: v7x
topology: tpu7x:2x2x1
jax: 0.10.2.dev20260603
libtpu: 0.0.44.dev20260713+nightly
codegen_flags: <defaults>
</compile_context>

<pallas_src>
import functools

import jax
import jax.numpy as jnp
from jax import lax
from jax.experimental import pallas as pl
from jax.experimental.pallas import tpu as pltpu
from jax.experimental.pallas import tpu_sc as plsc

N_NODE = 1000000
EMBED_DIM = 16
BATCH = 16384

NUM_CORES = 2
NUM_SUBCORES = 16
NUM_LANES = 16
NW = NUM_CORES * NUM_SUBCORES
B_PER_W = BATCH // NW
NBLK = B_PER_W // NUM_LANES

GRP = 8
WIN = 12800
NFULL = N_NODE // WIN
WIN2 = 1536
COVER = NFULL * WIN + WIN2
TAIL = N_NODE - COVER
STRIDE = 7813 * 128
NITEM = (NFULL + 1) * 2 + 1
ITER = -(-NITEM // NW)


def _detile_body(table_t, tail_t, flat_out, buf, buf2, tail_buf):
    wid = lax.axis_index("s") * NUM_CORES + lax.axis_index("c")

    def round_(k, carry):
        item = wid + k * NW

        @pl.when(item < NITEM - 1)
        def _():
            g = item % 2
            win = item // 2
            r0 = g * GRP

            @pl.when(win < NFULL)
            def _full():
                c0 = pl.multiple_of(win * WIN, 128)
                pltpu.sync_copy(
                    table_t.at[pl.ds(r0, GRP), pl.ds(c0, WIN)], buf)
                for s in range(GRP):
                    pltpu.sync_copy(
                        buf.at[s],
                        flat_out.at[pl.ds((r0 + s) * STRIDE + c0, WIN)])

            @pl.when(win == NFULL)
            def _last():
                c0 = pl.multiple_of(NFULL * WIN, 128)
                pltpu.sync_copy(
                    table_t.at[pl.ds(r0, GRP), pl.ds(c0, WIN2)], buf2)
                for s in range(GRP):
                    pltpu.sync_copy(
                        buf2.at[s],
                        flat_out.at[pl.ds((r0 + s) * STRIDE + c0, WIN2)])

        @pl.when(item == NITEM - 1)
        def _tail():
            pltpu.sync_copy(tail_t, tail_buf)
            for s in range(EMBED_DIM):
                pltpu.sync_copy(
                    tail_buf.at[s],
                    flat_out.at[pl.ds(s * STRIDE + COVER, TAIL)])

        return carry

    lax.fori_loop(0, ITER, round_, 0)


def _gather_body(flat_tab, bias_tab, nid, nnid,
                 score_out, embu_t_out, embv_t_out, bias_out,
                 idx_u, idx_v, idx_d, cols_u, cols_v, bias_vm, score_vm,
                 sem_u, sem_v, sem_b, sem_o):
    wid = lax.axis_index("s") * NUM_CORES + lax.axis_index("c")
    base = wid * B_PER_W

    pltpu.sync_copy(nid.at[pl.ds(base, B_PER_W)], idx_u)
    pltpu.sync_copy(nnid.at[pl.ds(base, B_PER_W)], idx_v)
    cp_b = pltpu.async_copy(bias_tab.at[idx_v], bias_vm, sem_b)
    cps = []
    for d in range(EMBED_DIM):
        plane = flat_tab.at[pl.ds(d * STRIDE, N_NODE)]
        cps.append(pltpu.async_copy(plane.at[idx_u], cols_u.at[d], sem_u))
        cps.append(pltpu.async_copy(plane.at[idx_v], cols_v.at[d], sem_v))
    for cp in cps:
        cp.wait()
    cp_b.wait()

    ocs = [pltpu.async_copy(bias_vm, bias_out.at[pl.ds(base, B_PER_W)], sem_o)]
    for d in range(EMBED_DIM):
        ocs.append(pltpu.async_copy(
            cols_u.at[d], embu_t_out.at[d, pl.ds(base, B_PER_W)], sem_o))
        ocs.append(pltpu.async_copy(
            cols_v.at[d], embv_t_out.at[d, pl.ds(base, B_PER_W)], sem_o))

    def block(j, carry):
        sl = pl.ds(j * NUM_LANES, NUM_LANES)
        acc = bias_vm[sl]
        for d in range(EMBED_DIM):
            acc = acc + cols_u[d, sl] * cols_v[d, sl]
        score_vm[sl] = jnp.clip(acc, -10.0, 10.0)
        return carry

    lax.fori_loop(0, NBLK, block, 0)

    pltpu.sync_copy(score_vm, score_out.at[pl.ds(base, B_PER_W)])
    for oc in ocs:
        oc.wait()


@jax.jit
def kernel(embedding_matrix, bias_vector, node_id, node_neighbor_id):
    mesh = plsc.VectorSubcoreMesh(core_axis_name="c", subcore_axis_name="s")

    table_t = embedding_matrix.T
    detile = functools.partial(
        pl.kernel,
        mesh=mesh,
        out_type=jax.ShapeDtypeStruct((EMBED_DIM * STRIDE,), jnp.float32),
        scratch_types=[
            pltpu.VMEM((GRP, WIN), jnp.float32),
            pltpu.VMEM((GRP, WIN2), jnp.float32),
            pltpu.VMEM((EMBED_DIM, TAIL), jnp.float32),
        ],
    )(_detile_body)
    flat_tab = detile(table_t, lax.slice(table_t, (0, COVER),
                                         (EMBED_DIM, N_NODE)))

    gather = functools.partial(
        pl.kernel,
        mesh=mesh,
        compiler_params=pltpu.CompilerParams(use_tc_tiling_on_sc=False),
        out_type=[
            jax.ShapeDtypeStruct((BATCH,), jnp.float32),
            jax.ShapeDtypeStruct((EMBED_DIM, BATCH), jnp.float32),
            jax.ShapeDtypeStruct((EMBED_DIM, BATCH), jnp.float32),
            jax.ShapeDtypeStruct((BATCH,), jnp.float32),
        ],
        scratch_types=[
            pltpu.VMEM((B_PER_W,), jnp.int32),
            pltpu.VMEM((B_PER_W,), jnp.int32),
            pltpu.VMEM((B_PER_W,), jnp.int32),
            pltpu.VMEM((EMBED_DIM, B_PER_W), jnp.float32),
            pltpu.VMEM((EMBED_DIM, B_PER_W), jnp.float32),
            pltpu.VMEM((B_PER_W,), jnp.float32),
            pltpu.VMEM((B_PER_W,), jnp.float32),
            pltpu.SemaphoreType.DMA,
            pltpu.SemaphoreType.DMA,
            pltpu.SemaphoreType.DMA,
            pltpu.SemaphoreType.DMA,
        ],
    )(_gather_body)
    score, embu_t, embv_t, bias = gather(
        flat_tab,
        bias_vector,
        node_id.astype(jnp.int32),
        node_neighbor_id.astype(jnp.int32),
    )
    return (score, embu_t.T, embv_t.T, bias)

# --- scband reference (transcript-rebuilt; emitter-appended) ---
"""Pipeline reference for scband-graph-gandiscriminator-78967268704661 (READ-ONLY COPY).

The authoritative reference and input builder live on the scoring server;
editing this copy changes nothing except your own understanding.
"""

import jax, jax.numpy as jnp
import numpy as np

N_NODE = 1000000
EMBED_DIM = 16
BATCH = 16384


def setup_inputs(seed: int = 0) -> dict:
    key = jax.random.key(seed)
    k1, k2, k3 = jax.random.split(key, 3)
    # learned parameters (embedding_matrix initialized from initial_node_embedding,
    # bias_vector initialized to zeros per reset_parameters)
    embedding_matrix = jax.random.normal(k1, (N_NODE, EMBED_DIM), dtype=jnp.float32) * 0.1
    bias_vector = jnp.zeros((N_NODE,), dtype=jnp.float32)
    node_id = jax.random.randint(k2, (BATCH,), 0, N_NODE, dtype=jnp.int64 if jax.config.jax_enable_x64 else jnp.int32)
    node_neighbor_id = jax.random.randint(k3, (BATCH,), 0, N_NODE, dtype=jnp.int64 if jax.config.jax_enable_x64 else jnp.int32)
    return {
        "embedding_matrix": embedding_matrix,
        "bias_vector": bias_vector,
        "node_id": node_id,
        "node_neighbor_id": node_neighbor_id,
    }


def reference(embedding_matrix, bias_vector, node_id, node_neighbor_id):
    node_embedding = jnp.take(embedding_matrix, node_id, axis=0)
    node_neighbor_embedding = jnp.take(embedding_matrix, node_neighbor_id, axis=0)
    bias = jnp.take(bias_vector, node_neighbor_id, axis=0)
    score = jnp.sum(node_embedding * node_neighbor_embedding, axis=1) + bias
    score = jnp.clip(score, -10.0, 10.0)
    return (score, node_embedding, node_neighbor_embedding, bias)

if __name__ == "__main__":
    import jax
    _d = setup_inputs()
    print(jax.jit(kernel)(*tuple(_d.values())))

</pallas_src>

<mosaic_0001>
#map = affine_map<(d0, d1) -> (0, 0)>
#map1 = affine_map<(d0, d1) -> (0)>
module attributes {stable_mosaic.version = 14 : i64} {
  func.func @_detile_body(%arg0: i32, %arg1: i32, %arg2: memref<16x1000000xf32, #tpu.memory_space<hbm>>, %arg3: memref<16x64xf32, #tpu.memory_space<hbm>>, %arg4: memref<16001024xf32, #tpu.memory_space<hbm>>, %arg5: memref<8x12800xf32, #tpu.memory_space<vmem>>, %arg6: memref<8x1536xf32, #tpu.memory_space<vmem>>, %arg7: memref<16x64xf32, #tpu.memory_space<vmem>>) attributes {dimension_semantics = [#tpu.dimension_semantics<core_parallel>, #tpu.dimension_semantics<subcore_parallel>], iteration_bounds = array<i64: 2, 16>, scalar_prefetch = 0 : i64, scratch_operands = 3 : i64, tpu.core_type = #tpu.core_type<sc_vector_subcore>, window_params = [{transform_indices = #map}, {transform_indices = #map}, {transform_indices = #map1}]} {
    %mul3A = arith.constant 2 : i32
    %mul3A_0 = arith.muli %arg1, %mul3A : i32
    %add3A = arith.addi %mul3A_0, %arg0 : i32
    %scan3A = arith.constant 0 : i32
    %scan3A_1 = arith.constant 0 : i32
    %scan3A_2 = arith.constant 5 : i32
    %scan3A_3 = arith.addi %scan3A_1, %scan3A_2 : i32
    %scan3A_4 = arith.constant 1 : i32
    scf.for %scan3A_6 = %scan3A_1 to %scan3A_3 step %scan3A_4  : i32 {
      %mul3A_7 = arith.constant 32 : i32
      %mul3A_8 = arith.muli %scan3A_6, %mul3A_7 : i32
      %add3A_9 = arith.addi %add3A, %mul3A_8 : i32
      %lt3A = arith.constant 158 : i32
      %lt3A_10 = arith.cmpi slt, %add3A_9, %lt3A : i32
      %convert_element_type3A = arith.extui %lt3A_10 : i1 to i32
      %cond3A = arith.constant 0 : i32
      %cond3A_11 = arith.cmpi ne, %convert_element_type3A, %cond3A : i32
      scf.if %cond3A_11 {
        %jit3A = arith.constant 2 : i32
        %eq3A_16 = arith.constant 0 : i32
        %eq3A_17 = arith.cmpi eq, %jit3A, %eq3A_16 : i32
        %jit3A_18 = arith.constant 1 : i32
        %select_n3A = arith.select %eq3A_17, %jit3A_18, %jit3A : i32
        %rem3A = arith.remsi %add3A_9, %select_n3A : i32
        %ne3A = arith.constant 0 : i32
        %ne3A_19 = arith.cmpi ne, %rem3A, %ne3A : i32
        %lt3A_20 = arith.constant 0 : i32
        %lt3A_21 = arith.cmpi slt, %rem3A, %lt3A_20 : i32
        %lt3A_22 = arith.constant 0 : i32
        %lt3A_23 = arith.cmpi slt, %select_n3A, %lt3A_22 : i32
        %ne3A_24 = arith.xori %lt3A_21, %lt3A_23 : i1
        %and3A = arith.andi %ne3A_24, %ne3A_19 : i1
        %add3A_25 = arith.addi %rem3A, %select_n3A : i32
        %select_n3A_26 = arith.select %and3A, %add3A_25, %rem3A : i32
        %jit3A_27 = arith.constant 2 : i32
        %div3A = arith.divsi %add3A_9, %jit3A_27 : i32
        %sign3A = arith.constant 0 : i32
        %sign3A_28 = arith.cmpi sgt, %add3A_9, %sign3A : i32
        %sign3A_29 = arith.extui %sign3A_28 : i1 to i32
        %sign3A_30 = arith.constant 0 : i32
        %sign3A_31 = arith.cmpi slt, %add3A_9, %sign3A_30 : i32
        %sign3A_32 = arith.extui %sign3A_31 : i1 to i32
        %sign3A_33 = arith.subi %sign3A_29, %sign3A_32 : i32
        %sign3A_34 = arith.constant 0 : i32
        %sign3A_35 = arith.cmpi sgt, %jit3A_27, %sign3A_34 : i32
        %sign3A_36 = arith.extui %sign3A_35 : i1 to i32
        %sign3A_37 = arith.constant 0 : i32
        %sign3A_38 = arith.cmpi slt, %jit3A_27, %sign3A_37 : i32
        %sign3A_39 = arith.extui %sign3A_38 : i1 to i32
        %sign3A_40 = arith.subi %sign3A_36, %sign3A_39 : i32
        %ne3A_41 = arith.cmpi ne, %sign3A_33, %sign3A_40 : i32
        %rem3A_42 = arith.remsi %add3A_9, %jit3A_27 : i32
        %ne3A_43 = arith.constant 0 : i32
        %ne3A_44 = arith.cmpi ne, %rem3A_42, %ne3A_43 : i32
        %and3A_45 = arith.andi %ne3A_41, %ne3A_44 : i1
        %sub3A = arith.constant 1 : i32
        %sub3A_46 = arith.subi %div3A, %sub3A : i32
        %select_n3A_47 = arith.select %and3A_45, %sub3A_46, %div3A : i32
        %mul3A_48 = arith.constant 8 : i32
        %mul3A_49 = arith.muli %select_n3A_26, %mul3A_48 : i32
        %lt3A_50 = arith.constant 78 : i32
        %lt3A_51 = arith.cmpi slt, %select_n3A_47, %lt3A_50 : i32
        %convert_element_type3A_52 = arith.extui %lt3A_51 : i1 to i32
        %cond3A_53 = arith.constant 0 : i32
        %cond3A_54 = arith.cmpi ne, %convert_element_type3A_52, %cond3A_53 : i32
        scf.if %cond3A_54 {
          %mul3A_60 = arith.constant 12800 : i32
          %mul3A_61 = arith.muli %select_n3A_47, %mul3A_60 : i32
          %multiple_of3A = tpu.assume_multiple %mul3A_61, 128 : i32
          "tpu.region"() ({
            %run_scoped3A_109 = tpu.sem_alloc : memref<!tpu.dma_semaphore, #tpu.memory_space<semaphore_mem>>
            %dma_start3A = tpu.memref_slice %arg2[%mul3A_49, %multiple_of3A] : memref<16x1000000xf32, #tpu.memory_space<hbm>> -> memref<8x12800xf32, #tpu.memory_space<hbm>>
            %dma_start3A_110 = tpu.memref_slice %arg2[%mul3A_49, %multiple_of3A] : memref<16x1000000xf32, #tpu.memory_space<hbm>> -> memref<8x12800xf32, #tpu.memory_space<hbm>>
            tpu.enqueue_dma source(%dma_start3A_110 : memref<8x12800xf32, #tpu.memory_space<hbm>>) target(%arg5 : memref<8x12800xf32, #tpu.memory_space<vmem>>) target_semaphore(%run_scoped3A_109 : memref<!tpu.dma_semaphore, #tpu.memory_space<semaphore_mem>>)
            %dma_wait3A = tpu.memref_slice %arg2[%mul3A_49, %multiple_of3A] : memref<16x1000000xf32, #tpu.memory_space<hbm>> -> memref<8x12800xf32, #tpu.memory_space<hbm>>
            %dma_wait3A_111 = tpu.memref_slice %arg2[%mul3A_49, %multiple_of3A] : memref<16x1000000xf32, #tpu.memory_space<hbm>> -> memref<8x12800xf32, #tpu.memory_space<hbm>>
            tpu.wait_dma2 semaphore(%run_scoped3A_109 : memref<!tpu.dma_semaphore, #tpu.memory_space<semaphore_mem>>) src(%dma_wait3A_111 : memref<8x12800xf32, #tpu.memory_space<hbm>>) dst(%arg5 : memref<8x12800xf32, #tpu.memory_space<vmem>>)
            tpu.yield
          }) : () -> ()
          %add3A_62 = arith.constant 0 : i32
          %add3A_63 = arith.addi %mul3A_49, %add3A_62 : i32
          %mul3A_64 = arith.constant 1000064 : i32
          %mul3A_65 = arith.muli %add3A_63, %mul3A_64 : i32
          %add3A_66 = arith.addi %mul3A_65, %multiple_of3A : i32
          %run_scoped3A = arith.constant 0 : i32
          "tpu.region"() ({
            %run_scoped3A_109 = tpu.sem_alloc : memref<!tpu.dma_semaphore, #tpu.memory_space<semaphore_mem>>
            %dma_start3A = arith.constant 0 : i32
            %dma_start3A_110 = tpu.memref_slice %arg5[%run_scoped3A, %dma_start3A] : memref<8x12800xf32, #tpu.memory_space<vmem>> -> memref<1x12800xf32, #tpu.memory_space<vmem>>
            %dma_start3A_111 = tpu.memref_squeeze %dma_start3A_110 : memref<1x12800xf32, #tpu.memory_space<vmem>> -> memref<12800xf32, #tpu.memory_space<vmem>>
            %dma_start3A_112 = tpu.memref_slice %arg4[%add3A_66] : memref<16001024xf32, #tpu.memory_space<hbm>> -> memref<12800xf32, #tpu.memory_space<hbm>>
            %dma_start3A_113 = tpu.memref_slice %arg4[%add3A_66] : memref<16001024xf32, #tpu.memory_space<hbm>> -> memref<12800xf32, #tpu.memory_space<hbm>>
            %dma_start3A_114 = arith.constant 0 : i32
            %dma_start3A_115 = tpu.memref_slice %arg5[%run_scoped3A, %dma_start3A_114] : memref<8x12800xf32, #tpu.memory_space<vmem>> -> memref<1x12800xf32, #tpu.memory_space<vmem>>
            %dma_start3A_116 = tpu.memref_squeeze %dma_start3A_115 : memref<1x12800xf32, #tpu.memory_space<vmem>> -> memref<12800xf32, #tpu.memory_space<vmem>>
            tpu.enqueue_dma source(%dma_start3A_116 : memref<12800xf32, #tpu.memory_space<vmem>>) target(%dma_start3A_113 : memref<12800xf32, #tpu.memory_space<hbm>>) target_semaphore(%run_scoped3A_109 : memref<!tpu.dma_semaphore, #tpu.memory_space<semaphore_mem>>)
            %dma_wait3A = arith.constant 0 : i32
            %dma_wait3A_117 = tpu.memref_slice %arg5[%run_scoped3A, %dma_wait3A] : memref<8x12800xf32, #tpu.memory_space<vmem>> -> memref<1x12800xf32, #tpu.memory_space<vmem>>
            %dma_wait3A_118 = tpu.memref_squeeze %dma_wait3A_117 : memref<1x12800xf32, #tpu.memory_space<vmem>> -> memref<12800xf32, #tpu.memory_space<vmem>>
            %dma_wait3A_119 = tpu.memref_slice %arg4[%add3A_66] : memref<16001024xf32, #tpu.memory_space<hbm>> -> memref<12800xf32, #tpu.memory_space<hbm>>
            %dma_wait3A_120 = tpu.memref_slice %arg4[%add3A_66] : memref<16001024xf32, #tpu.memory_space<hbm>> -> memref<12800xf32, #tpu.memory_space<hbm>>
            %dma_wait3A_121 = arith.constant 0 : i32
            %dma_wait3A_122 = tpu.memref_slice %arg5[%run_scoped3A, %dma_wait3A_121] : memref<8x12800xf32, #tpu.memory_space<vmem>> -> memref<1x12800xf32, #tpu.memory_space<vmem>>
            %dma_wait3A_123 = tpu.memref_squeeze %dma_wait3A_122 : memref<1x12800xf32, #tpu.memory_space<vmem>> -> memref<12800xf32, #tpu.memory_space<vmem>>
            tpu.wait_dma2 semaphore(%run_scoped3A_109 : memref<!tpu.dma_semaphore, #tpu.memory_space<semaphore_mem>>) src(%dma_wait3A_123 : memref<12800xf32, #tpu.memory_space<vmem>>) dst(%dma_wait3A_120 : memref<12800xf32, #tpu.memory_space<hbm>>)
            tpu.yield
          }) : () -> ()
          %add3A_67 = arith.constant 1 : i32
          %add3A_68 = arith.addi %mul3A_49, %add3A_67 : i32
          %mul3A_69 = arith.constant 1000064 : i32
          %mul3A_70 = arith.muli %add3A_68, %mul3A_69 : i32
          %add3A_71 = arith.addi %mul3A_70, %multiple_of3A : i32
          %run_scoped3A_72 = arith.constant 1 : i32
          "tpu.region"() ({
            %run_scoped3A_109 = tpu.sem_alloc : memref<!tpu.dma_semaphore, #tpu.memory_space<semaphore_mem>>
            %dma_start3A = arith.constant 0 : i32
            %dma_start3A_110 = tpu.memref_slice %arg5[%run_scoped3A_72, %dma_start3A] : memref<8x12800xf32, #tpu.memory_space<vmem>> -> memref<1x12800xf32, #tpu.memory_space<vmem>>
            %dma_start3A_111 = tpu.memref_squeeze %dma_start3A_110 : memref<1x12800xf32, #tpu.memory_space<vmem>> -> memref<12800xf32, #tpu.memory_space<vmem>>
            %dma_start3A_112 = tpu.memref_slice %arg4[%add3A_71] : memref<16001024xf32, #tpu.memory_space<hbm>> -> memref<12800xf32, #tpu.memory_space<hbm>>
            %dma_start3A_113 = tpu.memref_slice %arg4[%add3A_71] : memref<16001024xf32, #tpu.memory_space<hbm>> -> memref<12800xf32, #tpu.memory_space<hbm>>
            %dma_start3A_114 = arith.constant 0 : i32
            %dma_start3A_115 = tpu.memref_slice %arg5[%run_scoped3A_72, %dma_start3A_114] : memref<8x12800xf32, #tpu.memory_space<vmem>> -> memref<1x12800xf32, #tpu.memory_space<vmem>>
            %dma_start3A_116 = tpu.memref_squeeze %dma_start3A_115 : memref<1x12800xf32, #tpu.memory_space<vmem>> -> memref<12800xf32, #tpu.memory_space<vmem>>
            tpu.enqueue_dma source(%dma_start3A_116 : memref<12800xf32, #tpu.memory_space<vmem>>) target(%dma_start3A_113 : memref<12800xf32, #tpu.memory_space<hbm>>) target_semaphore(%run_scoped3A_109 : memref<!tpu.dma_semaphore, #tpu.memory_space<semaphore_mem>>)
            %dma_wait3A = arith.constant 0 : i32
            %dma_wait3A_117 = tpu.memref_slice %arg5[%run_scoped3A_72, %dma_wait3A] : memref<8x12800xf32, #tpu.memory_space<vmem>> -> memref<1x12800xf32, #tpu.memory_space<vmem>>
            %dma_wait3A_118 = tpu.memref_squeeze %dma_wait3A_117 : memref<1x12800xf32, #tpu.memory_space<vmem>> -> memref<12800xf32, #tpu.memory_space<vmem>>
            %dma_wait3A_119 = tpu.memref_slice %arg4[%add3A_71] : memref<16001024xf32, #tpu.memory_space<hbm>> -> memref<12800xf32, #tpu.memory_space<hbm>>
            %dma_wait3A_120 = tpu.memref_slice %arg4[%add3A_71] : memref<16001024xf32, #tpu.memory_space<hbm>> -> memref<12800xf32, #tpu.memory_space<hbm>>
            %dma_wait3A_121 = arith.constant 0 : i32
            %dma_wait3A_122 = tpu.memref_slice %arg5[%run_scoped3A_72, %dma_wait3A_121] : memref<8x12800xf32, #tpu.memory_space<vmem>> -> memref<1x12800xf32, #tpu.memory_space<vmem>>
            %dma_wait3A_123 = tpu.memref_squeeze %dma_wait3A_122 : memref<1x12800xf32, #tpu.memory_space<vmem>> -> memref<12800xf32, #tpu.memory_space<vmem>>
            tpu.wait_dma2 semaphore(%run_scoped3A_109 : memref<!tpu.dma_semaphore, #tpu.memory_space<semaphore_mem>>) src(%dma_wait3A_123 : memref<12800xf32, #tpu.memory_space<vmem>>) dst(%dma_wait3A_120 : memref<12800xf32, #tpu.memory_space<hbm>>)
            tpu.yield
          }) : () -> ()
          %add3A_73 = arith.constant 2 : i32
          %add3A_74 = arith.addi %mul3A_49, %add3A_73 : i32
          %mul3A_75 = arith.constant 1000064 : i32
          %mul3A_76 = arith.muli %add3A_74, %mul3A_75 : i32
          %add3A_77 = arith.addi %mul3A_76, %multiple_of3A : i32
          %run_scoped3A_78 = arith.constant 2 : i32
          "tpu.region"() ({
            %run_scoped3A_109 = tpu.sem_alloc : memref<!tpu.dma_semaphore, #tpu.memory_space<semaphore_mem>>
            %dma_start3A = arith.constant 0 : i32
            %dma_start3A_110 = tpu.memref_slice %arg5[%run_scoped3A_78, %dma_start3A] : memref<8x12800xf32, #tpu.memory_space<vmem>> -> memref<1x12800xf32, #tpu.memory_space<vmem>>
            %dma_start3A_111 = tpu.memref_squeeze %dma_start3A_110 : memref<1x12800xf32, #tpu.memory_space<vmem>> -> memref<12800xf32, #tpu.memory_space<vmem>>
            %dma_start3A_112 = tpu.memref_slice %arg4[%add3A_77] : memref<16001024xf32, #tpu.memory_space<hbm>> -> memref<12800xf32, #tpu.memory_space<hbm>>
            %dma_start3A_113 = tpu.memref_slice %arg4[%add3A_77] : memref<16001024xf32, #tpu.memory_space<hbm>> -> memref<12800xf32, #tpu.memory_space<hbm>>
            %dma_start3A_114 = arith.constant 0 : i32
            %dma_start3A_115 = tpu.memref_slice %arg5[%run_scoped3A_78, %dma_start3A_114] : memref<8x12800xf32, #tpu.memory_space<vmem>> -> memref<1x12800xf32, #tpu.memory_space<vmem>>
            %dma_start3A_116 = tpu.memref_squeeze %dma_start3A_115 : memref<1x12800xf32, #tpu.memory_space<vmem>> -> memref<12800xf32, #tpu.memory_space<vmem>>
            tpu.enqueue_dma source(%dma_start3A_116 : memref<12800xf32, #tpu.memory_space<vmem>>) target(%dma_start3A_113 : memref<12800xf32, #tpu.memory_space<hbm>>) target_semaphore(%run_scoped3A_109 : memref<!tpu.dma_semaphore, #tpu.memory_space<semaphore_mem>>)
            %dma_wait3A = arith.constant 0 : i32
            %dma_wait3A_117 = tpu.memref_slice %arg5[%run_scoped3A_78, %dma_wait3A] : memref<8x12800xf32, #tpu.memory_space<vmem>> -> memref<1x12800xf32, #tpu.memory_space<vmem>>
            %dma_wait3A_118 = tpu.memref_squeeze %dma_wait3A_117 : memref<1x12800xf32, #tpu.memory_space<vmem>> -> memref<12800xf32, #tpu.memory_space<vmem>>
            %dma_wait3A_119 = tpu.memref_slice %arg4[%add3A_77] : memref<16001024xf32, #tpu.memory_space<hbm>> -> memref<12800xf32, #tpu.memory_space<hbm>>
            %dma_wait3A_120 = tpu.memref_slice %arg4[%add3A_77] : memref<16001024xf32, #tpu.memory_space<hbm>> -> memref<12800xf32, #tpu.memory_space<hbm>>
            %dma_wait3A_121 = arith.constant 0 : i32
            %dma_wait3A_122 = tpu.memref_slice %arg5[%run_scoped3A_78, %dma_wait3A_121] : memref<8x12800xf32, #tpu.memory_space<vmem>> -> memref<1x12800xf32, #tpu.memory_space<vmem>>
            %dma_wait3A_123 = tpu.memref_squeeze %dma_wait3A_122 : memref<1x12800xf32, #tpu.memory_space<vmem>> -> memref<12800xf32, #tpu.memory_space<vmem>>
            tpu.wait_dma2 semaphore(%run_scoped3A_109 : memref<!tpu.dma_semaphore, #tpu.memory_space<semaphore_mem>>) src(%dma_wait3A_123 : memref<12800xf32, #tpu.memory_space<vmem>>) dst(%dma_wait3A_120 : memref<12800xf32, #tpu.memory_space<hbm>>)
            tpu.yield
          }) : () -> ()
          %add3A_79 = arith.constant 3 : i32
          %add3A_80 = arith.addi %mul3A_49, %add3A_79 : i32
          %mul3A_81 = arith.constant 1000064 : i32
          %mul3A_82 = arith.muli %add3A_80, %mul3A_81 : i32
          %add3A_83 = arith.addi %mul3A_82, %multiple_of3A : i32
          %run_scoped3A_84 = arith.constant 3 : i32
          "tpu.region"() ({
            %run_scoped3A_109 = tpu.sem_alloc : memref<!tpu.dma_semaphore, #tpu.memory_space<semaphore_mem>>
            %dma_start3A = arith.constant 0 : i32
            %dma_start3A_110 = tpu.memref_slice %arg5[%run_scoped3A_84, %dma_start3A] : memref<8x12800xf32, #tpu.memory_space<vmem>> -> memref<1x12800xf32, #tpu.memory_space<vmem>>
            %dma_start3A_111 = tpu.memref_squeeze %dma_start3A_110 : memref<1x12800xf32, #tpu.memory_space<vmem>> -> memref<12800xf32, #tpu.memory_space<vmem>>
            %dma_start3A_112 = tpu.memref_slice %arg4[%add3A_83] : memref<16001024xf32, #tpu.memory_space<hbm>> -> memref<12800xf32, #tpu.memory_space<hbm>>
            %dma_start3A_113 = tpu.memref_slice %arg4[%add3A_83] : memref<16001024xf32, #tpu.memory_space<hbm>> -> memref<12800xf32, #tpu.memory_space<hbm>>
            %dma_start3A_114 = arith.constant 0 : i32
            %dma_start3A_115 = tpu.memref_slice %arg5[%run_scoped3A_84, %dma_start3A_114] : memref<8x12800xf32, #tpu.memory_space<vmem>> -> memref<1x12800xf32, #tpu.memory_space<vmem>>
            %dma_start3A_116 = tpu.memref_squeeze %dma_start3A_115 : memref<1x12800xf32, #tpu.memory_space<vmem>> -> memref<12800xf32, #tpu.memory_space<vmem>>
            tpu.enqueue_dma source(%dma_start3A_116 : memref<12800xf32, #tpu.memory_space<vmem>>) target(%dma_start3A_113 : memref<12800xf32, #tpu.memory_space<hbm>>) target_semaphore(%run_scoped3A_109 : memref<!tpu.dma_semaphore, #tpu.memory_space<semaphore_mem>>)
            %dma_wait3A = arith.constant 0 : i32
            %dma_wait3A_117 = tpu.memref_slice %arg5[%run_scoped3A_84, %dma_wait3A] : memref<8x12800xf32, #tpu.memory_space<vmem>> -> memref<1x12800xf32, #tpu.memory_space<vmem>>
            %dma_wait3A_118 = tpu.memref_squeeze %dma_wait3A_117 : memref<1x12800xf32, #tpu.memory_space<vmem>> -> memref<12800xf32, #tpu.memory_space<vmem>>
            %dma_wait3A_119 = tpu.memref_slice %arg4[%add3A_83] : memref<16001024xf32, #tpu.memory_space<hbm>> -> memref<12800xf32, #tpu.memory_space<hbm>>
            %dma_wait3A_120 = tpu.memref_slice %arg4[%add3A_83] : memref<16001024xf32, #tpu.memory_space<hbm>> -> memref<12800xf32, #tpu.memory_space<hbm>>
            %dma_wait3A_121 = arith.constant 0 : i32
            %dma_wait3A_122 = tpu.memref_slice %arg5[%run_scoped3A_84, %dma_wait3A_121] : memref<8x12800xf32, #tpu.memory_space<vmem>> -> memref<1x12800xf32, #tpu.memory_space<vmem>>
            %dma_wait3A_123 = tpu.memref_squeeze %dma_wait3A_122 : memref<1x12800xf32, #tpu.memory_space<vmem>> -> memref<12800xf32, #tpu.memory_space<vmem>>
            tpu.wait_dma2 semaphore(%run_scoped3A_109 : memref<!tpu.dma_semaphore, #tpu.memory_space<semaphore_mem>>) src(%dma_wait3A_123 : memref<12800xf32, #tpu.memory_space<vmem>>) dst(%dma_wait3A_120 : memref<12800xf32, #tpu.memory_space<hbm>>)
            tpu.yield
          }) : () -> ()
          %add3A_85 = arith.constant 4 : i32
          %add3A_86 = arith.addi %mul3A_49, %add3A_85 : i32
          %mul3A_87 = arith.constant 1000064 : i32
          %mul3A_88 = arith.muli %add3A_86, %mul3A_87 : i32
          %add3A_89 = arith.addi %mul3A_88, %multiple_of3A : i32
          %run_scoped3A_90 = arith.constant 4 : i32
          "tpu.region"() ({
            %run_scoped3A_109 = tpu.sem_alloc : memref<!tpu.dma_semaphore, #tpu.memory_space<semaphore_mem>>
            %dma_start3A = arith.constant 0 : i32
            %dma_start3A_110 = tpu.memref_slice %arg5[%run_scoped3A_90, %dma_start3A] : memref<8x12800xf32, #tpu.memory_space<vmem>> -> memref<1x12800xf32, #tpu.memory_space<vmem>>
            %dma_start3A_111 = tpu.memref_squeeze %dma_start3A_110 : memref<1x12800xf32, #tpu.memory_space<vmem>> -> memref<12800xf32, #tpu.memory_space<vmem>>
            %dma_start3A_112 = tpu.memref_slice %arg4[%add3A_89] : memref<16001024xf32, #tpu.memory_space<hbm>> -> memref<12800xf32, #tpu.memory_space<hbm>>
            %dma_start3A_113 = tpu.memref_slice %arg4[%add3A_89] : memref<16001024xf32, #tpu.memory_space<hbm>> -> memref<12800xf32, #tpu.memory_space<hbm>>
            %dma_start3A_114 = arith.constant 0 : i32
            %dma_start3A_115 = tpu.memref_slice %arg5[%run_scoped3A_90, %dma_start3A_114] : memref<8x12800xf32, #tpu.memory_space<vmem>> -> memref<1x12800xf32, #tpu.memory_space<vmem>>
            %dma_start3A_116 = tpu.memref_squeeze %dma_start3A_115 : memref<1x12800xf32, #tpu.memory_space<vmem>> -> memref<12800xf32, #tpu.memory_space<vmem>>
            tpu.enqueue_dma source(%dma_start3A_116 : memref<12800xf32, #tpu.memory_space<vmem>>) target(%dma_start3A_113 : memref<12800xf32, #tpu.memory_space<hbm>>) target_semaphore(%run_scoped3A_109 : memref<!tpu.dma_semaphore, #tpu.memory_space<semaphore_mem>>)
            %dma_wait3A = arith.constant 0 : i32
            %dma_wait3A_117 = tpu.memref_slice %arg5[%run_scoped3A_90, %dma_wait3A] : memref<8x12800xf32, #tpu.memory_space<vmem>> -> memref<1x12800xf32, #tpu.memory_space<vmem>>
            %dma_wait3A_118 = tpu.memref_squeeze %dma_wait3A_117 : memref<1x12800xf32, #tpu.memory_space<vmem>> -> memref<12800xf32, #tpu.memory_space<vmem>>
            %dma_wait3A_119 = tpu.memref_slice %arg4[%add3A_89] : memref<16001024xf32, #tpu.memory_space<hbm>> -> memref<12800xf32, #tpu.memory_space<hbm>>
            %dma_wait3A_120 = tpu.memref_slice %arg4[%add3A_89] : memref<16001024xf32, #tpu.memory_space<hbm>> -> memref<12800xf32, #tpu.memory_space<hbm>>
            %dma_wait3A_121 = arith.constant 0 : i32
            %dma_wait3A_122 = tpu.memref_slice %arg5[%run_scoped3A_90, %dma_wait3A_121] : memref<8x12800xf32, #tpu.memory_space<vmem>> -> memref<1x12800xf32, #tpu.memory_space<vmem>>
            %dma_wait3A_123 = tpu.memref_squeeze %dma_wait3A_122 : memref<1x12800xf32, #tpu.memory_space<vmem>> -> memref<12800xf32, #tpu.memory_space<vmem>>
            tpu.wait_dma2 semaphore(%run_scoped3A_109 : memref<!tpu.dma_semaphore, #tpu.memory_space<semaphore_mem>>) src(%dma_wait3A_123 : memref<12800xf32, #tpu.memory_space<vmem>>) dst(%dma_wait3A_120 : memref<12800xf32, #tpu.memory_space<hbm>>)
            tpu.yield
          }) : () -> ()
          %add3A_91 = arith.constant 5 : i32
          %add3A_92 = arith.addi %mul3A_49, %add3A_91 : i32
          %mul3A_93 = arith.constant 1000064 : i32
          %mul3A_94 = arith.muli %add3A_92, %mul3A_93 : i32
          %add3A_95 = arith.addi %mul3A_94, %multiple_of3A : i32
          %run_scoped3A_96 = arith.constant 5 : i32
          "tpu.region"() ({
            %run_scoped3A_109 = tpu.sem_alloc : memref<!tpu.dma_semaphore, #tpu.memory_space<semaphore_mem>>
            %dma_start3A = arith.constant 0 : i32
            %dma_start3A_110 = tpu.memref_slice %arg5[%run_scoped3A_96, %dma_start3A] : memref<8x12800xf32, #tpu.memory_space<vmem>> -> memref<1x12800xf32, #tpu.memory_space<vmem>>
            %dma_start3A_111 = tpu.memref_squeeze %dma_start3A_110 : memref<1x12800xf32, #tpu.memory_space<vmem>> -> memref<12800xf32, #tpu.memory_space<vmem>>
            %dma_start3A_112 = tpu.memref_slice %arg4[%add3A_95] : memref<16001024xf32, #tpu.memory_space<hbm>> -> memref<12800xf32, #tpu.memory_space<hbm>>
            %dma_start3A_113 = tpu.memref_slice %arg4[%add3A_95] : memref<16001024xf32, #tpu.memory_space<hbm>> -> memref<12800xf32, #tpu.memory_space<hbm>>
            %dma_start3A_114 = arith.constant 0 : i32
            %dma_start3A_115 = tpu.memref_slice %arg5[%run_scoped3A_96, %dma_start3A_114] : memref<8x12800xf32, #tpu.memory_space<vmem>> -> memref<1x12800xf32, #tpu.memory_space<vmem>>
            %dma_start3A_116 = tpu.memref_squeeze %dma_start3A_115 : memref<1x12800xf32, #tpu.memory_space<vmem>> -> memref<12800xf32, #tpu.memory_space<vmem>>
            tpu.enqueue_dma source(%dma_start3A_116 : memref<12800xf32, #tpu.memory_space<vmem>>) target(%dma_start3A_113 : memref<12800xf32, #tpu.memory_space<hbm>>) target_semaphore(%run_scoped3A_109 : memref<!tpu.dma_semaphore, #tpu.memory_space<semaphore_mem>>)
            %dma_wait3A = arith.constant 0 : i32
            %dma_wait3A_117 = tpu.memref_slice %arg5[%run_scoped3A_96, %dma_wait3A] : memref<8x12800xf32, #tpu.memory_space<vmem>> -> memref<1x12800xf32, #tpu.memory_space<vmem>>
            %dma_wait3A_118 = tpu.memref_squeeze %dma_wait3A_117 : memref<1x12800xf32, #tpu.memory_space<vmem>> -> memref<12800xf32, #tpu.memory_space<vmem>>
            %dma_wait3A_119 = tpu.memref_slice %arg4[%add3A_95] : memref<16001024xf32, #tpu.memory_space<hbm>> -> memref<12800xf32, #tpu.memory_space<hbm>>
            %dma_wait3A_120 = tpu.memref_slice %arg4[%add3A_95] : memref<16001024xf32, #tpu.memory_space<hbm>> -> memref<12800xf32, #tpu.memory_space<hbm>>
            %dma_wait3A_121 = arith.constant 0 : i32
            %dma_wait3A_122 = tpu.memref_slice %arg5[%run_scoped3A_96, %dma_wait3A_121] : memref<8x12800xf32, #tpu.memory_space<vmem>> -> memref<1x12800xf32, #tpu.memory_space<vmem>>
            %dma_wait3A_123 = tpu.memref_squeeze %dma_wait3A_122 : memref<1x12800xf32, #tpu.memory_space<vmem>> -> memref<12800xf32, #tpu.memory_space<vmem>>
            tpu.wait_dma2 semaphore(%run_scoped3A_109 : memref<!tpu.dma_semaphore, #tpu.memory_space<semaphore_mem>>) src(%dma_wait3A_123 : memref<12800xf32, #tpu.memory_space<vmem>>) dst(%dma_wait3A_120 : memref<12800xf32, #tpu.memory_space<hbm>>)
            tpu.yield
          }) : () -> ()
          %add3A_97 = arith.constant 6 : i32
          %add3A_98 = arith.addi %mul3A_49, %add3A_97 : i32
          %mul3A_99 = arith.constant 1000064 : i32
          %mul3A_100 = arith.muli %add3A_98, %mul3A_99 : i32
          %add3A_101 = arith.addi %mul3A_100, %multiple_of3A : i32
          %run_scoped3A_102 = arith.constant 6 : i32
          "tpu.region"() ({
            %run_scoped3A_109 = tpu.sem_alloc : memref<!tpu.dma_semaphore, #tpu.memory_space<semaphore_mem>>
            %dma_start3A = arith.constant 0 : i32
            %dma_start3A_110 = tpu.memref_slice %arg5[%run_scoped3A_102, %dma_start3A] : memref<8x12800xf32, #tpu.memory_space<vmem>> -> memref<1x12800xf32, #tpu.memory_space<vmem>>
            %dma_start3A_111 = tpu.memref_squeeze %dma_start3A_110 : memref<1x12800xf32, #tpu.memory_space<vmem>> -> memref<12800xf32, #tpu.memory_space<vmem>>
            %dma_start3A_112 = tpu.memref_slice %arg4[%add3A_101] : memref<16001024xf32, #tpu.memory_space<hbm>> -> memref<12800xf32, #tpu.memory_space<hbm>>
            %dma_start3A_113 = tpu.memref_slice %arg4[%add3A_101] : memref<16001024xf32, #tpu.memory_space<hbm>> -> memref<12800xf32, #tpu.memory_space<hbm>>
            %dma_start3A_114 = arith.constant 0 : i32
            %dma_start3A_115 = tpu.memref_slice %arg5[%run_scoped3A_102, %dma_start3A_114] : memref<8x12800xf32, #tpu.memory_space<vmem>> -> memref<1x12800xf32, #tpu.memory_space<vmem>>
            %dma_start3A_116 = tpu.memref_squeeze %dma_start3A_115 : memref<1x12800xf32, #tpu.memory_space<vmem>> -> memref<12800xf32, #tpu.memory_space<vmem>>
            tpu.enqueue_dma source(%dma_start3A_116 : memref<12800xf32, #tpu.memory_space<vmem>>) target(%dma_start3A_113 : memref<12800xf32, #tpu.memory_space<hbm>>) target_semaphore(%run_scoped3A_109 : memref<!tpu.dma_semaphore, #tpu.memory_space<semaphore_mem>>)
            %dma_wait3A = arith.constant 0 : i32
            %dma_wait3A_117 = tpu.memref_slice %arg5[%run_scoped3A_102, %dma_wait3A] : memref<8x12800xf32, #tpu.memory_space<vmem>> -> memref<1x12800xf32, #tpu.memory_space<vmem>>
            %dma_wait3A_118 = tpu.memref_squeeze %dma_wait3A_117 : memref<1x12800xf32, #tpu.memory_space<vmem>> -> memref<12800xf32, #tpu.memory_space<vmem>>
            %dma_wait3A_119 = tpu.memref_slice %arg4[%add3A_101] : memref<16001024xf32, #tpu.memory_space<hbm>> -> memref<12800xf32, #tpu.memory_space<hbm>>
            %dma_wait3A_120 = tpu.memref_slice %arg4[%add3A_101] : memref<16001024xf32, #tpu.memory_space<hbm>> -> memref<12800xf32, #tpu.memory_space<hbm>>
            %dma_wait3A_121 = arith.constant 0 : i32
            %dma_wait3A_122 = tpu.memref_slice %arg5[%run_scoped3A_102, %dma_wait3A_121] : memref<8x12800xf32, #tpu.memory_space<vmem>> -> memref<1x12800xf32, #tpu.memory_space<vmem>>
            %dma_wait3A_123 = tpu.memref_squeeze %dma_wait3A_122 : memref<1x12800xf32, #tpu.memory_space<vmem>> -> memref<12800xf32, #tpu.memory_space<vmem>>
            tpu.wait_dma2 semaphore(%run_scoped3A_109 : memref<!tpu.dma_semaphore, #tpu.memory_space<semaphore_mem>>) src(%dma_wait3A_123 : memref<12800xf32, #tpu.memory_space<vmem>>) dst(%dma_wait3A_120 : memref<12800xf32, #tpu.memory_space<hbm>>)
            tpu.yield
          }) : () -> ()
          %add3A_103 = arith.constant 7 : i32
          %add3A_104 = arith.addi %mul3A_49, %add3A_103 : i32
          %mul3A_105 = arith.constant 1000064 : i32
          %mul3A_106 = arith.muli %add3A_104, %mul3A_105 : i32
          %add3A_107 = arith.addi %mul3A_106, %multiple_of3A : i32
          %run_scoped3A_108 = arith.constant 7 : i32
          "tpu.region"() ({
            %run_scoped3A_109 = tpu.sem_alloc : memref<!tpu.dma_semaphore, #tpu.memory_space<semaphore_mem>>
            %dma_start3A = arith.constant 0 : i32
            %dma_start3A_110 = tpu.memref_slice %arg5[%run_scoped3A_108, %dma_start3A] : memref<8x12800xf32, #tpu.memory_space<vmem>> -> memref<1x12800xf32, #tpu.memory_space<vmem>>
            %dma_start3A_111 = tpu.memref_squeeze %dma_start3A_110 : memref<1x12800xf32, #tpu.memory_space<vmem>> -> memref<12800xf32, #tpu.memory_space<vmem>>
            %dma_start3A_112 = tpu.memref_slice %arg4[%add3A_107] : memref<16001024xf32, #tpu.memory_space<hbm>> -> memref<12800xf32, #tpu.memory_space<hbm>>
            %dma_start3A_113 = tpu.memref_slice %arg4[%add3A_107] : memref<16001024xf32, #tpu.memory_space<hbm>> -> memref<12800xf32, #tpu.memory_space<hbm>>
            %dma_start3A_114 = arith.constant 0 : i32
            %dma_start3A_115 = tpu.memref_slice %arg5[%run_scoped3A_108, %dma_start3A_114] : memref<8x12800xf32, #tpu.memory_space<vmem>> -> memref<1x12800xf32, #tpu.memory_space<vmem>>
            %dma_start3A_116 = tpu.memref_squeeze %dma_start3A_115 : memref<1x12800xf32, #tpu.memory_space<vmem>> -> memref<12800xf32, #tpu.memory_space<vmem>>
            tpu.enqueue_dma source(%dma_start3A_116 : memref<12800xf32, #tpu.memory_space<vmem>>) target(%dma_start3A_113 : memref<12800xf32, #tpu.memory_space<hbm>>) target_semaphore(%run_scoped3A_109 : memref<!tpu.dma_semaphore, #tpu.memory_space<semaphore_mem>>)
            %dma_wait3A = arith.constant 0 : i32
            %dma_wait3A_117 = tpu.memref_slice %arg5[%run_scoped3A_108, %dma_wait3A] : memref<8x12800xf32, #tpu.memory_space<vmem>> -> memref<1x12800xf32, #tpu.memory_space<vmem>>
            %dma_wait3A_118 = tpu.memref_squeeze %dma_wait3A_117 : memref<1x12800xf32, #tpu.memory_space<vmem>> -> memref<12800xf32, #tpu.memory_space<vmem>>
            %dma_wait3A_119 = tpu.memref_slice %arg4[%add3A_107] : memref<16001024xf32, #tpu.memory_space<hbm>> -> memref<12800xf32, #tpu.memory_space<hbm>>
            %dma_wait3A_120 = tpu.memref_slice %arg4[%add3A_107] : memref<16001024xf32, #tpu.memory_space<hbm>> -> memref<12800xf32, #tpu.memory_space<hbm>>
            %dma_wait3A_121 = arith.constant 0 : i32
            %dma_wait3A_122 = tpu.memref_slice %arg5[%run_scoped3A_108, %dma_wait3A_121] : memref<8x12800xf32, #tpu.memory_space<vmem>> -> memref<1x12800xf32, #tpu.memory_space<vmem>>
            %dma_wait3A_123 = tpu.memref_squeeze %dma_wait3A_122 : memref<1x12800xf32, #tpu.memory_space<vmem>> -> memref<12800xf32, #tpu.memory_space<vmem>>
            tpu.wait_dma2 semaphore(%run_scoped3A_109 : memref<!tpu.dma_semaphore, #tpu.memory_space<semaphore_mem>>) src(%dma_wait3A_123 : memref<12800xf32, #tpu.memory_space<vmem>>) dst(%dma_wait3A_120 : memref<12800xf32, #tpu.memory_space<hbm>>)
            tpu.yield
          }) : () -> ()
        } else {
        }
        %eq3A_55 = arith.constant 78 : i32
        %eq3A_56 = arith.cmpi eq, %select_n3A_47, %eq3A_55 : i32
        %convert_element_type3A_57 = arith.extui %eq3A_56 : i1 to i32
        %cond3A_58 = arith.constant 0 : i32
        %cond3A_59 = arith.cmpi ne, %convert_element_type3A_57, %cond3A_58 : i32
        scf.if %cond3A_59 {
          %multiple_of3A = arith.constant 998400 : i32
          %multiple_of3A_60 = tpu.assume_multiple %multiple_of3A, 128 : i32
          "tpu.region"() ({
            %run_scoped3A_108 = tpu.sem_alloc : memref<!tpu.dma_semaphore, #tpu.memory_space<semaphore_mem>>
            %dma_start3A = tpu.memref_slice %arg2[%mul3A_49, %multiple_of3A_60] : memref<16x1000000xf32, #tpu.memory_space<hbm>> -> memref<8x1536xf32, #tpu.memory_space<hbm>>
            %dma_start3A_109 = tpu.memref_slice %arg2[%mul3A_49, %multiple_of3A_60] : memref<16x1000000xf32, #tpu.memory_space<hbm>> -> memref<8x1536xf32, #tpu.memory_space<hbm>>
            tpu.enqueue_dma source(%dma_start3A_109 : memref<8x1536xf32, #tpu.memory_space<hbm>>) target(%arg6 : memref<8x1536xf32, #tpu.memory_space<vmem>>) target_semaphore(%run_scoped3A_108 : memref<!tpu.dma_semaphore, #tpu.memory_space<semaphore_mem>>)
            %dma_wait3A = tpu.memref_slice %arg2[%mul3A_49, %multiple_of3A_60] : memref<16x1000000xf32, #tpu.memory_space<hbm>> -> memref<8x1536xf32, #tpu.memory_space<hbm>>
            %dma_wait3A_110 = tpu.memref_slice %arg2[%mul3A_49, %multiple_of3A_60] : memref<16x1000000xf32, #tpu.memory_space<hbm>> -> memref<8x1536xf32, #tpu.memory_space<hbm>>
            tpu.wait_dma2 semaphore(%run_scoped3A_108 : memref<!tpu.dma_semaphore, #tpu.memory_space<semaphore_mem>>) src(%dma_wait3A_110 : memref<8x1536xf32, #tpu.memory_space<hbm>>) dst(%arg6 : memref<8x1536xf32, #tpu.memory_space<vmem>>)
            tpu.yield
          }) : () -> ()
          %add3A_61 = arith.constant 0 : i32
          %add3A_62 = arith.addi %mul3A_49, %add3A_61 : i32
          %mul3A_63 = arith.constant 1000064 : i32
          %mul3A_64 = arith.muli %add3A_62, %mul3A_63 : i32
          %add3A_65 = arith.addi %mul3A_64, %multiple_of3A_60 : i32
          %run_scoped3A = arith.constant 0 : i32
          "tpu.region"() ({
            %run_scoped3A_108 = tpu.sem_alloc : memref<!tpu.dma_semaphore, #tpu.memory_space<semaphore_mem>>
            %dma_start3A = arith.constant 0 : i32
            %dma_start3A_109 = tpu.memref_slice %arg6[%run_scoped3A, %dma_start3A] : memref<8x1536xf32, #tpu.memory_space<vmem>> -> memref<1x1536xf32, #tpu.memory_space<vmem>>
            %dma_start3A_110 = tpu.memref_squeeze %dma_start3A_109 : memref<1x1536xf32, #tpu.memory_space<vmem>> -> memref<1536xf32, #tpu.memory_space<vmem>>
            %dma_start3A_111 = tpu.memref_slice %arg4[%add3A_65] : memref<16001024xf32, #tpu.memory_space<hbm>> -> memref<1536xf32, #tpu.memory_space<hbm>>
            %dma_start3A_112 = tpu.memref_slice %arg4[%add3A_65] : memref<16001024xf32, #tpu.memory_space<hbm>> -> memref<1536xf32, #tpu.memory_space<hbm>>
            %dma_start3A_113 = arith.constant 0 : i32
            %dma_start3A_114 = tpu.memref_slice %arg6[%run_scoped3A, %dma_start3A_113] : memref<8x1536xf32, #tpu.memory_space<vmem>> -> memref<1x1536xf32, #tpu.memory_space<vmem>>
            %dma_start3A_115 = tpu.memref_squeeze %dma_start3A_114 : memref<1x1536xf32, #tpu.memory_space<vmem>> -> memref<1536xf32, #tpu.memory_space<vmem>>
            tpu.enqueue_dma source(%dma_start3A_115 : memref<1536xf32, #tpu.memory_space<vmem>>) target(%dma_start3A_112 : memref<1536xf32, #tpu.memory_space<hbm>>) target_semaphore(%run_scoped3A_108 : memref<!tpu.dma_semaphore, #tpu.memory_space<semaphore_mem>>)
            %dma_wait3A = arith.constant 0 : i32
            %dma_wait3A_116 = tpu.memref_slice %arg6[%run_scoped3A, %dma_wait3A] : memref<8x1536xf32, #tpu.memory_space<vmem>> -> memref<1x1536xf32, #tpu.memory_space<vmem>>
            %dma_wait3A_117 = tpu.memref_squeeze %dma_wait3A_116 : memref<1x1536xf32, #tpu.memory_space<vmem>> -> memref<1536xf32, #tpu.memory_space<vmem>>
            %dma_wait3A_118 = tpu.memref_slice %arg4[%add3A_65] : memref<16001024xf32, #tpu.memory_space<hbm>> -> memref<1536xf32, #tpu.memory_space<hbm>>
            %dma_wait3A_119 = tpu.memref_slice %arg4[%add3A_65] : memref<16001024xf32, #tpu.memory_space<hbm>> -> memref<1536xf32, #tpu.memory_space<hbm>>
            %dma_wait3A_120 = arith.constant 0 : i32
            %dma_wait3A_121 = tpu.memref_slice %arg6[%run_scoped3A, %dma_wait3A_120] : memref<8x1536xf32, #tpu.memory_space<vmem>> -> memref<1x1536xf32, #tpu.memory_space<vmem>>
            %dma_wait3A_122 = tpu.memref_squeeze %dma_wait3A_121 : memref<1x1536xf32, #tpu.memory_space<vmem>> -> memref<1536xf32, #tpu.memory_space<vmem>>
            tpu.wait_dma2 semaphore(%run_scoped3A_108 : memref<!tpu.dma_semaphore, #tpu.memory_space<semaphore_mem>>) src(%dma_wait3A_122 : memref<1536xf32, #tpu.memory_space<vmem>>) dst(%dma_wait3A_119 : memref<1536xf32, #tpu.memory_space<hbm>>)
            tpu.yield
          }) : () -> ()
          %add3A_66 = arith.constant 1 : i32
          %add3A_67 = arith.addi %mul3A_49, %add3A_66 : i32
          %mul3A_68 = arith.constant 1000064 : i32
          %mul3A_69 = arith.muli %add3A_67, %mul3A_68 : i32
          %add3A_70 = arith.addi %mul3A_69, %multiple_of3A_60 : i32
          %run_scoped3A_71 = arith.constant 1 : i32
          "tpu.region"() ({
            %run_scoped3A_108 = tpu.sem_alloc : memref<!tpu.dma_semaphore, #tpu.memory_space<semaphore_mem>>
            %dma_start3A = arith.constant 0 : i32
            %dma_start3A_109 = tpu.memref_slice %arg6[%run_scoped3A_71, %dma_start3A] : memref<8x1536xf32, #tpu.memory_space<vmem>> -> memref<1x1536xf32, #tpu.memory_space<vmem>>
            %dma_start3A_110 = tpu.memref_squeeze %dma_start3A_109 : memref<1x1536xf32, #tpu.memory_space<vmem>> -> memref<1536xf32, #tpu.memory_space<vmem>>
            %dma_start3A_111 = tpu.memref_slice %arg4[%add3A_70] : memref<16001024xf32, #tpu.memory_space<hbm>> -> memref<1536xf32, #tpu.memory_space<hbm>>
            %dma_start3A_112 = tpu.memref_slice %arg4[%add3A_70] : memref<16001024xf32, #tpu.memory_space<hbm>> -> memref<1536xf32, #tpu.memory_space<hbm>>
            %dma_start3A_113 = arith.constant 0 : i32
            %dma_start3A_114 = tpu.memref_slice %arg6[%run_scoped3A_71, %dma_start3A_113] : memref<8x1536xf32, #tpu.memory_space<vmem>> -> memref<1x1536xf32, #tpu.memory_space<vmem>>
            %dma_start3A_115 = tpu.memref_squeeze %dma_start3A_114 : memref<1x1536xf32, #tpu.memory_space<vmem>> -> memref<1536xf32, #tpu.memory_space<vmem>>
            tpu.enqueue_dma source(%dma_start3A_115 : memref<1536xf32, #tpu.memory_space<vmem>>) target(%dma_start3A_112 : memref<1536xf32, #tpu.memory_space<hbm>>) target_semaphore(%run_scoped3A_108 : memref<!tpu.dma_semaphore, #tpu.memory_space<semaphore_mem>>)
            %dma_wait3A = arith.constant 0 : i32
            %dma_wait3A_116 = tpu.memref_slice %arg6[%run_scoped3A_71, %dma_wait3A] : memref<8x1536xf32, #tpu.memory_space<vmem>> -> memref<1x1536xf32, #tpu.memory_space<vmem>>
            %dma_wait3A_117 = tpu.memref_squeeze %dma_wait3A_116 : memref<1x1536xf32, #tpu.memory_space<vmem>> -> memref<1536xf32, #tpu.memory_space<vmem>>
            %dma_wait3A_118 = tpu.memref_slice %arg4[%add3A_70] : memref<16001024xf32, #tpu.memory_space<hbm>> -> memref<1536xf32, #tpu.memory_space<hbm>>
            %dma_wait3A_119 = tpu.memref_slice %arg4[%add3A_70] : memref<16001024xf32, #tpu.memory_space<hbm>> -> memref<1536xf32, #tpu.memory_space<hbm>>
            %dma_wait3A_120 = arith.constant 0 : i32
            %dma_wait3A_121 = tpu.memref_slice %arg6[%run_scoped3A_71, %dma_wait3A_120] : memref<8x1536xf32, #tpu.memory_space<vmem>> -> memref<1x1536xf32, #tpu.memory_space<vmem>>
            %dma_wait3A_122 = tpu.memref_squeeze %dma_wait3A_121 : memref<1x1536xf32, #tpu.memory_space<vmem>> -> memref<1536xf32, #tpu.memory_space<vmem>>
            tpu.wait_dma2 semaphore(%run_scoped3A_108 : memref<!tpu.dma_semaphore, #tpu.memory_space<semaphore_mem>>) src(%dma_wait3A_122 : memref<1536xf32, #tpu.memory_space<vmem>>) dst(%dma_wait3A_119 : memref<1536xf32, #tpu.memory_space<hbm>>)
            tpu.yield
          }) : () -> ()
          %add3A_72 = arith.constant 2 : i32
          %add3A_73 = arith.addi %mul3A_49, %add3A_72 : i32
          %mul3A_74 = arith.constant 1000064 : i32
          %mul3A_75 = arith.muli %add3A_73, %mul3A_74 : i32
          %add3A_76 = arith.addi %mul3A_75, %multiple_of3A_60 : i32
          %run_scoped3A_77 = arith.constant 2 : i32
          "tpu.region"() ({
            %run_scoped3A_108 = tpu.sem_alloc : memref<!tpu.dma_semaphore, #tpu.memory_space<semaphore_mem>>
            %dma_start3A = arith.constant 0 : i32
            %dma_start3A_109 = tpu.memref_slice %arg6[%run_scoped3A_77, %dma_start3A] : memref<8x1536xf32, #tpu.memory_space<vmem>> -> memref<1x1536xf32, #tpu.memory_space<vmem>>
            %dma_start3A_110 = tpu.memref_squeeze %dma_start3A_109 : memref<1x1536xf32, #tpu.memory_space<vmem>> -> memref<1536xf32, #tpu.memory_space<vmem>>
            %dma_start3A_111 = tpu.memref_slice %arg4[%add3A_76] : memref<16001024xf32, #tpu.memory_space<hbm>> -> memref<1536xf32, #tpu.memory_space<hbm>>
            %dma_start3A_112 = tpu.memref_slice %arg4[%add3A_76] : memref<16001024xf32, #tpu.memory_space<hbm>> -> memref<1536xf32, #tpu.memory_space<hbm>>
            %dma_start3A_113 = arith.constant 0 : i32
            %dma_start3A_114 = tpu.memref_slice %arg6[%run_scoped3A_77, %dma_start3A_113] : memref<8x1536xf32, #tpu.memory_space<vmem>> -> memref<1x1536xf32, #tpu.memory_space<vmem>>
            %dma_start3A_115 = tpu.memref_squeeze %dma_start3A_114 : memref<1x1536xf32, #tpu.memory_space<vmem>> -> memref<1536xf32, #tpu.memory_space<vmem>>
            tpu.enqueue_dma source(%dma_start3A_115 : memref<1536xf32, #tpu.memory_space<vmem>>) target(%dma_start3A_112 : memref<1536xf32, #tpu.memory_space<hbm>>) target_semaphore(%run_scoped3A_108 : memref<!tpu.dma_semaphore, #tpu.memory_space<semaphore_mem>>)
            %dma_wait3A = arith.constant 0 : i32
            %dma_wait3A_116 = tpu.memref_slice %arg6[%run_scoped3A_77, %dma_wait3A] : memref<8x1536xf32, #tpu.memory_space<vmem>> -> memref<1x1536xf32, #tpu.memory_space<vmem>>
            %dma_wait3A_117 = tpu.memref_squeeze %dma_wait3A_116 : memref<1x1536xf32, #tpu.memory_space<vmem>> -> memref<1536xf32, #tpu.memory_space<vmem>>
            %dma_wait3A_118 = tpu.memref_slice %arg4[%add3A_76] : memref<16001024xf32, #tpu.memory_space<hbm>> -> memref<1536xf32, #tpu.memory_space<hbm>>
            %dma_wait3A_119 = tpu.memref_slice %arg4[%add3A_76] : memref<16001024xf32, #tpu.memory_space<hbm>> -> memref<1536xf32, #tpu.memory_space<hbm>>
            %dma_wait3A_120 = arith.constant 0 : i32
            %dma_wait3A_121 = tpu.memref_slice %arg6[%run_scoped3A_77, %dma_wait3A_120] : memref<8x1536xf32, #tpu.memory_space<vmem>> -> memref<1x1536xf32, #tpu.memory_space<vmem>>
            %dma_wait3A_122 = tpu.memref_squeeze %dma_wait3A_121 : memref<1x1536xf32, #tpu.memory_space<vmem>> -> memref<1536xf32, #tpu.memory_space<vmem>>
            tpu.wait_dma2 semaphore(%run_scoped3A_108 : memref<!tpu.dma_semaphore, #tpu.memory_space<semaphore_mem>>) src(%dma_wait3A_122 : memref<1536xf32, #tpu.memory_space<vmem>>) dst(%dma_wait3A_119 : memref<1536xf32, #tpu.memory_space<hbm>>)
            tpu.yield
          }) : () -> ()
          %add3A_78 = arith.constant 3 : i32
          %add3A_79 = arith.addi %mul3A_49, %add3A_78 : i32
          %mul3A_80 = arith.constant 1000064 : i32
          %mul3A_81 = arith.muli %add3A_79, %mul3A_80 : i32
          %add3A_82 = arith.addi %mul3A_81, %multiple_of3A_60 : i32
          %run_scoped3A_83 = arith.constant 3 : i32
          "tpu.region"() ({
            %run_scoped3A_108 = tpu.sem_alloc : memref<!tpu.dma_semaphore, #tpu.memory_space<semaphore_mem>>
            %dma_start3A = arith.constant 0 : i32
            %dma_start3A_109 = tpu.memref_slice %arg6[%run_scoped3A_83, %dma_start3A] : memref<8x1536xf32, #tpu.memory_space<vmem>> -> memref<1x1536xf32, #tpu.memory_space<vmem>>
            %dma_start3A_110 = tpu.memref_squeeze %dma_start3A_109 : memref<1x1536xf32, #tpu.memory_space<vmem>> -> memref<1536xf32, #tpu.memory_space<vmem>>
            %dma_start3A_111 = tpu.memref_slice %arg4[%add3A_82] : memref<16001024xf32, #tpu.memory_space<hbm>> -> memref<1536xf32, #tpu.memory_space<hbm>>
            %dma_start3A_112 = tpu.memref_slice %arg4[%add3A_82] : memref<16001024xf32, #tpu.memory_space<hbm>> -> memref<1536xf32, #tpu.memory_space<hbm>>
            %dma_start3A_113 = arith.constant 0 : i32
            %dma_start3A_114 = tpu.memref_slice %arg6[%run_scoped3A_83, %dma_start3A_113] : memref<8x1536xf32, #tpu.memory_space<vmem>> -> memref<1x1536xf32, #tpu.memory_space<vmem>>
            %dma_start3A_115 = tpu.memref_squeeze %dma_start3A_114 : memref<1x1536xf32, #tpu.memory_space<vmem>> -> memref<1536xf32, #tpu.memory_space<vmem>>
            tpu.enqueue_dma source(%dma_start3A_115 : memref<1536xf32, #tpu.memory_space<vmem>>) target(%dma_start3A_112 : memref<1536xf32, #tpu.memory_space<hbm>>) target_semaphore(%run_scoped3A_108 : memref<!tpu.dma_semaphore, #tpu.memory_space<semaphore_mem>>)
            %dma_wait3A = arith.constant 0 : i32
            %dma_wait3A_116 = tpu.memref_slice %arg6[%run_scoped3A_83, %dma_wait3A] : memref<8x1536xf32, #tpu.memory_space<vmem>> -> memref<1x1536xf32, #tpu.memory_space<vmem>>
            %dma_wait3A_117 = tpu.memref_squeeze %dma_wait3A_116 : memref<1x1536xf32, #tpu.memory_space<vmem>> -> memref<1536xf32, #tpu.memory_space<vmem>>
            %dma_wait3A_118 = tpu.memref_slice %arg4[%add3A_82] : memref<16001024xf32, #tpu.memory_space<hbm>> -> memref<1536xf32, #tpu.memory_space<hbm>>
            %dma_wait3A_119 = tpu.memref_slice %arg4[%add3A_82] : memref<16001024xf32, #tpu.memory_space<hbm>> -> memref<1536xf32, #tpu.memory_space<hbm>>
            %dma_wait3A_120 = arith.constant 0 : i32
            %dma_wait3A_121 = tpu.memref_slice %arg6[%run_scoped3A_83, %dma_wait3A_120] : memref<8x1536xf32, #tpu.memory_space<vmem>> -> memref<1x1536xf32, #tpu.memory_space<vmem>>
            %dma_wait3A_122 = tpu.memref_squeeze %dma_wait3A_121 : memref<1x1536xf32, #tpu.memory_space<vmem>> -> memref<1536xf32, #tpu.memory_space<vmem>>
            tpu.wait_dma2 semaphore(%run_scoped3A_108 : memref<!tpu.dma_semaphore, #tpu.memory_space<semaphore_mem>>) src(%dma_wait3A_122 : memref<1536xf32, #tpu.memory_space<vmem>>) dst(%dma_wait3A_119 : memref<1536xf32, #tpu.memory_space<hbm>>)
            tpu.yield
          }) : () -> ()
          %add3A_84 = arith.constant 4 : i32
          %add3A_85 = arith.addi %mul3A_49, %add3A_84 : i32
          %mul3A_86 = arith.constant 1000064 : i32
          %mul3A_87 = arith.muli %add3A_85, %mul3A_86 : i32
          %add3A_88 = arith.addi %mul3A_87, %multiple_of3A_60 : i32
          %run_scoped3A_89 = arith.constant 4 : i32
          "tpu.region"() ({
            %run_scoped3A_108 = tpu.sem_alloc : memref<!tpu.dma_semaphore, #tpu.memory_space<semaphore_mem>>
            %dma_start3A = arith.constant 0 : i32
            %dma_start3A_109 = tpu.memref_slice %arg6[%run_scoped3A_89, %dma_start3A] : memref<8x1536xf32, #tpu.memory_space<vmem>> -> memref<1x1536xf32, #tpu.memory_space<vmem>>
            %dma_start3A_110 = tpu.memref_squeeze %dma_start3A_109 : memref<1x1536xf32, #tpu.memory_space<vmem>> -> memref<1536xf32, #tpu.memory_space<vmem>>
            %dma_start3A_111 = tpu.memref_slice %arg4[%add3A_88] : memref<16001024xf32, #tpu.memory_space<hbm>> -> memref<1536xf32, #tpu.memory_space<hbm>>
            %dma_start3A_112 = tpu.memref_slice %arg4[%add3A_88] : memref<16001024xf32, #tpu.memory_space<hbm>> -> memref<1536xf32, #tpu.memory_space<hbm>>
            %dma_start3A_113 = arith.constant 0 : i32
            %dma_start3A_114 = tpu.memref_slice %arg6[%run_scoped3A_89, %dma_start3A_113] : memref<8x1536xf32, #tpu.memory_space<vmem>> -> memref<1x1536xf32, #tpu.memory_space<vmem>>
            %dma_start3A_115 = tpu.memref_squeeze %dma_start3A_114 : memref<1x1536xf32, #tpu.memory_space<vmem>> -> memref<1536xf32, #tpu.memory_space<vmem>>
            tpu.enqueue_dma source(%dma_start3A_115 : memref<1536xf32, #tpu.memory_space<vmem>>) target(%dma_start3A_112 : memref<1536xf32, #tpu.memory_space<hbm>>) target_semaphore(%run_scoped3A_108 : memref<!tpu.dma_semaphore, #tpu.memory_space<semaphore_mem>>)
            %dma_wait3A = arith.constant 0 : i32
            %dma_wait3A_116 = tpu.memref_slice %arg6[%run_scoped3A_89, %dma_wait3A] : memref<8x1536xf32, #tpu.memory_space<vmem>> -> memref<1x1536xf32, #tpu.memory_space<vmem>>
            %dma_wait3A_117 = tpu.memref_squeeze %dma_wait3A_116 : memref<1x1536xf32, #tpu.memory_space<vmem>> -> memref<1536xf32, #tpu.memory_space<vmem>>
            %dma_wait3A_118 = tpu.memref_slice %arg4[%add3A_88] : memref<16001024xf32, #tpu.memory_space<hbm>> -> memref<1536xf32, #tpu.memory_space<hbm>>
            %dma_wait3A_119 = tpu.memref_slice %arg4[%add3A_88] : memref<16001024xf32, #tpu.memory_space<hbm>> -> memref<1536xf32, #tpu.memory_space<hbm>>
            %dma_wait3A_120 = arith.constant 0 : i32
            %dma_wait3A_121 = tpu.memref_slice %arg6[%run_scoped3A_89, %dma_wait3A_120] : memref<8x1536xf32, #tpu.memory_space<vmem>> -> memref<1x1536xf32, #tpu.memory_space<vmem>>
            %dma_wait3A_122 = tpu.memref_squeeze %dma_wait3A_121 : memref<1x1536xf32, #tpu.memory_space<vmem>> -> memref<1536xf32, #tpu.memory_space<vmem>>
            tpu.wait_dma2 semaphore(%run_scoped3A_108 : memref<!tpu.dma_semaphore, #tpu.memory_space<semaphore_mem>>) src(%dma_wait3A_122 : memref<1536xf32, #tpu.memory_space<vmem>>) dst(%dma_wait3A_119 : memref<1536xf32, #tpu.memory_space<hbm>>)
            tpu.yield
          }) : () -> ()
          %add3A_90 = arith.constant 5 : i32
          %add3A_91 = arith.addi %mul3A_49, %add3A_90 : i32
          %mul3A_92 = arith.constant 1000064 : i32
          %mul3A_93 = arith.muli %add3A_91, %mul3A_92 : i32
          %add3A_94 = arith.addi %mul3A_93, %multiple_of3A_60 : i32
          %run_scoped3A_95 = arith.constant 5 : i32
          "tpu.region"() ({
            %run_scoped3A_108 = tpu.sem_alloc : memref<!tpu.dma_semaphore, #tpu.memory_space<semaphore_mem>>
            %dma_start3A = arith.constant 0 : i32
            %dma_start3A_109 = tpu.memref_slice %arg6[%run_scoped3A_95, %dma_start3A] : memref<8x1536xf32, #tpu.memory_space<vmem>> -> memref<1x1536xf32, #tpu.memory_space<vmem>>
            %dma_start3A_110 = tpu.memref_squeeze %dma_start3A_109 : memref<1x1536xf32, #tpu.memory_space<vmem>> -> memref<1536xf32, #tpu.memory_space<vmem>>
            %dma_start3A_111 = tpu.memref_slice %arg4[%add3A_94] : memref<16001024xf32, #tpu.memory_space<hbm>> -> memref<1536xf32, #tpu.memory_space<hbm>>
            %dma_start3A_112 = tpu.memref_slice %arg4[%add3A_94] : memref<16001024xf32, #tpu.memory_space<hbm>> -> memref<1536xf32, #tpu.memory_space<hbm>>
            %dma_start3A_113 = arith.constant 0 : i32
            %dma_start3A_114 = tpu.memref_slice %arg6[%run_scoped3A_95, %dma_start3A_113] : memref<8x1536xf32, #tpu.memory_space<vmem>> -> memref<1x1536xf32, #tpu.memory_space<vmem>>
            %dma_start3A_115 = tpu.memref_squeeze %dma_start3A_114 : memref<1x1536xf32, #tpu.memory_space<vmem>> -> memref<1536xf32, #tpu.memory_space<vmem>>
            tpu.enqueue_dma source(%dma_start3A_115 : memref<1536xf32, #tpu.memory_space<vmem>>) target(%dma_start3A_112 : memref<1536xf32, #tpu.memory_space<hbm>>) target_semaphore(%run_scoped3A_108 : memref<!tpu.dma_semaphore, #tpu.memory_space<semaphore_mem>>)
            %dma_wait3A = arith.constant 0 : i32
            %dma_wait3A_116 = tpu.memref_slice %arg6[%run_scoped3A_95, %dma_wait3A] : memref<8x1536xf32, #tpu.memory_space<vmem>> -> memref<1x1536xf32, #tpu.memory_space<vmem>>
            %dma_wait3A_117 = tpu.memref_squeeze %dma_wait3A_116 : memref<1x1536xf32, #tpu.memory_space<vmem>> -> memref<1536xf32, #tpu.memory_space<vmem>>
            %dma_wait3A_118 = tpu.memref_slice %arg4[%add3A_94] : memref<16001024xf32, #tpu.memory_space<hbm>> -> memref<1536xf32, #tpu.memory_space<hbm>>
            %dma_wait3A_119 = tpu.memref_slice %arg4[%add3A_94] : memref<16001024xf32, #tpu.memory_space<hbm>> -> memref<1536xf32, #tpu.memory_space<hbm>>
            %dma_wait3A_120 = arith.constant 0 : i32
            %dma_wait3A_121 = tpu.memref_slice %arg6[%run_scoped3A_95, %dma_wait3A_120] : memref<8x1536xf32, #tpu.memory_space<vmem>> -> memref<1x1536xf32, #tpu.memory_space<vmem>>
            %dma_wait3A_122 = tpu.memref_squeeze %dma_wait3A_121 : memref<1x1536xf32, #tpu.memory_space<vmem>> -> memref<1536xf32, #tpu.memory_space<vmem>>
            tpu.wait_dma2 semaphore(%run_scoped3A_108 : memref<!tpu.dma_semaphore, #tpu.memory_space<semaphore_mem>>) src(%dma_wait3A_122 : memref<1536xf32, #tpu.memory_space<vmem>>) dst(%dma_wait3A_119 : memref<1536xf32, #tpu.memory_space<hbm>>)
            tpu.yield
          }) : () -> ()
          %add3A_96 = arith.constant 6 : i32
          %add3A_97 = arith.addi %mul3A_49, %add3A_96 : i32
          %mul3A_98 = arith.constant 1000064 : i32
          %mul3A_99 = arith.muli %add3A_97, %mul3A_98 : i32
          %add3A_100 = arith.addi %mul3A_99, %multiple_of3A_60 : i32
          %run_scoped3A_101 = arith.constant 6 : i32
          "tpu.region"() ({
            %run_scoped3A_108 = tpu.sem_alloc : memref<!tpu.dma_semaphore, #tpu.memory_space<semaphore_mem>>
            %dma_start3A = arith.constant 0 : i32
            %dma_start3A_109 = tpu.memref_slice %arg6[%run_scoped3A_101, %dma_start3A] : memref<8x1536xf32, #tpu.memory_space<vmem>> -> memref<1x1536xf32, #tpu.memory_space<vmem>>
            %dma_start3A_110 = tpu.memref_squeeze %dma_start3A_109 : memref<1x1536xf32, #tpu.memory_space<vmem>> -> memref<1536xf32, #tpu.memory_space<vmem>>
            %dma_start3A_111 = tpu.memref_slice %arg4[%add3A_100] : memref<16001024xf32, #tpu.memory_space<hbm>> -> memref<1536xf32, #tpu.memory_space<hbm>>
            %dma_start3A_112 = tpu.memref_slice %arg4[%add3A_100] : memref<16001024xf32, #tpu.memory_space<hbm>> -> memref<1536xf32, #tpu.memory_space<hbm>>
            %dma_start3A_113 = arith.constant 0 : i32
            %dma_start3A_114 = tpu.memref_slice %arg6[%run_scoped3A_101, %dma_start3A_113] : memref<8x1536xf32, #tpu.memory_space<vmem>> -> memref<1x1536xf32, #tpu.memory_space<vmem>>
            %dma_start3A_115 = tpu.memref_squeeze %dma_start3A_114 : memref<1x1536xf32, #tpu.memory_space<vmem>> -> memref<1536xf32, #tpu.memory_space<vmem>>
            tpu.enqueue_dma source(%dma_start3A_115 : memref<1536xf32, #tpu.memory_space<vmem>>) target(%dma_start3A_112 : memref<1536xf32, #tpu.memory_space<hbm>>) target_semaphore(%run_scoped3A_108 : memref<!tpu.dma_semaphore, #tpu.memory_space<semaphore_mem>>)
            %dma_wait3A = arith.constant 0 : i32
            %dma_wait3A_116 = tpu.memref_slice %arg6[%run_scoped3A_101, %dma_wait3A] : memref<8x1536xf32, #tpu.memory_space<vmem>> -> memref<1x1536xf32, #tpu.memory_space<vmem>>
            %dma_wait3A_117 = tpu.memref_squeeze %dma_wait3A_116 : memref<1x1536xf32, #tpu.memory_space<vmem>> -> memref<1536xf32, #tpu.memory_space<vmem>>
            %dma_wait3A_118 = tpu.memref_slice %arg4[%add3A_100] : memref<16001024xf32, #tpu.memory_space<hbm>> -> memref<1536xf32, #tpu.memory_space<hbm>>
            %dma_wait3A_119 = tpu.memref_slice %arg4[%add3A_100] : memref<16001024xf32, #tpu.memory_space<hbm>> -> memref<1536xf32, #tpu.memory_space<hbm>>
            %dma_wait3A_120 = arith.constant 0 : i32
            %dma_wait3A_121 = tpu.memref_slice %arg6[%run_scoped3A_101, %dma_wait3A_120] : memref<8x1536xf32, #tpu.memory_space<vmem>> -> memref<1x1536xf32, #tpu.memory_space<vmem>>
            %dma_wait3A_122 = tpu.memref_squeeze %dma_wait3A_121 : memref<1x1536xf32, #tpu.memory_space<vmem>> -> memref<1536xf32, #tpu.memory_space<vmem>>
            tpu.wait_dma2 semaphore(%run_scoped3A_108 : memref<!tpu.dma_semaphore, #tpu.memory_space<semaphore_mem>>) src(%dma_wait3A_122 : memref<1536xf32, #tpu.memory_space<vmem>>) dst(%dma_wait3A_119 : memref<1536xf32, #tpu.memory_space<hbm>>)
            tpu.yield
          }) : () -> ()
          %add3A_102 = arith.constant 7 : i32
          %add3A_103 = arith.addi %mul3A_49, %add3A_102 : i32
          %mul3A_104 = arith.constant 1000064 : i32
          %mul3A_105 = arith.muli %add3A_103, %mul3A_104 : i32
          %add3A_106 = arith.addi %mul3A_105, %multiple_of3A_60 : i32
          %run_scoped3A_107 = arith.constant 7 : i32
          "tpu.region"() ({
            %run_scoped3A_108 = tpu.sem_alloc : memref<!tpu.dma_semaphore, #tpu.memory_space<semaphore_mem>>
            %dma_start3A = arith.constant 0 : i32
            %dma_start3A_109 = tpu.memref_slice %arg6[%run_scoped3A_107, %dma_start3A] : memref<8x1536xf32, #tpu.memory_space<vmem>> -> memref<1x1536xf32, #tpu.memory_space<vmem>>
            %dma_start3A_110 = tpu.memref_squeeze %dma_start3A_109 : memref<1x1536xf32, #tpu.memory_space<vmem>> -> memref<1536xf32, #tpu.memory_space<vmem>>
            %dma_start3A_111 = tpu.memref_slice %arg4[%add3A_106] : memref<16001024xf32, #tpu.memory_space<hbm>> -> memref<1536xf32, #tpu.memory_space<hbm>>
            %dma_start3A_112 = tpu.memref_slice %arg4[%add3A_106] : memref<16001024xf32, #tpu.memory_space<hbm>> -> memref<1536xf32, #tpu.memory_space<hbm>>
            %dma_start3A_113 = arith.constant 0 : i32
            %dma_start3A_114 = tpu.memref_slice %arg6[%run_scoped3A_107, %dma_start3A_113] : memref<8x1536xf32, #tpu.memory_space<vmem>> -> memref<1x1536xf32, #tpu.memory_space<vmem>>
            %dma_start3A_115 = tpu.memref_squeeze %dma_start3A_114 : memref<1x1536xf32, #tpu.memory_space<vmem>> -> memref<1536xf32, #tpu.memory_space<vmem>>
            tpu.enqueue_dma source(%dma_start3A_115 : memref<1536xf32, #tpu.memory_space<vmem>>) target(%dma_start3A_112 : memref<1536xf32, #tpu.memory_space<hbm>>) target_semaphore(%run_scoped3A_108 : memref<!tpu.dma_semaphore, #tpu.memory_space<semaphore_mem>>)
            %dma_wait3A = arith.constant 0 : i32
            %dma_wait3A_116 = tpu.memref_slice %arg6[%run_scoped3A_107, %dma_wait3A] : memref<8x1536xf32, #tpu.memory_space<vmem>> -> memref<1x1536xf32, #tpu.memory_space<vmem>>
            %dma_wait3A_117 = tpu.memref_squeeze %dma_wait3A_116 : memref<1x1536xf32, #tpu.memory_space<vmem>> -> memref<1536xf32, #tpu.memory_space<vmem>>
            %dma_wait3A_118 = tpu.memref_slice %arg4[%add3A_106] : memref<16001024xf32, #tpu.memory_space<hbm>> -> memref<1536xf32, #tpu.memory_space<hbm>>
            %dma_wait3A_119 = tpu.memref_slice %arg4[%add3A_106] : memref<16001024xf32, #tpu.memory_space<hbm>> -> memref<1536xf32, #tpu.memory_space<hbm>>
            %dma_wait3A_120 = arith.constant 0 : i32
            %dma_wait3A_121 = tpu.memref_slice %arg6[%run_scoped3A_107, %dma_wait3A_120] : memref<8x1536xf32, #tpu.memory_space<vmem>> -> memref<1x1536xf32, #tpu.memory_space<vmem>>
            %dma_wait3A_122 = tpu.memref_squeeze %dma_wait3A_121 : memref<1x1536xf32, #tpu.memory_space<vmem>> -> memref<1536xf32, #tpu.memory_space<vmem>>
            tpu.wait_dma2 semaphore(%run_scoped3A_108 : memref<!tpu.dma_semaphore, #tpu.memory_space<semaphore_mem>>) src(%dma_wait3A_122 : memref<1536xf32, #tpu.memory_space<vmem>>) dst(%dma_wait3A_119 : memref<1536xf32, #tpu.memory_space<hbm>>)
            tpu.yield
          }) : () -> ()
        } else {
        }
      } else {
      }
      %eq3A = arith.constant 158 : i32
      %eq3A_12 = arith.cmpi eq, %add3A_9, %eq3A : i32
      %convert_element_type3A_13 = arith.extui %eq3A_12 : i1 to i32
      %cond3A_14 = arith.constant 0 : i32
      %cond3A_15 = arith.cmpi ne, %convert_element_type3A_13, %cond3A_14 : i32
      scf.if %cond3A_15 {
        "tpu.region"() ({
          %run_scoped3A_31 = tpu.sem_alloc : memref<!tpu.dma_semaphore, #tpu.memory_space<semaphore_mem>>
          tpu.enqueue_dma source(%arg3 : memref<16x64xf32, #tpu.memory_space<hbm>>) target(%arg7 : memref<16x64xf32, #tpu.memory_space<vmem>>) target_semaphore(%run_scoped3A_31 : memref<!tpu.dma_semaphore, #tpu.memory_space<semaphore_mem>>)
          tpu.wait_dma2 semaphore(%run_scoped3A_31 : memref<!tpu.dma_semaphore, #tpu.memory_space<semaphore_mem>>) src(%arg3 : memref<16x64xf32, #tpu.memory_space<hbm>>) dst(%arg7 : memref<16x64xf32, #tpu.memory_space<vmem>>)
          tpu.yield
        }) : () -> ()
        %run_scoped3A = arith.constant 0 : i32
        "tpu.region"() ({
          %run_scoped3A_31 = tpu.sem_alloc : memref<!tpu.dma_semaphore, #tpu.memory_space<semaphore_mem>>
          %dma_start3A = arith.constant 0 : i32
          %dma_start3A_32 = tpu.memref_slice %arg7[%run_scoped3A, %dma_start3A] : memref<16x64xf32, #tpu.memory_space<vmem>> -> memref<1x64xf32, #tpu.memory_space<vmem>>
          %dma_start3A_33 = tpu.memref_squeeze %dma_start3A_32 : memref<1x64xf32, #tpu.memory_space<vmem>> -> memref<64xf32, #tpu.memory_space<vmem>>
          %dma_start3A_34 = arith.constant 999936 : i32
          %dma_start3A_35 = tpu.memref_slice %arg4[%dma_start3A_34] : memref<16001024xf32, #tpu.memory_space<hbm>> -> memref<64xf32, #tpu.memory_space<hbm>>
          %dma_start3A_36 = arith.constant 999936 : i32
          %dma_start3A_37 = tpu.memref_slice %arg4[%dma_start3A_36] : memref<16001024xf32, #tpu.memory_space<hbm>> -> memref<64xf32, #tpu.memory_space<hbm>>
          %dma_start3A_38 = arith.constant 0 : i32
          %dma_start3A_39 = tpu.memref_slice %arg7[%run_scoped3A, %dma_start3A_38] : memref<16x64xf32, #tpu.memory_space<vmem>> -> memref<1x64xf32, #tpu.memory_space<vmem>>
          %dma_start3A_40 = tpu.memref_squeeze %dma_start3A_39 : memref<1x64xf32, #tpu.memory_space<vmem>> -> memref<64xf32, #tpu.memory_space<vmem>>
          tpu.enqueue_dma source(%dma_start3A_40 : memref<64xf32, #tpu.memory_space<vmem>>) target(%dma_start3A_37 : memref<64xf32, #tpu.memory_space<hbm>>) target_semaphore(%run_scoped3A_31 : memref<!tpu.dma_semaphore, #tpu.memory_space<semaphore_mem>>)
          %dma_wait3A = arith.constant 0 : i32
          %dma_wait3A_41 = tpu.memref_slice %arg7[%run_scoped3A, %dma_wait3A] : memref<16x64xf32, #tpu.memory_space<vmem>> -> memref<1x64xf32, #tpu.memory_space<vmem>>
          %dma_wait3A_42 = tpu.memref_squeeze %dma_wait3A_41 : memref<1x64xf32, #tpu.memory_space<vmem>> -> memref<64xf32, #tpu.memory_space<vmem>>
          %dma_wait3A_43 = arith.constant 999936 : i32
          %dma_wait3A_44 = tpu.memref_slice %arg4[%dma_wait3A_43] : memref<16001024xf32, #tpu.memory_space<hbm>> -> memref<64xf32, #tpu.memory_space<hbm>>
          %dma_wait3A_45 = arith.constant 999936 : i32
          %dma_wait3A_46 = tpu.memref_slice %arg4[%dma_wait3A_45] : memref<16001024xf32, #tpu.memory_space<hbm>> -> memref<64xf32, #tpu.memory_space<hbm>>
          %dma_wait3A_47 = arith.constant 0 : i32
          %dma_wait3A_48 = tpu.memref_slice %arg7[%run_scoped3A, %dma_wait3A_47] : memref<16x64xf32, #tpu.memory_space<vmem>> -> memref<1x64xf32, #tpu.memory_space<vmem>>
          %dma_wait3A_49 = tpu.memref_squeeze %dma_wait3A_48 : memref<1x64xf32, #tpu.memory_space<vmem>> -> memref<64xf32, #tpu.memory_space<vmem>>
          tpu.wait_dma2 semaphore(%run_scoped3A_31 : memref<!tpu.dma_semaphore, #tpu.memory_space<semaphore_mem>>) src(%dma_wait3A_49 : memref<64xf32, #tpu.memory_space<vmem>>) dst(%dma_wait3A_46 : memref<64xf32, #tpu.memory_space<hbm>>)
          tpu.yield
        }) : () -> ()
        %run_scoped3A_16 = arith.constant 1 : i32
        "tpu.region"() ({
          %run_scoped3A_31 = tpu.sem_alloc : memref<!tpu.dma_semaphore, #tpu.memory_space<semaphore_mem>>
          %dma_start3A = arith.constant 0 : i32
          %dma_start3A_32 = tpu.memref_slice %arg7[%run_scoped3A_16, %dma_start3A] : memref<16x64xf32, #tpu.memory_space<vmem>> -> memref<1x64xf32, #tpu.memory_space<vmem>>
          %dma_start3A_33 = tpu.memref_squeeze %dma_start3A_32 : memref<1x64xf32, #tpu.memory_space<vmem>> -> memref<64xf32, #tpu.memory_space<vmem>>
          %dma_start3A_34 = arith.constant 2000000 : i32
          %dma_start3A_35 = tpu.memref_slice %arg4[%dma_start3A_34] : memref<16001024xf32, #tpu.memory_space<hbm>> -> memref<64xf32, #tpu.memory_space<hbm>>
          %dma_start3A_36 = arith.constant 2000000 : i32
          %dma_start3A_37 = tpu.memref_slice %arg4[%dma_start3A_36] : memref<16001024xf32, #tpu.memory_space<hbm>> -> memref<64xf32, #tpu.memory_space<hbm>>
          %dma_start3A_38 = arith.constant 0 : i32
          %dma_start3A_39 = tpu.memref_slice %arg7[%run_scoped3A_16, %dma_start3A_38] : memref<16x64xf32, #tpu.memory_space<vmem>> -> memref<1x64xf32, #tpu.memory_space<vmem>>
          %dma_start3A_40 = tpu.memref_squeeze %dma_start3A_39 : memref<1x64xf32, #tpu.memory_space<vmem>> -> memref<64xf32, #tpu.memory_space<vmem>>
          tpu.enqueue_dma source(%dma_start3A_40 : memref<64xf32, #tpu.memory_space<vmem>>) target(%dma_start3A_37 : memref<64xf32, #tpu.memory_space<hbm>>) target_semaphore(%run_scoped3A_31 : memref<!tpu.dma_semaphore, #tpu.memory_space<semaphore_mem>>)
          %dma_wait3A = arith.constant 0 : i32
          %dma_wait3A_41 = tpu.memref_slice %arg7[%run_scoped3A_16, %dma_wait3A] : memref<16x64xf32, #tpu.memory_space<vmem>> -> memref<1x64xf32, #tpu.memory_space<vmem>>
          %dma_wait3A_42 = tpu.memref_squeeze %dma_wait3A_41 : memref<1x64xf32, #tpu.memory_space<vmem>> -> memref<64xf32, #tpu.memory_space<vmem>>
          %dma_wait3A_43 = arith.constant 2000000 : i32
          %dma_wait3A_44 = tpu.memref_slice %arg4[%dma_wait3A_43] : memref<16001024xf32, #tpu.memory_space<hbm>> -> memref<64xf32, #tpu.memory_space<hbm>>
          %dma_wait3A_45 = arith.constant 2000000 : i32
          %dma_wait3A_46 = tpu.memref_slice %arg4[%dma_wait3A_45] : memref<16001024xf32, #tpu.memory_space<hbm>> -> memref<64xf32, #tpu.memory_space<hbm>>
          %dma_wait3A_47 = arith.constant 0 : i32
          %dma_wait3A_48 = tpu.memref_slice %arg7[%run_scoped3A_16, %dma_wait3A_47] : memref<16x64xf32, #tpu.memory_space<vmem>> -> memref<1x64xf32, #tpu.memory_space<vmem>>
          %dma_wait3A_49 = tpu.memref_squeeze %dma_wait3A_48 : memref<1x64xf32, #tpu.memory_space<vmem>> -> memref<64xf32, #tpu.memory_space<vmem>>
          tpu.wait_dma2 semaphore(%run_scoped3A_31 : memref<!tpu.dma_semaphore, #tpu.memory_space<semaphore_mem>>) src(%dma_wait3A_49 : memref<64xf32, #tpu.memory_space<vmem>>) dst(%dma_wait3A_46 : memref<64xf32, #tpu.memory_space<hbm>>)
          tpu.yield
        }) : () -> ()
        %run_scoped3A_17 = arith.constant 2 : i32
        "tpu.region"() ({
          %run_scoped3A_31 = tpu.sem_alloc : memref<!tpu.dma_semaphore, #tpu.memory_space<semaphore_mem>>
          %dma_start3A = arith.constant 0 : i32
          %dma_start3A_32 = tpu.memref_slice %arg7[%run_scoped3A_17, %dma_start3A] : memref<16x64xf32, #tpu.memory_space<vmem>> -> memref<1x64xf32, #tpu.memory_space<vmem>>
          %dma_start3A_33 = tpu.memref_squeeze %dma_start3A_32 : memref<1x64xf32, #tpu.memory_space<vmem>> -> memref<64xf32, #tpu.memory_space<vmem>>
          %dma_start3A_34 = arith.constant 3000064 : i32
          %dma_start3A_35 = tpu.memref_slice %arg4[%dma_start3A_34] : memref<16001024xf32, #tpu.memory_space<hbm>> -> memref<64xf32, #tpu.memory_space<hbm>>
          %dma_start3A_36 = arith.constant 3000064 : i32
          %dma_start3A_37 = tpu.memref_slice %arg4[%dma_start3A_36] : memref<16001024xf32, #tpu.memory_space<hbm>> -> memref<64xf32, #tpu.memory_space<hbm>>
          %dma_start3A_38 = arith.constant 0 : i32
          %dma_start3A_39 = tpu.memref_slice %arg7[%run_scoped3A_17, %dma_start3A_38] : memref<16x64xf32, #tpu.memory_space<vmem>> -> memref<1x64xf32, #tpu.memory_space<vmem>>
          %dma_start3A_40 = tpu.memref_squeeze %dma_start3A_39 : memref<1x64xf32, #tpu.memory_space<vmem>> -> memref<64xf32, #tpu.memory_space<vmem>>
          tpu.enqueue_dma source(%dma_start3A_40 : memref<64xf32, #tpu.memory_space<vmem>>) target(%dma_start3A_37 : memref<64xf32, #tpu.memory_space<hbm>>) target_semaphore(%run_scoped3A_31 : memref<!tpu.dma_semaphore, #tpu.memory_space<semaphore_mem>>)
          %dma_wait3A = arith.constant 0 : i32
          %dma_wait3A_41 = tpu.memref_slice %arg7[%run_scoped3A_17, %dma_wait3A] : memref<16x64xf32, #tpu.memory_space<vmem>> -> memref<1x64xf32, #tpu.memory_space<vmem>>
          %dma_wait3A_42 = tpu.memref_squeeze %dma_wait3A_41 : memref<1x64xf32, #tpu.memory_space<vmem>> -> memref<64xf32, #tpu.memory_space<vmem>>
          %dma_wait3A_43 = arith.constant 3000064 : i32
          %dma_wait3A_44 = tpu.memref_slice %arg4[%dma_wait3A_43] : memref<16001024xf32, #tpu.memory_space<hbm>> -> memref<64xf32, #tpu.memory_space<hbm>>
          %dma_wait3A_45 = arith.constant 3000064 : i32
          %dma_wait3A_46 = tpu.memref_slice %arg4[%dma_wait3A_45] : memref<16001024xf32, #tpu.memory_space<hbm>> -> memref<64xf32, #tpu.memory_space<hbm>>
          %dma_wait3A_47 = arith.constant 0 : i32
          %dma_wait3A_48 = tpu.memref_slice %arg7[%run_scoped3A_17, %dma_wait3A_47] : memref<16x64xf32, #tpu.memory_space<vmem>> -> memref<1x64xf32, #tpu.memory_space<vmem>>
          %dma_wait3A_49 = tpu.memref_squeeze %dma_wait3A_48 : memref<1x64xf32, #tpu.memory_space<vmem>> -> memref<64xf32, #tpu.memory_space<vmem>>
          tpu.wait_dma2 semaphore(%run_scoped3A_31 : memref<!tpu.dma_semaphore, #tpu.memory_space<semaphore_mem>>) src(%dma_wait3A_49 : memref<64xf32, #tpu.memory_space<vmem>>) dst(%dma_wait3A_46 : memref<64xf32, #tpu.memory_space<hbm>>)
          tpu.yield
        }) : () -> ()
        %run_scoped3A_18 = arith.constant 3 : i32
        "tpu.region"() ({
          %run_scoped3A_31 = tpu.sem_alloc : memref<!tpu.dma_semaphore, #tpu.memory_space<semaphore_mem>>
          %dma_start3A = arith.constant 0 : i32
          %dma_start3A_32 = tpu.memref_slice %arg7[%run_scoped3A_18, %dma_start3A] : memref<16x64xf32, #tpu.memory_space<vmem>> -> memref<1x64xf32, #tpu.memory_space<vmem>>
          %dma_start3A_33 = tpu.memref_squeeze %dma_start3A_32 : memref<1x64xf32, #tpu.memory_space<vmem>> -> memref<64xf32, #tpu.memory_space<vmem>>
          %dma_start3A_34 = arith.constant 4000128 : i32
          %dma_start3A_35 = tpu.memref_slice %arg4[%dma_start3A_34] : memref<16001024xf32, #tpu.memory_space<hbm>> -> memref<64xf32, #tpu.memory_space<hbm>>
          %dma_start3A_36 = arith.constant 4000128 : i32
          %dma_start3A_37 = tpu.memref_slice %arg4[%dma_start3A_36] : memref<16001024xf32, #tpu.memory_space<hbm>> -> memref<64xf32, #tpu.memory_space<hbm>>
          %dma_start3A_38 = arith.constant 0 : i32
          %dma_start3A_39 = tpu.memref_slice %arg7[%run_scoped3A_18, %dma_start3A_38] : memref<16x64xf32, #tpu.memory_space<vmem>> -> memref<1x64xf32, #tpu.memory_space<vmem>>
          %dma_start3A_40 = tpu.memref_squeeze %dma_start3A_39 : memref<1x64xf32, #tpu.memory_space<vmem>> -> memref<64xf32, #tpu.memory_space<vmem>>
          tpu.enqueue_dma source(%dma_start3A_40 : memref<64xf32, #tpu.memory_space<vmem>>) target(%dma_start3A_37 : memref<64xf32, #tpu.memory_space<hbm>>) target_semaphore(%run_scoped3A_31 : memref<!tpu.dma_semaphore, #tpu.memory_space<semaphore_mem>>)
          %dma_wait3A = arith.constant 0 : i32
          %dma_wait3A_41 = tpu.memref_slice %arg7[%run_scoped3A_18, %dma_wait3A] : memref<16x64xf32, #tpu.memory_space<vmem>> -> memref<1x64xf32, #tpu.memory_space<vmem>>
          %dma_wait3A_42 = tpu.memref_squeeze %dma_wait3A_41 : memref<1x64xf32, #tpu.memory_space<vmem>> -> memref<64xf32, #tpu.memory_space<vmem>>
          %dma_wait3A_43 = arith.constant 4000128 : i32
          %dma_wait3A_44 = tpu.memref_slice %arg4[%dma_wait3A_43] : memref<16001024xf32, #tpu.memory_space<hbm>> -> memref<64xf32, #tpu.memory_space<hbm>>
          %dma_wait3A_45 = arith.constant 4000128 : i32
          %dma_wait3A_46 = tpu.memref_slice %arg4[%dma_wait3A_45] : memref<16001024xf32, #tpu.memory_space<hbm>> -> memref<64xf32, #tpu.memory_space<hbm>>
          %dma_wait3A_47 = arith.constant 0 : i32
          %dma_wait3A_48 = tpu.memref_slice %arg7[%run_scoped3A_18, %dma_wait3A_47] : memref<16x64xf32, #tpu.memory_space<vmem>> -> memref<1x64xf32, #tpu.memory_space<vmem>>
          %dma_wait3A_49 = tpu.memref_squeeze %dma_wait3A_48 : memref<1x64xf32, #tpu.memory_space<vmem>> -> memref<64xf32, #tpu.memory_space<vmem>>
          tpu.wait_dma2 semaphore(%run_scoped3A_31 : memref<!tpu.dma_semaphore, #tpu.memory_space<semaphore_mem>>) src(%dma_wait3A_49 : memref<64xf32, #tpu.memory_space<vmem>>) dst(%dma_wait3A_46 : memref<64xf32, #tpu.memory_space<hbm>>)
          tpu.yield
        }) : () -> ()
        %run_scoped3A_19 = arith.constant 4 : i32
        "tpu.region"() ({
          %run_scoped3A_31 = tpu.sem_alloc : memref<!tpu.dma_semaphore, #tpu.memory_space<semaphore_mem>>
          %dma_start3A = arith.constant 0 : i32
          %dma_start3A_32 = tpu.memref_slice %arg7[%run_scoped3A_19, %dma_start3A] : memref<16x64xf32, #tpu.memory_space<vmem>> -> memref<1x64xf32, #tpu.memory_space<vmem>>
          %dma_start3A_33 = tpu.memref_squeeze %dma_start3A_32 : memref<1x64xf32, #tpu.memory_space<vmem>> -> memref<64xf32, #tpu.memory_space<vmem>>
          %dma_start3A_34 = arith.constant 5000192 : i32
          %dma_start3A_35 = tpu.memref_slice %arg4[%dma_start3A_34] : memref<16001024xf32, #tpu.memory_space<hbm>> -> memref<64xf32, #tpu.memory_space<hbm>>
          %dma_start3A_36 = arith.constant 5000192 : i32
          %dma_start3A_37 = tpu.memref_slice %arg4[%dma_start3A_36] : memref<16001024xf32, #tpu.memory_space<hbm>> -> memref<64xf32, #tpu.memory_space<hbm>>
          %dma_start3A_38 = arith.constant 0 : i32
          %dma_start3A_39 = tpu.memref_slice %arg7[%run_scoped3A_19, %dma_start3A_38] : memref<16x64xf32, #tpu.memory_space<vmem>> -> memref<1x64xf32, #tpu.memory_space<vmem>>
          %dma_start3A_40 = tpu.memref_squeeze %dma_start3A_39 : memref<1x64xf32, #tpu.memory_space<vmem>> -> memref<64xf32, #tpu.memory_space<vmem>>
          tpu.enqueue_dma source(%dma_start3A_40 : memref<64xf32, #tpu.memory_space<vmem>>) target(%dma_start3A_37 : memref<64xf32, #tpu.memory_space<hbm>>) target_semaphore(%run_scoped3A_31 : memref<!tpu.dma_semaphore, #tpu.memory_space<semaphore_mem>>)
          %dma_wait3A = arith.constant 0 : i32
          %dma_wait3A_41 = tpu.memref_slice %arg7[%run_scoped3A_19, %dma_wait3A] : memref<16x64xf32, #tpu.memory_space<vmem>> -> memref<1x64xf32, #tpu.memory_space<vmem>>
          %dma_wait3A_42 = tpu.memref_squeeze %dma_wait3A_41 : memref<1x64xf32, #tpu.memory_space<vmem>> -> memref<64xf32, #tpu.memory_space<vmem>>
          %dma_wait3A_43 = arith.constant 5000192 : i32
          %dma_wait3A_44 = tpu.memref_slice %arg4[%dma_wait3A_43] : memref<16001024xf32, #tpu.memory_space<hbm>> -> memref<64xf32, #tpu.memory_space<hbm>>
          %dma_wait3A_45 = arith.constant 5000192 : i32
          %dma_wait3A_46 = tpu.memref_slice %arg4[%dma_wait3A_45] : memref<16001024xf32, #tpu.memory_space<hbm>> -> memref<64xf32, #tpu.memory_space<hbm>>
          %dma_wait3A_47 = arith.constant 0 : i32
          %dma_wait3A_48 = tpu.memref_slice %arg7[%run_scoped3A_19, %dma_wait3A_47] : memref<16x64xf32, #tpu.memory_space<vmem>> -> memref<1x64xf32, #tpu.memory_space<vmem>>
          %dma_wait3A_49 = tpu.memref_squeeze %dma_wait3A_48 : memref<1x64xf32, #tpu.memory_space<vmem>> -> memref<64xf32, #tpu.memory_space<vmem>>
          tpu.wait_dma2 semaphore(%run_scoped3A_31 : memref<!tpu.dma_semaphore, #tpu.memory_space<semaphore_mem>>) src(%dma_wait3A_49 : memref<64xf32, #tpu.memory_space<vmem>>) dst(%dma_wait3A_46 : memref<64xf32, #tpu.memory_space<hbm>>)
          tpu.yield
        }) : () -> ()
        %run_scoped3A_20 = arith.constant 5 : i32
        "tpu.region"() ({
          %run_scoped3A_31 = tpu.sem_alloc : memref<!tpu.dma_semaphore, #tpu.memory_space<semaphore_mem>>
          %dma_start3A = arith.constant 0 : i32
          %dma_start3A_32 = tpu.memref_slice %arg7[%run_scoped3A_20, %dma_start3A] : memref<16x64xf32, #tpu.memory_space<vmem>> -> memref<1x64xf32, #tpu.memory_space<vmem>>
          %dma_start3A_33 = tpu.memref_squeeze %dma_start3A_32 : memref<1x64xf32, #tpu.memory_space<vmem>> -> memref<64xf32, #tpu.memory_space<vmem>>
          %dma_start3A_34 = arith.constant 6000256 : i32
          %dma_start3A_35 = tpu.memref_slice %arg4[%dma_start3A_34] : memref<16001024xf32, #tpu.memory_space<hbm>> -> memref<64xf32, #tpu.memory_space<hbm>>
          %dma_start3A_36 = arith.constant 6000256 : i32
          %dma_start3A_37 = tpu.memref_slice %arg4[%dma_start3A_36] : memref<16001024xf32, #tpu.memory_space<hbm>> -> memref<64xf32, #tpu.memory_space<hbm>>
          %dma_start3A_38 = arith.constant 0 : i32
          %dma_start3A_39 = tpu.memref_slice %arg7[%run_scoped3A_20, %dma_start3A_38] : memref<16x64xf32, #tpu.memory_space<vmem>> -> memref<1x64xf32, #tpu.memory_space<vmem>>
          %dma_start3A_40 = tpu.memref_squeeze %dma_start3A_39 : memref<1x64xf32, #tpu.memory_space<vmem>> -> memref<64xf32, #tpu.memory_space<vmem>>
          tpu.enqueue_dma source(%dma_start3A_40 : memref<64xf32, #tpu.memory_space<vmem>>) target(%dma_start3A_37 : memref<64xf32, #tpu.memory_space<hbm>>) target_semaphore(%run_scoped3A_31 : memref<!tpu.dma_semaphore, #tpu.memory_space<semaphore_mem>>)
          %dma_wait3A = arith.constant 0 : i32
          %dma_wait3A_41 = tpu.memref_slice %arg7[%run_scoped3A_20, %dma_wait3A] : memref<16x64xf32, #tpu.memory_space<vmem>> -> memref<1x64xf32, #tpu.memory_space<vmem>>
          %dma_wait3A_42 = tpu.memref_squeeze %dma_wait3A_41 : memref<1x64xf32, #tpu.memory_space<vmem>> -> memref<64xf32, #tpu.memory_space<vmem>>
          %dma_wait3A_43 = arith.constant 6000256 : i32
          %dma_wait3A_44 = tpu.memref_slice %arg4[%dma_wait3A_43] : memref<16001024xf32, #tpu.memory_space<hbm>> -> memref<64xf32, #tpu.memory_space<hbm>>
          %dma_wait3A_45 = arith.constant 6000256 : i32
          %dma_wait3A_46 = tpu.memref_slice %arg4[%dma_wait3A_45] : memref<16001024xf32, #tpu.memory_space<hbm>> -> memref<64xf32, #tpu.memory_space<hbm>>
          %dma_wait3A_47 = arith.constant 0 : i32
          %dma_wait3A_48 = tpu.memref_slice %arg7[%run_scoped3A_20, %dma_wait3A_47] : memref<16x64xf32, #tpu.memory_space<vmem>> -> memref<1x64xf32, #tpu.memory_space<vmem>>
          %dma_wait3A_49 = tpu.memref_squeeze %dma_wait3A_48 : memref<1x64xf32, #tpu.memory_space<vmem>> -> memref<64xf32, #tpu.memory_space<vmem>>
          tpu.wait_dma2 semaphore(%run_scoped3A_31 : memref<!tpu.dma_semaphore, #tpu.memory_space<semaphore_mem>>) src(%dma_wait3A_49 : memref<64xf32, #tpu.memory_space<vmem>>) dst(%dma_wait3A_46 : memref<64xf32, #tpu.memory_space<hbm>>)
          tpu.yield
        }) : () -> ()
        %run_scoped3A_21 = arith.constant 6 : i32
        "tpu.region"() ({
          %run_scoped3A_31 = tpu.sem_alloc : memref<!tpu.dma_semaphore, #tpu.memory_space<semaphore_mem>>
          %dma_start3A = arith.constant 0 : i32
          %dma_start3A_32 = tpu.memref_slice %arg7[%run_scoped3A_21, %dma_start3A] : memref<16x64xf32, #tpu.memory_space<vmem>> -> memref<1x64xf32, #tpu.memory_space<vmem>>
          %dma_start3A_33 = tpu.memref_squeeze %dma_start3A_32 : memref<1x64xf32, #tpu.memory_space<vmem>> -> memref<64xf32, #tpu.memory_space<vmem>>
          %dma_start3A_34 = arith.constant 7000320 : i32
          %dma_start3A_35 = tpu.memref_slice %arg4[%dma_start3A_34] : memref<16001024xf32, #tpu.memory_space<hbm>> -> memref<64xf32, #tpu.memory_space<hbm>>
          %dma_start3A_36 = arith.constant 7000320 : i32
          %dma_start3A_37 = tpu.memref_slice %arg4[%dma_start3A_36] : memref<16001024xf32, #tpu.memory_space<hbm>> -> memref<64xf32, #tpu.memory_space<hbm>>
          %dma_start3A_38 = arith.constant 0 : i32
          %dma_start3A_39 = tpu.memref_slice %arg7[%run_scoped3A_21, %dma_start3A_38] : memref<16x64xf32, #tpu.memory_space<vmem>> -> memref<1x64xf32, #tpu.memory_space<vmem>>
          %dma_start3A_40 = tpu.memref_squeeze %dma_start3A_39 : memref<1x64xf32, #tpu.memory_space<vmem>> -> memref<64xf32, #tpu.memory_space<vmem>>
          tpu.enqueue_dma source(%dma_start3A_40 : memref<64xf32, #tpu.memory_space<vmem>>) target(%dma_start3A_37 : memref<64xf32, #tpu.memory_space<hbm>>) target_semaphore(%run_scoped3A_31 : memref<!tpu.dma_semaphore, #tpu.memory_space<semaphore_mem>>)
          %dma_wait3A = arith.constant 0 : i32
          %dma_wait3A_41 = tpu.memref_slice %arg7[%run_scoped3A_21, %dma_wait3A] : memref<16x64xf32, #tpu.memory_space<vmem>> -> memref<1x64xf32, #tpu.memory_space<vmem>>
          %dma_wait3A_42 = tpu.memref_squeeze %dma_wait3A_41 : memref<1x64xf32, #tpu.memory_space<vmem>> -> memref<64xf32, #tpu.memory_space<vmem>>
          %dma_wait3A_43 = arith.constant 7000320 : i32
          %dma_wait3A_44 = tpu.memref_slice %arg4[%dma_wait3A_43] : memref<16001024xf32, #tpu.memory_space<hbm>> -> memref<64xf32, #tpu.memory_space<hbm>>
          %dma_wait3A_45 = arith.constant 7000320 : i32
          %dma_wait3A_46 = tpu.memref_slice %arg4[%dma_wait3A_45] : memref<16001024xf32, #tpu.memory_space<hbm>> -> memref<64xf32, #tpu.memory_space<hbm>>
          %dma_wait3A_47 = arith.constant 0 : i32
          %dma_wait3A_48 = tpu.memref_slice %arg7[%run_scoped3A_21, %dma_wait3A_47] : memref<16x64xf32, #tpu.memory_space<vmem>> -> memref<1x64xf32, #tpu.memory_space<vmem>>
          %dma_wait3A_49 = tpu.memref_squeeze %dma_wait3A_48 : memref<1x64xf32, #tpu.memory_space<vmem>> -> memref<64xf32, #tpu.memory_space<vmem>>
          tpu.wait_dma2 semaphore(%run_scoped3A_31 : memref<!tpu.dma_semaphore, #tpu.memory_space<semaphore_mem>>) src(%dma_wait3A_49 : memref<64xf32, #tpu.memory_space<vmem>>) dst(%dma_wait3A_46 : memref<64xf32, #tpu.memory_space<hbm>>)
          tpu.yield
        }) : () -> ()
        %run_scoped3A_22 = arith.constant 7 : i32
        "tpu.region"() ({
          %run_scoped3A_31 = tpu.sem_alloc : memref<!tpu.dma_semaphore, #tpu.memory_space<semaphore_mem>>
          %dma_start3A = arith.constant 0 : i32
          %dma_start3A_32 = tpu.memref_slice %arg7[%run_scoped3A_22, %dma_start3A] : memref<16x64xf32, #tpu.memory_space<vmem>> -> memref<1x64xf32, #tpu.memory_space<vmem>>
          %dma_start3A_33 = tpu.memref_squeeze %dma_start3A_32 : memref<1x64xf32, #tpu.memory_space<vmem>> -> memref<64xf32, #tpu.memory_space<vmem>>
          %dma_start3A_34 = arith.constant 8000384 : i32
          %dma_start3A_35 = tpu.memref_slice %arg4[%dma_start3A_34] : memref<16001024xf32, #tpu.memory_space<hbm>> -> memref<64xf32, #tpu.memory_space<hbm>>
          %dma_start3A_36 = arith.constant 8000384 : i32
          %dma_start3A_37 = tpu.memref_slice %arg4[%dma_start3A_36] : memref<16001024xf32, #tpu.memory_space<hbm>> -> memref<64xf32, #tpu.memory_space<hbm>>
          %dma_start3A_38 = arith.constant 0 : i32
          %dma_start3A_39 = tpu.memref_slice %arg7[%run_scoped3A_22, %dma_start3A_38] : memref<16x64xf32, #tpu.memory_space<vmem>> -> memref<1x64xf32, #tpu.memory_space<vmem>>
          %dma_start3A_40 = tpu.memref_squeeze %dma_start3A_39 : memref<1x64xf32, #tpu.memory_space<vmem>> -> memref<64xf32, #tpu.memory_space<vmem>>
          tpu.enqueue_dma source(%dma_start3A_40 : memref<64xf32, #tpu.memory_space<vmem>>) target(%dma_start3A_37 : memref<64xf32, #tpu.memory_space<hbm>>) target_semaphore(%run_scoped3A_31 : memref<!tpu.dma_semaphore, #tpu.memory_space<semaphore_mem>>)
          %dma_wait3A = arith.constant 0 : i32
          %dma_wait3A_41 = tpu.memref_slice %arg7[%run_scoped3A_22, %dma_wait3A] : memref<16x64xf32, #tpu.memory_space<vmem>> -> memref<1x64xf32, #tpu.memory_space<vmem>>
          %dma_wait3A_42 = tpu.memref_squeeze %dma_wait3A_41 : memref<1x64xf32, #tpu.memory_space<vmem>> -> memref<64xf32, #tpu.memory_space<vmem>>
          %dma_wait3A_43 = arith.constant 8000384 : i32
          %dma_wait3A_44 = tpu.memref_slice %arg4[%dma_wait3A_43] : memref<16001024xf32, #tpu.memory_space<hbm>> -> memref<64xf32, #tpu.memory_space<hbm>>
          %dma_wait3A_45 = arith.constant 8000384 : i32
          %dma_wait3A_46 = tpu.memref_slice %arg4[%dma_wait3A_45] : memref<16001024xf32, #tpu.memory_space<hbm>> -> memref<64xf32, #tpu.memory_space<hbm>>
          %dma_wait3A_47 = arith.constant 0 : i32
          %dma_wait3A_48 = tpu.memref_slice %arg7[%run_scoped3A_22, %dma_wait3A_47] : memref<16x64xf32, #tpu.memory_space<vmem>> -> memref<1x64xf32, #tpu.memory_space<vmem>>
          %dma_wait3A_49 = tpu.memref_squeeze %dma_wait3A_48 : memref<1x64xf32, #tpu.memory_space<vmem>> -> memref<64xf32, #tpu.memory_space<vmem>>
          tpu.wait_dma2 semaphore(%run_scoped3A_31 : memref<!tpu.dma_semaphore, #tpu.memory_space<semaphore_mem>>) src(%dma_wait3A_49 : memref<64xf32, #tpu.memory_space<vmem>>) dst(%dma_wait3A_46 : memref<64xf32, #tpu.memory_space<hbm>>)
          tpu.yield
        }) : () -> ()
        %run_scoped3A_23 = arith.constant 8 : i32
        "tpu.region"() ({
          %run_scoped3A_31 = tpu.sem_alloc : memref<!tpu.dma_semaphore, #tpu.memory_space<semaphore_mem>>
          %dma_start3A = arith.constant 0 : i32
          %dma_start3A_32 = tpu.memref_slice %arg7[%run_scoped3A_23, %dma_start3A] : memref<16x64xf32, #tpu.memory_space<vmem>> -> memref<1x64xf32, #tpu.memory_space<vmem>>
          %dma_start3A_33 = tpu.memref_squeeze %dma_start3A_32 : memref<1x64xf32, #tpu.memory_space<vmem>> -> memref<64xf32, #tpu.memory_space<vmem>>
          %dma_start3A_34 = arith.constant 9000448 : i32
          %dma_start3A_35 = tpu.memref_slice %arg4[%dma_start3A_34] : memref<16001024xf32, #tpu.memory_space<hbm>> -> memref<64xf32, #tpu.memory_space<hbm>>
          %dma_start3A_36 = arith.constant 9000448 : i32
          %dma_start3A_37 = tpu.memref_slice %arg4[%dma_start3A_36] : memref<16001024xf32, #tpu.memory_space<hbm>> -> memref<64xf32, #tpu.memory_space<hbm>>
          %dma_start3A_38 = arith.constant 0 : i32
          %dma_start3A_39 = tpu.memref_slice %arg7[%run_scoped3A_23, %dma_start3A_38] : memref<16x64xf32, #tpu.memory_space<vmem>> -> memref<1x64xf32, #tpu.memory_space<vmem>>
          %dma_start3A_40 = tpu.memref_squeeze %dma_start3A_39 : memref<1x64xf32, #tpu.memory_space<vmem>> -> memref<64xf32, #tpu.memory_space<vmem>>
          tpu.enqueue_dma source(%dma_start3A_40 : memref<64xf32, #tpu.memory_space<vmem>>) target(%dma_start3A_37 : memref<64xf32, #tpu.memory_space<hbm>>) target_semaphore(%run_scoped3A_31 : memref<!tpu.dma_semaphore, #tpu.memory_space<semaphore_mem>>)
          %dma_wait3A = arith.constant 0 : i32
          %dma_wait3A_41 = tpu.memref_slice %arg7[%run_scoped3A_23, %dma_wait3A] : memref<16x64xf32, #tpu.memory_space<vmem>> -> memref<1x64xf32, #tpu.memory_space<vmem>>
          %dma_wait3A_42 = tpu.memref_squeeze %dma_wait3A_41 : memref<1x64xf32, #tpu.memory_space<vmem>> -> memref<64xf32, #tpu.memory_space<vmem>>
          %dma_wait3A_43 = arith.constant 9000448 : i32
          %dma_wait3A_44 = tpu.memref_slice %arg4[%dma_wait3A_43] : memref<16001024xf32, #tpu.memory_space<hbm>> -> memref<64xf32, #tpu.memory_space<hbm>>
          %dma_wait3A_45 = arith.constant 9000448 : i32
          %dma_wait3A_46 = tpu.memref_slice %arg4[%dma_wait3A_45] : memref<16001024xf32, #tpu.memory_space<hbm>> -> memref<64xf32, #tpu.memory_space<hbm>>
          %dma_wait3A_47 = arith.constant 0 : i32
          %dma_wait3A_48 = tpu.memref_slice %arg7[%run_scoped3A_23, %dma_wait3A_47] : memref<16x64xf32, #tpu.memory_space<vmem>> -> memref<1x64xf32, #tpu.memory_space<vmem>>
          %dma_wait3A_49 = tpu.memref_squeeze %dma_wait3A_48 : memref<1x64xf32, #tpu.memory_space<vmem>> -> memref<64xf32, #tpu.memory_space<vmem>>
          tpu.wait_dma2 semaphore(%run_scoped3A_31 : memref<!tpu.dma_semaphore, #tpu.memory_space<semaphore_mem>>) src(%dma_wait3A_49 : memref<64xf32, #tpu.memory_space<vmem>>) dst(%dma_wait3A_46 : memref<64xf32, #tpu.memory_space<hbm>>)
          tpu.yield
        }) : () -> ()
        %run_scoped3A_24 = arith.constant 9 : i32
        "tpu.region"() ({
          %run_scoped3A_31 = tpu.sem_alloc : memref<!tpu.dma_semaphore, #tpu.memory_space<semaphore_mem>>
          %dma_start3A = arith.constant 0 : i32
          %dma_start3A_32 = tpu.memref_slice %arg7[%run_scoped3A_24, %dma_start3A] : memref<16x64xf32, #tpu.memory_space<vmem>> -> memref<1x64xf32, #tpu.memory_space<vmem>>
          %dma_start3A_33 = tpu.memref_squeeze %dma_start3A_32 : memref<1x64xf32, #tpu.memory_space<vmem>> -> memref<64xf32, #tpu.memory_space<vmem>>
          %dma_start3A_34 = arith.constant 10000512 : i32
          %dma_start3A_35 = tpu.memref_slice %arg4[%dma_start3A_34] : memref<16001024xf32, #tpu.memory_space<hbm>> -> memref<64xf32, #tpu.memory_space<hbm>>
          %dma_start3A_36 = arith.constant 10000512 : i32
          %dma_start3A_37 = tpu.memref_slice %arg4[%dma_start3A_36] : memref<16001024xf32, #tpu.memory_space<hbm>> -> memref<64xf32, #tpu.memory_space<hbm>>
          %dma_start3A_38 = arith.constant 0 : i32
          %dma_start3A_39 = tpu.memref_slice %arg7[%run_scoped3A_24, %dma_start3A_38] : memref<16x64xf32, #tpu.memory_space<vmem>> -> memref<1x64xf32, #tpu.memory_space<vmem>>
          %dma_start3A_40 = tpu.memref_squeeze %dma_start3A_39 : memref<1x64xf32, #tpu.memory_space<vmem>> -> memref<64xf32, #tpu.memory_space<vmem>>
          tpu.enqueue_dma source(%dma_start3A_40 : memref<64xf32, #tpu.memory_space<vmem>>) target(%dma_start3A_37 : memref<64xf32, #tpu.memory_space<hbm>>) target_semaphore(%run_scoped3A_31 : memref<!tpu.dma_semaphore, #tpu.memory_space<semaphore_mem>>)
          %dma_wait3A = arith.constant 0 : i32
          %dma_wait3A_41 = tpu.memref_slice %arg7[%run_scoped3A_24, %dma_wait3A] : memref<16x64xf32, #tpu.memory_space<vmem>> -> memref<1x64xf32, #tpu.memory_space<vmem>>
          %dma_wait3A_42 = tpu.memref_squeeze %dma_wait3A_41 : memref<1x64xf32, #tpu.memory_space<vmem>> -> memref<64xf32, #tpu.memory_space<vmem>>
          %dma_wait3A_43 = arith.constant 10000512 : i32
          %dma_wait3A_44 = tpu.memref_slice %arg4[%dma_wait3A_43] : memref<16001024xf32, #tpu.memory_space<hbm>> -> memref<64xf32, #tpu.memory_space<hbm>>
          %dma_wait3A_45 = arith.constant 10000512 : i32
          %dma_wait3A_46 = tpu.memref_slice %arg4[%dma_wait3A_45] : memref<16001024xf32, #tpu.memory_space<hbm>> -> memref<64xf32, #tpu.memory_space<hbm>>
          %dma_wait3A_47 = arith.constant 0 : i32
          %dma_wait3A_48 = tpu.memref_slice %arg7[%run_scoped3A_24, %dma_wait3A_47] : memref<16x64xf32, #tpu.memory_space<vmem>> -> memref<1x64xf32, #tpu.memory_space<vmem>>
          %dma_wait3A_49 = tpu.memref_squeeze %dma_wait3A_48 : memref<1x64xf32, #tpu.memory_space<vmem>> -> memref<64xf32, #tpu.memory_space<vmem>>
          tpu.wait_dma2 semaphore(%run_scoped3A_31 : memref<!tpu.dma_semaphore, #tpu.memory_space<semaphore_mem>>) src(%dma_wait3A_49 : memref<64xf32, #tpu.memory_space<vmem>>) dst(%dma_wait3A_46 : memref<64xf32, #tpu.memory_space<hbm>>)
          tpu.yield
        }) : () -> ()
        %run_scoped3A_25 = arith.constant 10 : i32
        "tpu.region"() ({
          %run_scoped3A_31 = tpu.sem_alloc : memref<!tpu.dma_semaphore, #tpu.memory_space<semaphore_mem>>
          %dma_start3A = arith.constant 0 : i32
          %dma_start3A_32 = tpu.memref_slice %arg7[%run_scoped3A_25, %dma_start3A] : memref<16x64xf32, #tpu.memory_space<vmem>> -> memref<1x64xf32, #tpu.memory_space<vmem>>
          %dma_start3A_33 = tpu.memref_squeeze %dma_start3A_32 : memref<1x64xf32, #tpu.memory_space<vmem>> -> memref<64xf32, #tpu.memory_space<vmem>>
          %dma_start3A_34 = arith.constant 11000576 : i32
          %dma_start3A_35 = tpu.memref_slice %arg4[%dma_start3A_34] : memref<16001024xf32, #tpu.memory_space<hbm>> -> memref<64xf32, #tpu.memory_space<hbm>>
          %dma_start3A_36 = arith.constant 11000576 : i32
          %dma_start3A_37 = tpu.memref_slice %arg4[%dma_start3A_36] : memref<16001024xf32, #tpu.memory_space<hbm>> -> memref<64xf32, #tpu.memory_space<hbm>>
          %dma_start3A_38 = arith.constant 0 : i32
          %dma_start3A_39 = tpu.memref_slice %arg7[%run_scoped3A_25, %dma_start3A_38] : memref<16x64xf32, #tpu.memory_space<vmem>> -> memref<1x64xf32, #tpu.memory_space<vmem>>
          %dma_start3A_40 = tpu.memref_squeeze %dma_start3A_39 : memref<1x64xf32, #tpu.memory_space<vmem>> -> memref<64xf32, #tpu.memory_space<vmem>>
          tpu.enqueue_dma source(%dma_start3A_40 : memref<64xf32, #tpu.memory_space<vmem>>) target(%dma_start3A_37 : memref<64xf32, #tpu.memory_space<hbm>>) target_semaphore(%run_scoped3A_31 : memref<!tpu.dma_semaphore, #tpu.memory_space<semaphore_mem>>)
          %dma_wait3A = arith.constant 0 : i32
          %dma_wait3A_41 = tpu.memref_slice %arg7[%run_scoped3A_25, %dma_wait3A] : memref<16x64xf32, #tpu.memory_space<vmem>> -> memref<1x64xf32, #tpu.memory_space<vmem>>
          %dma_wait3A_42 = tpu.memref_squeeze %dma_wait3A_41 : memref<1x64xf32, #tpu.memory_space<vmem>> -> memref<64xf32, #tpu.memory_space<vmem>>
          %dma_wait3A_43 = arith.constant 11000576 : i32
          %dma_wait3A_44 = tpu.memref_slice %arg4[%dma_wait3A_43] : memref<16001024xf32, #tpu.memory_space<hbm>> -> memref<64xf32, #tpu.memory_space<hbm>>
          %dma_wait3A_45 = arith.constant 11000576 : i32
          %dma_wait3A_46 = tpu.memref_slice %arg4[%dma_wait3A_45] : memref<16001024xf32, #tpu.memory_space<hbm>> -> memref<64xf32, #tpu.memory_space<hbm>>
          %dma_wait3A_47 = arith.constant 0 : i32
          %dma_wait3A_48 = tpu.memref_slice %arg7[%run_scoped3A_25, %dma_wait3A_47] : memref<16x64xf32, #tpu.memory_space<vmem>> -> memref<1x64xf32, #tpu.memory_space<vmem>>
          %dma_wait3A_49 = tpu.memref_squeeze %dma_wait3A_48 : memref<1x64xf32, #tpu.memory_space<vmem>> -> memref<64xf32, #tpu.memory_space<vmem>>
          tpu.wait_dma2 semaphore(%run_scoped3A_31 : memref<!tpu.dma_semaphore, #tpu.memory_space<semaphore_mem>>) src(%dma_wait3A_49 : memref<64xf32, #tpu.memory_space<vmem>>) dst(%dma_wait3A_46 : memref<64xf32, #tpu.memory_space<hbm>>)
          tpu.yield
        }) : () -> ()
        %run_scoped3A_26 = arith.constant 11 : i32
        "tpu.region"() ({
          %run_scoped3A_31 = tpu.sem_alloc : memref<!tpu.dma_semaphore, #tpu.memory_space<semaphore_mem>>
          %dma_start3A = arith.constant 0 : i32
          %dma_start3A_32 = tpu.memref_slice %arg7[%run_scoped3A_26, %dma_start3A] : memref<16x64xf32, #tpu.memory_space<vmem>> -> memref<1x64xf32, #tpu.memory_space<vmem>>
          %dma_start3A_33 = tpu.memref_squeeze %dma_start3A_32 : memref<1x64xf32, #tpu.memory_space<vmem>> -> memref<64xf32, #tpu.memory_space<vmem>>
          %dma_start3A_34 = arith.constant 12000640 : i32
          %dma_start3A_35 = tpu.memref_slice %arg4[%dma_start3A_34] : memref<16001024xf32, #tpu.memory_space<hbm>> -> memref<64xf32, #tpu.memory_space<hbm>>
          %dma_start3A_36 = arith.constant 12000640 : i32
          %dma_start3A_37 = tpu.memref_slice %arg4[%dma_start3A_36] : memref<16001024xf32, #tpu.memory_space<hbm>> -> memref<64xf32, #tpu.memory_space<hbm>>
          %dma_start3A_38 = arith.constant 0 : i32
          %dma_start3A_39 = tpu.memref_slice %arg7[%run_scoped3A_26, %dma_start3A_38] : memref<16x64xf32, #tpu.memory_space<vmem>> -> memref<1x64xf32, #tpu.memory_space<vmem>>
          %dma_start3A_40 = tpu.memref_squeeze %dma_start3A_39 : memref<1x64xf32, #tpu.memory_space<vmem>> -> memref<64xf32, #tpu.memory_space<vmem>>
          tpu.enqueue_dma source(%dma_start3A_40 : memref<64xf32, #tpu.memory_space<vmem>>) target(%dma_start3A_37 : memref<64xf32, #tpu.memory_space<hbm>>) target_semaphore(%run_scoped3A_31 : memref<!tpu.dma_semaphore, #tpu.memory_space<semaphore_mem>>)
          %dma_wait3A = arith.constant 0 : i32
          %dma_wait3A_41 = tpu.memref_slice %arg7[%run_scoped3A_26, %dma_wait3A] : memref<16x64xf32, #tpu.memory_space<vmem>> -> memref<1x64xf32, #tpu.memory_space<vmem>>
          %dma_wait3A_42 = tpu.memref_squeeze %dma_wait3A_41 : memref<1x64xf32, #tpu.memory_space<vmem>> -> memref<64xf32, #tpu.memory_space<vmem>>
          %dma_wait3A_43 = arith.constant 12000640 : i32
          %dma_wait3A_44 = tpu.memref_slice %arg4[%dma_wait3A_43] : memref<16001024xf32, #tpu.memory_space<hbm>> -> memref<64xf32, #tpu.memory_space<hbm>>
          %dma_wait3A_45 = arith.constant 12000640 : i32
          %dma_wait3A_46 = tpu.memref_slice %arg4[%dma_wait3A_45] : memref<16001024xf32, #tpu.memory_space<hbm>> -> memref<64xf32, #tpu.memory_space<hbm>>
          %dma_wait3A_47 = arith.constant 0 : i32
          %dma_wait3A_48 = tpu.memref_slice %arg7[%run_scoped3A_26, %dma_wait3A_47] : memref<16x64xf32, #tpu.memory_space<vmem>> -> memref<1x64xf32, #tpu.memory_space<vmem>>
          %dma_wait3A_49 = tpu.memref_squeeze %dma_wait3A_48 : memref<1x64xf32, #tpu.memory_space<vmem>> -> memref<64xf32, #tpu.memory_space<vmem>>
          tpu.wait_dma2 semaphore(%run_scoped3A_31 : memref<!tpu.dma_semaphore, #tpu.memory_space<semaphore_mem>>) src(%dma_wait3A_49 : memref<64xf32, #tpu.memory_space<vmem>>) dst(%dma_wait3A_46 : memref<64xf32, #tpu.memory_space<hbm>>)
          tpu.yield
        }) : () -> ()
        %run_scoped3A_27 = arith.constant 12 : i32
        "tpu.region"() ({
          %run_scoped3A_31 = tpu.sem_alloc : memref<!tpu.dma_semaphore, #tpu.memory_space<semaphore_mem>>
          %dma_start3A = arith.constant 0 : i32
          %dma_start3A_32 = tpu.memref_slice %arg7[%run_scoped3A_27, %dma_start3A] : memref<16x64xf32, #tpu.memory_space<vmem>> -> memref<1x64xf32, #tpu.memory_space<vmem>>
          %dma_start3A_33 = tpu.memref_squeeze %dma_start3A_32 : memref<1x64xf32, #tpu.memory_space<vmem>> -> memref<64xf32, #tpu.memory_space<vmem>>
          %dma_start3A_34 = arith.constant 13000704 : i32
          %dma_start3A_35 = tpu.memref_slice %arg4[%dma_start3A_34] : memref<16001024xf32, #tpu.memory_space<hbm>> -> memref<64xf32, #tpu.memory_space<hbm>>
          %dma_start3A_36 = arith.constant 13000704 : i32
          %dma_start3A_37 = tpu.memref_slice %arg4[%dma_start3A_36] : memref<16001024xf32, #tpu.memory_space<hbm>> -> memref<64xf32, #tpu.memory_space<hbm>>
          %dma_start3A_38 = arith.constant 0 : i32
          %dma_start3A_39 = tpu.memref_slice %arg7[%run_scoped3A_27, %dma_start3A_38] : memref<16x64xf32, #tpu.memory_space<vmem>> -> memref<1x64xf32, #tpu.memory_space<vmem>>
          %dma_start3A_40 = tpu.memref_squeeze %dma_start3A_39 : memref<1x64xf32, #tpu.memory_space<vmem>> -> memref<64xf32, #tpu.memory_space<vmem>>
          tpu.enqueue_dma source(%dma_start3A_40 : memref<64xf32, #tpu.memory_space<vmem>>) target(%dma_start3A_37 : memref<64xf32, #tpu.memory_space<hbm>>) target_semaphore(%run_scoped3A_31 : memref<!tpu.dma_semaphore, #tpu.memory_space<semaphore_mem>>)
          %dma_wait3A = arith.constant 0 : i32
          %dma_wait3A_41 = tpu.memref_slice %arg7[%run_scoped3A_27, %dma_wait3A] : memref<16x64xf32, #tpu.memory_space<vmem>> -> memref<1x64xf32, #tpu.memory_space<vmem>>
          %dma_wait3A_42 = tpu.memref_squeeze %dma_wait3A_41 : memref<1x64xf32, #tpu.memory_space<vmem>> -> memref<64xf32, #tpu.memory_space<vmem>>
          %dma_wait3A_43 = arith.constant 13000704 : i32
          %dma_wait3A_44 = tpu.memref_slice %arg4[%dma_wait3A_43] : memref<16001024xf32, #tpu.memory_space<hbm>> -> memref<64xf32, #tpu.memory_space<hbm>>
          %dma_wait3A_45 = arith.constant 13000704 : i32
          %dma_wait3A_46 = tpu.memref_slice %arg4[%dma_wait3A_45] : memref<16001024xf32, #tpu.memory_space<hbm>> -> memref<64xf32, #tpu.memory_space<hbm>>
          %dma_wait3A_47 = arith.constant 0 : i32
          %dma_wait3A_48 = tpu.memref_slice %arg7[%run_scoped3A_27, %dma_wait3A_47] : memref<16x64xf32, #tpu.memory_space<vmem>> -> memref<1x64xf32, #tpu.memory_space<vmem>>
          %dma_wait3A_49 = tpu.memref_squeeze %dma_wait3A_48 : memref<1x64xf32, #tpu.memory_space<vmem>> -> memref<64xf32, #tpu.memory_space<vmem>>
          tpu.wait_dma2 semaphore(%run_scoped3A_31 : memref<!tpu.dma_semaphore, #tpu.memory_space<semaphore_mem>>) src(%dma_wait3A_49 : memref<64xf32, #tpu.memory_space<vmem>>) dst(%dma_wait3A_46 : memref<64xf32, #tpu.memory_space<hbm>>)
          tpu.yield
        }) : () -> ()
        %run_scoped3A_28 = arith.constant 13 : i32
        "tpu.region"() ({
          %run_scoped3A_31 = tpu.sem_alloc : memref<!tpu.dma_semaphore, #tpu.memory_space<semaphore_mem>>
          %dma_start3A = arith.constant 0 : i32
          %dma_start3A_32 = tpu.memref_slice %arg7[%run_scoped3A_28, %dma_start3A] : memref<16x64xf32, #tpu.memory_space<vmem>> -> memref<1x64xf32, #tpu.memory_space<vmem>>
          %dma_start3A_33 = tpu.memref_squeeze %dma_start3A_32 : memref<1x64xf32, #tpu.memory_space<vmem>> -> memref<64xf32, #tpu.memory_space<vmem>>
          %dma_start3A_34 = arith.constant 14000768 : i32
          %dma_start3A_35 = tpu.memref_slice %arg4[%dma_start3A_34] : memref<16001024xf32, #tpu.memory_space<hbm>> -> memref<64xf32, #tpu.memory_space<hbm>>
          %dma_start3A_36 = arith.constant 14000768 : i32
          %dma_start3A_37 = tpu.memref_slice %arg4[%dma_start3A_36] : memref<16001024xf32, #tpu.memory_space<hbm>> -> memref<64xf32, #tpu.memory_space<hbm>>
          %dma_start3A_38 = arith.constant 0 : i32
          %dma_start3A_39 = tpu.memref_slice %arg7[%run_scoped3A_28, %dma_start3A_38] : memref<16x64xf32, #tpu.memory_space<vmem>> -> memref<1x64xf32, #tpu.memory_space<vmem>>
          %dma_start3A_40 = tpu.memref_squeeze %dma_start3A_39 : memref<1x64xf32, #tpu.memory_space<vmem>> -> memref<64xf32, #tpu.memory_space<vmem>>
          tpu.enqueue_dma source(%dma_start3A_40 : memref<64xf32, #tpu.memory_space<vmem>>) target(%dma_start3A_37 : memref<64xf32, #tpu.memory_space<hbm>>) target_semaphore(%run_scoped3A_31 : memref<!tpu.dma_semaphore, #tpu.memory_space<semaphore_mem>>)
          %dma_wait3A = arith.constant 0 : i32
          %dma_wait3A_41 = tpu.memref_slice %arg7[%run_scoped3A_28, %dma_wait3A] : memref<16x64xf32, #tpu.memory_space<vmem>> -> memref<1x64xf32, #tpu.memory_space<vmem>>
          %dma_wait3A_42 = tpu.memref_squeeze %dma_wait3A_41 : memref<1x64xf32, #tpu.memory_space<vmem>> -> memref<64xf32, #tpu.memory_space<vmem>>
          %dma_wait3A_43 = arith.constant 14000768 : i32
          %dma_wait3A_44 = tpu.memref_slice %arg4[%dma_wait3A_43] : memref<16001024xf32, #tpu.memory_space<hbm>> -> memref<64xf32, #tpu.memory_space<hbm>>
          %dma_wait3A_45 = arith.constant 14000768 : i32
          %dma_wait3A_46 = tpu.memref_slice %arg4[%dma_wait3A_45] : memref<16001024xf32, #tpu.memory_space<hbm>> -> memref<64xf32, #tpu.memory_space<hbm>>
          %dma_wait3A_47 = arith.constant 0 : i32
          %dma_wait3A_48 = tpu.memref_slice %arg7[%run_scoped3A_28, %dma_wait3A_47] : memref<16x64xf32, #tpu.memory_space<vmem>> -> memref<1x64xf32, #tpu.memory_space<vmem>>
          %dma_wait3A_49 = tpu.memref_squeeze %dma_wait3A_48 : memref<1x64xf32, #tpu.memory_space<vmem>> -> memref<64xf32, #tpu.memory_space<vmem>>
          tpu.wait_dma2 semaphore(%run_scoped3A_31 : memref<!tpu.dma_semaphore, #tpu.memory_space<semaphore_mem>>) src(%dma_wait3A_49 : memref<64xf32, #tpu.memory_space<vmem>>) dst(%dma_wait3A_46 : memref<64xf32, #tpu.memory_space<hbm>>)
          tpu.yield
        }) : () -> ()
        %run_scoped3A_29 = arith.constant 14 : i32
        "tpu.region"() ({
          %run_scoped3A_31 = tpu.sem_alloc : memref<!tpu.dma_semaphore, #tpu.memory_space<semaphore_mem>>
          %dma_start3A = arith.constant 0 : i32
          %dma_start3A_32 = tpu.memref_slice %arg7[%run_scoped3A_29, %dma_start3A] : memref<16x64xf32, #tpu.memory_space<vmem>> -> memref<1x64xf32, #tpu.memory_space<vmem>>
          %dma_start3A_33 = tpu.memref_squeeze %dma_start3A_32 : memref<1x64xf32, #tpu.memory_space<vmem>> -> memref<64xf32, #tpu.memory_space<vmem>>
          %dma_start3A_34 = arith.constant 15000832 : i32
          %dma_start3A_35 = tpu.memref_slice %arg4[%dma_start3A_34] : memref<16001024xf32, #tpu.memory_space<hbm>> -> memref<64xf32, #tpu.memory_space<hbm>>
          %dma_start3A_36 = arith.constant 15000832 : i32
          %dma_start3A_37 = tpu.memref_slice %arg4[%dma_start3A_36] : memref<16001024xf32, #tpu.memory_space<hbm>> -> memref<64xf32, #tpu.memory_space<hbm>>
          %dma_start3A_38 = arith.constant 0 : i32
          %dma_start3A_39 = tpu.memref_slice %arg7[%run_scoped3A_29, %dma_start3A_38] : memref<16x64xf32, #tpu.memory_space<vmem>> -> memref<1x64xf32, #tpu.memory_space<vmem>>
          %dma_start3A_40 = tpu.memref_squeeze %dma_start3A_39 : memref<1x64xf32, #tpu.memory_space<vmem>> -> memref<64xf32, #tpu.memory_space<vmem>>
          tpu.enqueue_dma source(%dma_start3A_40 : memref<64xf32, #tpu.memory_space<vmem>>) target(%dma_start3A_37 : memref<64xf32, #tpu.memory_space<hbm>>) target_semaphore(%run_scoped3A_31 : memref<!tpu.dma_semaphore, #tpu.memory_space<semaphore_mem>>)
          %dma_wait3A = arith.constant 0 : i32
          %dma_wait3A_41 = tpu.memref_slice %arg7[%run_scoped3A_29, %dma_wait3A] : memref<16x64xf32, #tpu.memory_space<vmem>> -> memref<1x64xf32, #tpu.memory_space<vmem>>
          %dma_wait3A_42 = tpu.memref_squeeze %dma_wait3A_41 : memref<1x64xf32, #tpu.memory_space<vmem>> -> memref<64xf32, #tpu.memory_space<vmem>>
          %dma_wait3A_43 = arith.constant 15000832 : i32
          %dma_wait3A_44 = tpu.memref_slice %arg4[%dma_wait3A_43] : memref<16001024xf32, #tpu.memory_space<hbm>> -> memref<64xf32, #tpu.memory_space<hbm>>
          %dma_wait3A_45 = arith.constant 15000832 : i32
          %dma_wait3A_46 = tpu.memref_slice %arg4[%dma_wait3A_45] : memref<16001024xf32, #tpu.memory_space<hbm>> -> memref<64xf32, #tpu.memory_space<hbm>>
          %dma_wait3A_47 = arith.constant 0 : i32
          %dma_wait3A_48 = tpu.memref_slice %arg7[%run_scoped3A_29, %dma_wait3A_47] : memref<16x64xf32, #tpu.memory_space<vmem>> -> memref<1x64xf32, #tpu.memory_space<vmem>>
          %dma_wait3A_49 = tpu.memref_squeeze %dma_wait3A_48 : memref<1x64xf32, #tpu.memory_space<vmem>> -> memref<64xf32, #tpu.memory_space<vmem>>
          tpu.wait_dma2 semaphore(%run_scoped3A_31 : memref<!tpu.dma_semaphore, #tpu.memory_space<semaphore_mem>>) src(%dma_wait3A_49 : memref<64xf32, #tpu.memory_space<vmem>>) dst(%dma_wait3A_46 : memref<64xf32, #tpu.memory_space<hbm>>)
          tpu.yield
        }) : () -> ()
        %run_scoped3A_30 = arith.constant 15 : i32
        "tpu.region"() ({
          %run_scoped3A_31 = tpu.sem_alloc : memref<!tpu.dma_semaphore, #tpu.memory_space<semaphore_mem>>
          %dma_start3A = arith.constant 0 : i32
          %dma_start3A_32 = tpu.memref_slice %arg7[%run_scoped3A_30, %dma_start3A] : memref<16x64xf32, #tpu.memory_space<vmem>> -> memref<1x64xf32, #tpu.memory_space<vmem>>
          %dma_start3A_33 = tpu.memref_squeeze %dma_start3A_32 : memref<1x64xf32, #tpu.memory_space<vmem>> -> memref<64xf32, #tpu.memory_space<vmem>>
          %dma_start3A_34 = arith.constant 16000896 : i32
          %dma_start3A_35 = tpu.memref_slice %arg4[%dma_start3A_34] : memref<16001024xf32, #tpu.memory_space<hbm>> -> memref<64xf32, #tpu.memory_space<hbm>>
          %dma_start3A_36 = arith.constant 16000896 : i32
          %dma_start3A_37 = tpu.memref_slice %arg4[%dma_start3A_36] : memref<16001024xf32, #tpu.memory_space<hbm>> -> memref<64xf32, #tpu.memory_space<hbm>>
          %dma_start3A_38 = arith.constant 0 : i32
          %dma_start3A_39 = tpu.memref_slice %arg7[%run_scoped3A_30, %dma_start3A_38] : memref<16x64xf32, #tpu.memory_space<vmem>> -> memref<1x64xf32, #tpu.memory_space<vmem>>
          %dma_start3A_40 = tpu.memref_squeeze %dma_start3A_39 : memref<1x64xf32, #tpu.memory_space<vmem>> -> memref<64xf32, #tpu.memory_space<vmem>>
          tpu.enqueue_dma source(%dma_start3A_40 : memref<64xf32, #tpu.memory_space<vmem>>) target(%dma_start3A_37 : memref<64xf32, #tpu.memory_space<hbm>>) target_semaphore(%run_scoped3A_31 : memref<!tpu.dma_semaphore, #tpu.memory_space<semaphore_mem>>)
          %dma_wait3A = arith.constant 0 : i32
          %dma_wait3A_41 = tpu.memref_slice %arg7[%run_scoped3A_30, %dma_wait3A] : memref<16x64xf32, #tpu.memory_space<vmem>> -> memref<1x64xf32, #tpu.memory_space<vmem>>
          %dma_wait3A_42 = tpu.memref_squeeze %dma_wait3A_41 : memref<1x64xf32, #tpu.memory_space<vmem>> -> memref<64xf32, #tpu.memory_space<vmem>>
          %dma_wait3A_43 = arith.constant 16000896 : i32
          %dma_wait3A_44 = tpu.memref_slice %arg4[%dma_wait3A_43] : memref<16001024xf32, #tpu.memory_space<hbm>> -> memref<64xf32, #tpu.memory_space<hbm>>
          %dma_wait3A_45 = arith.constant 16000896 : i32
          %dma_wait3A_46 = tpu.memref_slice %arg4[%dma_wait3A_45] : memref<16001024xf32, #tpu.memory_space<hbm>> -> memref<64xf32, #tpu.memory_space<hbm>>
          %dma_wait3A_47 = arith.constant 0 : i32
          %dma_wait3A_48 = tpu.memref_slice %arg7[%run_scoped3A_30, %dma_wait3A_47] : memref<16x64xf32, #tpu.memory_space<vmem>> -> memref<1x64xf32, #tpu.memory_space<vmem>>
          %dma_wait3A_49 = tpu.memref_squeeze %dma_wait3A_48 : memref<1x64xf32, #tpu.memory_space<vmem>> -> memref<64xf32, #tpu.memory_space<vmem>>
          tpu.wait_dma2 semaphore(%run_scoped3A_31 : memref<!tpu.dma_semaphore, #tpu.memory_space<semaphore_mem>>) src(%dma_wait3A_49 : memref<64xf32, #tpu.memory_space<vmem>>) dst(%dma_wait3A_46 : memref<64xf32, #tpu.memory_space<hbm>>)
          tpu.yield
        }) : () -> ()
      } else {
      }
    }
    %scan3A_5 = arith.constant 5 : i32
    return
  }
}

#map = affine_map<(d0, d1) -> (0)>
#map1 = affine_map<(d0, d1) -> (0, 0)>
module attributes {stable_mosaic.version = 14 : i64} {
  func.func @_gather_body(%arg0: i32, %arg1: i32, %arg2: memref<16001024xf32, #tpu.memory_space<hbm>>, %arg3: memref<1000000xf32, #tpu.memory_space<hbm>>, %arg4: memref<16384xi32, #tpu.memory_space<hbm>>, %arg5: memref<16384xi32, #tpu.memory_space<hbm>>, %arg6: memref<16384xf32, #tpu.memory_space<hbm>>, %arg7: memref<16x16384xf32, #tpu.memory_space<hbm>>, %arg8: memref<16x16384xf32, #tpu.memory_space<hbm>>, %arg9: memref<16384xf32, #tpu.memory_space<hbm>>, %arg10: memref<512xi32, #tpu.memory_space<vmem>>, %arg11: memref<512xi32, #tpu.memory_space<vmem>>, %arg12: memref<512xi32, #tpu.memory_space<vmem>>, %arg13: memref<16x512xf32, #tpu.memory_space<vmem>>, %arg14: memref<16x512xf32, #tpu.memory_space<vmem>>, %arg15: memref<512xf32, #tpu.memory_space<vmem>>, %arg16: memref<512xf32, #tpu.memory_space<vmem>>, %arg17: memref<!tpu.dma_semaphore, #tpu.memory_space<semaphore_mem>>, %arg18: memref<!tpu.dma_semaphore, #tpu.memory_space<semaphore_mem>>, %arg19: memref<!tpu.dma_semaphore, #tpu.memory_space<semaphore_mem>>, %arg20: memref<!tpu.dma_semaphore, #tpu.memory_space<semaphore_mem>>) attributes {dimension_semantics = [#tpu.dimension_semantics<core_parallel>, #tpu.dimension_semantics<subcore_parallel>], iteration_bounds = array<i64: 2, 16>, scalar_prefetch = 0 : i64, scratch_operands = 11 : i64, tpu.core_type = #tpu.core_type<sc_vector_subcore>, window_params = [{transform_indices = #map}, {transform_indices = #map}, {transform_indices = #map}, {transform_indices = #map}, {transform_indices = #map}, {transform_indices = #map1}, {transform_indices = #map1}, {transform_indices = #map}]} {
    %mul3A = arith.constant 2 : i32
    %mul3A_0 = arith.muli %arg1, %mul3A : i32
    %add3A = arith.addi %mul3A_0, %arg0 : i32
    %mul3A_1 = arith.constant 512 : i32
    %mul3A_2 = arith.muli %add3A, %mul3A_1 : i32
    "tpu.region"() ({
      %run_scoped3A = tpu.sem_alloc : memref<!tpu.dma_semaphore, #tpu.memory_space<semaphore_mem>>
      %dma_start3A_1294 = tpu.memref_slice %arg4[%mul3A_2] : memref<16384xi32, #tpu.memory_space<hbm>> -> memref<512xi32, #tpu.memory_space<hbm>>
      %dma_start3A_1295 = tpu.memref_slice %arg4[%mul3A_2] : memref<16384xi32, #tpu.memory_space<hbm>> -> memref<512xi32, #tpu.memory_space<hbm>>
      tpu.enqueue_dma source(%dma_start3A_1295 : memref<512xi32, #tpu.memory_space<hbm>>) target(%arg10 : memref<512xi32, #tpu.memory_space<vmem>>) target_semaphore(%run_scoped3A : memref<!tpu.dma_semaphore, #tpu.memory_space<semaphore_mem>>)
      %dma_wait3A_1296 = tpu.memref_slice %arg4[%mul3A_2] : memref<16384xi32, #tpu.memory_space<hbm>> -> memref<512xi32, #tpu.memory_space<hbm>>
      %dma_wait3A_1297 = tpu.memref_slice %arg4[%mul3A_2] : memref<16384xi32, #tpu.memory_space<hbm>> -> memref<512xi32, #tpu.memory_space<hbm>>
      tpu.wait_dma2 semaphore(%run_scoped3A : memref<!tpu.dma_semaphore, #tpu.memory_space<semaphore_mem>>) src(%dma_wait3A_1297 : memref<512xi32, #tpu.memory_space<hbm>>) dst(%arg10 : memref<512xi32, #tpu.memory_space<vmem>>)
      tpu.yield
    }) : () -> ()
    "tpu.region"() ({
      %run_scoped3A = tpu.sem_alloc : memref<!tpu.dma_semaphore, #tpu.memory_space<semaphore_mem>>
      %dma_start3A_1294 = tpu.memref_slice %arg5[%mul3A_2] : memref<16384xi32, #tpu.memory_space<hbm>> -> memref<512xi32, #tpu.memory_space<hbm>>
      %dma_start3A_1295 = tpu.memref_slice %arg5[%mul3A_2] : memref<16384xi32, #tpu.memory_space<hbm>> -> memref<512xi32, #tpu.memory_space<hbm>>
      tpu.enqueue_dma source(%dma_start3A_1295 : memref<512xi32, #tpu.memory_space<hbm>>) target(%arg11 : memref<512xi32, #tpu.memory_space<vmem>>) target_semaphore(%run_scoped3A : memref<!tpu.dma_semaphore, #tpu.memory_space<semaphore_mem>>)
      %dma_wait3A_1296 = tpu.memref_slice %arg5[%mul3A_2] : memref<16384xi32, #tpu.memory_space<hbm>> -> memref<512xi32, #tpu.memory_space<hbm>>
      %dma_wait3A_1297 = tpu.memref_slice %arg5[%mul3A_2] : memref<16384xi32, #tpu.memory_space<hbm>> -> memref<512xi32, #tpu.memory_space<hbm>>
      tpu.wait_dma2 semaphore(%run_scoped3A : memref<!tpu.dma_semaphore, #tpu.memory_space<semaphore_mem>>) src(%dma_wait3A_1297 : memref<512xi32, #tpu.memory_space<hbm>>) dst(%arg11 : memref<512xi32, #tpu.memory_space<vmem>>)
      tpu.yield
    }) : () -> ()
    %dma_start3A = arith.constant 0 : i32
    %dma_start3A_3 = tpu.memref_slice %arg3[%dma_start3A] : memref<1000000xf32, #tpu.memory_space<hbm>> -> memref<1000000xf32, #tpu.memory_space<hbm>>
    tpu.enqueue_indirect_dma source(%dma_start3A_3 : memref<1000000xf32, #tpu.memory_space<hbm>>) target(%arg15 : memref<512xf32, #tpu.memory_space<vmem>>) offsets(%arg11 : memref<512xi32, #tpu.memory_space<vmem>>) semaphore(%arg19 : memref<!tpu.dma_semaphore, #tpu.memory_space<semaphore_mem>>)
    %dma_start3A_4 = arith.constant 0 : i32
    %dma_start3A_5 = arith.constant 0 : i32
    %dma_start3A_6 = tpu.memref_slice %arg13[%dma_start3A_4, %dma_start3A_5] : memref<16x512xf32, #tpu.memory_space<vmem>> -> memref<1x512xf32, #tpu.memory_space<vmem>>
    %dma_start3A_7 = tpu.memref_squeeze %dma_start3A_6 : memref<1x512xf32, #tpu.memory_space<vmem>> -> memref<512xf32, #tpu.memory_space<vmem>>
    %dma_start3A_8 = arith.constant 0 : i32
    %dma_start3A_9 = tpu.memref_slice %arg2[%dma_start3A_8] : memref<16001024xf32, #tpu.memory_space<hbm>> -> memref<1000000xf32, #tpu.memory_space<hbm>>
    %dma_start3A_10 = arith.constant 0 : i32
    %dma_start3A_11 = tpu.memref_slice %dma_start3A_9[%dma_start3A_10] : memref<1000000xf32, #tpu.memory_space<hbm>> -> memref<1000000xf32, #tpu.memory_space<hbm>>
    tpu.enqueue_indirect_dma source(%dma_start3A_11 : memref<1000000xf32, #tpu.memory_space<hbm>>) target(%dma_start3A_7 : memref<512xf32, #tpu.memory_space<vmem>>) offsets(%arg10 : memref<512xi32, #tpu.memory_space<vmem>>) semaphore(%arg17 : memref<!tpu.dma_semaphore, #tpu.memory_space<semaphore_mem>>)
    %dma_start3A_12 = arith.constant 0 : i32
    %dma_start3A_13 = arith.constant 0 : i32
    %dma_start3A_14 = tpu.memref_slice %arg14[%dma_start3A_12, %dma_start3A_13] : memref<16x512xf32, #tpu.memory_space<vmem>> -> memref<1x512xf32, #tpu.memory_space<vmem>>
    %dma_start3A_15 = tpu.memref_squeeze %dma_start3A_14 : memref<1x512xf32, #tpu.memory_space<vmem>> -> memref<512xf32, #tpu.memory_space<vmem>>
    %dma_start3A_16 = arith.constant 0 : i32
    %dma_start3A_17 = tpu.memref_slice %arg2[%dma_start3A_16] : memref<16001024xf32, #tpu.memory_space<hbm>> -> memref<1000000xf32, #tpu.memory_space<hbm>>
    %dma_start3A_18 = arith.constant 0 : i32
    %dma_start3A_19 = tpu.memref_slice %dma_start3A_17[%dma_start3A_18] : memref<1000000xf32, #tpu.memory_space<hbm>> -> memref<1000000xf32, #tpu.memory_space<hbm>>
    tpu.enqueue_indirect_dma source(%dma_start3A_19 : memref<1000000xf32, #tpu.memory_space<hbm>>) target(%dma_start3A_15 : memref<512xf32, #tpu.memory_space<vmem>>) offsets(%arg11 : memref<512xi32, #tpu.memory_space<vmem>>) semaphore(%arg18 : memref<!tpu.dma_semaphore, #tpu.memory_space<semaphore_mem>>)
    %dma_start3A_20 = arith.constant 1 : i32
    %dma_start3A_21 = arith.constant 0 : i32
    %dma_start3A_22 = tpu.memref_slice %arg13[%dma_start3A_20, %dma_start3A_21] : memref<16x512xf32, #tpu.memory_space<vmem>> -> memref<1x512xf32, #tpu.memory_space<vmem>>
    %dma_start3A_23 = tpu.memref_squeeze %dma_start3A_22 : memref<1x512xf32, #tpu.memory_space<vmem>> -> memref<512xf32, #tpu.memory_space<vmem>>
    %dma_start3A_24 = arith.constant 1000064 : i32
    %dma_start3A_25 = tpu.memref_slice %arg2[%dma_start3A_24] : memref<16001024xf32, #tpu.memory_space<hbm>> -> memref<1000000xf32, #tpu.memory_space<hbm>>
    %dma_start3A_26 = arith.constant 0 : i32
    %dma_start3A_27 = tpu.memref_slice %dma_start3A_25[%dma_start3A_26] : memref<1000000xf32, #tpu.memory_space<hbm>> -> memref<1000000xf32, #tpu.memory_space<hbm>>
    tpu.enqueue_indirect_dma source(%dma_start3A_27 : memref<1000000xf32, #tpu.memory_space<hbm>>) target(%dma_start3A_23 : memref<512xf32, #tpu.memory_space<vmem>>) offsets(%arg10 : memref<512xi32, #tpu.memory_space<vmem>>) semaphore(%arg17 : memref<!tpu.dma_semaphore, #tpu.memory_space<semaphore_mem>>)
    %dma_start3A_28 = arith.constant 1 : i32
    %dma_start3A_29 = arith.constant 0 : i32
    %dma_start3A_30 = tpu.memref_slice %arg14[%dma_start3A_28, %dma_start3A_29] : memref<16x512xf32, #tpu.memory_space<vmem>> -> memref<1x512xf32, #tpu.memory_space<vmem>>
    %dma_start3A_31 = tpu.memref_squeeze %dma_start3A_30 : memref<1x512xf32, #tpu.memory_space<vmem>> -> memref<512xf32, #tpu.memory_space<vmem>>
    %dma_start3A_32 = arith.constant 1000064 : i32
    %dma_start3A_33 = tpu.memref_slice %arg2[%dma_start3A_32] : memref<16001024xf32, #tpu.memory_space<hbm>> -> memref<1000000xf32, #tpu.memory_space<hbm>>
    %dma_start3A_34 = arith.constant 0 : i32
    %dma_start3A_35 = tpu.memref_slice %dma_start3A_33[%dma_start3A_34] : memref<1000000xf32, #tpu.memory_space<hbm>> -> memref<1000000xf32, #tpu.memory_space<hbm>>
    tpu.enqueue_indirect_dma source(%dma_start3A_35 : memref<1000000xf32, #tpu.memory_space<hbm>>) target(%dma_start3A_31 : memref<512xf32, #tpu.memory_space<vmem>>) offsets(%arg11 : memref<512xi32, #tpu.memory_space<vmem>>) semaphore(%arg18 : memref<!tpu.dma_semaphore, #tpu.memory_space<semaphore_mem>>)
    %dma_start3A_36 = arith.constant 2 : i32
    %dma_start3A_37 = arith.constant 0 : i32
    %dma_start3A_38 = tpu.memref_slice %arg13[%dma_start3A_36, %dma_start3A_37] : memref<16x512xf32, #tpu.memory_space<vmem>> -> memref<1x512xf32, #tpu.memory_space<vmem>>
    %dma_start3A_39 = tpu.memref_squeeze %dma_start3A_38 : memref<1x512xf32, #tpu.memory_space<vmem>> -> memref<512xf32, #tpu.memory_space<vmem>>
    %dma_start3A_40 = arith.constant 2000128 : i32
    %dma_start3A_41 = tpu.memref_slice %arg2[%dma_start3A_40] : memref<16001024xf32, #tpu.memory_space<hbm>> -> memref<1000000xf32, #tpu.memory_space<hbm>>
    %dma_start3A_42 = arith.constant 0 : i32
    %dma_start3A_43 = tpu.memref_slice %dma_start3A_41[%dma_start3A_42] : memref<1000000xf32, #tpu.memory_space<hbm>> -> memref<1000000xf32, #tpu.memory_space<hbm>>
    tpu.enqueue_indirect_dma source(%dma_start3A_43 : memref<1000000xf32, #tpu.memory_space<hbm>>) target(%dma_start3A_39 : memref<512xf32, #tpu.memory_space<vmem>>) offsets(%arg10 : memref<512xi32, #tpu.memory_space<vmem>>) semaphore(%arg17 : memref<!tpu.dma_semaphore, #tpu.memory_space<semaphore_mem>>)
    %dma_start3A_44 = arith.constant 2 : i32
    %dma_start3A_45 = arith.constant 0 : i32
    %dma_start3A_46 = tpu.memref_slice %arg14[%dma_start3A_44, %dma_start3A_45] : memref<16x512xf32, #tpu.memory_space<vmem>> -> memref<1x512xf32, #tpu.memory_space<vmem>>
    %dma_start3A_47 = tpu.memref_squeeze %dma_start3A_46 : memref<1x512xf32, #tpu.memory_space<vmem>> -> memref<512xf32, #tpu.memory_space<vmem>>
    %dma_start3A_48 = arith.constant 2000128 : i32
    %dma_start3A_49 = tpu.memref_slice %arg2[%dma_start3A_48] : memref<16001024xf32, #tpu.memory_space<hbm>> -> memref<1000000xf32, #tpu.memory_space<hbm>>
    %dma_start3A_50 = arith.constant 0 : i32
    %dma_start3A_51 = tpu.memref_slice %dma_start3A_49[%dma_start3A_50] : memref<1000000xf32, #tpu.memory_space<hbm>> -> memref<1000000xf32, #tpu.memory_space<hbm>>
    tpu.enqueue_indirect_dma source(%dma_start3A_51 : memref<1000000xf32, #tpu.memory_space<hbm>>) target(%dma_start3A_47 : memref<512xf32, #tpu.memory_space<vmem>>) offsets(%arg11 : memref<512xi32, #tpu.memory_space<vmem>>) semaphore(%arg18 : memref<!tpu.dma_semaphore, #tpu.memory_space<semaphore_mem>>)
    %dma_start3A_52 = arith.constant 3 : i32
    %dma_start3A_53 = arith.constant 0 : i32
    %dma_start3A_54 = tpu.memref_slice %arg13[%dma_start3A_52, %dma_start3A_53] : memref<16x512xf32, #tpu.memory_space<vmem>> -> memref<1x512xf32, #tpu.memory_space<vmem>>
    %dma_start3A_55 = tpu.memref_squeeze %dma_start3A_54 : memref<1x512xf32, #tpu.memory_space<vmem>> -> memref<512xf32, #tpu.memory_space<vmem>>
    %dma_start3A_56 = arith.constant 3000192 : i32
    %dma_start3A_57 = tpu.memref_slice %arg2[%dma_start3A_56] : memref<16001024xf32, #tpu.memory_space<hbm>> -> memref<1000000xf32, #tpu.memory_space<hbm>>
    %dma_start3A_58 = arith.constant 0 : i32
    %dma_start3A_59 = tpu.memref_slice %dma_start3A_57[%dma_start3A_58] : memref<1000000xf32, #tpu.memory_space<hbm>> -> memref<1000000xf32, #tpu.memory_space<hbm>>
    tpu.enqueue_indirect_dma source(%dma_start3A_59 : memref<1000000xf32, #tpu.memory_space<hbm>>) target(%dma_start3A_55 : memref<512xf32, #tpu.memory_space<vmem>>) offsets(%arg10 : memref<512xi32, #tpu.memory_space<vmem>>) semaphore(%arg17 : memref<!tpu.dma_semaphore, #tpu.memory_space<semaphore_mem>>)
    %dma_start3A_60 = arith.constant 3 : i32
    %dma_start3A_61 = arith.constant 0 : i32
    %dma_start3A_62 = tpu.memref_slice %arg14[%dma_start3A_60, %dma_start3A_61] : memref<16x512xf32, #tpu.memory_space<vmem>> -> memref<1x512xf32, #tpu.memory_space<vmem>>
    %dma_start3A_63 = tpu.memref_squeeze %dma_start3A_62 : memref<1x512xf32, #tpu.memory_space<vmem>> -> memref<512xf32, #tpu.memory_space<vmem>>
    %dma_start3A_64 = arith.constant 3000192 : i32
    %dma_start3A_65 = tpu.memref_slice %arg2[%dma_start3A_64] : memref<16001024xf32, #tpu.memory_space<hbm>> -> memref<1000000xf32, #tpu.memory_space<hbm>>
    %dma_start3A_66 = arith.constant 0 : i32
    %dma_start3A_67 = tpu.memref_slice %dma_start3A_65[%dma_start3A_66] : memref<1000000xf32, #tpu.memory_space<hbm>> -> memref<1000000xf32, #tpu.memory_space<hbm>>
    tpu.enqueue_indirect_dma source(%dma_start3A_67 : memref<1000000xf32, #tpu.memory_space<hbm>>) target(%dma_start3A_63 : memref<512xf32, #tpu.memory_space<vmem>>) offsets(%arg11 : memref<512xi32, #tpu.memory_space<vmem>>) semaphore(%arg18 : memref<!tpu.dma_semaphore, #tpu.memory_space<semaphore_mem>>)
    %dma_start3A_68 = arith.constant 4 : i32
    %dma_start3A_69 = arith.constant 0 : i32
    %dma_start3A_70 = tpu.memref_slice %arg13[%dma_start3A_68, %dma_start3A_69] : memref<16x512xf32, #tpu.memory_space<vmem>> -> memref<1x512xf32, #tpu.memory_space<vmem>>
    %dma_start3A_71 = tpu.memref_squeeze %dma_start3A_70 : memref<1x512xf32, #tpu.memory_space<vmem>> -> memref<512xf32, #tpu.memory_space<vmem>>
    %dma_start3A_72 = arith.constant 4000256 : i32
    %dma_start3A_73 = tpu.memref_slice %arg2[%dma_start3A_72] : memref<16001024xf32, #tpu.memory_space<hbm>> -> memref<1000000xf32, #tpu.memory_space<hbm>>
    %dma_start3A_74 = arith.constant 0 : i32
    %dma_start3A_75 = tpu.memref_slice %dma_start3A_73[%dma_start3A_74] : memref<1000000xf32, #tpu.memory_space<hbm>> -> memref<1000000xf32, #tpu.memory_space<hbm>>
    tpu.enqueue_indirect_dma source(%dma_start3A_75 : memref<1000000xf32, #tpu.memory_space<hbm>>) target(%dma_start3A_71 : memref<512xf32, #tpu.memory_space<vmem>>) offsets(%arg10 : memref<512xi32, #tpu.memory_space<vmem>>) semaphore(%arg17 : memref<!tpu.dma_semaphore, #tpu.memory_space<semaphore_mem>>)
    %dma_start3A_76 = arith.constant 4 : i32
    %dma_start3A_77 = arith.constant 0 : i32
    %dma_start3A_78 = tpu.memref_slice %arg14[%dma_start3A_76, %dma_start3A_77] : memref<16x512xf32, #tpu.memory_space<vmem>> -> memref<1x512xf32, #tpu.memory_space<vmem>>
    %dma_start3A_79 = tpu.memref_squeeze %dma_start3A_78 : memref<1x512xf32, #tpu.memory_space<vmem>> -> memref<512xf32, #tpu.memory_space<vmem>>
    %dma_start3A_80 = arith.constant 4000256 : i32
    %dma_start3A_81 = tpu.memref_slice %arg2[%dma_start3A_80] : memref<16001024xf32, #tpu.memory_space<hbm>> -> memref<1000000xf32, #tpu.memory_space<hbm>>
    %dma_start3A_82 = arith.constant 0 : i32
    %dma_start3A_83 = tpu.memref_slice %dma_start3A_81[%dma_start3A_82] : memref<1000000xf32, #tpu.memory_space<hbm>> -> memref<1000000xf32, #tpu.memory_space<hbm>>
    tpu.enqueue_indirect_dma source(%dma_start3A_83 : memref<1000000xf32, #tpu.memory_space<hbm>>) target(%dma_start3A_79 : memref<512xf32, #tpu.memory_space<vmem>>) offsets(%arg11 : memref<512xi32, #tpu.memory_space<vmem>>) semaphore(%arg18 : memref<!tpu.dma_semaphore, #tpu.memory_space<semaphore_mem>>)
    %dma_start3A_84 = arith.constant 5 : i32
    %dma_start3A_85 = arith.constant 0 : i32
    %dma_start3A_86 = tpu.memref_slice %arg13[%dma_start3A_84, %dma_start3A_85] : memref<16x512xf32, #tpu.memory_space<vmem>> -> memref<1x512xf32, #tpu.memory_space<vmem>>
    %dma_start3A_87 = tpu.memref_squeeze %dma_start3A_86 : memref<1x512xf32, #tpu.memory_space<vmem>> -> memref<512xf32, #tpu.memory_space<vmem>>
    %dma_start3A_88 = arith.constant 5000320 : i32
    %dma_start3A_89 = tpu.memref_slice %arg2[%dma_start3A_88] : memref<16001024xf32, #tpu.memory_space<hbm>> -> memref<1000000xf32, #tpu.memory_space<hbm>>
    %dma_start3A_90 = arith.constant 0 : i32
    %dma_start3A_91 = tpu.memref_slice %dma_start3A_89[%dma_start3A_90] : memref<1000000xf32, #tpu.memory_space<hbm>> -> memref<1000000xf32, #tpu.memory_space<hbm>>
    tpu.enqueue_indirect_dma source(%dma_start3A_91 : memref<1000000xf32, #tpu.memory_space<hbm>>) target(%dma_start3A_87 : memref<512xf32, #tpu.memory_space<vmem>>) offsets(%arg10 : memref<512xi32, #tpu.memory_space<vmem>>) semaphore(%arg17 : memref<!tpu.dma_semaphore, #tpu.memory_space<semaphore_mem>>)
    %dma_start3A_92 = arith.constant 5 : i32
    %dma_start3A_93 = arith.constant 0 : i32
    %dma_start3A_94 = tpu.memref_slice %arg14[%dma_start3A_92, %dma_start3A_93] : memref<16x512xf32, #tpu.memory_space<vmem>> -> memref<1x512xf32, #tpu.memory_space<vmem>>
    %dma_start3A_95 = tpu.memref_squeeze %dma_start3A_94 : memref<1x512xf32, #tpu.memory_space<vmem>> -> memref<512xf32, #tpu.memory_space<vmem>>
    %dma_start3A_96 = arith.constant 5000320 : i32
    %dma_start3A_97 = tpu.memref_slice %arg2[%dma_start3A_96] : memref<16001024xf32, #tpu.memory_space<hbm>> -> memref<1000000xf32, #tpu.memory_space<hbm>>
    %dma_start3A_98 = arith.constant 0 : i32
    %dma_start3A_99 = tpu.memref_slice %dma_start3A_97[%dma_start3A_98] : memref<1000000xf32, #tpu.memory_space<hbm>> -> memref<1000000xf32, #tpu.memory_space<hbm>>
    tpu.enqueue_indirect_dma source(%dma_start3A_99 : memref<1000000xf32, #tpu.memory_space<hbm>>) target(%dma_start3A_95 : memref<512xf32, #tpu.memory_space<vmem>>) offsets(%arg11 : memref<512xi32, #tpu.memory_space<vmem>>) semaphore(%arg18 : memref<!tpu.dma_semaphore, #tpu.memory_space<semaphore_mem>>)
    %dma_start3A_100 = arith.constant 6 : i32
    %dma_start3A_101 = arith.constant 0 : i32
    %dma_start3A_102 = tpu.memref_slice %arg13[%dma_start3A_100, %dma_start3A_101] : memref<16x512xf32, #tpu.memory_space<vmem>> -> memref<1x512xf32, #tpu.memory_space<vmem>>
    %dma_start3A_103 = tpu.memref_squeeze %dma_start3A_102 : memref<1x512xf32, #tpu.memory_space<vmem>> -> memref<512xf32, #tpu.memory_space<vmem>>
    %dma_start3A_104 = arith.constant 6000384 : i32
    %dma_start3A_105 = tpu.memref_slice %arg2[%dma_start3A_104] : memref<16001024xf32, #tpu.memory_space<hbm>> -> memref<1000000xf32, #tpu.memory_space<hbm>>
    %dma_start3A_106 = arith.constant 0 : i32
    %dma_start3A_107 = tpu.memref_slice %dma_start3A_105[%dma_start3A_106] : memref<1000000xf32, #tpu.memory_space<hbm>> -> memref<1000000xf32, #tpu.memory_space<hbm>>
    tpu.enqueue_indirect_dma source(%dma_start3A_107 : memref<1000000xf32, #tpu.memory_space<hbm>>) target(%dma_start3A_103 : memref<512xf32, #tpu.memory_space<vmem>>) offsets(%arg10 : memref<512xi32, #tpu.memory_space<vmem>>) semaphore(%arg17 : memref<!tpu.dma_semaphore, #tpu.memory_space<semaphore_mem>>)
    %dma_start3A_108 = arith.constant 6 : i32
    %dma_start3A_109 = arith.constant 0 : i32
    %dma_start3A_110 = tpu.memref_slice %arg14[%dma_start3A_108, %dma_start3A_109] : memref<16x512xf32, #tpu.memory_space<vmem>> -> memref<1x512xf32, #tpu.memory_space<vmem>>
    %dma_start3A_111 = tpu.memref_squeeze %dma_start3A_110 : memref<1x512xf32, #tpu.memory_space<vmem>> -> memref<512xf32, #tpu.memory_space<vmem>>
    %dma_start3A_112 = arith.constant 6000384 : i32
    %dma_start3A_113 = tpu.memref_slice %arg2[%dma_start3A_112] : memref<16001024xf32, #tpu.memory_space<hbm>> -> memref<1000000xf32, #tpu.memory_space<hbm>>
    %dma_start3A_114 = arith.constant 0 : i32
    %dma_start3A_115 = tpu.memref_slice %dma_start3A_113[%dma_start3A_114] : memref<1000000xf32, #tpu.memory_space<hbm>> -> memref<1000000xf32, #tpu.memory_space<hbm>>
    tpu.enqueue_indirect_dma source(%dma_start3A_115 : memref<1000000xf32, #tpu.memory_space<hbm>>) target(%dma_start3A_111 : memref<512xf32, #tpu.memory_space<vmem>>) offsets(%arg11 : memref<512xi32, #tpu.memory_space<vmem>>) semaphore(%arg18 : memref<!tpu.dma_semaphore, #tpu.memory_space<semaphore_mem>>)
    %dma_start3A_116 = arith.constant 7 : i32
    %dma_start3A_117 = arith.constant 0 : i32
    %dma_start3A_118 = tpu.memref_slice %arg13[%dma_start3A_116, %dma_start3A_117] : memref<16x512xf32, #tpu.memory_space<vmem>> -> memref<1x512xf32, #tpu.memory_space<vmem>>
    %dma_start3A_119 = tpu.memref_squeeze %dma_start3A_118 : memref<1x512xf32, #tpu.memory_space<vmem>> -> memref<512xf32, #tpu.memory_space<vmem>>
    %dma_start3A_120 = arith.constant 7000448 : i32
    %dma_start3A_121 = tpu.memref_slice %arg2[%dma_start3A_120] : memref<16001024xf32, #tpu.memory_space<hbm>> -> memref<1000000xf32, #tpu.memory_space<hbm>>
    %dma_start3A_122 = arith.constant 0 : i32
    %dma_start3A_123 = tpu.memref_slice %dma_start3A_121[%dma_start3A_122] : memref<1000000xf32, #tpu.memory_space<hbm>> -> memref<1000000xf32, #tpu.memory_space<hbm>>
    tpu.enqueue_indirect_dma source(%dma_start3A_123 : memref<1000000xf32, #tpu.memory_space<hbm>>) target(%dma_start3A_119 : memref<512xf32, #tpu.memory_space<vmem>>) offsets(%arg10 : memref<512xi32, #tpu.memory_space<vmem>>) semaphore(%arg17 : memref<!tpu.dma_semaphore, #tpu.memory_space<semaphore_mem>>)
    %dma_start3A_124 = arith.constant 7 : i32
    %dma_start3A_125 = arith.constant 0 : i32
    %dma_start3A_126 = tpu.memref_slice %arg14[%dma_start3A_124, %dma_start3A_125] : memref<16x512xf32, #tpu.memory_space<vmem>> -> memref<1x512xf32, #tpu.memory_space<vmem>>
    %dma_start3A_127 = tpu.memref_squeeze %dma_start3A_126 : memref<1x512xf32, #tpu.memory_space<vmem>> -> memref<512xf32, #tpu.memory_space<vmem>>
    %dma_start3A_128 = arith.constant 7000448 : i32
    %dma_start3A_129 = tpu.memref_slice %arg2[%dma_start3A_128] : memref<16001024xf32, #tpu.memory_space<hbm>> -> memref<1000000xf32, #tpu.memory_space<hbm>>
    %dma_start3A_130 = arith.constant 0 : i32
    %dma_start3A_131 = tpu.memref_slice %dma_start3A_129[%dma_start3A_130] : memref<1000000xf32, #tpu.memory_space<hbm>> -> memref<1000000xf32, #tpu.memory_space<hbm>>
    tpu.enqueue_indirect_dma source(%dma_start3A_131 : memref<1000000xf32, #tpu.memory_space<hbm>>) target(%dma_start3A_127 : memref<512xf32, #tpu.memory_space<vmem>>) offsets(%arg11 : memref<512xi32, #tpu.memory_space<vmem>>) semaphore(%arg18 : memref<!tpu.dma_semaphore, #tpu.memory_space<semaphore_mem>>)
    %dma_start3A_132 = arith.constant 8 : i32
    %dma_start3A_133 = arith.constant 0 : i32
    %dma_start3A_134 = tpu.memref_slice %arg13[%dma_start3A_132, %dma_start3A_133] : memref<16x512xf32, #tpu.memory_space<vmem>> -> memref<1x512xf32, #tpu.memory_space<vmem>>
    %dma_start3A_135 = tpu.memref_squeeze %dma_start3A_134 : memref<1x512xf32, #tpu.memory_space<vmem>> -> memref<512xf32, #tpu.memory_space<vmem>>
    %dma_start3A_136 = arith.constant 8000512 : i32
    %dma_start3A_137 = tpu.memref_slice %arg2[%dma_start3A_136] : memref<16001024xf32, #tpu.memory_space<hbm>> -> memref<1000000xf32, #tpu.memory_space<hbm>>
    %dma_start3A_138 = arith.constant 0 : i32
    %dma_start3A_139 = tpu.memref_slice %dma_start3A_137[%dma_start3A_138] : memref<1000000xf32, #tpu.memory_space<hbm>> -> memref<1000000xf32, #tpu.memory_space<hbm>>
    tpu.enqueue_indirect_dma source(%dma_start3A_139 : memref<1000000xf32, #tpu.memory_space<hbm>>) target(%dma_start3A_135 : memref<512xf32, #tpu.memory_space<vmem>>) offsets(%arg10 : memref<512xi32, #tpu.memory_space<vmem>>) semaphore(%arg17 : memref<!tpu.dma_semaphore, #tpu.memory_space<semaphore_mem>>)
    %dma_start3A_140 = arith.constant 8 : i32
    %dma_start3A_141 = arith.constant 0 : i32
    %dma_start3A_142 = tpu.memref_slice %arg14[%dma_start3A_140, %dma_start3A_141] : memref<16x512xf32, #tpu.memory_space<vmem>> -> memref<1x512xf32, #tpu.memory_space<vmem>>
    %dma_start3A_143 = tpu.memref_squeeze %dma_start3A_142 : memref<1x512xf32, #tpu.memory_space<vmem>> -> memref<512xf32, #tpu.memory_space<vmem>>
    %dma_start3A_144 = arith.constant 8000512 : i32
    %dma_start3A_145 = tpu.memref_slice %arg2[%dma_start3A_144] : memref<16001024xf32, #tpu.memory_space<hbm>> -> memref<1000000xf32, #tpu.memory_space<hbm>>
    %dma_start3A_146 = arith.constant 0 : i32
    %dma_start3A_147 = tpu.memref_slice %dma_start3A_145[%dma_start3A_146] : memref<1000000xf32, #tpu.memory_space<hbm>> -> memref<1000000xf32, #tpu.memory_space<hbm>>
    tpu.enqueue_indirect_dma source(%dma_start3A_147 : memref<1000000xf32, #tpu.memory_space<hbm>>) target(%dma_start3A_143 : memref<512xf32, #tpu.memory_space<vmem>>) offsets(%arg11 : memref<512xi32, #tpu.memory_space<vmem>>) semaphore(%arg18 : memref<!tpu.dma_semaphore, #tpu.memory_space<semaphore_mem>>)
    %dma_start3A_148 = arith.constant 9 : i32
    %dma_start3A_149 = arith.constant 0 : i32
    %dma_start3A_150 = tpu.memref_slice %arg13[%dma_start3A_148, %dma_start3A_149] : memref<16x512xf32, #tpu.memory_space<vmem>> -> memref<1x512xf32, #tpu.memory_space<vmem>>
    %dma_start3A_151 = tpu.memref_squeeze %dma_start3A_150 : memref<1x512xf32, #tpu.memory_space<vmem>> -> memref<512xf32, #tpu.memory_space<vmem>>
    %dma_start3A_152 = arith.constant 9000576 : i32
    %dma_start3A_153 = tpu.memref_slice %arg2[%dma_start3A_152] : memref<16001024xf32, #tpu.memory_space<hbm>> -> memref<1000000xf32, #tpu.memory_space<hbm>>
    %dma_start3A_154 = arith.constant 0 : i32
    %dma_start3A_155 = tpu.memref_slice %dma_start3A_153[%dma_start3A_154] : memref<1000000xf32, #tpu.memory_space<hbm>> -> memref<1000000xf32, #tpu.memory_space<hbm>>
    tpu.enqueue_indirect_dma source(%dma_start3A_155 : memref<1000000xf32, #tpu.memory_space<hbm>>) target(%dma_start3A_151 : memref<512xf32, #tpu.memory_space<vmem>>) offsets(%arg10 : memref<512xi32, #tpu.memory_space<vmem>>) semaphore(%arg17 : memref<!tpu.dma_semaphore, #tpu.memory_space<semaphore_mem>>)
    %dma_start3A_156 = arith.constant 9 : i32
    %dma_start3A_157 = arith.constant 0 : i32
    %dma_start3A_158 = tpu.memref_slice %arg14[%dma_start3A_156, %dma_start3A_157] : memref<16x512xf32, #tpu.memory_space<vmem>> -> memref<1x512xf32, #tpu.memory_space<vmem>>
    %dma_start3A_159 = tpu.memref_squeeze %dma_start3A_158 : memref<1x512xf32, #tpu.memory_space<vmem>> -> memref<512xf32, #tpu.memory_space<vmem>>
    %dma_start3A_160 = arith.constant 9000576 : i32
    %dma_start3A_161 = tpu.memref_slice %arg2[%dma_start3A_160] : memref<16001024xf32, #tpu.memory_space<hbm>> -> memref<1000000xf32, #tpu.memory_space<hbm>>
    %dma_start3A_162 = arith.constant 0 : i32
    %dma_start3A_163 = tpu.memref_slice %dma_start3A_161[%dma_start3A_162] : memref<1000000xf32, #tpu.memory_space<hbm>> -> memref<1000000xf32, #tpu.memory_space<hbm>>
    tpu.enqueue_indirect_dma source(%dma_start3A_163 : memref<1000000xf32, #tpu.memory_space<hbm>>) target(%dma_start3A_159 : memref<512xf32, #tpu.memory_space<vmem>>) offsets(%arg11 : memref<512xi32, #tpu.memory_space<vmem>>) semaphore(%arg18 : memref<!tpu.dma_semaphore, #tpu.memory_space<semaphore_mem>>)
    %dma_start3A_164 = arith.constant 10 : i32
    %dma_start3A_165 = arith.constant 0 : i32
    %dma_start3A_166 = tpu.memref_slice %arg13[%dma_start3A_164, %dma_start3A_165] : memref<16x512xf32, #tpu.memory_space<vmem>> -> memref<1x512xf32, #tpu.memory_space<vmem>>
    %dma_start3A_167 = tpu.memref_squeeze %dma_start3A_166 : memref<1x512xf32, #tpu.memory_space<vmem>> -> memref<512xf32, #tpu.memory_space<vmem>>
    %dma_start3A_168 = arith.constant 10000640 : i32
    %dma_start3A_169 = tpu.memref_slice %arg2[%dma_start3A_168] : memref<16001024xf32, #tpu.memory_space<hbm>> -> memref<1000000xf32, #tpu.memory_space<hbm>>
    %dma_start3A_170 = arith.constant 0 : i32
    %dma_start3A_171 = tpu.memref_slice %dma_start3A_169[%dma_start3A_170] : memref<1000000xf32, #tpu.memory_space<hbm>> -> memref<1000000xf32, #tpu.memory_space<hbm>>
    tpu.enqueue_indirect_dma source(%dma_start3A_171 : memref<1000000xf32, #tpu.memory_space<hbm>>) target(%dma_start3A_167 : memref<512xf32, #tpu.memory_space<vmem>>) offsets(%arg10 : memref<512xi32, #tpu.memory_space<vmem>>) semaphore(%arg17 : memref<!tpu.dma_semaphore, #tpu.memory_space<semaphore_mem>>)
    %dma_start3A_172 = arith.constant 10 : i32
    %dma_start3A_173 = arith.constant 0 : i32
    %dma_start3A_174 = tpu.memref_slice %arg14[%dma_start3A_172, %dma_start3A_173] : memref<16x512xf32, #tpu.memory_space<vmem>> -> memref<1x512xf32, #tpu.memory_space<vmem>>
    %dma_start3A_175 = tpu.memref_squeeze %dma_start3A_174 : memref<1x512xf32, #tpu.memory_space<vmem>> -> memref<512xf32, #tpu.memory_space<vmem>>
    %dma_start3A_176 = arith.constant 10000640 : i32
    %dma_start3A_177 = tpu.memref_slice %arg2[%dma_start3A_176] : memref<16001024xf32, #tpu.memory_space<hbm>> -> memref<1000000xf32, #tpu.memory_space<hbm>>
    %dma_start3A_178 = arith.constant 0 : i32
    %dma_start3A_179 = tpu.memref_slice %dma_start3A_177[%dma_start3A_178] : memref<1000000xf32, #tpu.memory_space<hbm>> -> memref<1000000xf32, #tpu.memory_space<hbm>>
    tpu.enqueue_indirect_dma source(%dma_start3A_179 : memref<1000000xf32, #tpu.memory_space<hbm>>) target(%dma_start3A_175 : memref<512xf32, #tpu.memory_space<vmem>>) offsets(%arg11 : memref<512xi32, #tpu.memory_space<vmem>>) semaphore(%arg18 : memref<!tpu.dma_semaphore, #tpu.memory_space<semaphore_mem>>)
    %dma_start3A_180 = arith.constant 11 : i32
    %dma_start3A_181 = arith.constant 0 : i32
    %dma_start3A_182 = tpu.memref_slice %arg13[%dma_start3A_180, %dma_start3A_181] : memref<16x512xf32, #tpu.memory_space<vmem>> -> memref<1x512xf32, #tpu.memory_space<vmem>>
    %dma_start3A_183 = tpu.memref_squeeze %dma_start3A_182 : memref<1x512xf32, #tpu.memory_space<vmem>> -> memref<512xf32, #tpu.memory_space<vmem>>
    %dma_start3A_184 = arith.constant 11000704 : i32
    %dma_start3A_185 = tpu.memref_slice %arg2[%dma_start3A_184] : memref<16001024xf32, #tpu.memory_space<hbm>> -> memref<1000000xf32, #tpu.memory_space<hbm>>
    %dma_start3A_186 = arith.constant 0 : i32
    %dma_start3A_187 = tpu.memref_slice %dma_start3A_185[%dma_start3A_186] : memref<1000000xf32, #tpu.memory_space<hbm>> -> memref<1000000xf32, #tpu.memory_space<hbm>>
    tpu.enqueue_indirect_dma source(%dma_start3A_187 : memref<1000000xf32, #tpu.memory_space<hbm>>) target(%dma_start3A_183 : memref<512xf32, #tpu.memory_space<vmem>>) offsets(%arg10 : memref<512xi32, #tpu.memory_space<vmem>>) semaphore(%arg17 : memref<!tpu.dma_semaphore, #tpu.memory_space<semaphore_mem>>)
    %dma_start3A_188 = arith.constant 11 : i32
    %dma_start3A_189 = arith.constant 0 : i32
    %dma_start3A_190 = tpu.memref_slice %arg14[%dma_start3A_188, %dma_start3A_189] : memref<16x512xf32, #tpu.memory_space<vmem>> -> memref<1x512xf32, #tpu.memory_space<vmem>>
    %dma_start3A_191 = tpu.memref_squeeze %dma_start3A_190 : memref<1x512xf32, #tpu.memory_space<vmem>> -> memref<512xf32, #tpu.memory_space<vmem>>
    %dma_start3A_192 = arith.constant 11000704 : i32
    %dma_start3A_193 = tpu.memref_slice %arg2[%dma_start3A_192] : memref<16001024xf32, #tpu.memory_space<hbm>> -> memref<1000000xf32, #tpu.memory_space<hbm>>
    %dma_start3A_194 = arith.constant 0 : i32
    %dma_start3A_195 = tpu.memref_slice %dma_start3A_193[%dma_start3A_194] : memref<1000000xf32, #tpu.memory_space<hbm>> -> memref<1000000xf32, #tpu.memory_space<hbm>>
    tpu.enqueue_indirect_dma source(%dma_start3A_195 : memref<1000000xf32, #tpu.memory_space<hbm>>) target(%dma_start3A_191 : memref<512xf32, #tpu.memory_space<vmem>>) offsets(%arg11 : memref<512xi32, #tpu.memory_space<vmem>>) semaphore(%arg18 : memref<!tpu.dma_semaphore, #tpu.memory_space<semaphore_mem>>)
    %dma_start3A_196 = arith.constant 12 : i32
    %dma_start3A_197 = arith.constant 0 : i32
    %dma_start3A_198 = tpu.memref_slice %arg13[%dma_start3A_196, %dma_start3A_197] : memref<16x512xf32, #tpu.memory_space<vmem>> -> memref<1x512xf32, #tpu.memory_space<vmem>>
    %dma_start3A_199 = tpu.memref_squeeze %dma_start3A_198 : memref<1x512xf32, #tpu.memory_space<vmem>> -> memref<512xf32, #tpu.memory_space<vmem>>
    %dma_start3A_200 = arith.constant 12000768 : i32
    %dma_start3A_201 = tpu.memref_slice %arg2[%dma_start3A_200] : memref<16001024xf32, #tpu.memory_space<hbm>> -> memref<1000000xf32, #tpu.memory_space<hbm>>
    %dma_start3A_202 = arith.constant 0 : i32
    %dma_start3A_203 = tpu.memref_slice %dma_start3A_201[%dma_start3A_202] : memref<1000000xf32, #tpu.memory_space<hbm>> -> memref<1000000xf32, #tpu.memory_space<hbm>>
    tpu.enqueue_indirect_dma source(%dma_start3A_203 : memref<1000000xf32, #tpu.memory_space<hbm>>) target(%dma_start3A_199 : memref<512xf32, #tpu.memory_space<vmem>>) offsets(%arg10 : memref<512xi32, #tpu.memory_space<vmem>>) semaphore(%arg17 : memref<!tpu.dma_semaphore, #tpu.memory_space<semaphore_mem>>)
    %dma_start3A_204 = arith.constant 12 : i32
    %dma_start3A_205 = arith.constant 0 : i32
    %dma_start3A_206 = tpu.memref_slice %arg14[%dma_start3A_204, %dma_start3A_205] : memref<16x512xf32, #tpu.memory_space<vmem>> -> memref<1x512xf32, #tpu.memory_space<vmem>>
    %dma_start3A_207 = tpu.memref_squeeze %dma_start3A_206 : memref<1x512xf32, #tpu.memory_space<vmem>> -> memref<512xf32, #tpu.memory_space<vmem>>
    %dma_start3A_208 = arith.constant 12000768 : i32
    %dma_start3A_209 = tpu.memref_slice %arg2[%dma_start3A_208] : memref<16001024xf32, #tpu.memory_space<hbm>> -> memref<1000000xf32, #tpu.memory_space<hbm>>
    %dma_start3A_210 = arith.constant 0 : i32
    %dma_start3A_211 = tpu.memref_slice %dma_start3A_209[%dma_start3A_210] : memref<1000000xf32, #tpu.memory_space<hbm>> -> memref<1000000xf32, #tpu.memory_space<hbm>>
    tpu.enqueue_indirect_dma source(%dma_start3A_211 : memref<1000000xf32, #tpu.memory_space<hbm>>) target(%dma_start3A_207 : memref<512xf32, #tpu.memory_space<vmem>>) offsets(%arg11 : memref<512xi32, #tpu.memory_space<vmem>>) semaphore(%arg18 : memref<!tpu.dma_semaphore, #tpu.memory_space<semaphore_mem>>)
    %dma_start3A_212 = arith.constant 13 : i32
    %dma_start3A_213 = arith.constant 0 : i32
    %dma_start3A_214 = tpu.memref_slice %arg13[%dma_start3A_212, %dma_start3A_213] : memref<16x512xf32, #tpu.memory_space<vmem>> -> memref<1x512xf32, #tpu.memory_space<vmem>>
    %dma_start3A_215 = tpu.memref_squeeze %dma_start3A_214 : memref<1x512xf32, #tpu.memory_space<vmem>> -> memref<512xf32, #tpu.memory_space<vmem>>
    %dma_start3A_216 = arith.constant 13000832 : i32
    %dma_start3A_217 = tpu.memref_slice %arg2[%dma_start3A_216] : memref<16001024xf32, #tpu.memory_space<hbm>> -> memref<1000000xf32, #tpu.memory_space<hbm>>
    %dma_start3A_218 = arith.constant 0 : i32
    %dma_start3A_219 = tpu.memref_slice %dma_start3A_217[%dma_start3A_218] : memref<1000000xf32, #tpu.memory_space<hbm>> -> memref<1000000xf32, #tpu.memory_space<hbm>>
    tpu.enqueue_indirect_dma source(%dma_start3A_219 : memref<1000000xf32, #tpu.memory_space<hbm>>) target(%dma_start3A_215 : memref<512xf32, #tpu.memory_space<vmem>>) offsets(%arg10 : memref<512xi32, #tpu.memory_space<vmem>>) semaphore(%arg17 : memref<!tpu.dma_semaphore, #tpu.memory_space<semaphore_mem>>)
    %dma_start3A_220 = arith.constant 13 : i32
    %dma_start3A_221 = arith.constant 0 : i32
    %dma_start3A_222 = tpu.memref_slice %arg14[%dma_start3A_220, %dma_start3A_221] : memref<16x512xf32, #tpu.memory_space<vmem>> -> memref<1x512xf32, #tpu.memory_space<vmem>>
    %dma_start3A_223 = tpu.memref_squeeze %dma_start3A_222 : memref<1x512xf32, #tpu.memory_space<vmem>> -> memref<512xf32, #tpu.memory_space<vmem>>
    %dma_start3A_224 = arith.constant 13000832 : i32
    %dma_start3A_225 = tpu.memref_slice %arg2[%dma_start3A_224] : memref<16001024xf32, #tpu.memory_space<hbm>> -> memref<1000000xf32, #tpu.memory_space<hbm>>
    %dma_start3A_226 = arith.constant 0 : i32
    %dma_start3A_227 = tpu.memref_slice %dma_start3A_225[%dma_start3A_226] : memref<1000000xf32, #tpu.memory_space<hbm>> -> memref<1000000xf32, #tpu.memory_space<hbm>>
    tpu.enqueue_indirect_dma source(%dma_start3A_227 : memref<1000000xf32, #tpu.memory_space<hbm>>) target(%dma_start3A_223 : memref<512xf32, #tpu.memory_space<vmem>>) offsets(%arg11 : memref<512xi32, #tpu.memory_space<vmem>>) semaphore(%arg18 : memref<!tpu.dma_semaphore, #tpu.memory_space<semaphore_mem>>)
    %dma_start3A_228 = arith.constant 14 : i32
    %dma_start3A_229 = arith.constant 0 : i32
    %dma_start3A_230 = tpu.memref_slice %arg13[%dma_start3A_228, %dma_start3A_229] : memref<16x512xf32, #tpu.memory_space<vmem>> -> memref<1x512xf32, #tpu.memory_space<vmem>>
    %dma_start3A_231 = tpu.memref_squeeze %dma_start3A_230 : memref<1x512xf32, #tpu.memory_space<vmem>> -> memref<512xf32, #tpu.memory_space<vmem>>
    %dma_start3A_232 = arith.constant 14000896 : i32
    %dma_start3A_233 = tpu.memref_slice %arg2[%dma_start3A_232] : memref<16001024xf32, #tpu.memory_space<hbm>> -> memref<1000000xf32, #tpu.memory_space<hbm>>
    %dma_start3A_234 = arith.constant 0 : i32
    %dma_start3A_235 = tpu.memref_slice %dma_start3A_233[%dma_start3A_234] : memref<1000000xf32, #tpu.memory_space<hbm>> -> memref<1000000xf32, #tpu.memory_space<hbm>>
    tpu.enqueue_indirect_dma source(%dma_start3A_235 : memref<1000000xf32, #tpu.memory_space<hbm>>) target(%dma_start3A_231 : memref<512xf32, #tpu.memory_space<vmem>>) offsets(%arg10 : memref<512xi32, #tpu.memory_space<vmem>>) semaphore(%arg17 : memref<!tpu.dma_semaphore, #tpu.memory_space<semaphore_mem>>)
    %dma_start3A_236 = arith.constant 14 : i32
    %dma_start3A_237 = arith.constant 0 : i32
    %dma_start3A_238 = tpu.memref_slice %arg14[%dma_start3A_236, %dma_start3A_237] : memref<16x512xf32, #tpu.memory_space<vmem>> -> memref<1x512xf32, #tpu.memory_space<vmem>>
    %dma_start3A_239 = tpu.memref_squeeze %dma_start3A_238 : memref<1x512xf32, #tpu.memory_space<vmem>> -> memref<512xf32, #tpu.memory_space<vmem>>
    %dma_start3A_240 = arith.constant 14000896 : i32
    %dma_start3A_241 = tpu.memref_slice %arg2[%dma_start3A_240] : memref<16001024xf32, #tpu.memory_space<hbm>> -> memref<1000000xf32, #tpu.memory_space<hbm>>
    %dma_start3A_242 = arith.constant 0 : i32
    %dma_start3A_243 = tpu.memref_slice %dma_start3A_241[%dma_start3A_242] : memref<1000000xf32, #tpu.memory_space<hbm>> -> memref<1000000xf32, #tpu.memory_space<hbm>>
    tpu.enqueue_indirect_dma source(%dma_start3A_243 : memref<1000000xf32, #tpu.memory_space<hbm>>) target(%dma_start3A_239 : memref<512xf32, #tpu.memory_space<vmem>>) offsets(%arg11 : memref<512xi32, #tpu.memory_space<vmem>>) semaphore(%arg18 : memref<!tpu.dma_semaphore, #tpu.memory_space<semaphore_mem>>)
    %dma_start3A_244 = arith.constant 15 : i32
    %dma_start3A_245 = arith.constant 0 : i32
    %dma_start3A_246 = tpu.memref_slice %arg13[%dma_start3A_244, %dma_start3A_245] : memref<16x512xf32, #tpu.memory_space<vmem>> -> memref<1x512xf32, #tpu.memory_space<vmem>>
    %dma_start3A_247 = tpu.memref_squeeze %dma_start3A_246 : memref<1x512xf32, #tpu.memory_space<vmem>> -> memref<512xf32, #tpu.memory_space<vmem>>
    %dma_start3A_248 = arith.constant 15000960 : i32
    %dma_start3A_249 = tpu.memref_slice %arg2[%dma_start3A_248] : memref<16001024xf32, #tpu.memory_space<hbm>> -> memref<1000000xf32, #tpu.memory_space<hbm>>
    %dma_start3A_250 = arith.constant 0 : i32
    %dma_start3A_251 = tpu.memref_slice %dma_start3A_249[%dma_start3A_250] : memref<1000000xf32, #tpu.memory_space<hbm>> -> memref<1000000xf32, #tpu.memory_space<hbm>>
    tpu.enqueue_indirect_dma source(%dma_start3A_251 : memref<1000000xf32, #tpu.memory_space<hbm>>) target(%dma_start3A_247 : memref<512xf32, #tpu.memory_space<vmem>>) offsets(%arg10 : memref<512xi32, #tpu.memory_space<vmem>>) semaphore(%arg17 : memref<!tpu.dma_semaphore, #tpu.memory_space<semaphore_mem>>)
    %dma_start3A_252 = arith.constant 15 : i32
    %dma_start3A_253 = arith.constant 0 : i32
    %dma_start3A_254 = tpu.memref_slice %arg14[%dma_start3A_252, %dma_start3A_253] : memref<16x512xf32, #tpu.memory_space<vmem>> -> memref<1x512xf32, #tpu.memory_space<vmem>>
    %dma_start3A_255 = tpu.memref_squeeze %dma_start3A_254 : memref<1x512xf32, #tpu.memory_space<vmem>> -> memref<512xf32, #tpu.memory_space<vmem>>
    %dma_start3A_256 = arith.constant 15000960 : i32
    %dma_start3A_257 = tpu.memref_slice %arg2[%dma_start3A_256] : memref<16001024xf32, #tpu.memory_space<hbm>> -> memref<1000000xf32, #tpu.memory_space<hbm>>
    %dma_start3A_258 = arith.constant 0 : i32
    %dma_start3A_259 = tpu.memref_slice %dma_start3A_257[%dma_start3A_258] : memref<1000000xf32, #tpu.memory_space<hbm>> -> memref<1000000xf32, #tpu.memory_space<hbm>>
    tpu.enqueue_indirect_dma source(%dma_start3A_259 : memref<1000000xf32, #tpu.memory_space<hbm>>) target(%dma_start3A_255 : memref<512xf32, #tpu.memory_space<vmem>>) offsets(%arg11 : memref<512xi32, #tpu.memory_space<vmem>>) semaphore(%arg18 : memref<!tpu.dma_semaphore, #tpu.memory_space<semaphore_mem>>)
    %dma_wait3A = arith.constant 0 : i32
    %dma_wait3A_260 = arith.constant 0 : i32
    %dma_wait3A_261 = tpu.memref_slice %arg13[%dma_wait3A, %dma_wait3A_260] : memref<16x512xf32, #tpu.memory_space<vmem>> -> memref<1x512xf32, #tpu.memory_space<vmem>>
    %dma_wait3A_262 = tpu.memref_squeeze %dma_wait3A_261 : memref<1x512xf32, #tpu.memory_space<vmem>> -> memref<512xf32, #tpu.memory_space<vmem>>
    %dma_wait3A_263 = arith.constant 0 : i32
    %dma_wait3A_264 = tpu.memref_slice %arg2[%dma_wait3A_263] : memref<16001024xf32, #tpu.memory_space<hbm>> -> memref<1000000xf32, #tpu.memory_space<hbm>>
    %dma_wait3A_265 = arith.constant 0 : i32
    %dma_wait3A_266 = tpu.memref_slice %dma_wait3A_264[%dma_wait3A_265] : memref<1000000xf32, #tpu.memory_space<hbm>> -> memref<1000000xf32, #tpu.memory_space<hbm>>
    tpu.wait_indirect_dma semaphore(%arg17 : memref<!tpu.dma_semaphore, #tpu.memory_space<semaphore_mem>>) src(%dma_wait3A_266 : memref<1000000xf32, #tpu.memory_space<hbm>>) dst(%dma_wait3A_262 : memref<512xf32, #tpu.memory_space<vmem>>)
    %dma_wait3A_267 = arith.constant 0 : i32
    %dma_wait3A_268 = arith.constant 0 : i32
    %dma_wait3A_269 = tpu.memref_slice %arg14[%dma_wait3A_267, %dma_wait3A_268] : memref<16x512xf32, #tpu.memory_space<vmem>> -> memref<1x512xf32, #tpu.memory_space<vmem>>
    %dma_wait3A_270 = tpu.memref_squeeze %dma_wait3A_269 : memref<1x512xf32, #tpu.memory_space<vmem>> -> memref<512xf32, #tpu.memory_space<vmem>>
    %dma_wait3A_271 = arith.constant 0 : i32
    %dma_wait3A_272 = tpu.memref_slice %arg2[%dma_wait3A_271] : memref<16001024xf32, #tpu.memory_space<hbm>> -> memref<1000000xf32, #tpu.memory_space<hbm>>
    %dma_wait3A_273 = arith.constant 0 : i32
    %dma_wait3A_274 = tpu.memref_slice %dma_wait3A_272[%dma_wait3A_273] : memref<1000000xf32, #tpu.memory_space<hbm>> -> memref<1000000xf32, #tpu.memory_space<hbm>>
    tpu.wait_indirect_dma semaphore(%arg18 : memref<!tpu.dma_semaphore, #tpu.memory_space<semaphore_mem>>) src(%dma_wait3A_274 : memref<1000000xf32, #tpu.memory_space<hbm>>) dst(%dma_wait3A_270 : memref<512xf32, #tpu.memory_space<vmem>>)
    %dma_wait3A_275 = arith.constant 1 : i32
    %dma_wait3A_276 = arith.constant 0 : i32
    %dma_wait3A_277 = tpu.memref_slice %arg13[%dma_wait3A_275, %dma_wait3A_276] : memref<16x512xf32, #tpu.memory_space<vmem>> -> memref<1x512xf32, #tpu.memory_space<vmem>>
    %dma_wait3A_278 = tpu.memref_squeeze %dma_wait3A_277 : memref<1x512xf32, #tpu.memory_space<vmem>> -> memref<512xf32, #tpu.memory_space<vmem>>
    %dma_wait3A_279 = arith.constant 1000064 : i32
    %dma_wait3A_280 = tpu.memref_slice %arg2[%dma_wait3A_279] : memref<16001024xf32, #tpu.memory_space<hbm>> -> memref<1000000xf32, #tpu.memory_space<hbm>>
    %dma_wait3A_281 = arith.constant 0 : i32
    %dma_wait3A_282 = tpu.memref_slice %dma_wait3A_280[%dma_wait3A_281] : memref<1000000xf32, #tpu.memory_space<hbm>> -> memref<1000000xf32, #tpu.memory_space<hbm>>
    tpu.wait_indirect_dma semaphore(%arg17 : memref<!tpu.dma_semaphore, #tpu.memory_space<semaphore_mem>>) src(%dma_wait3A_282 : memref<1000000xf32, #tpu.memory_space<hbm>>) dst(%dma_wait3A_278 : memref<512xf32, #tpu.memory_space<vmem>>)
    %dma_wait3A_283 = arith.constant 1 : i32
    %dma_wait3A_284 = arith.constant 0 : i32
    %dma_wait3A_285 = tpu.memref_slice %arg14[%dma_wait3A_283, %dma_wait3A_284] : memref<16x512xf32, #tpu.memory_space<vmem>> -> memref<1x512xf32, #tpu.memory_space<vmem>>
    %dma_wait3A_286 = tpu.memref_squeeze %dma_wait3A_285 : memref<1x512xf32, #tpu.memory_space<vmem>> -> memref<512xf32, #tpu.memory_space<vmem>>
    %dma_wait3A_287 = arith.constant 1000064 : i32
    %dma_wait3A_288 = tpu.memref_slice %arg2[%dma_wait3A_287] : memref<16001024xf32, #tpu.memory_space<hbm>> -> memref<1000000xf32, #tpu.memory_space<hbm>>
    %dma_wait3A_289 = arith.constant 0 : i32
    %dma_wait3A_290 = tpu.memref_slice %dma_wait3A_288[%dma_wait3A_289] : memref<1000000xf32, #tpu.memory_space<hbm>> -> memref<1000000xf32, #tpu.memory_space<hbm>>
    tpu.wait_indirect_dma semaphore(%arg18 : memref<!tpu.dma_semaphore, #tpu.memory_space<semaphore_mem>>) src(%dma_wait3A_290 : memref<1000000xf32, #tpu.memory_space<hbm>>) dst(%dma_wait3A_286 : memref<512xf32, #tpu.memory_space<vmem>>)
    %dma_wait3A_291 = arith.constant 2 : i32
    %dma_wait3A_292 = arith.constant 0 : i32
    %dma_wait3A_293 = tpu.memref_slice %arg13[%dma_wait3A_291, %dma_wait3A_292] : memref<16x512xf32, #tpu.memory_space<vmem>> -> memref<1x512xf32, #tpu.memory_space<vmem>>
    %dma_wait3A_294 = tpu.memref_squeeze %dma_wait3A_293 : memref<1x512xf32, #tpu.memory_space<vmem>> -> memref<512xf32, #tpu.memory_space<vmem>>
    %dma_wait3A_295 = arith.constant 2000128 : i32
    %dma_wait3A_296 = tpu.memref_slice %arg2[%dma_wait3A_295] : memref<16001024xf32, #tpu.memory_space<hbm>> -> memref<1000000xf32, #tpu.memory_space<hbm>>
    %dma_wait3A_297 = arith.constant 0 : i32
    %dma_wait3A_298 = tpu.memref_slice %dma_wait3A_296[%dma_wait3A_297] : memref<1000000xf32, #tpu.memory_space<hbm>> -> memref<1000000xf32, #tpu.memory_space<hbm>>
    tpu.wait_indirect_dma semaphore(%arg17 : memref<!tpu.dma_semaphore, #tpu.memory_space<semaphore_mem>>) src(%dma_wait3A_298 : memref<1000000xf32, #tpu.memory_space<hbm>>) dst(%dma_wait3A_294 : memref<512xf32, #tpu.memory_space<vmem>>)
    %dma_wait3A_299 = arith.constant 2 : i32
    %dma_wait3A_300 = arith.constant 0 : i32
    %dma_wait3A_301 = tpu.memref_slice %arg14[%dma_wait3A_299, %dma_wait3A_300] : memref<16x512xf32, #tpu.memory_space<vmem>> -> memref<1x512xf32, #tpu.memory_space<vmem>>
    %dma_wait3A_302 = tpu.memref_squeeze %dma_wait3A_301 : memref<1x512xf32, #tpu.memory_space<vmem>> -> memref<512xf32, #tpu.memory_space<vmem>>
    %dma_wait3A_303 = arith.constant 2000128 : i32
    %dma_wait3A_304 = tpu.memref_slice %arg2[%dma_wait3A_303] : memref<16001024xf32, #tpu.memory_space<hbm>> -> memref<1000000xf32, #tpu.memory_space<hbm>>
    %dma_wait3A_305 = arith.constant 0 : i32
    %dma_wait3A_306 = tpu.memref_slice %dma_wait3A_304[%dma_wait3A_305] : memref<1000000xf32, #tpu.memory_space<hbm>> -> memref<1000000xf32, #tpu.memory_space<hbm>>
    tpu.wait_indirect_dma semaphore(%arg18 : memref<!tpu.dma_semaphore, #tpu.memory_space<semaphore_mem>>) src(%dma_wait3A_306 : memref<1000000xf32, #tpu.memory_space<hbm>>) dst(%dma_wait3A_302 : memref<512xf32, #tpu.memory_space<vmem>>)
    %dma_wait3A_307 = arith.constant 3 : i32
    %dma_wait3A_308 = arith.constant 0 : i32
    %dma_wait3A_309 = tpu.memref_slice %arg13[%dma_wait3A_307, %dma_wait3A_308] : memref<16x512xf32, #tpu.memory_space<vmem>> -> memref<1x512xf32, #tpu.memory_space<vmem>>
    %dma_wait3A_310 = tpu.memref_squeeze %dma_wait3A_309 : memref<1x512xf32, #tpu.memory_space<vmem>> -> memref<512xf32, #tpu.memory_space<vmem>>
    %dma_wait3A_311 = arith.constant 3000192 : i32
    %dma_wait3A_312 = tpu.memref_slice %arg2[%dma_wait3A_311] : memref<16001024xf32, #tpu.memory_space<hbm>> -> memref<1000000xf32, #tpu.memory_space<hbm>>
    %dma_wait3A_313 = arith.constant 0 : i32
    %dma_wait3A_314 = tpu.memref_slice %dma_wait3A_312[%dma_wait3A_313] : memref<1000000xf32, #tpu.memory_space<hbm>> -> memref<1000000xf32, #tpu.memory_space<hbm>>
    tpu.wait_indirect_dma semaphore(%arg17 : memref<!tpu.dma_semaphore, #tpu.memory_space<semaphore_mem>>) src(%dma_wait3A_314 : memref<1000000xf32, #tpu.memory_space<hbm>>) dst(%dma_wait3A_310 : memref<512xf32, #tpu.memory_space<vmem>>)
    %dma_wait3A_315 = arith.constant 3 : i32
    %dma_wait3A_316 = arith.constant 0 : i32
    %dma_wait3A_317 = tpu.memref_slice %arg14[%dma_wait3A_315, %dma_wait3A_316] : memref<16x512xf32, #tpu.memory_space<vmem>> -> memref<1x512xf32, #tpu.memory_space<vmem>>
    %dma_wait3A_318 = tpu.memref_squeeze %dma_wait3A_317 : memref<1x512xf32, #tpu.memory_space<vmem>> -> memref<512xf32, #tpu.memory_space<vmem>>
    %dma_wait3A_319 = arith.constant 3000192 : i32
    %dma_wait3A_320 = tpu.memref_slice %arg2[%dma_wait3A_319] : memref<16001024xf32, #tpu.memory_space<hbm>> -> memref<1000000xf32, #tpu.memory_space<hbm>>
    %dma_wait3A_321 = arith.constant 0 : i32
    %dma_wait3A_322 = tpu.memref_slice %dma_wait3A_320[%dma_wait3A_321] : memref<1000000xf32, #tpu.memory_space<hbm>> -> memref<1000000xf32, #tpu.memory_space<hbm>>
    tpu.wait_indirect_dma semaphore(%arg18 : memref<!tpu.dma_semaphore, #tpu.memory_space<semaphore_mem>>) src(%dma_wait3A_322 : memref<1000000xf32, #tpu.memory_space<hbm>>) dst(%dma_wait3A_318 : memref<512xf32, #tpu.memory_space<vmem>>)
    %dma_wait3A_323 = arith.constant 4 : i32
    %dma_wait3A_324 = arith.constant 0 : i32
    %dma_wait3A_325 = tpu.memref_slice %arg13[%dma_wait3A_323, %dma_wait3A_324] : memref<16x512xf32, #tpu.memory_space<vmem>> -> memref<1x512xf32, #tpu.memory_space<vmem>>
    %dma_wait3A_326 = tpu.memref_squeeze %dma_wait3A_325 : memref<1x512xf32, #tpu.memory_space<vmem>> -> memref<512xf32, #tpu.memory_space<vmem>>
    %dma_wait3A_327 = arith.constant 4000256 : i32
    %dma_wait3A_328 = tpu.memref_slice %arg2[%dma_wait3A_327] : memref<16001024xf32, #tpu.memory_space<hbm>> -> memref<1000000xf32, #tpu.memory_space<hbm>>
    %dma_wait3A_329 = arith.constant 0 : i32
    %dma_wait3A_330 = tpu.memref_slice %dma_wait3A_328[%dma_wait3A_329] : memref<1000000xf32, #tpu.memory_space<hbm>> -> memref<1000000xf32, #tpu.memory_space<hbm>>
    tpu.wait_indirect_dma semaphore(%arg17 : memref<!tpu.dma_semaphore, #tpu.memory_space<semaphore_mem>>) src(%dma_wait3A_330 : memref<1000000xf32, #tpu.memory_space<hbm>>) dst(%dma_wait3A_326 : memref<512xf32, #tpu.memory_space<vmem>>)
    %dma_wait3A_331 = arith.constant 4 : i32
    %dma_wait3A_332 = arith.constant 0 : i32
    %dma_wait3A_333 = tpu.memref_slice %arg14[%dma_wait3A_331, %dma_wait3A_332] : memref<16x512xf32, #tpu.memory_space<vmem>> -> memref<1x512xf32, #tpu.memory_space<vmem>>
    %dma_wait3A_334 = tpu.memref_squeeze %dma_wait3A_333 : memref<1x512xf32, #tpu.memory_space<vmem>> -> memref<512xf32, #tpu.memory_space<vmem>>
    %dma_wait3A_335 = arith.constant 4000256 : i32
    %dma_wait3A_336 = tpu.memref_slice %arg2[%dma_wait3A_335] : memref<16001024xf32, #tpu.memory_space<hbm>> -> memref<1000000xf32, #tpu.memory_space<hbm>>
    %dma_wait3A_337 = arith.constant 0 : i32
    %dma_wait3A_338 = tpu.memref_slice %dma_wait3A_336[%dma_wait3A_337] : memref<1000000xf32, #tpu.memory_space<hbm>> -> memref<1000000xf32, #tpu.memory_space<hbm>>
    tpu.wait_indirect_dma semaphore(%arg18 : memref<!tpu.dma_semaphore, #tpu.memory_space<semaphore_mem>>) src(%dma_wait3A_338 : memref<1000000xf32, #tpu.memory_space<hbm>>) dst(%dma_wait3A_334 : memref<512xf32, #tpu.memory_space<vmem>>)
    %dma_wait3A_339 = arith.constant 5 : i32
    %dma_wait3A_340 = arith.constant 0 : i32
    %dma_wait3A_341 = tpu.memref_slice %arg13[%dma_wait3A_339, %dma_wait3A_340] : memref<16x512xf32, #tpu.memory_space<vmem>> -> memref<1x512xf32, #tpu.memory_space<vmem>>
    %dma_wait3A_342 = tpu.memref_squeeze %dma_wait3A_341 : memref<1x512xf32, #tpu.memory_space<vmem>> -> memref<512xf32, #tpu.memory_space<vmem>>
    %dma_wait3A_343 = arith.constant 5000320 : i32
    %dma_wait3A_344 = tpu.memref_slice %arg2[%dma_wait3A_343] : memref<16001024xf32, #tpu.memory_space<hbm>> -> memref<1000000xf32, #tpu.memory_space<hbm>>
    %dma_wait3A_345 = arith.constant 0 : i32
    %dma_wait3A_346 = tpu.memref_slice %dma_wait3A_344[%dma_wait3A_345] : memref<1000000xf32, #tpu.memory_space<hbm>> -> memref<1000000xf32, #tpu.memory_space<hbm>>
    tpu.wait_indirect_dma semaphore(%arg17 : memref<!tpu.dma_semaphore, #tpu.memory_space<semaphore_mem>>) src(%dma_wait3A_346 : memref<1000000xf32, #tpu.memory_space<hbm>>) dst(%dma_wait3A_342 : memref<512xf32, #tpu.memory_space<vmem>>)
    %dma_wait3A_347 = arith.constant 5 : i32
    %dma_wait3A_348 = arith.constant 0 : i32
    %dma_wait3A_349 = tpu.memref_slice %arg14[%dma_wait3A_347, %dma_wait3A_348] : memref<16x512xf32, #tpu.memory_space<vmem>> -> memref<1x512xf32, #tpu.memory_space<vmem>>
    %dma_wait3A_350 = tpu.memref_squeeze %dma_wait3A_349 : memref<1x512xf32, #tpu.memory_space<vmem>> -> memref<512xf32, #tpu.memory_space<vmem>>
    %dma_wait3A_351 = arith.constant 5000320 : i32
    %dma_wait3A_352 = tpu.memref_slice %arg2[%dma_wait3A_351] : memref<16001024xf32, #tpu.memory_space<hbm>> -> memref<1000000xf32, #tpu.memory_space<hbm>>
    %dma_wait3A_353 = arith.constant 0 : i32
    %dma_wait3A_354 = tpu.memref_slice %dma_wait3A_352[%dma_wait3A_353] : memref<1000000xf32, #tpu.memory_space<hbm>> -> memref<1000000xf32, #tpu.memory_space<hbm>>
    tpu.wait_indirect_dma semaphore(%arg18 : memref<!tpu.dma_semaphore, #tpu.memory_space<semaphore_mem>>) src(%dma_wait3A_354 : memref<1000000xf32, #tpu.memory_space<hbm>>) dst(%dma_wait3A_350 : memref<512xf32, #tpu.memory_space<vmem>>)
    %dma_wait3A_355 = arith.constant 6 : i32
    %dma_wait3A_356 = arith.constant 0 : i32
    %dma_wait3A_357 = tpu.memref_slice %arg13[%dma_wait3A_355, %dma_wait3A_356] : memref<16x512xf32, #tpu.memory_space<vmem>> -> memref<1x512xf32, #tpu.memory_space<vmem>>
    %dma_wait3A_358 = tpu.memref_squeeze %dma_wait3A_357 : memref<1x512xf32, #tpu.memory_space<vmem>> -> memref<512xf32, #tpu.memory_space<vmem>>
    %dma_wait3A_359 = arith.constant 6000384 : i32
    %dma_wait3A_360 = tpu.memref_slice %arg2[%dma_wait3A_359] : memref<16001024xf32, #tpu.memory_space<hbm>> -> memref<1000000xf32, #tpu.memory_space<hbm>>
    %dma_wait3A_361 = arith.constant 0 : i32
    %dma_wait3A_362 = tpu.memref_slice %dma_wait3A_360[%dma_wait3A_361] : memref<1000000xf32, #tpu.memory_space<hbm>> -> memref<1000000xf32, #tpu.memory_space<hbm>>
    tpu.wait_indirect_dma semaphore(%arg17 : memref<!tpu.dma_semaphore, #tpu.memory_space<semaphore_mem>>) src(%dma_wait3A_362 : memref<1000000xf32, #tpu.memory_space<hbm>>) dst(%dma_wait3A_358 : memref<512xf32, #tpu.memory_space<vmem>>)
    %dma_wait3A_363 = arith.constant 6 : i32
    %dma_wait3A_364 = arith.constant 0 : i32
    %dma_wait3A_365 = tpu.memref_slice %arg14[%dma_wait3A_363, %dma_wait3A_364] : memref<16x512xf32, #tpu.memory_space<vmem>> -> memref<1x512xf32, #tpu.memory_space<vmem>>
    %dma_wait3A_366 = tpu.memref_squeeze %dma_wait3A_365 : memref<1x512xf32, #tpu.memory_space<vmem>> -> memref<512xf32, #tpu.memory_space<vmem>>
    %dma_wait3A_367 = arith.constant 6000384 : i32
    %dma_wait3A_368 = tpu.memref_slice %arg2[%dma_wait3A_367] : memref<16001024xf32, #tpu.memory_space<hbm>> -> memref<1000000xf32, #tpu.memory_space<hbm>>
    %dma_wait3A_369 = arith.constant 0 : i32
    %dma_wait3A_370 = tpu.memref_slice %dma_wait3A_368[%dma_wait3A_369] : memref<1000000xf32, #tpu.memory_space<hbm>> -> memref<1000000xf32, #tpu.memory_space<hbm>>
    tpu.wait_indirect_dma semaphore(%arg18 : memref<!tpu.dma_semaphore, #tpu.memory_space<semaphore_mem>>) src(%dma_wait3A_370 : memref<1000000xf32, #tpu.memory_space<hbm>>) dst(%dma_wait3A_366 : memref<512xf32, #tpu.memory_space<vmem>>)
    %dma_wait3A_371 = arith.constant 7 : i32
    %dma_wait3A_372 = arith.constant 0 : i32
    %dma_wait3A_373 = tpu.memref_slice %arg13[%dma_wait3A_371, %dma_wait3A_372] : memref<16x512xf32, #tpu.memory_space<vmem>> -> memref<1x512xf32, #tpu.memory_space<vmem>>
    %dma_wait3A_374 = tpu.memref_squeeze %dma_wait3A_373 : memref<1x512xf32, #tpu.memory_space<vmem>> -> memref<512xf32, #tpu.memory_space<vmem>>
    %dma_wait3A_375 = arith.constant 7000448 : i32
    %dma_wait3A_376 = tpu.memref_slice %arg2[%dma_wait3A_375] : memref<16001024xf32, #tpu.memory_space<hbm>> -> memref<1000000xf32, #tpu.memory_space<hbm>>
    %dma_wait3A_377 = arith.constant 0 : i32
    %dma_wait3A_378 = tpu.memref_slice %dma_wait3A_376[%dma_wait3A_377] : memref<1000000xf32, #tpu.memory_space<hbm>> -> memref<1000000xf32, #tpu.memory_space<hbm>>
    tpu.wait_indirect_dma semaphore(%arg17 : memref<!tpu.dma_semaphore, #tpu.memory_space<semaphore_mem>>) src(%dma_wait3A_378 : memref<1000000xf32, #tpu.memory_space<hbm>>) dst(%dma_wait3A_374 : memref<512xf32, #tpu.memory_space<vmem>>)
    %dma_wait3A_379 = arith.constant 7 : i32
    %dma_wait3A_380 = arith.constant 0 : i32
    %dma_wait3A_381 = tpu.memref_slice %arg14[%dma_wait3A_379, %dma_wait3A_380] : memref<16x512xf32, #tpu.memory_space<vmem>> -> memref<1x512xf32, #tpu.memory_space<vmem>>
    %dma_wait3A_382 = tpu.memref_squeeze %dma_wait3A_381 : memref<1x512xf32, #tpu.memory_space<vmem>> -> memref<512xf32, #tpu.memory_space<vmem>>
    %dma_wait3A_383 = arith.constant 7000448 : i32
    %dma_wait3A_384 = tpu.memref_slice %arg2[%dma_wait3A_383] : memref<16001024xf32, #tpu.memory_space<hbm>> -> memref<1000000xf32, #tpu.memory_space<hbm>>
    %dma_wait3A_385 = arith.constant 0 : i32
    %dma_wait3A_386 = tpu.memref_slice %dma_wait3A_384[%dma_wait3A_385] : memref<1000000xf32, #tpu.memory_space<hbm>> -> memref<1000000xf32, #tpu.memory_space<hbm>>
    tpu.wait_indirect_dma semaphore(%arg18 : memref<!tpu.dma_semaphore, #tpu.memory_space<semaphore_mem>>) src(%dma_wait3A_386 : memref<1000000xf32, #tpu.memory_space<hbm>>) dst(%dma_wait3A_382 : memref<512xf32, #tpu.memory_space<vmem>>)
    %dma_wait3A_387 = arith.constant 8 : i32
    %dma_wait3A_388 = arith.constant 0 : i32
    %dma_wait3A_389 = tpu.memref_slice %arg13[%dma_wait3A_387, %dma_wait3A_388] : memref<16x512xf32, #tpu.memory_space<vmem>> -> memref<1x512xf32, #tpu.memory_space<vmem>>
    %dma_wait3A_390 = tpu.memref_squeeze %dma_wait3A_389 : memref<1x512xf32, #tpu.memory_space<vmem>> -> memref<512xf32, #tpu.memory_space<vmem>>
    %dma_wait3A_391 = arith.constant 8000512 : i32
    %dma_wait3A_392 = tpu.memref_slice %arg2[%dma_wait3A_391] : memref<16001024xf32, #tpu.memory_space<hbm>> -> memref<1000000xf32, #tpu.memory_space<hbm>>
    %dma_wait3A_393 = arith.constant 0 : i32
    %dma_wait3A_394 = tpu.memref_slice %dma_wait3A_392[%dma_wait3A_393] : memref<1000000xf32, #tpu.memory_space<hbm>> -> memref<1000000xf32, #tpu.memory_space<hbm>>
    tpu.wait_indirect_dma semaphore(%arg17 : memref<!tpu.dma_semaphore, #tpu.memory_space<semaphore_mem>>) src(%dma_wait3A_394 : memref<1000000xf32, #tpu.memory_space<hbm>>) dst(%dma_wait3A_390 : memref<512xf32, #tpu.memory_space<vmem>>)
    %dma_wait3A_395 = arith.constant 8 : i32
    %dma_wait3A_396 = arith.constant 0 : i32
    %dma_wait3A_397 = tpu.memref_slice %arg14[%dma_wait3A_395, %dma_wait3A_396] : memref<16x512xf32, #tpu.memory_space<vmem>> -> memref<1x512xf32, #tpu.memory_space<vmem>>
    %dma_wait3A_398 = tpu.memref_squeeze %dma_wait3A_397 : memref<1x512xf32, #tpu.memory_space<vmem>> -> memref<512xf32, #tpu.memory_space<vmem>>
    %dma_wait3A_399 = arith.constant 8000512 : i32
    %dma_wait3A_400 = tpu.memref_slice %arg2[%dma_wait3A_399] : memref<16001024xf32, #tpu.memory_space<hbm>> -> memref<1000000xf32, #tpu.memory_space<hbm>>
    %dma_wait3A_401 = arith.constant 0 : i32
    %dma_wait3A_402 = tpu.memref_slice %dma_wait3A_400[%dma_wait3A_401] : memref<1000000xf32, #tpu.memory_space<hbm>> -> memref<1000000xf32, #tpu.memory_space<hbm>>
    tpu.wait_indirect_dma semaphore(%arg18 : memref<!tpu.dma_semaphore, #tpu.memory_space<semaphore_mem>>) src(%dma_wait3A_402 : memref<1000000xf32, #tpu.memory_space<hbm>>) dst(%dma_wait3A_398 : memref<512xf32, #tpu.memory_space<vmem>>)
    %dma_wait3A_403 = arith.constant 9 : i32
    %dma_wait3A_404 = arith.constant 0 : i32
    %dma_wait3A_405 = tpu.memref_slice %arg13[%dma_wait3A_403, %dma_wait3A_404] : memref<16x512xf32, #tpu.memory_space<vmem>> -> memref<1x512xf32, #tpu.memory_space<vmem>>
    %dma_wait3A_406 = tpu.memref_squeeze %dma_wait3A_405 : memref<1x512xf32, #tpu.memory_space<vmem>> -> memref<512xf32, #tpu.memory_space<vmem>>
    %dma_wait3A_407 = arith.constant 9000576 : i32
    %dma_wait3A_408 = tpu.memref_slice %arg2[%dma_wait3A_407] : memref<16001024xf32, #tpu.memory_space<hbm>> -> memref<1000000xf32, #tpu.memory_space<hbm>>
    %dma_wait3A_409 = arith.constant 0 : i32
    %dma_wait3A_410 = tpu.memref_slice %dma_wait3A_408[%dma_wait3A_409] : memref<1000000xf32, #tpu.memory_space<hbm>> -> memref<1000000xf32, #tpu.memory_space<hbm>>
    tpu.wait_indirect_dma semaphore(%arg17 : memref<!tpu.dma_semaphore, #tpu.memory_space<semaphore_mem>>) src(%dma_wait3A_410 : memref<1000000xf32, #tpu.memory_space<hbm>>) dst(%dma_wait3A_406 : memref<512xf32, #tpu.memory_space<vmem>>)
    %dma_wait3A_411 = arith.constant 9 : i32
    %dma_wait3A_412 = arith.constant 0 : i32
    %dma_wait3A_413 = tpu.memref_slice %arg14[%dma_wait3A_411, %dma_wait3A_412] : memref<16x512xf32, #tpu.memory_space<vmem>> -> memref<1x512xf32, #tpu.memory_space<vmem>>
    %dma_wait3A_414 = tpu.memref_squeeze %dma_wait3A_413 : memref<1x512xf32, #tpu.memory_space<vmem>> -> memref<512xf32, #tpu.memory_space<vmem>>
    %dma_wait3A_415 = arith.constant 9000576 : i32
    %dma_wait3A_416 = tpu.memref_slice %arg2[%dma_wait3A_415] : memref<16001024xf32, #tpu.memory_space<hbm>> -> memref<1000000xf32, #tpu.memory_space<hbm>>
    %dma_wait3A_417 = arith.constant 0 : i32
    %dma_wait3A_418 = tpu.memref_slice %dma_wait3A_416[%dma_wait3A_417] : memref<1000000xf32, #tpu.memory_space<hbm>> -> memref<1000000xf32, #tpu.memory_space<hbm>>
    tpu.wait_indirect_dma semaphore(%arg18 : memref<!tpu.dma_semaphore, #tpu.memory_space<semaphore_mem>>) src(%dma_wait3A_418 : memref<1000000xf32, #tpu.memory_space<hbm>>) dst(%dma_wait3A_414 : memref<512xf32, #tpu.memory_space<vmem>>)
    %dma_wait3A_419 = arith.constant 10 : i32
    %dma_wait3A_420 = arith.constant 0 : i32
    %dma_wait3A_421 = tpu.memref_slice %arg13[%dma_wait3A_419, %dma_wait3A_420] : memref<16x512xf32, #tpu.memory_space<vmem>> -> memref<1x512xf32, #tpu.memory_space<vmem>>
    %dma_wait3A_422 = tpu.memref_squeeze %dma_wait3A_421 : memref<1x512xf32, #tpu.memory_space<vmem>> -> memref<512xf32, #tpu.memory_space<vmem>>
    %dma_wait3A_423 = arith.constant 10000640 : i32
    %dma_wait3A_424 = tpu.memref_slice %arg2[%dma_wait3A_423] : memref<16001024xf32, #tpu.memory_space<hbm>> -> memref<1000000xf32, #tpu.memory_space<hbm>>
    %dma_wait3A_425 = arith.constant 0 : i32
    %dma_wait3A_426 = tpu.memref_slice %dma_wait3A_424[%dma_wait3A_425] : memref<1000000xf32, #tpu.memory_space<hbm>> -> memref<1000000xf32, #tpu.memory_space<hbm>>
    tpu.wait_indirect_dma semaphore(%arg17 : memref<!tpu.dma_semaphore, #tpu.memory_space<semaphore_mem>>) src(%dma_wait3A_426 : memref<1000000xf32, #tpu.memory_space<hbm>>) dst(%dma_wait3A_422 : memref<512xf32, #tpu.memory_space<vmem>>)
    %dma_wait3A_427 = arith.constant 10 : i32
    %dma_wait3A_428 = arith.constant 0 : i32
    %dma_wait3A_429 = tpu.memref_slice %arg14[%dma_wait3A_427, %dma_wait3A_428] : memref<16x512xf32, #tpu.memory_space<vmem>> -> memref<1x512xf32, #tpu.memory_space<vmem>>
    %dma_wait3A_430 = tpu.memref_squeeze %dma_wait3A_429 : memref<1x512xf32, #tpu.memory_space<vmem>> -> memref<512xf32, #tpu.memory_space<vmem>>
    %dma_wait3A_431 = arith.constant 10000640 : i32
    %dma_wait3A_432 = tpu.memref_slice %arg2[%dma_wait3A_431] : memref<16001024xf32, #tpu.memory_space<hbm>> -> memref<1000000xf32, #tpu.memory_space<hbm>>
    %dma_wait3A_433 = arith.constant 0 : i32
    %dma_wait3A_434 = tpu.memref_slice %dma_wait3A_432[%dma_wait3A_433] : memref<1000000xf32, #tpu.memory_space<hbm>> -> memref<1000000xf32, #tpu.memory_space<hbm>>
    tpu.wait_indirect_dma semaphore(%arg18 : memref<!tpu.dma_semaphore, #tpu.memory_space<semaphore_mem>>) src(%dma_wait3A_434 : memref<1000000xf32, #tpu.memory_space<hbm>>) dst(%dma_wait3A_430 : memref<512xf32, #tpu.memory_space<vmem>>)
    %dma_wait3A_435 = arith.constant 11 : i32
    %dma_wait3A_436 = arith.constant 0 : i32
    %dma_wait3A_437 = tpu.memref_slice %arg13[%dma_wait3A_435, %dma_wait3A_436] : memref<16x512xf32, #tpu.memory_space<vmem>> -> memref<1x512xf32, #tpu.memory_space<vmem>>
    %dma_wait3A_438 = tpu.memref_squeeze %dma_wait3A_437 : memref<1x512xf32, #tpu.memory_space<vmem>> -> memref<512xf32, #tpu.memory_space<vmem>>
    %dma_wait3A_439 = arith.constant 11000704 : i32
    %dma_wait3A_440 = tpu.memref_slice %arg2[%dma_wait3A_439] : memref<16001024xf32, #tpu.memory_space<hbm>> -> memref<1000000xf32, #tpu.memory_space<hbm>>
    %dma_wait3A_441 = arith.constant 0 : i32
    %dma_wait3A_442 = tpu.memref_slice %dma_wait3A_440[%dma_wait3A_441] : memref<1000000xf32, #tpu.memory_space<hbm>> -> memref<1000000xf32, #tpu.memory_space<hbm>>
    tpu.wait_indirect_dma semaphore(%arg17 : memref<!tpu.dma_semaphore, #tpu.memory_space<semaphore_mem>>) src(%dma_wait3A_442 : memref<1000000xf32, #tpu.memory_space<hbm>>) dst(%dma_wait3A_438 : memref<512xf32, #tpu.memory_space<vmem>>)
    %dma_wait3A_443 = arith.constant 11 : i32
    %dma_wait3A_444 = arith.constant 0 : i32
    %dma_wait3A_445 = tpu.memref_slice %arg14[%dma_wait3A_443, %dma_wait3A_444] : memref<16x512xf32, #tpu.memory_space<vmem>> -> memref<1x512xf32, #tpu.memory_space<vmem>>
    %dma_wait3A_446 = tpu.memref_squeeze %dma_wait3A_445 : memref<1x512xf32, #tpu.memory_space<vmem>> -> memref<512xf32, #tpu.memory_space<vmem>>
    %dma_wait3A_447 = arith.constant 11000704 : i32
    %dma_wait3A_448 = tpu.memref_slice %arg2[%dma_wait3A_447] : memref<16001024xf32, #tpu.memory_space<hbm>> -> memref<1000000xf32, #tpu.memory_space<hbm>>
    %dma_wait3A_449 = arith.constant 0 : i32
    %dma_wait3A_450 = tpu.memref_slice %dma_wait3A_448[%dma_wait3A_449] : memref<1000000xf32, #tpu.memory_space<hbm>> -> memref<1000000xf32, #tpu.memory_space<hbm>>
    tpu.wait_indirect_dma semaphore(%arg18 : memref<!tpu.dma_semaphore, #tpu.memory_space<semaphore_mem>>) src(%dma_wait3A_450 : memref<1000000xf32, #tpu.memory_space<hbm>>) dst(%dma_wait3A_446 : memref<512xf32, #tpu.memory_space<vmem>>)
    %dma_wait3A_451 = arith.constant 12 : i32
    %dma_wait3A_452 = arith.constant 0 : i32
    %dma_wait3A_453 = tpu.memref_slice %arg13[%dma_wait3A_451, %dma_wait3A_452] : memref<16x512xf32, #tpu.memory_space<vmem>> -> memref<1x512xf32, #tpu.memory_space<vmem>>
    %dma_wait3A_454 = tpu.memref_squeeze %dma_wait3A_453 : memref<1x512xf32, #tpu.memory_space<vmem>> -> memref<512xf32, #tpu.memory_space<vmem>>
    %dma_wait3A_455 = arith.constant 12000768 : i32
    %dma_wait3A_456 = tpu.memref_slice %arg2[%dma_wait3A_455] : memref<16001024xf32, #tpu.memory_space<hbm>> -> memref<1000000xf32, #tpu.memory_space<hbm>>
    %dma_wait3A_457 = arith.constant 0 : i32
    %dma_wait3A_458 = tpu.memref_slice %dma_wait3A_456[%dma_wait3A_457] : memref<1000000xf32, #tpu.memory_space<hbm>> -> memref<1000000xf32, #tpu.memory_space<hbm>>
    tpu.wait_indirect_dma semaphore(%arg17 : memref<!tpu.dma_semaphore, #tpu.memory_space<semaphore_mem>>) src(%dma_wait3A_458 : memref<1000000xf32, #tpu.memory_space<hbm>>) dst(%dma_wait3A_454 : memref<512xf32, #tpu.memory_space<vmem>>)
    %dma_wait3A_459 = arith.constant 12 : i32
    %dma_wait3A_460 = arith.constant 0 : i32
    %dma_wait3A_461 = tpu.memref_slice %arg14[%dma_wait3A_459, %dma_wait3A_460] : memref<16x512xf32, #tpu.memory_space<vmem>> -> memref<1x512xf32, #tpu.memory_space<vmem>>
    %dma_wait3A_462 = tpu.memref_squeeze %dma_wait3A_461 : memref<1x512xf32, #tpu.memory_space<vmem>> -> memref<512xf32, #tpu.memory_space<vmem>>
    %dma_wait3A_463 = arith.constant 12000768 : i32
    %dma_wait3A_464 = tpu.memref_slice %arg2[%dma_wait3A_463] : memref<16001024xf32, #tpu.memory_space<hbm>> -> memref<1000000xf32, #tpu.memory_space<hbm>>
    %dma_wait3A_465 = arith.constant 0 : i32
    %dma_wait3A_466 = tpu.memref_slice %dma_wait3A_464[%dma_wait3A_465] : memref<1000000xf32, #tpu.memory_space<hbm>> -> memref<1000000xf32, #tpu.memory_space<hbm>>
    tpu.wait_indirect_dma semaphore(%arg18 : memref<!tpu.dma_semaphore, #tpu.memory_space<semaphore_mem>>) src(%dma_wait3A_466 : memref<1000000xf32, #tpu.memory_space<hbm>>) dst(%dma_wait3A_462 : memref<512xf32, #tpu.memory_space<vmem>>)
    %dma_wait3A_467 = arith.constant 13 : i32
    %dma_wait3A_468 = arith.constant 0 : i32
    %dma_wait3A_469 = tpu.memref_slice %arg13[%dma_wait3A_467, %dma_wait3A_468] : memref<16x512xf32, #tpu.memory_space<vmem>> -> memref<1x512xf32, #tpu.memory_space<vmem>>
    %dma_wait3A_470 = tpu.memref_squeeze %dma_wait3A_469 : memref<1x512xf32, #tpu.memory_space<vmem>> -> memref<512xf32, #tpu.memory_space<vmem>>
    %dma_wait3A_471 = arith.constant 13000832 : i32
    %dma_wait3A_472 = tpu.memref_slice %arg2[%dma_wait3A_471] : memref<16001024xf32, #tpu.memory_space<hbm>> -> memref<1000000xf32, #tpu.memory_space<hbm>>
    %dma_wait3A_473 = arith.constant 0 : i32
    %dma_wait3A_474 = tpu.memref_slice %dma_wait3A_472[%dma_wait3A_473] : memref<1000000xf32, #tpu.memory_space<hbm>> -> memref<1000000xf32, #tpu.memory_space<hbm>>
    tpu.wait_indirect_dma semaphore(%arg17 : memref<!tpu.dma_semaphore, #tpu.memory_space<semaphore_mem>>) src(%dma_wait3A_474 : memref<1000000xf32, #tpu.memory_space<hbm>>) dst(%dma_wait3A_470 : memref<512xf32, #tpu.memory_space<vmem>>)
    %dma_wait3A_475 = arith.constant 13 : i32
    %dma_wait3A_476 = arith.constant 0 : i32
    %dma_wait3A_477 = tpu.memref_slice %arg14[%dma_wait3A_475, %dma_wait3A_476] : memref<16x512xf32, #tpu.memory_space<vmem>> -> memref<1x512xf32, #tpu.memory_space<vmem>>
    %dma_wait3A_478 = tpu.memref_squeeze %dma_wait3A_477 : memref<1x512xf32, #tpu.memory_space<vmem>> -> memref<512xf32, #tpu.memory_space<vmem>>
    %dma_wait3A_479 = arith.constant 13000832 : i32
    %dma_wait3A_480 = tpu.memref_slice %arg2[%dma_wait3A_479] : memref<16001024xf32, #tpu.memory_space<hbm>> -> memref<1000000xf32, #tpu.memory_space<hbm>>
    %dma_wait3A_481 = arith.constant 0 : i32
    %dma_wait3A_482 = tpu.memref_slice %dma_wait3A_480[%dma_wait3A_481] : memref<1000000xf32, #tpu.memory_space<hbm>> -> memref<1000000xf32, #tpu.memory_space<hbm>>
    tpu.wait_indirect_dma semaphore(%arg18 : memref<!tpu.dma_semaphore, #tpu.memory_space<semaphore_mem>>) src(%dma_wait3A_482 : memref<1000000xf32, #tpu.memory_space<hbm>>) dst(%dma_wait3A_478 : memref<512xf32, #tpu.memory_space<vmem>>)
    %dma_wait3A_483 = arith.constant 14 : i32
    %dma_wait3A_484 = arith.constant 0 : i32
    %dma_wait3A_485 = tpu.memref_slice %arg13[%dma_wait3A_483, %dma_wait3A_484] : memref<16x512xf32, #tpu.memory_space<vmem>> -> memref<1x512xf32, #tpu.memory_space<vmem>>
    %dma_wait3A_486 = tpu.memref_squeeze %dma_wait3A_485 : memref<1x512xf32, #tpu.memory_space<vmem>> -> memref<512xf32, #tpu.memory_space<vmem>>
    %dma_wait3A_487 = arith.constant 14000896 : i32
    %dma_wait3A_488 = tpu.memref_slice %arg2[%dma_wait3A_487] : memref<16001024xf32, #tpu.memory_space<hbm>> -> memref<1000000xf32, #tpu.memory_space<hbm>>
    %dma_wait3A_489 = arith.constant 0 : i32
    %dma_wait3A_490 = tpu.memref_slice %dma_wait3A_488[%dma_wait3A_489] : memref<1000000xf32, #tpu.memory_space<hbm>> -> memref<1000000xf32, #tpu.memory_space<hbm>>
    tpu.wait_indirect_dma semaphore(%arg17 : memref<!tpu.dma_semaphore, #tpu.memory_space<semaphore_mem>>) src(%dma_wait3A_490 : memref<1000000xf32, #tpu.memory_space<hbm>>) dst(%dma_wait3A_486 : memref<512xf32, #tpu.memory_space<vmem>>)
    %dma_wait3A_491 = arith.constant 14 : i32
    %dma_wait3A_492 = arith.constant 0 : i32
    %dma_wait3A_493 = tpu.memref_slice %arg14[%dma_wait3A_491, %dma_wait3A_492] : memref<16x512xf32, #tpu.memory_space<vmem>> -> memref<1x512xf32, #tpu.memory_space<vmem>>
    %dma_wait3A_494 = tpu.memref_squeeze %dma_wait3A_493 : memref<1x512xf32, #tpu.memory_space<vmem>> -> memref<512xf32, #tpu.memory_space<vmem>>
    %dma_wait3A_495 = arith.constant 14000896 : i32
    %dma_wait3A_496 = tpu.memref_slice %arg2[%dma_wait3A_495] : memref<16001024xf32, #tpu.memory_space<hbm>> -> memref<1000000xf32, #tpu.memory_space<hbm>>
    %dma_wait3A_497 = arith.constant 0 : i32
    %dma_wait3A_498 = tpu.memref_slice %dma_wait3A_496[%dma_wait3A_497] : memref<1000000xf32, #tpu.memory_space<hbm>> -> memref<1000000xf32, #tpu.memory_space<hbm>>
    tpu.wait_indirect_dma semaphore(%arg18 : memref<!tpu.dma_semaphore, #tpu.memory_space<semaphore_mem>>) src(%dma_wait3A_498 : memref<1000000xf32, #tpu.memory_space<hbm>>) dst(%dma_wait3A_494 : memref<512xf32, #tpu.memory_space<vmem>>)
    %dma_wait3A_499 = arith.constant 15 : i32
    %dma_wait3A_500 = arith.constant 0 : i32
    %dma_wait3A_501 = tpu.memref_slice %arg13[%dma_wait3A_499, %dma_wait3A_500] : memref<16x512xf32, #tpu.memory_space<vmem>> -> memref<1x512xf32, #tpu.memory_space<vmem>>
    %dma_wait3A_502 = tpu.memref_squeeze %dma_wait3A_501 : memref<1x512xf32, #tpu.memory_space<vmem>> -> memref<512xf32, #tpu.memory_space<vmem>>
    %dma_wait3A_503 = arith.constant 15000960 : i32
    %dma_wait3A_504 = tpu.memref_slice %arg2[%dma_wait3A_503] : memref<16001024xf32, #tpu.memory_space<hbm>> -> memref<1000000xf32, #tpu.memory_space<hbm>>
    %dma_wait3A_505 = arith.constant 0 : i32
    %dma_wait3A_506 = tpu.memref_slice %dma_wait3A_504[%dma_wait3A_505] : memref<1000000xf32, #tpu.memory_space<hbm>> -> memref<1000000xf32, #tpu.memory_space<hbm>>
    tpu.wait_indirect_dma semaphore(%arg17 : memref<!tpu.dma_semaphore, #tpu.memory_space<semaphore_mem>>) src(%dma_wait3A_506 : memref<1000000xf32, #tpu.memory_space<hbm>>) dst(%dma_wait3A_502 : memref<512xf32, #tpu.memory_space<vmem>>)
    %dma_wait3A_507 = arith.constant 15 : i32
    %dma_wait3A_508 = arith.constant 0 : i32
    %dma_wait3A_509 = tpu.memref_slice %arg14[%dma_wait3A_507, %dma_wait3A_508] : memref<16x512xf32, #tpu.memory_space<vmem>> -> memref<1x512xf32, #tpu.memory_space<vmem>>
    %dma_wait3A_510 = tpu.memref_squeeze %dma_wait3A_509 : memref<1x512xf32, #tpu.memory_space<vmem>> -> memref<512xf32, #tpu.memory_space<vmem>>
    %dma_wait3A_511 = arith.constant 15000960 : i32
    %dma_wait3A_512 = tpu.memref_slice %arg2[%dma_wait3A_511] : memref<16001024xf32, #tpu.memory_space<hbm>> -> memref<1000000xf32, #tpu.memory_space<hbm>>
    %dma_wait3A_513 = arith.constant 0 : i32
    %dma_wait3A_514 = tpu.memref_slice %dma_wait3A_512[%dma_wait3A_513] : memref<1000000xf32, #tpu.memory_space<hbm>> -> memref<1000000xf32, #tpu.memory_space<hbm>>
    tpu.wait_indirect_dma semaphore(%arg18 : memref<!tpu.dma_semaphore, #tpu.memory_space<semaphore_mem>>) src(%dma_wait3A_514 : memref<1000000xf32, #tpu.memory_space<hbm>>) dst(%dma_wait3A_510 : memref<512xf32, #tpu.memory_space<vmem>>)
    %dma_wait3A_515 = arith.constant 0 : i32
    %dma_wait3A_516 = tpu.memref_slice %arg3[%dma_wait3A_515] : memref<1000000xf32, #tpu.memory_space<hbm>> -> memref<1000000xf32, #tpu.memory_space<hbm>>
    tpu.wait_indirect_dma semaphore(%arg19 : memref<!tpu.dma_semaphore, #tpu.memory_space<semaphore_mem>>) src(%dma_wait3A_516 : memref<1000000xf32, #tpu.memory_space<hbm>>) dst(%arg15 : memref<512xf32, #tpu.memory_space<vmem>>)
    %dma_start3A_517 = tpu.memref_slice %arg9[%mul3A_2] : memref<16384xf32, #tpu.memory_space<hbm>> -> memref<512xf32, #tpu.memory_space<hbm>>
    %dma_start3A_518 = tpu.memref_slice %arg9[%mul3A_2] : memref<16384xf32, #tpu.memory_space<hbm>> -> memref<512xf32, #tpu.memory_space<hbm>>
    tpu.enqueue_dma source(%arg15 : memref<512xf32, #tpu.memory_space<vmem>>) target(%dma_start3A_518 : memref<512xf32, #tpu.memory_space<hbm>>) target_semaphore(%arg20 : memref<!tpu.dma_semaphore, #tpu.memory_space<semaphore_mem>>)
    %dma_start3A_519 = arith.constant 0 : i32
    %dma_start3A_520 = arith.constant 0 : i32
    %dma_start3A_521 = arith.constant 0 : i32
    %dma_start3A_522 = tpu.memref_slice %arg13[%dma_start3A_519, %dma_start3A_521] : memref<16x512xf32, #tpu.memory_space<vmem>> -> memref<1x512xf32, #tpu.memory_space<vmem>>
    %dma_start3A_523 = tpu.memref_squeeze %dma_start3A_522 : memref<1x512xf32, #tpu.memory_space<vmem>> -> memref<512xf32, #tpu.memory_space<vmem>>
    %dma_start3A_524 = tpu.memref_slice %arg7[%dma_start3A_520, %mul3A_2] : memref<16x16384xf32, #tpu.memory_space<hbm>> -> memref<1x512xf32, #tpu.memory_space<hbm>>
    %dma_start3A_525 = tpu.memref_squeeze %dma_start3A_524 : memref<1x512xf32, #tpu.memory_space<hbm>> -> memref<512xf32, #tpu.memory_space<hbm>>
    %dma_start3A_526 = tpu.memref_slice %arg7[%dma_start3A_520, %mul3A_2] : memref<16x16384xf32, #tpu.memory_space<hbm>> -> memref<1x512xf32, #tpu.memory_space<hbm>>
    %dma_start3A_527 = tpu.memref_squeeze %dma_start3A_526 : memref<1x512xf32, #tpu.memory_space<hbm>> -> memref<512xf32, #tpu.memory_space<hbm>>
    %dma_start3A_528 = arith.constant 0 : i32
    %dma_start3A_529 = tpu.memref_slice %arg13[%dma_start3A_519, %dma_start3A_528] : memref<16x512xf32, #tpu.memory_space<vmem>> -> memref<1x512xf32, #tpu.memory_space<vmem>>
    %dma_start3A_530 = tpu.memref_squeeze %dma_start3A_529 : memref<1x512xf32, #tpu.memory_space<vmem>> -> memref<512xf32, #tpu.memory_space<vmem>>
    tpu.enqueue_dma source(%dma_start3A_530 : memref<512xf32, #tpu.memory_space<vmem>>) target(%dma_start3A_527 : memref<512xf32, #tpu.memory_space<hbm>>) target_semaphore(%arg20 : memref<!tpu.dma_semaphore, #tpu.memory_space<semaphore_mem>>)
    %dma_start3A_531 = arith.constant 0 : i32
    %dma_start3A_532 = arith.constant 0 : i32
    %dma_start3A_533 = arith.constant 0 : i32
    %dma_start3A_534 = tpu.memref_slice %arg14[%dma_start3A_531, %dma_start3A_533] : memref<16x512xf32, #tpu.memory_space<vmem>> -> memref<1x512xf32, #tpu.memory_space<vmem>>
    %dma_start3A_535 = tpu.memref_squeeze %dma_start3A_534 : memref<1x512xf32, #tpu.memory_space<vmem>> -> memref<512xf32, #tpu.memory_space<vmem>>
    %dma_start3A_536 = tpu.memref_slice %arg8[%dma_start3A_532, %mul3A_2] : memref<16x16384xf32, #tpu.memory_space<hbm>> -> memref<1x512xf32, #tpu.memory_space<hbm>>
    %dma_start3A_537 = tpu.memref_squeeze %dma_start3A_536 : memref<1x512xf32, #tpu.memory_space<hbm>> -> memref<512xf32, #tpu.memory_space<hbm>>
    %dma_start3A_538 = tpu.memref_slice %arg8[%dma_start3A_532, %mul3A_2] : memref<16x16384xf32, #tpu.memory_space<hbm>> -> memref<1x512xf32, #tpu.memory_space<hbm>>
    %dma_start3A_539 = tpu.memref_squeeze %dma_start3A_538 : memref<1x512xf32, #tpu.memory_space<hbm>> -> memref<512xf32, #tpu.memory_space<hbm>>
    %dma_start3A_540 = arith.constant 0 : i32
    %dma_start3A_541 = tpu.memref_slice %arg14[%dma_start3A_531, %dma_start3A_540] : memref<16x512xf32, #tpu.memory_space<vmem>> -> memref<1x512xf32, #tpu.memory_space<vmem>>
    %dma_start3A_542 = tpu.memref_squeeze %dma_start3A_541 : memref<1x512xf32, #tpu.memory_space<vmem>> -> memref<512xf32, #tpu.memory_space<vmem>>
    tpu.enqueue_dma source(%dma_start3A_542 : memref<512xf32, #tpu.memory_space<vmem>>) target(%dma_start3A_539 : memref<512xf32, #tpu.memory_space<hbm>>) target_semaphore(%arg20 : memref<!tpu.dma_semaphore, #tpu.memory_space<semaphore_mem>>)
    %dma_start3A_543 = arith.constant 1 : i32
    %dma_start3A_544 = arith.constant 1 : i32
    %dma_start3A_545 = arith.constant 0 : i32
    %dma_start3A_546 = tpu.memref_slice %arg13[%dma_start3A_543, %dma_start3A_545] : memref<16x512xf32, #tpu.memory_space<vmem>> -> memref<1x512xf32, #tpu.memory_space<vmem>>
    %dma_start3A_547 = tpu.memref_squeeze %dma_start3A_546 : memref<1x512xf32, #tpu.memory_space<vmem>> -> memref<512xf32, #tpu.memory_space<vmem>>
    %dma_start3A_548 = tpu.memref_slice %arg7[%dma_start3A_544, %mul3A_2] : memref<16x16384xf32, #tpu.memory_space<hbm>> -> memref<1x512xf32, #tpu.memory_space<hbm>>
    %dma_start3A_549 = tpu.memref_squeeze %dma_start3A_548 : memref<1x512xf32, #tpu.memory_space<hbm>> -> memref<512xf32, #tpu.memory_space<hbm>>
    %dma_start3A_550 = tpu.memref_slice %arg7[%dma_start3A_544, %mul3A_2] : memref<16x16384xf32, #tpu.memory_space<hbm>> -> memref<1x512xf32, #tpu.memory_space<hbm>>
    %dma_start3A_551 = tpu.memref_squeeze %dma_start3A_550 : memref<1x512xf32, #tpu.memory_space<hbm>> -> memref<512xf32, #tpu.memory_space<hbm>>
    %dma_start3A_552 = arith.constant 0 : i32
    %dma_start3A_553 = tpu.memref_slice %arg13[%dma_start3A_543, %dma_start3A_552] : memref<16x512xf32, #tpu.memory_space<vmem>> -> memref<1x512xf32, #tpu.memory_space<vmem>>
    %dma_start3A_554 = tpu.memref_squeeze %dma_start3A_553 : memref<1x512xf32, #tpu.memory_space<vmem>> -> memref<512xf32, #tpu.memory_space<vmem>>
    tpu.enqueue_dma source(%dma_start3A_554 : memref<512xf32, #tpu.memory_space<vmem>>) target(%dma_start3A_551 : memref<512xf32, #tpu.memory_space<hbm>>) target_semaphore(%arg20 : memref<!tpu.dma_semaphore, #tpu.memory_space<semaphore_mem>>)
    %dma_start3A_555 = arith.constant 1 : i32
    %dma_start3A_556 = arith.constant 1 : i32
    %dma_start3A_557 = arith.constant 0 : i32
    %dma_start3A_558 = tpu.memref_slice %arg14[%dma_start3A_555, %dma_start3A_557] : memref<16x512xf32, #tpu.memory_space<vmem>> -> memref<1x512xf32, #tpu.memory_space<vmem>>
    %dma_start3A_559 = tpu.memref_squeeze %dma_start3A_558 : memref<1x512xf32, #tpu.memory_space<vmem>> -> memref<512xf32, #tpu.memory_space<vmem>>
    %dma_start3A_560 = tpu.memref_slice %arg8[%dma_start3A_556, %mul3A_2] : memref<16x16384xf32, #tpu.memory_space<hbm>> -> memref<1x512xf32, #tpu.memory_space<hbm>>
    %dma_start3A_561 = tpu.memref_squeeze %dma_start3A_560 : memref<1x512xf32, #tpu.memory_space<hbm>> -> memref<512xf32, #tpu.memory_space<hbm>>
    %dma_start3A_562 = tpu.memref_slice %arg8[%dma_start3A_556, %mul3A_2] : memref<16x16384xf32, #tpu.memory_space<hbm>> -> memref<1x512xf32, #tpu.memory_space<hbm>>
    %dma_start3A_563 = tpu.memref_squeeze %dma_start3A_562 : memref<1x512xf32, #tpu.memory_space<hbm>> -> memref<512xf32, #tpu.memory_space<hbm>>
    %dma_start3A_564 = arith.constant 0 : i32
    %dma_start3A_565 = tpu.memref_slice %arg14[%dma_start3A_555, %dma_start3A_564] : memref<16x512xf32, #tpu.memory_space<vmem>> -> memref<1x512xf32, #tpu.memory_space<vmem>>
    %dma_start3A_566 = tpu.memref_squeeze %dma_start3A_565 : memref<1x512xf32, #tpu.memory_space<vmem>> -> memref<512xf32, #tpu.memory_space<vmem>>
    tpu.enqueue_dma source(%dma_start3A_566 : memref<512xf32, #tpu.memory_space<vmem>>) target(%dma_start3A_563 : memref<512xf32, #tpu.memory_space<hbm>>) target_semaphore(%arg20 : memref<!tpu.dma_semaphore, #tpu.memory_space<semaphore_mem>>)
    %dma_start3A_567 = arith.constant 2 : i32
    %dma_start3A_568 = arith.constant 2 : i32
    %dma_start3A_569 = arith.constant 0 : i32
    %dma_start3A_570 = tpu.memref_slice %arg13[%dma_start3A_567, %dma_start3A_569] : memref<16x512xf32, #tpu.memory_space<vmem>> -> memref<1x512xf32, #tpu.memory_space<vmem>>
    %dma_start3A_571 = tpu.memref_squeeze %dma_start3A_570 : memref<1x512xf32, #tpu.memory_space<vmem>> -> memref<512xf32, #tpu.memory_space<vmem>>
    %dma_start3A_572 = tpu.memref_slice %arg7[%dma_start3A_568, %mul3A_2] : memref<16x16384xf32, #tpu.memory_space<hbm>> -> memref<1x512xf32, #tpu.memory_space<hbm>>
    %dma_start3A_573 = tpu.memref_squeeze %dma_start3A_572 : memref<1x512xf32, #tpu.memory_space<hbm>> -> memref<512xf32, #tpu.memory_space<hbm>>
    %dma_start3A_574 = tpu.memref_slice %arg7[%dma_start3A_568, %mul3A_2] : memref<16x16384xf32, #tpu.memory_space<hbm>> -> memref<1x512xf32, #tpu.memory_space<hbm>>
    %dma_start3A_575 = tpu.memref_squeeze %dma_start3A_574 : memref<1x512xf32, #tpu.memory_space<hbm>> -> memref<512xf32, #tpu.memory_space<hbm>>
    %dma_start3A_576 = arith.constant 0 : i32
    %dma_start3A_577 = tpu.memref_slice %arg13[%dma_start3A_567, %dma_start3A_576] : memref<16x512xf32, #tpu.memory_space<vmem>> -> memref<1x512xf32, #tpu.memory_space<vmem>>
    %dma_start3A_578 = tpu.memref_squeeze %dma_start3A_577 : memref<1x512xf32, #tpu.memory_space<vmem>> -> memref<512xf32, #tpu.memory_space<vmem>>
    tpu.enqueue_dma source(%dma_start3A_578 : memref<512xf32, #tpu.memory_space<vmem>>) target(%dma_start3A_575 : memref<512xf32, #tpu.memory_space<hbm>>) target_semaphore(%arg20 : memref<!tpu.dma_semaphore, #tpu.memory_space<semaphore_mem>>)
    %dma_start3A_579 = arith.constant 2 : i32
    %dma_start3A_580 = arith.constant 2 : i32
    %dma_start3A_581 = arith.constant 0 : i32
    %dma_start3A_582 = tpu.memref_slice %arg14[%dma_start3A_579, %dma_start3A_581] : memref<16x512xf32, #tpu.memory_space<vmem>> -> memref<1x512xf32, #tpu.memory_space<vmem>>
    %dma_start3A_583 = tpu.memref_squeeze %dma_start3A_582 : memref<1x512xf32, #tpu.memory_space<vmem>> -> memref<512xf32, #tpu.memory_space<vmem>>
    %dma_start3A_584 = tpu.memref_slice %arg8[%dma_start3A_580, %mul3A_2] : memref<16x16384xf32, #tpu.memory_space<hbm>> -> memref<1x512xf32, #tpu.memory_space<hbm>>
    %dma_start3A_585 = tpu.memref_squeeze %dma_start3A_584 : memref<1x512xf32, #tpu.memory_space<hbm>> -> memref<512xf32, #tpu.memory_space<hbm>>
    %dma_start3A_586 = tpu.memref_slice %arg8[%dma_start3A_580, %mul3A_2] : memref<16x16384xf32, #tpu.memory_space<hbm>> -> memref<1x512xf32, #tpu.memory_space<hbm>>
    %dma_start3A_587 = tpu.memref_squeeze %dma_start3A_586 : memref<1x512xf32, #tpu.memory_space<hbm>> -> memref<512xf32, #tpu.memory_space<hbm>>
    %dma_start3A_588 = arith.constant 0 : i32
    %dma_start3A_589 = tpu.memref_slice %arg14[%dma_start3A_579, %dma_start3A_588] : memref<16x512xf32, #tpu.memory_space<vmem>> -> memref<1x512xf32, #tpu.memory_space<vmem>>
    %dma_start3A_590 = tpu.memref_squeeze %dma_start3A_589 : memref<1x512xf32, #tpu.memory_space<vmem>> -> memref<512xf32, #tpu.memory_space<vmem>>
    tpu.enqueue_dma source(%dma_start3A_590 : memref<512xf32, #tpu.memory_space<vmem>>) target(%dma_start3A_587 : memref<512xf32, #tpu.memory_space<hbm>>) target_semaphore(%arg20 : memref<!tpu.dma_semaphore, #tpu.memory_space<semaphore_mem>>)
    %dma_start3A_591 = arith.constant 3 : i32
    %dma_start3A_592 = arith.constant 3 : i32
    %dma_start3A_593 = arith.constant 0 : i32
    %dma_start3A_594 = tpu.memref_slice %arg13[%dma_start3A_591, %dma_start3A_593] : memref<16x512xf32, #tpu.memory_space<vmem>> -> memref<1x512xf32, #tpu.memory_space<vmem>>
    %dma_start3A_595 = tpu.memref_squeeze %dma_start3A_594 : memref<1x512xf32, #tpu.memory_space<vmem>> -> memref<512xf32, #tpu.memory_space<vmem>>
    %dma_start3A_596 = tpu.memref_slice %arg7[%dma_start3A_592, %mul3A_2] : memref<16x16384xf32, #tpu.memory_space<hbm>> -> memref<1x512xf32, #tpu.memory_space<hbm>>
    %dma_start3A_597 = tpu.memref_squeeze %dma_start3A_596 : memref<1x512xf32, #tpu.memory_space<hbm>> -> memref<512xf32, #tpu.memory_space<hbm>>
    %dma_start3A_598 = tpu.memref_slice %arg7[%dma_start3A_592, %mul3A_2] : memref<16x16384xf32, #tpu.memory_space<hbm>> -> memref<1x512xf32, #tpu.memory_space<hbm>>
    %dma_start3A_599 = tpu.memref_squeeze %dma_start3A_598 : memref<1x512xf32, #tpu.memory_space<hbm>> -> memref<512xf32, #tpu.memory_space<hbm>>
    %dma_start3A_600 = arith.constant 0 : i32
    %dma_start3A_601 = tpu.memref_slice %arg13[%dma_start3A_591, %dma_start3A_600] : memref<16x512xf32, #tpu.memory_space<vmem>> -> memref<1x512xf32, #tpu.memory_space<vmem>>
    %dma_start3A_602 = tpu.memref_squeeze %dma_start3A_601 : memref<1x512xf32, #tpu.memory_space<vmem>> -> memref<512xf32, #tpu.memory_space<vmem>>
    tpu.enqueue_dma source(%dma_start3A_602 : memref<512xf32, #tpu.memory_space<vmem>>) target(%dma_start3A_599 : memref<512xf32, #tpu.memory_space<hbm>>) target_semaphore(%arg20 : memref<!tpu.dma_semaphore, #tpu.memory_space<semaphore_mem>>)
    %dma_start3A_603 = arith.constant 3 : i32
    %dma_start3A_604 = arith.constant 3 : i32
    %dma_start3A_605 = arith.constant 0 : i32
    %dma_start3A_606 = tpu.memref_slice %arg14[%dma_start3A_603, %dma_start3A_605] : memref<16x512xf32, #tpu.memory_space<vmem>> -> memref<1x512xf32, #tpu.memory_space<vmem>>
    %dma_start3A_607 = tpu.memref_squeeze %dma_start3A_606 : memref<1x512xf32, #tpu.memory_space<vmem>> -> memref<512xf32, #tpu.memory_space<vmem>>
    %dma_start3A_608 = tpu.memref_slice %arg8[%dma_start3A_604, %mul3A_2] : memref<16x16384xf32, #tpu.memory_space<hbm>> -> memref<1x512xf32, #tpu.memory_space<hbm>>
    %dma_start3A_609 = tpu.memref_squeeze %dma_start3A_608 : memref<1x512xf32, #tpu.memory_space<hbm>> -> memref<512xf32, #tpu.memory_space<hbm>>
    %dma_start3A_610 = tpu.memref_slice %arg8[%dma_start3A_604, %mul3A_2] : memref<16x16384xf32, #tpu.memory_space<hbm>> -> memref<1x512xf32, #tpu.memory_space<hbm>>
    %dma_start3A_611 = tpu.memref_squeeze %dma_start3A_610 : memref<1x512xf32, #tpu.memory_space<hbm>> -> memref<512xf32, #tpu.memory_space<hbm>>
    %dma_start3A_612 = arith.constant 0 : i32
    %dma_start3A_613 = tpu.memref_slice %arg14[%dma_start3A_603, %dma_start3A_612] : memref<16x512xf32, #tpu.memory_space<vmem>> -> memref<1x512xf32, #tpu.memory_space<vmem>>
    %dma_start3A_614 = tpu.memref_squeeze %dma_start3A_613 : memref<1x512xf32, #tpu.memory_space<vmem>> -> memref<512xf32, #tpu.memory_space<vmem>>
    tpu.enqueue_dma source(%dma_start3A_614 : memref<512xf32, #tpu.memory_space<vmem>>) target(%dma_start3A_611 : memref<512xf32, #tpu.memory_space<hbm>>) target_semaphore(%arg20 : memref<!tpu.dma_semaphore, #tpu.memory_space<semaphore_mem>>)
    %dma_start3A_615 = arith.constant 4 : i32
    %dma_start3A_616 = arith.constant 4 : i32
    %dma_start3A_617 = arith.constant 0 : i32
    %dma_start3A_618 = tpu.memref_slice %arg13[%dma_start3A_615, %dma_start3A_617] : memref<16x512xf32, #tpu.memory_space<vmem>> -> memref<1x512xf32, #tpu.memory_space<vmem>>
    %dma_start3A_619 = tpu.memref_squeeze %dma_start3A_618 : memref<1x512xf32, #tpu.memory_space<vmem>> -> memref<512xf32, #tpu.memory_space<vmem>>
    %dma_start3A_620 = tpu.memref_slice %arg7[%dma_start3A_616, %mul3A_2] : memref<16x16384xf32, #tpu.memory_space<hbm>> -> memref<1x512xf32, #tpu.memory_space<hbm>>
    %dma_start3A_621 = tpu.memref_squeeze %dma_start3A_620 : memref<1x512xf32, #tpu.memory_space<hbm>> -> memref<512xf32, #tpu.memory_space<hbm>>
    %dma_start3A_622 = tpu.memref_slice %arg7[%dma_start3A_616, %mul3A_2] : memref<16x16384xf32, #tpu.memory_space<hbm>> -> memref<1x512xf32, #tpu.memory_space<hbm>>
    %dma_start3A_623 = tpu.memref_squeeze %dma_start3A_622 : memref<1x512xf32, #tpu.memory_space<hbm>> -> memref<512xf32, #tpu.memory_space<hbm>>
    %dma_start3A_624 = arith.constant 0 : i32
    %dma_start3A_625 = tpu.memref_slice %arg13[%dma_start3A_615, %dma_start3A_624] : memref<16x512xf32, #tpu.memory_space<vmem>> -> memref<1x512xf32, #tpu.memory_space<vmem>>
    %dma_start3A_626 = tpu.memref_squeeze %dma_start3A_625 : memref<1x512xf32, #tpu.memory_space<vmem>> -> memref<512xf32, #tpu.memory_space<vmem>>
    tpu.enqueue_dma source(%dma_start3A_626 : memref<512xf32, #tpu.memory_space<vmem>>) target(%dma_start3A_623 : memref<512xf32, #tpu.memory_space<hbm>>) target_semaphore(%arg20 : memref<!tpu.dma_semaphore, #tpu.memory_space<semaphore_mem>>)
    %dma_start3A_627 = arith.constant 4 : i32
    %dma_start3A_628 = arith.constant 4 : i32
    %dma_start3A_629 = arith.constant 0 : i32
    %dma_start3A_630 = tpu.memref_slice %arg14[%dma_start3A_627, %dma_start3A_629] : memref<16x512xf32, #tpu.memory_space<vmem>> -> memref<1x512xf32, #tpu.memory_space<vmem>>
    %dma_start3A_631 = tpu.memref_squeeze %dma_start3A_630 : memref<1x512xf32, #tpu.memory_space<vmem>> -> memref<512xf32, #tpu.memory_space<vmem>>
    %dma_start3A_632 = tpu.memref_slice %arg8[%dma_start3A_628, %mul3A_2] : memref<16x16384xf32, #tpu.memory_space<hbm>> -> memref<1x512xf32, #tpu.memory_space<hbm>>
    %dma_start3A_633 = tpu.memref_squeeze %dma_start3A_632 : memref<1x512xf32, #tpu.memory_space<hbm>> -> memref<512xf32, #tpu.memory_space<hbm>>
    %dma_start3A_634 = tpu.memref_slice %arg8[%dma_start3A_628, %mul3A_2] : memref<16x16384xf32, #tpu.memory_space<hbm>> -> memref<1x512xf32, #tpu.memory_space<hbm>>
    %dma_start3A_635 = tpu.memref_squeeze %dma_start3A_634 : memref<1x512xf32, #tpu.memory_space<hbm>> -> memref<512xf32, #tpu.memory_space<hbm>>
    %dma_start3A_636 = arith.constant 0 : i32
    %dma_start3A_637 = tpu.memref_slice %arg14[%dma_start3A_627, %dma_start3A_636] : memref<16x512xf32, #tpu.memory_space<vmem>> -> memref<1x512xf32, #tpu.memory_space<vmem>>
    %dma_start3A_638 = tpu.memref_squeeze %dma_start3A_637 : memref<1x512xf32, #tpu.memory_space<vmem>> -> memref<512xf32, #tpu.memory_space<vmem>>
    tpu.enqueue_dma source(%dma_start3A_638 : memref<512xf32, #tpu.memory_space<vmem>>) target(%dma_start3A_635 : memref<512xf32, #tpu.memory_space<hbm>>) target_semaphore(%arg20 : memref<!tpu.dma_semaphore, #tpu.memory_space<semaphore_mem>>)
    %dma_start3A_639 = arith.constant 5 : i32
    %dma_start3A_640 = arith.constant 5 : i32
    %dma_start3A_641 = arith.constant 0 : i32
    %dma_start3A_642 = tpu.memref_slice %arg13[%dma_start3A_639, %dma_start3A_641] : memref<16x512xf32, #tpu.memory_space<vmem>> -> memref<1x512xf32, #tpu.memory_space<vmem>>
    %dma_start3A_643 = tpu.memref_squeeze %dma_start3A_642 : memref<1x512xf32, #tpu.memory_space<vmem>> -> memref<512xf32, #tpu.memory_space<vmem>>
    %dma_start3A_644 = tpu.memref_slice %arg7[%dma_start3A_640, %mul3A_2] : memref<16x16384xf32, #tpu.memory_space<hbm>> -> memref<1x512xf32, #tpu.memory_space<hbm>>
    %dma_start3A_645 = tpu.memref_squeeze %dma_start3A_644 : memref<1x512xf32, #tpu.memory_space<hbm>> -> memref<512xf32, #tpu.memory_space<hbm>>
    %dma_start3A_646 = tpu.memref_slice %arg7[%dma_start3A_640, %mul3A_2] : memref<16x16384xf32, #tpu.memory_space<hbm>> -> memref<1x512xf32, #tpu.memory_space<hbm>>
    %dma_start3A_647 = tpu.memref_squeeze %dma_start3A_646 : memref<1x512xf32, #tpu.memory_space<hbm>> -> memref<512xf32, #tpu.memory_space<hbm>>
    %dma_start3A_648 = arith.constant 0 : i32
    %dma_start3A_649 = tpu.memref_slice %arg13[%dma_start3A_639, %dma_start3A_648] : memref<16x512xf32, #tpu.memory_space<vmem>> -> memref<1x512xf32, #tpu.memory_space<vmem>>
    %dma_start3A_650 = tpu.memref_squeeze %dma_start3A_649 : memref<1x512xf32, #tpu.memory_space<vmem>> -> memref<512xf32, #tpu.memory_space<vmem>>
    tpu.enqueue_dma source(%dma_start3A_650 : memref<512xf32, #tpu.memory_space<vmem>>) target(%dma_start3A_647 : memref<512xf32, #tpu.memory_space<hbm>>) target_semaphore(%arg20 : memref<!tpu.dma_semaphore, #tpu.memory_space<semaphore_mem>>)
    %dma_start3A_651 = arith.constant 5 : i32
    %dma_start3A_652 = arith.constant 5 : i32
    %dma_start3A_653 = arith.constant 0 : i32
    %dma_start3A_654 = tpu.memref_slice %arg14[%dma_start3A_651, %dma_start3A_653] : memref<16x512xf32, #tpu.memory_space<vmem>> -> memref<1x512xf32, #tpu.memory_space<vmem>>
    %dma_start3A_655 = tpu.memref_squeeze %dma_start3A_654 : memref<1x512xf32, #tpu.memory_space<vmem>> -> memref<512xf32, #tpu.memory_space<vmem>>
    %dma_start3A_656 = tpu.memref_slice %arg8[%dma_start3A_652, %mul3A_2] : memref<16x16384xf32, #tpu.memory_space<hbm>> -> memref<1x512xf32, #tpu.memory_space<hbm>>
    %dma_start3A_657 = tpu.memref_squeeze %dma_start3A_656 : memref<1x512xf32, #tpu.memory_space<hbm>> -> memref<512xf32, #tpu.memory_space<hbm>>
    %dma_start3A_658 = tpu.memref_slice %arg8[%dma_start3A_652, %mul3A_2] : memref<16x16384xf32, #tpu.memory_space<hbm>> -> memref<1x512xf32, #tpu.memory_space<hbm>>
    %dma_start3A_659 = tpu.memref_squeeze %dma_start3A_658 : memref<1x512xf32, #tpu.memory_space<hbm>> -> memref<512xf32, #tpu.memory_space<hbm>>
    %dma_start3A_660 = arith.constant 0 : i32
    %dma_start3A_661 = tpu.memref_slice %arg14[%dma_start3A_651, %dma_start3A_660] : memref<16x512xf32, #tpu.memory_space<vmem>> -> memref<1x512xf32, #tpu.memory_space<vmem>>
    %dma_start3A_662 = tpu.memref_squeeze %dma_start3A_661 : memref<1x512xf32, #tpu.memory_space<vmem>> -> memref<512xf32, #tpu.memory_space<vmem>>
    tpu.enqueue_dma source(%dma_start3A_662 : memref<512xf32, #tpu.memory_space<vmem>>) target(%dma_start3A_659 : memref<512xf32, #tpu.memory_space<hbm>>) target_semaphore(%arg20 : memref<!tpu.dma_semaphore, #tpu.memory_space<semaphore_mem>>)
    %dma_start3A_663 = arith.constant 6 : i32
    %dma_start3A_664 = arith.constant 6 : i32
    %dma_start3A_665 = arith.constant 0 : i32
    %dma_start3A_666 = tpu.memref_slice %arg13[%dma_start3A_663, %dma_start3A_665] : memref<16x512xf32, #tpu.memory_space<vmem>> -> memref<1x512xf32, #tpu.memory_space<vmem>>
    %dma_start3A_667 = tpu.memref_squeeze %dma_start3A_666 : memref<1x512xf32, #tpu.memory_space<vmem>> -> memref<512xf32, #tpu.memory_space<vmem>>
    %dma_start3A_668 = tpu.memref_slice %arg7[%dma_start3A_664, %mul3A_2] : memref<16x16384xf32, #tpu.memory_space<hbm>> -> memref<1x512xf32, #tpu.memory_space<hbm>>
    %dma_start3A_669 = tpu.memref_squeeze %dma_start3A_668 : memref<1x512xf32, #tpu.memory_space<hbm>> -> memref<512xf32, #tpu.memory_space<hbm>>
    %dma_start3A_670 = tpu.memref_slice %arg7[%dma_start3A_664, %mul3A_2] : memref<16x16384xf32, #tpu.memory_space<hbm>> -> memref<1x512xf32, #tpu.memory_space<hbm>>
    %dma_start3A_671 = tpu.memref_squeeze %dma_start3A_670 : memref<1x512xf32, #tpu.memory_space<hbm>> -> memref<512xf32, #tpu.memory_space<hbm>>
    %dma_start3A_672 = arith.constant 0 : i32
    %dma_start3A_673 = tpu.memref_slice %arg13[%dma_start3A_663, %dma_start3A_672] : memref<16x512xf32, #tpu.memory_space<vmem>> -> memref<1x512xf32, #tpu.memory_space<vmem>>
    %dma_start3A_674 = tpu.memref_squeeze %dma_start3A_673 : memref<1x512xf32, #tpu.memory_space<vmem>> -> memref<512xf32, #tpu.memory_space<vmem>>
    tpu.enqueue_dma source(%dma_start3A_674 : memref<512xf32, #tpu.memory_space<vmem>>) target(%dma_start3A_671 : memref<512xf32, #tpu.memory_space<hbm>>) target_semaphore(%arg20 : memref<!tpu.dma_semaphore, #tpu.memory_space<semaphore_mem>>)
    %dma_start3A_675 = arith.constant 6 : i32
    %dma_start3A_676 = arith.constant 6 : i32
    %dma_start3A_677 = arith.constant 0 : i32
    %dma_start3A_678 = tpu.memref_slice %arg14[%dma_start3A_675, %dma_start3A_677] : memref<16x512xf32, #tpu.memory_space<vmem>> -> memref<1x512xf32, #tpu.memory_space<vmem>>
    %dma_start3A_679 = tpu.memref_squeeze %dma_start3A_678 : memref<1x512xf32, #tpu.memory_space<vmem>> -> memref<512xf32, #tpu.memory_space<vmem>>
    %dma_start3A_680 = tpu.memref_slice %arg8[%dma_start3A_676, %mul3A_2] : memref<16x16384xf32, #tpu.memory_space<hbm>> -> memref<1x512xf32, #tpu.memory_space<hbm>>
    %dma_start3A_681 = tpu.memref_squeeze %dma_start3A_680 : memref<1x512xf32, #tpu.memory_space<hbm>> -> memref<512xf32, #tpu.memory_space<hbm>>
    %dma_start3A_682 = tpu.memref_slice %arg8[%dma_start3A_676, %mul3A_2] : memref<16x16384xf32, #tpu.memory_space<hbm>> -> memref<1x512xf32, #tpu.memory_space<hbm>>
    %dma_start3A_683 = tpu.memref_squeeze %dma_start3A_682 : memref<1x512xf32, #tpu.memory_space<hbm>> -> memref<512xf32, #tpu.memory_space<hbm>>
    %dma_start3A_684 = arith.constant 0 : i32
    %dma_start3A_685 = tpu.memref_slice %arg14[%dma_start3A_675, %dma_start3A_684] : memref<16x512xf32, #tpu.memory_space<vmem>> -> memref<1x512xf32, #tpu.memory_space<vmem>>
    %dma_start3A_686 = tpu.memref_squeeze %dma_start3A_685 : memref<1x512xf32, #tpu.memory_space<vmem>> -> memref<512xf32, #tpu.memory_space<vmem>>
    tpu.enqueue_dma source(%dma_start3A_686 : memref<512xf32, #tpu.memory_space<vmem>>) target(%dma_start3A_683 : memref<512xf32, #tpu.memory_space<hbm>>) target_semaphore(%arg20 : memref<!tpu.dma_semaphore, #tpu.memory_space<semaphore_mem>>)
    %dma_start3A_687 = arith.constant 7 : i32
    %dma_start3A_688 = arith.constant 7 : i32
    %dma_start3A_689 = arith.constant 0 : i32
    %dma_start3A_690 = tpu.memref_slice %arg13[%dma_start3A_687, %dma_start3A_689] : memref<16x512xf32, #tpu.memory_space<vmem>> -> memref<1x512xf32, #tpu.memory_space<vmem>>
    %dma_start3A_691 = tpu.memref_squeeze %dma_start3A_690 : memref<1x512xf32, #tpu.memory_space<vmem>> -> memref<512xf32, #tpu.memory_space<vmem>>
    %dma_start3A_692 = tpu.memref_slice %arg7[%dma_start3A_688, %mul3A_2] : memref<16x16384xf32, #tpu.memory_space<hbm>> -> memref<1x512xf32, #tpu.memory_space<hbm>>
    %dma_start3A_693 = tpu.memref_squeeze %dma_start3A_692 : memref<1x512xf32, #tpu.memory_space<hbm>> -> memref<512xf32, #tpu.memory_space<hbm>>
    %dma_start3A_694 = tpu.memref_slice %arg7[%dma_start3A_688, %mul3A_2] : memref<16x16384xf32, #tpu.memory_space<hbm>> -> memref<1x512xf32, #tpu.memory_space<hbm>>
    %dma_start3A_695 = tpu.memref_squeeze %dma_start3A_694 : memref<1x512xf32, #tpu.memory_space<hbm>> -> memref<512xf32, #tpu.memory_space<hbm>>
    %dma_start3A_696 = arith.constant 0 : i32
    %dma_start3A_697 = tpu.memref_slice %arg13[%dma_start3A_687, %dma_start3A_696] : memref<16x512xf32, #tpu.memory_space<vmem>> -> memref<1x512xf32, #tpu.memory_space<vmem>>
    %dma_start3A_698 = tpu.memref_squeeze %dma_start3A_697 : memref<1x512xf32, #tpu.memory_space<vmem>> -> memref<512xf32, #tpu.memory_space<vmem>>
    tpu.enqueue_dma source(%dma_start3A_698 : memref<512xf32, #tpu.memory_space<vmem>>) target(%dma_start3A_695 : memref<512xf32, #tpu.memory_space<hbm>>) target_semaphore(%arg20 : memref<!tpu.dma_semaphore, #tpu.memory_space<semaphore_mem>>)
    %dma_start3A_699 = arith.constant 7 : i32
    %dma_start3A_700 = arith.constant 7 : i32
    %dma_start3A_701 = arith.constant 0 : i32
    %dma_start3A_702 = tpu.memref_slice %arg14[%dma_start3A_699, %dma_start3A_701] : memref<16x512xf32, #tpu.memory_space<vmem>> -> memref<1x512xf32, #tpu.memory_space<vmem>>
    %dma_start3A_703 = tpu.memref_squeeze %dma_start3A_702 : memref<1x512xf32, #tpu.memory_space<vmem>> -> memref<512xf32, #tpu.memory_space<vmem>>
    %dma_start3A_704 = tpu.memref_slice %arg8[%dma_start3A_700, %mul3A_2] : memref<16x16384xf32, #tpu.memory_space<hbm>> -> memref<1x512xf32, #tpu.memory_space<hbm>>
    %dma_start3A_705 = tpu.memref_squeeze %dma_start3A_704 : memref<1x512xf32, #tpu.memory_space<hbm>> -> memref<512xf32, #tpu.memory_space<hbm>>
    %dma_start3A_706 = tpu.memref_slice %arg8[%dma_start3A_700, %mul3A_2] : memref<16x16384xf32, #tpu.memory_space<hbm>> -> memref<1x512xf32, #tpu.memory_space<hbm>>
    %dma_start3A_707 = tpu.memref_squeeze %dma_start3A_706 : memref<1x512xf32, #tpu.memory_space<hbm>> -> memref<512xf32, #tpu.memory_space<hbm>>
    %dma_start3A_708 = arith.constant 0 : i32
    %dma_start3A_709 = tpu.memref_slice %arg14[%dma_start3A_699, %dma_start3A_708] : memref<16x512xf32, #tpu.memory_space<vmem>> -> memref<1x512xf32, #tpu.memory_space<vmem>>
    %dma_start3A_710 = tpu.memref_squeeze %dma_start3A_709 : memref<1x512xf32, #tpu.memory_space<vmem>> -> memref<512xf32, #tpu.memory_space<vmem>>
    tpu.enqueue_dma source(%dma_start3A_710 : memref<512xf32, #tpu.memory_space<vmem>>) target(%dma_start3A_707 : memref<512xf32, #tpu.memory_space<hbm>>) target_semaphore(%arg20 : memref<!tpu.dma_semaphore, #tpu.memory_space<semaphore_mem>>)
    %dma_start3A_711 = arith.constant 8 : i32
    %dma_start3A_712 = arith.constant 8 : i32
    %dma_start3A_713 = arith.constant 0 : i32
    %dma_start3A_714 = tpu.memref_slice %arg13[%dma_start3A_711, %dma_start3A_713] : memref<16x512xf32, #tpu.memory_space<vmem>> -> memref<1x512xf32, #tpu.memory_space<vmem>>
    %dma_start3A_715 = tpu.memref_squeeze %dma_start3A_714 : memref<1x512xf32, #tpu.memory_space<vmem>> -> memref<512xf32, #tpu.memory_space<vmem>>
    %dma_start3A_716 = tpu.memref_slice %arg7[%dma_start3A_712, %mul3A_2] : memref<16x16384xf32, #tpu.memory_space<hbm>> -> memref<1x512xf32, #tpu.memory_space<hbm>>
    %dma_start3A_717 = tpu.memref_squeeze %dma_start3A_716 : memref<1x512xf32, #tpu.memory_space<hbm>> -> memref<512xf32, #tpu.memory_space<hbm>>
    %dma_start3A_718 = tpu.memref_slice %arg7[%dma_start3A_712, %mul3A_2] : memref<16x16384xf32, #tpu.memory_space<hbm>> -> memref<1x512xf32, #tpu.memory_space<hbm>>
    %dma_start3A_719 = tpu.memref_squeeze %dma_start3A_718 : memref<1x512xf32, #tpu.memory_space<hbm>> -> memref<512xf32, #tpu.memory_space<hbm>>
    %dma_start3A_720 = arith.constant 0 : i32
    %dma_start3A_721 = tpu.memref_slice %arg13[%dma_start3A_711, %dma_start3A_720] : memref<16x512xf32, #tpu.memory_space<vmem>> -> memref<1x512xf32, #tpu.memory_space<vmem>>
    %dma_start3A_722 = tpu.memref_squeeze %dma_start3A_721 : memref<1x512xf32, #tpu.memory_space<vmem>> -> memref<512xf32, #tpu.memory_space<vmem>>
    tpu.enqueue_dma source(%dma_start3A_722 : memref<512xf32, #tpu.memory_space<vmem>>) target(%dma_start3A_719 : memref<512xf32, #tpu.memory_space<hbm>>) target_semaphore(%arg20 : memref<!tpu.dma_semaphore, #tpu.memory_space<semaphore_mem>>)
    %dma_start3A_723 = arith.constant 8 : i32
    %dma_start3A_724 = arith.constant 8 : i32
    %dma_start3A_725 = arith.constant 0 : i32
    %dma_start3A_726 = tpu.memref_slice %arg14[%dma_start3A_723, %dma_start3A_725] : memref<16x512xf32, #tpu.memory_space<vmem>> -> memref<1x512xf32, #tpu.memory_space<vmem>>
    %dma_start3A_727 = tpu.memref_squeeze %dma_start3A_726 : memref<1x512xf32, #tpu.memory_space<vmem>> -> memref<512xf32, #tpu.memory_space<vmem>>
    %dma_start3A_728 = tpu.memref_slice %arg8[%dma_start3A_724, %mul3A_2] : memref<16x16384xf32, #tpu.memory_space<hbm>> -> memref<1x512xf32, #tpu.memory_space<hbm>>
    %dma_start3A_729 = tpu.memref_squeeze %dma_start3A_728 : memref<1x512xf32, #tpu.memory_space<hbm>> -> memref<512xf32, #tpu.memory_space<hbm>>
    %dma_start3A_730 = tpu.memref_slice %arg8[%dma_start3A_724, %mul3A_2] : memref<16x16384xf32, #tpu.memory_space<hbm>> -> memref<1x512xf32, #tpu.memory_space<hbm>>
    %dma_start3A_731 = tpu.memref_squeeze %dma_start3A_730 : memref<1x512xf32, #tpu.memory_space<hbm>> -> memref<512xf32, #tpu.memory_space<hbm>>
    %dma_start3A_732 = arith.constant 0 : i32
    %dma_start3A_733 = tpu.memref_slice %arg14[%dma_start3A_723, %dma_start3A_732] : memref<16x512xf32, #tpu.memory_space<vmem>> -> memref<1x512xf32, #tpu.memory_space<vmem>>
    %dma_start3A_734 = tpu.memref_squeeze %dma_start3A_733 : memref<1x512xf32, #tpu.memory_space<vmem>> -> memref<512xf32, #tpu.memory_space<vmem>>
    tpu.enqueue_dma source(%dma_start3A_734 : memref<512xf32, #tpu.memory_space<vmem>>) target(%dma_start3A_731 : memref<512xf32, #tpu.memory_space<hbm>>) target_semaphore(%arg20 : memref<!tpu.dma_semaphore, #tpu.memory_space<semaphore_mem>>)
    %dma_start3A_735 = arith.constant 9 : i32
    %dma_start3A_736 = arith.constant 9 : i32
    %dma_start3A_737 = arith.constant 0 : i32
    %dma_start3A_738 = tpu.memref_slice %arg13[%dma_start3A_735, %dma_start3A_737] : memref<16x512xf32, #tpu.memory_space<vmem>> -> memref<1x512xf32, #tpu.memory_space<vmem>>
    %dma_start3A_739 = tpu.memref_squeeze %dma_start3A_738 : memref<1x512xf32, #tpu.memory_space<vmem>> -> memref<512xf32, #tpu.memory_space<vmem>>
    %dma_start3A_740 = tpu.memref_slice %arg7[%dma_start3A_736, %mul3A_2] : memref<16x16384xf32, #tpu.memory_space<hbm>> -> memref<1x512xf32, #tpu.memory_space<hbm>>
    %dma_start3A_741 = tpu.memref_squeeze %dma_start3A_740 : memref<1x512xf32, #tpu.memory_space<hbm>> -> memref<512xf32, #tpu.memory_space<hbm>>
    %dma_start3A_742 = tpu.memref_slice %arg7[%dma_start3A_736, %mul3A_2] : memref<16x16384xf32, #tpu.memory_space<hbm>> -> memref<1x512xf32, #tpu.memory_space<hbm>>
    %dma_start3A_743 = tpu.memref_squeeze %dma_start3A_742 : memref<1x512xf32, #tpu.memory_space<hbm>> -> memref<512xf32, #tpu.memory_space<hbm>>
    %dma_start3A_744 = arith.constant 0 : i32
    %dma_start3A_745 = tpu.memref_slice %arg13[%dma_start3A_735, %dma_start3A_744] : memref<16x512xf32, #tpu.memory_space<vmem>> -> memref<1x512xf32, #tpu.memory_space<vmem>>
    %dma_start3A_746 = tpu.memref_squeeze %dma_start3A_745 : memref<1x512xf32, #tpu.memory_space<vmem>> -> memref<512xf32, #tpu.memory_space<vmem>>
    tpu.enqueue_dma source(%dma_start3A_746 : memref<512xf32, #tpu.memory_space<vmem>>) target(%dma_start3A_743 : memref<512xf32, #tpu.memory_space<hbm>>) target_semaphore(%arg20 : memref<!tpu.dma_semaphore, #tpu.memory_space<semaphore_mem>>)
    %dma_start3A_747 = arith.constant 9 : i32
    %dma_start3A_748 = arith.constant 9 : i32
    %dma_start3A_749 = arith.constant 0 : i32
    %dma_start3A_750 = tpu.memref_slice %arg14[%dma_start3A_747, %dma_start3A_749] : memref<16x512xf32, #tpu.memory_space<vmem>> -> memref<1x512xf32, #tpu.memory_space<vmem>>
    %dma_start3A_751 = tpu.memref_squeeze %dma_start3A_750 : memref<1x512xf32, #tpu.memory_space<vmem>> -> memref<512xf32, #tpu.memory_space<vmem>>
    %dma_start3A_752 = tpu.memref_slice %arg8[%dma_start3A_748, %mul3A_2] : memref<16x16384xf32, #tpu.memory_space<hbm>> -> memref<1x512xf32, #tpu.memory_space<hbm>>
    %dma_start3A_753 = tpu.memref_squeeze %dma_start3A_752 : memref<1x512xf32, #tpu.memory_space<hbm>> -> memref<512xf32, #tpu.memory_space<hbm>>
    %dma_start3A_754 = tpu.memref_slice %arg8[%dma_start3A_748, %mul3A_2] : memref<16x16384xf32, #tpu.memory_space<hbm>> -> memref<1x512xf32, #tpu.memory_space<hbm>>
    %dma_start3A_755 = tpu.memref_squeeze %dma_start3A_754 : memref<1x512xf32, #tpu.memory_space<hbm>> -> memref<512xf32, #tpu.memory_space<hbm>>
    %dma_start3A_756 = arith.constant 0 : i32
    %dma_start3A_757 = tpu.memref_slice %arg14[%dma_start3A_747, %dma_start3A_756] : memref<16x512xf32, #tpu.memory_space<vmem>> -> memref<1x512xf32, #tpu.memory_space<vmem>>
    %dma_start3A_758 = tpu.memref_squeeze %dma_start3A_757 : memref<1x512xf32, #tpu.memory_space<vmem>> -> memref<512xf32, #tpu.memory_space<vmem>>
    tpu.enqueue_dma source(%dma_start3A_758 : memref<512xf32, #tpu.memory_space<vmem>>) target(%dma_start3A_755 : memref<512xf32, #tpu.memory_space<hbm>>) target_semaphore(%arg20 : memref<!tpu.dma_semaphore, #tpu.memory_space<semaphore_mem>>)
    %dma_start3A_759 = arith.constant 10 : i32
    %dma_start3A_760 = arith.constant 10 : i32
    %dma_start3A_761 = arith.constant 0 : i32
    %dma_start3A_762 = tpu.memref_slice %arg13[%dma_start3A_759, %dma_start3A_761] : memref<16x512xf32, #tpu.memory_space<vmem>> -> memref<1x512xf32, #tpu.memory_space<vmem>>
    %dma_start3A_763 = tpu.memref_squeeze %dma_start3A_762 : memref<1x512xf32, #tpu.memory_space<vmem>> -> memref<512xf32, #tpu.memory_space<vmem>>
    %dma_start3A_764 = tpu.memref_slice %arg7[%dma_start3A_760, %mul3A_2] : memref<16x16384xf32, #tpu.memory_space<hbm>> -> memref<1x512xf32, #tpu.memory_space<hbm>>
    %dma_start3A_765 = tpu.memref_squeeze %dma_start3A_764 : memref<1x512xf32, #tpu.memory_space<hbm>> -> memref<512xf32, #tpu.memory_space<hbm>>
    %dma_start3A_766 = tpu.memref_slice %arg7[%dma_start3A_760, %mul3A_2] : memref<16x16384xf32, #tpu.memory_space<hbm>> -> memref<1x512xf32, #tpu.memory_space<hbm>>
    %dma_start3A_767 = tpu.memref_squeeze %dma_start3A_766 : memref<1x512xf32, #tpu.memory_space<hbm>> -> memref<512xf32, #tpu.memory_space<hbm>>
    %dma_start3A_768 = arith.constant 0 : i32
    %dma_start3A_769 = tpu.memref_slice %arg13[%dma_start3A_759, %dma_start3A_768] : memref<16x512xf32, #tpu.memory_space<vmem>> -> memref<1x512xf32, #tpu.memory_space<vmem>>
    %dma_start3A_770 = tpu.memref_squeeze %dma_start3A_769 : memref<1x512xf32, #tpu.memory_space<vmem>> -> memref<512xf32, #tpu.memory_space<vmem>>
    tpu.enqueue_dma source(%dma_start3A_770 : memref<512xf32, #tpu.memory_space<vmem>>) target(%dma_start3A_767 : memref<512xf32, #tpu.memory_space<hbm>>) target_semaphore(%arg20 : memref<!tpu.dma_semaphore, #tpu.memory_space<semaphore_mem>>)
    %dma_start3A_771 = arith.constant 10 : i32
    %dma_start3A_772 = arith.constant 10 : i32
    %dma_start3A_773 = arith.constant 0 : i32
    %dma_start3A_774 = tpu.memref_slice %arg14[%dma_start3A_771, %dma_start3A_773] : memref<16x512xf32, #tpu.memory_space<vmem>> -> memref<1x512xf32, #tpu.memory_space<vmem>>
    %dma_start3A_775 = tpu.memref_squeeze %dma_start3A_774 : memref<1x512xf32, #tpu.memory_space<vmem>> -> memref<512xf32, #tpu.memory_space<vmem>>
    %dma_start3A_776 = tpu.memref_slice %arg8[%dma_start3A_772, %mul3A_2] : memref<16x16384xf32, #tpu.memory_space<hbm>> -> memref<1x512xf32, #tpu.memory_space<hbm>>
    %dma_start3A_777 = tpu.memref_squeeze %dma_start3A_776 : memref<1x512xf32, #tpu.memory_space<hbm>> -> memref<512xf32, #tpu.memory_space<hbm>>
    %dma_start3A_778 = tpu.memref_slice %arg8[%dma_start3A_772, %mul3A_2] : memref<16x16384xf32, #tpu.memory_space<hbm>> -> memref<1x512xf32, #tpu.memory_space<hbm>>
    %dma_start3A_779 = tpu.memref_squeeze %dma_start3A_778 : memref<1x512xf32, #tpu.memory_space<hbm>> -> memref<512xf32, #tpu.memory_space<hbm>>
    %dma_start3A_780 = arith.constant 0 : i32
    %dma_start3A_781 = tpu.memref_slice %arg14[%dma_start3A_771, %dma_start3A_780] : memref<16x512xf32, #tpu.memory_space<vmem>> -> memref<1x512xf32, #tpu.memory_space<vmem>>
    %dma_start3A_782 = tpu.memref_squeeze %dma_start3A_781 : memref<1x512xf32, #tpu.memory_space<vmem>> -> memref<512xf32, #tpu.memory_space<vmem>>
    tpu.enqueue_dma source(%dma_start3A_782 : memref<512xf32, #tpu.memory_space<vmem>>) target(%dma_start3A_779 : memref<512xf32, #tpu.memory_space<hbm>>) target_semaphore(%arg20 : memref<!tpu.dma_semaphore, #tpu.memory_space<semaphore_mem>>)
    %dma_start3A_783 = arith.constant 11 : i32
    %dma_start3A_784 = arith.constant 11 : i32
    %dma_start3A_785 = arith.constant 0 : i32
    %dma_start3A_786 = tpu.memref_slice %arg13[%dma_start3A_783, %dma_start3A_785] : memref<16x512xf32, #tpu.memory_space<vmem>> -> memref<1x512xf32, #tpu.memory_space<vmem>>
    %dma_start3A_787 = tpu.memref_squeeze %dma_start3A_786 : memref<1x512xf32, #tpu.memory_space<vmem>> -> memref<512xf32, #tpu.memory_space<vmem>>
    %dma_start3A_788 = tpu.memref_slice %arg7[%dma_start3A_784, %mul3A_2] : memref<16x16384xf32, #tpu.memory_space<hbm>> -> memref<1x512xf32, #tpu.memory_space<hbm>>
    %dma_start3A_789 = tpu.memref_squeeze %dma_start3A_788 : memref<1x512xf32, #tpu.memory_space<hbm>> -> memref<512xf32, #tpu.memory_space<hbm>>
    %dma_start3A_790 = tpu.memref_slice %arg7[%dma_start3A_784, %mul3A_2] : memref<16x16384xf32, #tpu.memory_space<hbm>> -> memref<1x512xf32, #tpu.memory_space<hbm>>
    %dma_start3A_791 = tpu.memref_squeeze %dma_start3A_790 : memref<1x512xf32, #tpu.memory_space<hbm>> -> memref<512xf32, #tpu.memory_space<hbm>>
    %dma_start3A_792 = arith.constant 0 : i32
    %dma_start3A_793 = tpu.memref_slice %arg13[%dma_start3A_783, %dma_start3A_792] : memref<16x512xf32, #tpu.memory_space<vmem>> -> memref<1x512xf32, #tpu.memory_space<vmem>>
    %dma_start3A_794 = tpu.memref_squeeze %dma_start3A_793 : memref<1x512xf32, #tpu.memory_space<vmem>> -> memref<512xf32, #tpu.memory_space<vmem>>
    tpu.enqueue_dma source(%dma_start3A_794 : memref<512xf32, #tpu.memory_space<vmem>>) target(%dma_start3A_791 : memref<512xf32, #tpu.memory_space<hbm>>) target_semaphore(%arg20 : memref<!tpu.dma_semaphore, #tpu.memory_space<semaphore_mem>>)
    %dma_start3A_795 = arith.constant 11 : i32
    %dma_start3A_796 = arith.constant 11 : i32
    %dma_start3A_797 = arith.constant 0 : i32
    %dma_start3A_798 = tpu.memref_slice %arg14[%dma_start3A_795, %dma_start3A_797] : memref<16x512xf32, #tpu.memory_space<vmem>> -> memref<1x512xf32, #tpu.memory_space<vmem>>
    %dma_start3A_799 = tpu.memref_squeeze %dma_start3A_798 : memref<1x512xf32, #tpu.memory_space<vmem>> -> memref<512xf32, #tpu.memory_space<vmem>>
    %dma_start3A_800 = tpu.memref_slice %arg8[%dma_start3A_796, %mul3A_2] : memref<16x16384xf32, #tpu.memory_space<hbm>> -> memref<1x512xf32, #tpu.memory_space<hbm>>
    %dma_start3A_801 = tpu.memref_squeeze %dma_start3A_800 : memref<1x512xf32, #tpu.memory_space<hbm>> -> memref<512xf32, #tpu.memory_space<hbm>>
    %dma_start3A_802 = tpu.memref_slice %arg8[%dma_start3A_796, %mul3A_2] : memref<16x16384xf32, #tpu.memory_space<hbm>> -> memref<1x512xf32, #tpu.memory_space<hbm>>
    %dma_start3A_803 = tpu.memref_squeeze %dma_start3A_802 : memref<1x512xf32, #tpu.memory_space<hbm>> -> memref<512xf32, #tpu.memory_space<hbm>>
    %dma_start3A_804 = arith.constant 0 : i32
    %dma_start3A_805 = tpu.memref_slice %arg14[%dma_start3A_795, %dma_start3A_804] : memref<16x512xf32, #tpu.memory_space<vmem>> -> memref<1x512xf32, #tpu.memory_space<vmem>>
    %dma_start3A_806 = tpu.memref_squeeze %dma_start3A_805 : memref<1x512xf32, #tpu.memory_space<vmem>> -> memref<512xf32, #tpu.memory_space<vmem>>
    tpu.enqueue_dma source(%dma_start3A_806 : memref<512xf32, #tpu.memory_space<vmem>>) target(%dma_start3A_803 : memref<512xf32, #tpu.memory_space<hbm>>) target_semaphore(%arg20 : memref<!tpu.dma_semaphore, #tpu.memory_space<semaphore_mem>>)
    %dma_start3A_807 = arith.constant 12 : i32
    %dma_start3A_808 = arith.constant 12 : i32
    %dma_start3A_809 = arith.constant 0 : i32
    %dma_start3A_810 = tpu.memref_slice %arg13[%dma_start3A_807, %dma_start3A_809] : memref<16x512xf32, #tpu.memory_space<vmem>> -> memref<1x512xf32, #tpu.memory_space<vmem>>
    %dma_start3A_811 = tpu.memref_squeeze %dma_start3A_810 : memref<1x512xf32, #tpu.memory_space<vmem>> -> memref<512xf32, #tpu.memory_space<vmem>>
    %dma_start3A_812 = tpu.memref_slice %arg7[%dma_start3A_808, %mul3A_2] : memref<16x16384xf32, #tpu.memory_space<hbm>> -> memref<1x512xf32, #tpu.memory_space<hbm>>
    %dma_start3A_813 = tpu.memref_squeeze %dma_start3A_812 : memref<1x512xf32, #tpu.memory_space<hbm>> -> memref<512xf32, #tpu.memory_space<hbm>>
    %dma_start3A_814 = tpu.memref_slice %arg7[%dma_start3A_808, %mul3A_2] : memref<16x16384xf32, #tpu.memory_space<hbm>> -> memref<1x512xf32, #tpu.memory_space<hbm>>
    %dma_start3A_815 = tpu.memref_squeeze %dma_start3A_814 : memref<1x512xf32, #tpu.memory_space<hbm>> -> memref<512xf32, #tpu.memory_space<hbm>>
    %dma_start3A_816 = arith.constant 0 : i32
    %dma_start3A_817 = tpu.memref_slice %arg13[%dma_start3A_807, %dma_start3A_816] : memref<16x512xf32, #tpu.memory_space<vmem>> -> memref<1x512xf32, #tpu.memory_space<vmem>>
    %dma_start3A_818 = tpu.memref_squeeze %dma_start3A_817 : memref<1x512xf32, #tpu.memory_space<vmem>> -> memref<512xf32, #tpu.memory_space<vmem>>
    tpu.enqueue_dma source(%dma_start3A_818 : memref<512xf32, #tpu.memory_space<vmem>>) target(%dma_start3A_815 : memref<512xf32, #tpu.memory_space<hbm>>) target_semaphore(%arg20 : memref<!tpu.dma_semaphore, #tpu.memory_space<semaphore_mem>>)
    %dma_start3A_819 = arith.constant 12 : i32
    %dma_start3A_820 = arith.constant 12 : i32
    %dma_start3A_821 = arith.constant 0 : i32
    %dma_start3A_822 = tpu.memref_slice %arg14[%dma_start3A_819, %dma_start3A_821] : memref<16x512xf32, #tpu.memory_space<vmem>> -> memref<1x512xf32, #tpu.memory_space<vmem>>
    %dma_start3A_823 = tpu.memref_squeeze %dma_start3A_822 : memref<1x512xf32, #tpu.memory_space<vmem>> -> memref<512xf32, #tpu.memory_space<vmem>>
    %dma_start3A_824 = tpu.memref_slice %arg8[%dma_start3A_820, %mul3A_2] : memref<16x16384xf32, #tpu.memory_space<hbm>> -> memref<1x512xf32, #tpu.memory_space<hbm>>
    %dma_start3A_825 = tpu.memref_squeeze %dma_start3A_824 : memref<1x512xf32, #tpu.memory_space<hbm>> -> memref<512xf32, #tpu.memory_space<hbm>>
    %dma_start3A_826 = tpu.memref_slice %arg8[%dma_start3A_820, %mul3A_2] : memref<16x16384xf32, #tpu.memory_space<hbm>> -> memref<1x512xf32, #tpu.memory_space<hbm>>
    %dma_start3A_827 = tpu.memref_squeeze %dma_start3A_826 : memref<1x512xf32, #tpu.memory_space<hbm>> -> memref<512xf32, #tpu.memory_space<hbm>>
    %dma_start3A_828 = arith.constant 0 : i32
    %dma_start3A_829 = tpu.memref_slice %arg14[%dma_start3A_819, %dma_start3A_828] : memref<16x512xf32, #tpu.memory_space<vmem>> -> memref<1x512xf32, #tpu.memory_space<vmem>>
    %dma_start3A_830 = tpu.memref_squeeze %dma_start3A_829 : memref<1x512xf32, #tpu.memory_space<vmem>> -> memref<512xf32, #tpu.memory_space<vmem>>
    tpu.enqueue_dma source(%dma_start3A_830 : memref<512xf32, #tpu.memory_space<vmem>>) target(%dma_start3A_827 : memref<512xf32, #tpu.memory_space<hbm>>) target_semaphore(%arg20 : memref<!tpu.dma_semaphore, #tpu.memory_space<semaphore_mem>>)
    %dma_start3A_831 = arith.constant 13 : i32
    %dma_start3A_832 = arith.constant 13 : i32
    %dma_start3A_833 = arith.constant 0 : i32
    %dma_start3A_834 = tpu.memref_slice %arg13[%dma_start3A_831, %dma_start3A_833] : memref<16x512xf32, #tpu.memory_space<vmem>> -> memref<1x512xf32, #tpu.memory_space<vmem>>
    %dma_start3A_835 = tpu.memref_squeeze %dma_start3A_834 : memref<1x512xf32, #tpu.memory_space<vmem>> -> memref<512xf32, #tpu.memory_space<vmem>>
    %dma_start3A_836 = tpu.memref_slice %arg7[%dma_start3A_832, %mul3A_2] : memref<16x16384xf32, #tpu.memory_space<hbm>> -> memref<1x512xf32, #tpu.memory_space<hbm>>
    %dma_start3A_837 = tpu.memref_squeeze %dma_start3A_836 : memref<1x512xf32, #tpu.memory_space<hbm>> -> memref<512xf32, #tpu.memory_space<hbm>>
    %dma_start3A_838 = tpu.memref_slice %arg7[%dma_start3A_832, %mul3A_2] : memref<16x16384xf32, #tpu.memory_space<hbm>> -> memref<1x512xf32, #tpu.memory_space<hbm>>
    %dma_start3A_839 = tpu.memref_squeeze %dma_start3A_838 : memref<1x512xf32, #tpu.memory_space<hbm>> -> memref<512xf32, #tpu.memory_space<hbm>>
    %dma_start3A_840 = arith.constant 0 : i32
    %dma_start3A_841 = tpu.memref_slice %arg13[%dma_start3A_831, %dma_start3A_840] : memref<16x512xf32, #tpu.memory_space<vmem>> -> memref<1x512xf32, #tpu.memory_space<vmem>>
    %dma_start3A_842 = tpu.memref_squeeze %dma_start3A_841 : memref<1x512xf32, #tpu.memory_space<vmem>> -> memref<512xf32, #tpu.memory_space<vmem>>
    tpu.enqueue_dma source(%dma_start3A_842 : memref<512xf32, #tpu.memory_space<vmem>>) target(%dma_start3A_839 : memref<512xf32, #tpu.memory_space<hbm>>) target_semaphore(%arg20 : memref<!tpu.dma_semaphore, #tpu.memory_space<semaphore_mem>>)
    %dma_start3A_843 = arith.constant 13 : i32
    %dma_start3A_844 = arith.constant 13 : i32
    %dma_start3A_845 = arith.constant 0 : i32
    %dma_start3A_846 = tpu.memref_slice %arg14[%dma_start3A_843, %dma_start3A_845] : memref<16x512xf32, #tpu.memory_space<vmem>> -> memref<1x512xf32, #tpu.memory_space<vmem>>
    %dma_start3A_847 = tpu.memref_squeeze %dma_start3A_846 : memref<1x512xf32, #tpu.memory_space<vmem>> -> memref<512xf32, #tpu.memory_space<vmem>>
    %dma_start3A_848 = tpu.memref_slice %arg8[%dma_start3A_844, %mul3A_2] : memref<16x16384xf32, #tpu.memory_space<hbm>> -> memref<1x512xf32, #tpu.memory_space<hbm>>
    %dma_start3A_849 = tpu.memref_squeeze %dma_start3A_848 : memref<1x512xf32, #tpu.memory_space<hbm>> -> memref<512xf32, #tpu.memory_space<hbm>>
    %dma_start3A_850 = tpu.memref_slice %arg8[%dma_start3A_844, %mul3A_2] : memref<16x16384xf32, #tpu.memory_space<hbm>> -> memref<1x512xf32, #tpu.memory_space<hbm>>
    %dma_start3A_851 = tpu.memref_squeeze %dma_start3A_850 : memref<1x512xf32, #tpu.memory_space<hbm>> -> memref<512xf32, #tpu.memory_space<hbm>>
    %dma_start3A_852 = arith.constant 0 : i32
    %dma_start3A_853 = tpu.memref_slice %arg14[%dma_start3A_843, %dma_start3A_852] : memref<16x512xf32, #tpu.memory_space<vmem>> -> memref<1x512xf32, #tpu.memory_space<vmem>>
    %dma_start3A_854 = tpu.memref_squeeze %dma_start3A_853 : memref<1x512xf32, #tpu.memory_space<vmem>> -> memref<512xf32, #tpu.memory_space<vmem>>
    tpu.enqueue_dma source(%dma_start3A_854 : memref<512xf32, #tpu.memory_space<vmem>>) target(%dma_start3A_851 : memref<512xf32, #tpu.memory_space<hbm>>) target_semaphore(%arg20 : memref<!tpu.dma_semaphore, #tpu.memory_space<semaphore_mem>>)
    %dma_start3A_855 = arith.constant 14 : i32
    %dma_start3A_856 = arith.constant 14 : i32
    %dma_start3A_857 = arith.constant 0 : i32
    %dma_start3A_858 = tpu.memref_slice %arg13[%dma_start3A_855, %dma_start3A_857] : memref<16x512xf32, #tpu.memory_space<vmem>> -> memref<1x512xf32, #tpu.memory_space<vmem>>
    %dma_start3A_859 = tpu.memref_squeeze %dma_start3A_858 : memref<1x512xf32, #tpu.memory_space<vmem>> -> memref<512xf32, #tpu.memory_space<vmem>>
    %dma_start3A_860 = tpu.memref_slice %arg7[%dma_start3A_856, %mul3A_2] : memref<16x16384xf32, #tpu.memory_space<hbm>> -> memref<1x512xf32, #tpu.memory_space<hbm>>
    %dma_start3A_861 = tpu.memref_squeeze %dma_start3A_860 : memref<1x512xf32, #tpu.memory_space<hbm>> -> memref<512xf32, #tpu.memory_space<hbm>>
    %dma_start3A_862 = tpu.memref_slice %arg7[%dma_start3A_856, %mul3A_2] : memref<16x16384xf32, #tpu.memory_space<hbm>> -> memref<1x512xf32, #tpu.memory_space<hbm>>
    %dma_start3A_863 = tpu.memref_squeeze %dma_start3A_862 : memref<1x512xf32, #tpu.memory_space<hbm>> -> memref<512xf32, #tpu.memory_space<hbm>>
    %dma_start3A_864 = arith.constant 0 : i32
    %dma_start3A_865 = tpu.memref_slice %arg13[%dma_start3A_855, %dma_start3A_864] : memref<16x512xf32, #tpu.memory_space<vmem>> -> memref<1x512xf32, #tpu.memory_space<vmem>>
    %dma_start3A_866 = tpu.memref_squeeze %dma_start3A_865 : memref<1x512xf32, #tpu.memory_space<vmem>> -> memref<512xf32, #tpu.memory_space<vmem>>
    tpu.enqueue_dma source(%dma_start3A_866 : memref<512xf32, #tpu.memory_space<vmem>>) target(%dma_start3A_863 : memref<512xf32, #tpu.memory_space<hbm>>) target_semaphore(%arg20 : memref<!tpu.dma_semaphore, #tpu.memory_space<semaphore_mem>>)
    %dma_start3A_867 = arith.constant 14 : i32
    %dma_start3A_868 = arith.constant 14 : i32
    %dma_start3A_869 = arith.constant 0 : i32
    %dma_start3A_870 = tpu.memref_slice %arg14[%dma_start3A_867, %dma_start3A_869] : memref<16x512xf32, #tpu.memory_space<vmem>> -> memref<1x512xf32, #tpu.memory_space<vmem>>
    %dma_start3A_871 = tpu.memref_squeeze %dma_start3A_870 : memref<1x512xf32, #tpu.memory_space<vmem>> -> memref<512xf32, #tpu.memory_space<vmem>>
    %dma_start3A_872 = tpu.memref_slice %arg8[%dma_start3A_868, %mul3A_2] : memref<16x16384xf32, #tpu.memory_space<hbm>> -> memref<1x512xf32, #tpu.memory_space<hbm>>
    %dma_start3A_873 = tpu.memref_squeeze %dma_start3A_872 : memref<1x512xf32, #tpu.memory_space<hbm>> -> memref<512xf32, #tpu.memory_space<hbm>>
    %dma_start3A_874 = tpu.memref_slice %arg8[%dma_start3A_868, %mul3A_2] : memref<16x16384xf32, #tpu.memory_space<hbm>> -> memref<1x512xf32, #tpu.memory_space<hbm>>
    %dma_start3A_875 = tpu.memref_squeeze %dma_start3A_874 : memref<1x512xf32, #tpu.memory_space<hbm>> -> memref<512xf32, #tpu.memory_space<hbm>>
    %dma_start3A_876 = arith.constant 0 : i32
    %dma_start3A_877 = tpu.memref_slice %arg14[%dma_start3A_867, %dma_start3A_876] : memref<16x512xf32, #tpu.memory_space<vmem>> -> memref<1x512xf32, #tpu.memory_space<vmem>>
    %dma_start3A_878 = tpu.memref_squeeze %dma_start3A_877 : memref<1x512xf32, #tpu.memory_space<vmem>> -> memref<512xf32, #tpu.memory_space<vmem>>
    tpu.enqueue_dma source(%dma_start3A_878 : memref<512xf32, #tpu.memory_space<vmem>>) target(%dma_start3A_875 : memref<512xf32, #tpu.memory_space<hbm>>) target_semaphore(%arg20 : memref<!tpu.dma_semaphore, #tpu.memory_space<semaphore_mem>>)
    %dma_start3A_879 = arith.constant 15 : i32
    %dma_start3A_880 = arith.constant 15 : i32
    %dma_start3A_881 = arith.constant 0 : i32
    %dma_start3A_882 = tpu.memref_slice %arg13[%dma_start3A_879, %dma_start3A_881] : memref<16x512xf32, #tpu.memory_space<vmem>> -> memref<1x512xf32, #tpu.memory_space<vmem>>
    %dma_start3A_883 = tpu.memref_squeeze %dma_start3A_882 : memref<1x512xf32, #tpu.memory_space<vmem>> -> memref<512xf32, #tpu.memory_space<vmem>>
    %dma_start3A_884 = tpu.memref_slice %arg7[%dma_start3A_880, %mul3A_2] : memref<16x16384xf32, #tpu.memory_space<hbm>> -> memref<1x512xf32, #tpu.memory_space<hbm>>
    %dma_start3A_885 = tpu.memref_squeeze %dma_start3A_884 : memref<1x512xf32, #tpu.memory_space<hbm>> -> memref<512xf32, #tpu.memory_space<hbm>>
    %dma_start3A_886 = tpu.memref_slice %arg7[%dma_start3A_880, %mul3A_2] : memref<16x16384xf32, #tpu.memory_space<hbm>> -> memref<1x512xf32, #tpu.memory_space<hbm>>
    %dma_start3A_887 = tpu.memref_squeeze %dma_start3A_886 : memref<1x512xf32, #tpu.memory_space<hbm>> -> memref<512xf32, #tpu.memory_space<hbm>>
    %dma_start3A_888 = arith.constant 0 : i32
    %dma_start3A_889 = tpu.memref_slice %arg13[%dma_start3A_879, %dma_start3A_888] : memref<16x512xf32, #tpu.memory_space<vmem>> -> memref<1x512xf32, #tpu.memory_space<vmem>>
    %dma_start3A_890 = tpu.memref_squeeze %dma_start3A_889 : memref<1x512xf32, #tpu.memory_space<vmem>> -> memref<512xf32, #tpu.memory_space<vmem>>
    tpu.enqueue_dma source(%dma_start3A_890 : memref<512xf32, #tpu.memory_space<vmem>>) target(%dma_start3A_887 : memref<512xf32, #tpu.memory_space<hbm>>) target_semaphore(%arg20 : memref<!tpu.dma_semaphore, #tpu.memory_space<semaphore_mem>>)
    %dma_start3A_891 = arith.constant 15 : i32
    %dma_start3A_892 = arith.constant 15 : i32
    %dma_start3A_893 = arith.constant 0 : i32
    %dma_start3A_894 = tpu.memref_slice %arg14[%dma_start3A_891, %dma_start3A_893] : memref<16x512xf32, #tpu.memory_space<vmem>> -> memref<1x512xf32, #tpu.memory_space<vmem>>
    %dma_start3A_895 = tpu.memref_squeeze %dma_start3A_894 : memref<1x512xf32, #tpu.memory_space<vmem>> -> memref<512xf32, #tpu.memory_space<vmem>>
    %dma_start3A_896 = tpu.memref_slice %arg8[%dma_start3A_892, %mul3A_2] : memref<16x16384xf32, #tpu.memory_space<hbm>> -> memref<1x512xf32, #tpu.memory_space<hbm>>
    %dma_start3A_897 = tpu.memref_squeeze %dma_start3A_896 : memref<1x512xf32, #tpu.memory_space<hbm>> -> memref<512xf32, #tpu.memory_space<hbm>>
    %dma_start3A_898 = tpu.memref_slice %arg8[%dma_start3A_892, %mul3A_2] : memref<16x16384xf32, #tpu.memory_space<hbm>> -> memref<1x512xf32, #tpu.memory_space<hbm>>
    %dma_start3A_899 = tpu.memref_squeeze %dma_start3A_898 : memref<1x512xf32, #tpu.memory_space<hbm>> -> memref<512xf32, #tpu.memory_space<hbm>>
    %dma_start3A_900 = arith.constant 0 : i32
    %dma_start3A_901 = tpu.memref_slice %arg14[%dma_start3A_891, %dma_start3A_900] : memref<16x512xf32, #tpu.memory_space<vmem>> -> memref<1x512xf32, #tpu.memory_space<vmem>>
    %dma_start3A_902 = tpu.memref_squeeze %dma_start3A_901 : memref<1x512xf32, #tpu.memory_space<vmem>> -> memref<512xf32, #tpu.memory_space<vmem>>
    tpu.enqueue_dma source(%dma_start3A_902 : memref<512xf32, #tpu.memory_space<vmem>>) target(%dma_start3A_899 : memref<512xf32, #tpu.memory_space<hbm>>) target_semaphore(%arg20 : memref<!tpu.dma_semaphore, #tpu.memory_space<semaphore_mem>>)
    %scan3A = arith.constant 0 : i32
    %scan3A_903 = arith.constant 0 : i32
    %scan3A_904 = arith.constant 32 : i32
    %scan3A_905 = arith.addi %scan3A_903, %scan3A_904 : i32
    %scan3A_906 = arith.constant 1 : i32
    scf.for %scan3A_1294 = %scan3A_903 to %scan3A_905 step %scan3A_906  : i32 {
      %mul3A_1295 = arith.constant 16 : i32
      %mul3A_1296 = arith.muli %scan3A_1294, %mul3A_1295 : i32
      %get3A = arith.index_cast %mul3A_1296 : i32 to index
      %get3A_1297 = tpu.vector_load %arg15[%get3A] {strides = array<i32>} : memref<512xf32, #tpu.memory_space<vmem>>, vector<16xf32>,
      %get3A_1298 = vector.shape_cast %get3A_1297 : vector<16xf32> to vector<16xf32>
      %get3A_1299 = arith.constant 0 : i32
      %get3A_1300 = arith.index_cast %get3A_1299 : i32 to index
      %get3A_1301 = arith.index_cast %mul3A_1296 : i32 to index
      %get3A_1302 = tpu.vector_load %arg13[%get3A_1300, %get3A_1301] {strides = array<i32>} : memref<16x512xf32, #tpu.memory_space<vmem>>, vector<1x16xf32>,
      %get3A_1303 = vector.shape_cast %get3A_1302 : vector<1x16xf32> to vector<16xf32>
      %get3A_1304 = arith.constant 0 : i32
      %get3A_1305 = arith.index_cast %get3A_1304 : i32 to index
      %get3A_1306 = arith.index_cast %mul3A_1296 : i32 to index
      %get3A_1307 = tpu.vector_load %arg14[%get3A_1305, %get3A_1306] {strides = array<i32>} : memref<16x512xf32, #tpu.memory_space<vmem>>, vector<1x16xf32>,
      %get3A_1308 = vector.shape_cast %get3A_1307 : vector<1x16xf32> to vector<16xf32>
      %mul3A_1309 = arith.mulf %get3A_1303, %get3A_1308 : vector<16xf32>
      %add3A_1310 = arith.addf %get3A_1298, %mul3A_1309 : vector<16xf32>
      %get3A_1311 = arith.constant 1 : i32
      %get3A_1312 = arith.index_cast %get3A_1311 : i32 to index
      %get3A_1313 = arith.index_cast %mul3A_1296 : i32 to index
      %get3A_1314 = tpu.vector_load %arg13[%get3A_1312, %get3A_1313] {strides = array<i32>} : memref<16x512xf32, #tpu.memory_space<vmem>>, vector<1x16xf32>,
      %get3A_1315 = vector.shape_cast %get3A_1314 : vector<1x16xf32> to vector<16xf32>
      %get3A_1316 = arith.constant 1 : i32
      %get3A_1317 = arith.index_cast %get3A_1316 : i32 to index
      %get3A_1318 = arith.index_cast %mul3A_1296 : i32 to index
      %get3A_1319 = tpu.vector_load %arg14[%get3A_1317, %get3A_1318] {strides = array<i32>} : memref<16x512xf32, #tpu.memory_space<vmem>>, vector<1x16xf32>,
      %get3A_1320 = vector.shape_cast %get3A_1319 : vector<1x16xf32> to vector<16xf32>
      %mul3A_1321 = arith.mulf %get3A_1315, %get3A_1320 : vector<16xf32>
      %add3A_1322 = arith.addf %add3A_1310, %mul3A_1321 : vector<16xf32>
      %get3A_1323 = arith.constant 2 : i32
      %get3A_1324 = arith.index_cast %get3A_1323 : i32 to index
      %get3A_1325 = arith.index_cast %mul3A_1296 : i32 to index
      %get3A_1326 = tpu.vector_load %arg13[%get3A_1324, %get3A_1325] {strides = array<i32>} : memref<16x512xf32, #tpu.memory_space<vmem>>, vector<1x16xf32>,
      %get3A_1327 = vector.shape_cast %get3A_1326 : vector<1x16xf32> to vector<16xf32>
      %get3A_1328 = arith.constant 2 : i32
      %get3A_1329 = arith.index_cast %get3A_1328 : i32 to index
      %get3A_1330 = arith.index_cast %mul3A_1296 : i32 to index
      %get3A_1331 = tpu.vector_load %arg14[%get3A_1329, %get3A_1330] {strides = array<i32>} : memref<16x512xf32, #tpu.memory_space<vmem>>, vector<1x16xf32>,
      %get3A_1332 = vector.shape_cast %get3A_1331 : vector<1x16xf32> to vector<16xf32>
      %mul3A_1333 = arith.mulf %get3A_1327, %get3A_1332 : vector<16xf32>
      %add3A_1334 = arith.addf %add3A_1322, %mul3A_1333 : vector<16xf32>
      %get3A_1335 = arith.constant 3 : i32
      %get3A_1336 = arith.index_cast %get3A_1335 : i32 to index
      %get3A_1337 = arith.index_cast %mul3A_1296 : i32 to index
      %get3A_1338 = tpu.vector_load %arg13[%get3A_1336, %get3A_1337] {strides = array<i32>} : memref<16x512xf32, #tpu.memory_space<vmem>>, vector<1x16xf32>,
      %get3A_1339 = vector.shape_cast %get3A_1338 : vector<1x16xf32> to vector<16xf32>
      %get3A_1340 = arith.constant 3 : i32
      %get3A_1341 = arith.index_cast %get3A_1340 : i32 to index
      %get3A_1342 = arith.index_cast %mul3A_1296 : i32 to index
      %get3A_1343 = tpu.vector_load %arg14[%get3A_1341, %get3A_1342] {strides = array<i32>} : memref<16x512xf32, #tpu.memory_space<vmem>>, vector<1x16xf32>,
      %get3A_1344 = vector.shape_cast %get3A_1343 : vector<1x16xf32> to vector<16xf32>
      %mul3A_1345 = arith.mulf %get3A_1339, %get3A_1344 : vector<16xf32>
      %add3A_1346 = arith.addf %add3A_1334, %mul3A_1345 : vector<16xf32>
      %get3A_1347 = arith.constant 4 : i32
      %get3A_1348 = arith.index_cast %get3A_1347 : i32 to index
      %get3A_1349 = arith.index_cast %mul3A_1296 : i32 to index
      %get3A_1350 = tpu.vector_load %arg13[%get3A_1348, %get3A_1349] {strides = array<i32>} : memref<16x512xf32, #tpu.memory_space<vmem>>, vector<1x16xf32>,
      %get3A_1351 = vector.shape_cast %get3A_1350 : vector<1x16xf32> to vector<16xf32>
      %get3A_1352 = arith.constant 4 : i32
      %get3A_1353 = arith.index_cast %get3A_1352 : i32 to index
      %get3A_1354 = arith.index_cast %mul3A_1296 : i32 to index
      %get3A_1355 = tpu.vector_load %arg14[%get3A_1353, %get3A_1354] {strides = array<i32>} : memref<16x512xf32, #tpu.memory_space<vmem>>, vector<1x16xf32>,
      %get3A_1356 = vector.shape_cast %get3A_1355 : vector<1x16xf32> to vector<16xf32>
      %mul3A_1357 = arith.mulf %get3A_1351, %get3A_1356 : vector<16xf32>
      %add3A_1358 = arith.addf %add3A_1346, %mul3A_1357 : vector<16xf32>
      %get3A_1359 = arith.constant 5 : i32
      %get3A_1360 = arith.index_cast %get3A_1359 : i32 to index
      %get3A_1361 = arith.index_cast %mul3A_1296 : i32 to index
      %get3A_1362 = tpu.vector_load %arg13[%get3A_1360, %get3A_1361] {strides = array<i32>} : memref<16x512xf32, #tpu.memory_space<vmem>>, vector<1x16xf32>,
      %get3A_1363 = vector.shape_cast %get3A_1362 : vector<1x16xf32> to vector<16xf32>
      %get3A_1364 = arith.constant 5 : i32
      %get3A_1365 = arith.index_cast %get3A_1364 : i32 to index
      %get3A_1366 = arith.index_cast %mul3A_1296 : i32 to index
      %get3A_1367 = tpu.vector_load %arg14[%get3A_1365, %get3A_1366] {strides = array<i32>} : memref<16x512xf32, #tpu.memory_space<vmem>>, vector<1x16xf32>,
      %get3A_1368 = vector.shape_cast %get3A_1367 : vector<1x16xf32> to vector<16xf32>
      %mul3A_1369 = arith.mulf %get3A_1363, %get3A_1368 : vector<16xf32>
      %add3A_1370 = arith.addf %add3A_1358, %mul3A_1369 : vector<16xf32>
      %get3A_1371 = arith.constant 6 : i32
      %get3A_1372 = arith.index_cast %get3A_1371 : i32 to index
      %get3A_1373 = arith.index_cast %mul3A_1296 : i32 to index
      %get3A_1374 = tpu.vector_load %arg13[%get3A_1372, %get3A_1373] {strides = array<i32>} : memref<16x512xf32, #tpu.memory_space<vmem>>, vector<1x16xf32>,
      %get3A_1375 = vector.shape_cast %get3A_1374 : vector<1x16xf32> to vector<16xf32>
      %get3A_1376 = arith.constant 6 : i32
      %get3A_1377 = arith.index_cast %get3A_1376 : i32 to index
      %get3A_1378 = arith.index_cast %mul3A_1296 : i32 to index
      %get3A_1379 = tpu.vector_load %arg14[%get3A_1377, %get3A_1378] {strides = array<i32>} : memref<16x512xf32, #tpu.memory_space<vmem>>, vector<1x16xf32>,
      %get3A_1380 = vector.shape_cast %get3A_1379 : vector<1x16xf32> to vector<16xf32>
      %mul3A_1381 = arith.mulf %get3A_1375, %get3A_1380 : vector<16xf32>
      %add3A_1382 = arith.addf %add3A_1370, %mul3A_1381 : vector<16xf32>
      %get3A_1383 = arith.constant 7 : i32
      %get3A_1384 = arith.index_cast %get3A_1383 : i32 to index
      %get3A_1385 = arith.index_cast %mul3A_1296 : i32 to index
      %get3A_1386 = tpu.vector_load %arg13[%get3A_1384, %get3A_1385] {strides = array<i32>} : memref<16x512xf32, #tpu.memory_space<vmem>>, vector<1x16xf32>,
      %get3A_1387 = vector.shape_cast %get3A_1386 : vector<1x16xf32> to vector<16xf32>
      %get3A_1388 = arith.constant 7 : i32
      %get3A_1389 = arith.index_cast %get3A_1388 : i32 to index
      %get3A_1390 = arith.index_cast %mul3A_1296 : i32 to index
      %get3A_1391 = tpu.vector_load %arg14[%get3A_1389, %get3A_1390] {strides = array<i32>} : memref<16x512xf32, #tpu.memory_space<vmem>>, vector<1x16xf32>,
      %get3A_1392 = vector.shape_cast %get3A_1391 : vector<1x16xf32> to vector<16xf32>
      %mul3A_1393 = arith.mulf %get3A_1387, %get3A_1392 : vector<16xf32>
      %add3A_1394 = arith.addf %add3A_1382, %mul3A_1393 : vector<16xf32>
      %get3A_1395 = arith.constant 8 : i32
      %get3A_1396 = arith.index_cast %get3A_1395 : i32 to index
      %get3A_1397 = arith.index_cast %mul3A_1296 : i32 to index
      %get3A_1398 = tpu.vector_load %arg13[%get3A_1396, %get3A_1397] {strides = array<i32>} : memref<16x512xf32, #tpu.memory_space<vmem>>, vector<1x16xf32>,
      %get3A_1399 = vector.shape_cast %get3A_1398 : vector<1x16xf32> to vector<16xf32>
      %get3A_1400 = arith.constant 8 : i32
      %get3A_1401 = arith.index_cast %get3A_1400 : i32 to index
      %get3A_1402 = arith.index_cast %mul3A_1296 : i32 to index
      %get3A_1403 = tpu.vector_load %arg14[%get3A_1401, %get3A_1402] {strides = array<i32>} : memref<16x512xf32, #tpu.memory_space<vmem>>, vector<1x16xf32>,
      %get3A_1404 = vector.shape_cast %get3A_1403 : vector<1x16xf32> to vector<16xf32>
      %mul3A_1405 = arith.mulf %get3A_1399, %get3A_1404 : vector<16xf32>
      %add3A_1406 = arith.addf %add3A_1394, %mul3A_1405 : vector<16xf32>
      %get3A_1407 = arith.constant 9 : i32
      %get3A_1408 = arith.index_cast %get3A_1407 : i32 to index
      %get3A_1409 = arith.index_cast %mul3A_1296 : i32 to index
      %get3A_1410 = tpu.vector_load %arg13[%get3A_1408, %get3A_1409] {strides = array<i32>} : memref<16x512xf32, #tpu.memory_space<vmem>>, vector<1x16xf32>,
      %get3A_1411 = vector.shape_cast %get3A_1410 : vector<1x16xf32> to vector<16xf32>
      %get3A_1412 = arith.constant 9 : i32
      %get3A_1413 = arith.index_cast %get3A_1412 : i32 to index
      %get3A_1414 = arith.index_cast %mul3A_1296 : i32 to index
      %get3A_1415 = tpu.vector_load %arg14[%get3A_1413, %get3A_1414] {strides = array<i32>} : memref<16x512xf32, #tpu.memory_space<vmem>>, vector<1x16xf32>,
      %get3A_1416 = vector.shape_cast %get3A_1415 : vector<1x16xf32> to vector<16xf32>
      %mul3A_1417 = arith.mulf %get3A_1411, %get3A_1416 : vector<16xf32>
      %add3A_1418 = arith.addf %add3A_1406, %mul3A_1417 : vector<16xf32>
      %get3A_1419 = arith.constant 10 : i32
      %get3A_1420 = arith.index_cast %get3A_1419 : i32 to index
      %get3A_1421 = arith.index_cast %mul3A_1296 : i32 to index
      %get3A_1422 = tpu.vector_load %arg13[%get3A_1420, %get3A_1421] {strides = array<i32>} : memref<16x512xf32, #tpu.memory_space<vmem>>, vector<1x16xf32>,
      %get3A_1423 = vector.shape_cast %get3A_1422 : vector<1x16xf32> to vector<16xf32>
      %get3A_1424 = arith.constant 10 : i32
      %get3A_1425 = arith.index_cast %get3A_1424 : i32 to index
      %get3A_1426 = arith.index_cast %mul3A_1296 : i32 to index
      %get3A_1427 = tpu.vector_load %arg14[%get3A_1425, %get3A_1426] {strides = array<i32>} : memref<16x512xf32, #tpu.memory_space<vmem>>, vector<1x16xf32>,
      %get3A_1428 = vector.shape_cast %get3A_1427 : vector<1x16xf32> to vector<16xf32>
      %mul3A_1429 = arith.mulf %get3A_1423, %get3A_1428 : vector<16xf32>
      %add3A_1430 = arith.addf %add3A_1418, %mul3A_1429 : vector<16xf32>
      %get3A_1431 = arith.constant 11 : i32
      %get3A_1432 = arith.index_cast %get3A_1431 : i32 to index
      %get3A_1433 = arith.index_cast %mul3A_1296 : i32 to index
      %get3A_1434 = tpu.vector_load %arg13[%get3A_1432, %get3A_1433] {strides = array<i32>} : memref<16x512xf32, #tpu.memory_space<vmem>>, vector<1x16xf32>,
      %get3A_1435 = vector.shape_cast %get3A_1434 : vector<1x16xf32> to vector<16xf32>
      %get3A_1436 = arith.constant 11 : i32
      %get3A_1437 = arith.index_cast %get3A_1436 : i32 to index
      %get3A_1438 = arith.index_cast %mul3A_1296 : i32 to index
      %get3A_1439 = tpu.vector_load %arg14[%get3A_1437, %get3A_1438] {strides = array<i32>} : memref<16x512xf32, #tpu.memory_space<vmem>>, vector<1x16xf32>,
      %get3A_1440 = vector.shape_cast %get3A_1439 : vector<1x16xf32> to vector<16xf32>
      %mul3A_1441 = arith.mulf %get3A_1435, %get3A_1440 : vector<16xf32>
      %add3A_1442 = arith.addf %add3A_1430, %mul3A_1441 : vector<16xf32>
      %get3A_1443 = arith.constant 12 : i32
      %get3A_1444 = arith.index_cast %get3A_1443 : i32 to index
      %get3A_1445 = arith.index_cast %mul3A_1296 : i32 to index
      %get3A_1446 = tpu.vector_load %arg13[%get3A_1444, %get3A_1445] {strides = array<i32>} : memref<16x512xf32, #tpu.memory_space<vmem>>, vector<1x16xf32>,
      %get3A_1447 = vector.shape_cast %get3A_1446 : vector<1x16xf32> to vector<16xf32>
      %get3A_1448 = arith.constant 12 : i32
      %get3A_1449 = arith.index_cast %get3A_1448 : i32 to index
      %get3A_1450 = arith.index_cast %mul3A_1296 : i32 to index
      %get3A_1451 = tpu.vector_load %arg14[%get3A_1449, %get3A_1450] {strides = array<i32>} : memref<16x512xf32, #tpu.memory_space<vmem>>, vector<1x16xf32>,
      %get3A_1452 = vector.shape_cast %get3A_1451 : vector<1x16xf32> to vector<16xf32>
      %mul3A_1453 = arith.mulf %get3A_1447, %get3A_1452 : vector<16xf32>
      %add3A_1454 = arith.addf %add3A_1442, %mul3A_1453 : vector<16xf32>
      %get3A_1455 = arith.constant 13 : i32
      %get3A_1456 = arith.index_cast %get3A_1455 : i32 to index
      %get3A_1457 = arith.index_cast %mul3A_1296 : i32 to index
      %get3A_1458 = tpu.vector_load %arg13[%get3A_1456, %get3A_1457] {strides = array<i32>} : memref<16x512xf32, #tpu.memory_space<vmem>>, vector<1x16xf32>,
      %get3A_1459 = vector.shape_cast %get3A_1458 : vector<1x16xf32> to vector<16xf32>
      %get3A_1460 = arith.constant 13 : i32
      %get3A_1461 = arith.index_cast %get3A_1460 : i32 to index
      %get3A_1462 = arith.index_cast %mul3A_1296 : i32 to index
      %get3A_1463 = tpu.vector_load %arg14[%get3A_1461, %get3A_1462] {strides = array<i32>} : memref<16x512xf32, #tpu.memory_space<vmem>>, vector<1x16xf32>,
      %get3A_1464 = vector.shape_cast %get3A_1463 : vector<1x16xf32> to vector<16xf32>
      %mul3A_1465 = arith.mulf %get3A_1459, %get3A_1464 : vector<16xf32>
      %add3A_1466 = arith.addf %add3A_1454, %mul3A_1465 : vector<16xf32>
      %get3A_1467 = arith.constant 14 : i32
      %get3A_1468 = arith.index_cast %get3A_1467 : i32 to index
      %get3A_1469 = arith.index_cast %mul3A_1296 : i32 to index
      %get3A_1470 = tpu.vector_load %arg13[%get3A_1468, %get3A_1469] {strides = array<i32>} : memref<16x512xf32, #tpu.memory_space<vmem>>, vector<1x16xf32>,
      %get3A_1471 = vector.shape_cast %get3A_1470 : vector<1x16xf32> to vector<16xf32>
      %get3A_1472 = arith.constant 14 : i32
      %get3A_1473 = arith.index_cast %get3A_1472 : i32 to index
      %get3A_1474 = arith.index_cast %mul3A_1296 : i32 to index
      %get3A_1475 = tpu.vector_load %arg14[%get3A_1473, %get3A_1474] {strides = array<i32>} : memref<16x512xf32, #tpu.memory_space<vmem>>, vector<1x16xf32>,
      %get3A_1476 = vector.shape_cast %get3A_1475 : vector<1x16xf32> to vector<16xf32>
      %mul3A_1477 = arith.mulf %get3A_1471, %get3A_1476 : vector<16xf32>
      %add3A_1478 = arith.addf %add3A_1466, %mul3A_1477 : vector<16xf32>
      %get3A_1479 = arith.constant 15 : i32
      %get3A_1480 = arith.index_cast %get3A_1479 : i32 to index
      %get3A_1481 = arith.index_cast %mul3A_1296 : i32 to index
      %get3A_1482 = tpu.vector_load %arg13[%get3A_1480, %get3A_1481] {strides = array<i32>} : memref<16x512xf32, #tpu.memory_space<vmem>>, vector<1x16xf32>,
      %get3A_1483 = vector.shape_cast %get3A_1482 : vector<1x16xf32> to vector<16xf32>
      %get3A_1484 = arith.constant 15 : i32
      %get3A_1485 = arith.index_cast %get3A_1484 : i32 to index
      %get3A_1486 = arith.index_cast %mul3A_1296 : i32 to index
      %get3A_1487 = tpu.vector_load %arg14[%get3A_1485, %get3A_1486] {strides = array<i32>} : memref<16x512xf32, #tpu.memory_space<vmem>>, vector<1x16xf32>,
      %get3A_1488 = vector.shape_cast %get3A_1487 : vector<1x16xf32> to vector<16xf32>
      %mul3A_1489 = arith.mulf %get3A_1483, %get3A_1488 : vector<16xf32>
      %add3A_1490 = arith.addf %add3A_1478, %mul3A_1489 : vector<16xf32>
      %jit3A = arith.constant -1.000000e+01 : f32
      %jit3A_1491 = arith.constant 1.000000e+01 : f32
      %max3A = vector.broadcast %jit3A : f32 to vector<16xf32>
      %max3A_1492 = arith.maximumf %max3A, %add3A_1490 : vector<16xf32>
      %min3A = vector.broadcast %jit3A_1491 : f32 to vector<16xf32>
      %min3A_1493 = arith.minimumf %min3A, %max3A_1492 : vector<16xf32>
      %swap3A = arith.index_cast %mul3A_1296 : i32 to index
      %swap3A_1494 = tpu.vector_load %arg16[%swap3A] {strides = array<i32>} : memref<512xf32, #tpu.memory_space<vmem>>, vector<16xf32>,
      %swap3A_1495 = vector.shape_cast %swap3A_1494 : vector<16xf32> to vector<16xf32>
      %swap3A_1496 = vector.shape_cast %min3A_1493 : vector<16xf32> to vector<16xf32>
      tpu.vector_store %arg16[%swap3A], %swap3A_1496 {strides = array<i32>} : memref<512xf32, #tpu.memory_space<vmem>>, vector<16xf32>,
    }
    %scan3A_907 = arith.constant 32 : i32
    "tpu.region"() ({
      %run_scoped3A = tpu.sem_alloc : memref<!tpu.dma_semaphore, #tpu.memory_space<semaphore_mem>>
      %dma_start3A_1294 = tpu.memref_slice %arg6[%mul3A_2] : memref<16384xf32, #tpu.memory_space<hbm>> -> memref<512xf32, #tpu.memory_space<hbm>>
      %dma_start3A_1295 = tpu.memref_slice %arg6[%mul3A_2] : memref<16384xf32, #tpu.memory_space<hbm>> -> memref<512xf32, #tpu.memory_space<hbm>>
      tpu.enqueue_dma source(%arg16 : memref<512xf32, #tpu.memory_space<vmem>>) target(%dma_start3A_1295 : memref<512xf32, #tpu.memory_space<hbm>>) target_semaphore(%run_scoped3A : memref<!tpu.dma_semaphore, #tpu.memory_space<semaphore_mem>>)
      %dma_wait3A_1296 = tpu.memref_slice %arg6[%mul3A_2] : memref<16384xf32, #tpu.memory_space<hbm>> -> memref<512xf32, #tpu.memory_space<hbm>>
      %dma_wait3A_1297 = tpu.memref_slice %arg6[%mul3A_2] : memref<16384xf32, #tpu.memory_space<hbm>> -> memref<512xf32, #tpu.memory_space<hbm>>
      tpu.wait_dma2 semaphore(%run_scoped3A : memref<!tpu.dma_semaphore, #tpu.memory_space<semaphore_mem>>) src(%arg16 : memref<512xf32, #tpu.memory_space<vmem>>) dst(%dma_wait3A_1297 : memref<512xf32, #tpu.memory_space<hbm>>)
      tpu.yield
    }) : () -> ()
    %dma_wait3A_908 = tpu.memref_slice %arg9[%mul3A_2] : memref<16384xf32, #tpu.memory_space<hbm>> -> memref<512xf32, #tpu.memory_space<hbm>>
    %dma_wait3A_909 = tpu.memref_slice %arg9[%mul3A_2] : memref<16384xf32, #tpu.memory_space<hbm>> -> memref<512xf32, #tpu.memory_space<hbm>>
    tpu.wait_dma2 semaphore(%arg20 : memref<!tpu.dma_semaphore, #tpu.memory_space<semaphore_mem>>) src(%arg15 : memref<512xf32, #tpu.memory_space<vmem>>) dst(%dma_wait3A_909 : memref<512xf32, #tpu.memory_space<hbm>>)
    %dma_wait3A_910 = arith.constant 0 : i32
    %dma_wait3A_911 = arith.constant 0 : i32
    %dma_wait3A_912 = arith.constant 0 : i32
    %dma_wait3A_913 = tpu.memref_slice %arg13[%dma_wait3A_910, %dma_wait3A_912] : memref<16x512xf32, #tpu.memory_space<vmem>> -> memref<1x512xf32, #tpu.memory_space<vmem>>
    %dma_wait3A_914 = tpu.memref_squeeze %dma_wait3A_913 : memref<1x512xf32, #tpu.memory_space<vmem>> -> memref<512xf32, #tpu.memory_space<vmem>>
    %dma_wait3A_915 = tpu.memref_slice %arg7[%dma_wait3A_911, %mul3A_2] : memref<16x16384xf32, #tpu.memory_space<hbm>> -> memref<1x512xf32, #tpu.memory_space<hbm>>
    %dma_wait3A_916 = tpu.memref_squeeze %dma_wait3A_915 : memref<1x512xf32, #tpu.memory_space<hbm>> -> memref<512xf32, #tpu.memory_space<hbm>>
    %dma_wait3A_917 = tpu.memref_slice %arg7[%dma_wait3A_911, %mul3A_2] : memref<16x16384xf32, #tpu.memory_space<hbm>> -> memref<1x512xf32, #tpu.memory_space<hbm>>
    %dma_wait3A_918 = tpu.memref_squeeze %dma_wait3A_917 : memref<1x512xf32, #tpu.memory_space<hbm>> -> memref<512xf32, #tpu.memory_space<hbm>>
    %dma_wait3A_919 = arith.constant 0 : i32
    %dma_wait3A_920 = tpu.memref_slice %arg13[%dma_wait3A_910, %dma_wait3A_919] : memref<16x512xf32, #tpu.memory_space<vmem>> -> memref<1x512xf32, #tpu.memory_space<vmem>>
    %dma_wait3A_921 = tpu.memref_squeeze %dma_wait3A_920 : memref<1x512xf32, #tpu.memory_space<vmem>> -> memref<512xf32, #tpu.memory_space<vmem>>
    tpu.wait_dma2 semaphore(%arg20 : memref<!tpu.dma_semaphore, #tpu.memory_space<semaphore_mem>>) src(%dma_wait3A_921 : memref<512xf32, #tpu.memory_space<vmem>>) dst(%dma_wait3A_918 : memref<512xf32, #tpu.memory_space<hbm>>)
    %dma_wait3A_922 = arith.constant 0 : i32
    %dma_wait3A_923 = arith.constant 0 : i32
    %dma_wait3A_924 = arith.constant 0 : i32
    %dma_wait3A_925 = tpu.memref_slice %arg14[%dma_wait3A_922, %dma_wait3A_924] : memref<16x512xf32, #tpu.memory_space<vmem>> -> memref<1x512xf32, #tpu.memory_space<vmem>>
    %dma_wait3A_926 = tpu.memref_squeeze %dma_wait3A_925 : memref<1x512xf32, #tpu.memory_space<vmem>> -> memref<512xf32, #tpu.memory_space<vmem>>
    %dma_wait3A_927 = tpu.memref_slice %arg8[%dma_wait3A_923, %mul3A_2] : memref<16x16384xf32, #tpu.memory_space<hbm>> -> memref<1x512xf32, #tpu.memory_space<hbm>>
    %dma_wait3A_928 = tpu.memref_squeeze %dma_wait3A_927 : memref<1x512xf32, #tpu.memory_space<hbm>> -> memref<512xf32, #tpu.memory_space<hbm>>
    %dma_wait3A_929 = tpu.memref_slice %arg8[%dma_wait3A_923, %mul3A_2] : memref<16x16384xf32, #tpu.memory_space<hbm>> -> memref<1x512xf32, #tpu.memory_space<hbm>>
    %dma_wait3A_930 = tpu.memref_squeeze %dma_wait3A_929 : memref<1x512xf32, #tpu.memory_space<hbm>> -> memref<512xf32, #tpu.memory_space<hbm>>
    %dma_wait3A_931 = arith.constant 0 : i32
    %dma_wait3A_932 = tpu.memref_slice %arg14[%dma_wait3A_922, %dma_wait3A_931] : memref<16x512xf32, #tpu.memory_space<vmem>> -> memref<1x512xf32, #tpu.memory_space<vmem>>
    %dma_wait3A_933 = tpu.memref_squeeze %dma_wait3A_932 : memref<1x512xf32, #tpu.memory_space<vmem>> -> memref<512xf32, #tpu.memory_space<vmem>>
    tpu.wait_dma2 semaphore(%arg20 : memref<!tpu.dma_semaphore, #tpu.memory_space<semaphore_mem>>) src(%dma_wait3A_933 : memref<512xf32, #tpu.memory_space<vmem>>) dst(%dma_wait3A_930 : memref<512xf32, #tpu.memory_space<hbm>>)
    %dma_wait3A_934 = arith.constant 1 : i32
    %dma_wait3A_935 = arith.constant 1 : i32
    %dma_wait3A_936 = arith.constant 0 : i32
    %dma_wait3A_937 = tpu.memref_slice %arg13[%dma_wait3A_934, %dma_wait3A_936] : memref<16x512xf32, #tpu.memory_space<vmem>> -> memref<1x512xf32, #tpu.memory_space<vmem>>
    %dma_wait3A_938 = tpu.memref_squeeze %dma_wait3A_937 : memref<1x512xf32, #tpu.memory_space<vmem>> -> memref<512xf32, #tpu.memory_space<vmem>>
    %dma_wait3A_939 = tpu.memref_slice %arg7[%dma_wait3A_935, %mul3A_2] : memref<16x16384xf32, #tpu.memory_space<hbm>> -> memref<1x512xf32, #tpu.memory_space<hbm>>
    %dma_wait3A_940 = tpu.memref_squeeze %dma_wait3A_939 : memref<1x512xf32, #tpu.memory_space<hbm>> -> memref<512xf32, #tpu.memory_space<hbm>>
    %dma_wait3A_941 = tpu.memref_slice %arg7[%dma_wait3A_935, %mul3A_2] : memref<16x16384xf32, #tpu.memory_space<hbm>> -> memref<1x512xf32, #tpu.memory_space<hbm>>
    %dma_wait3A_942 = tpu.memref_squeeze %dma_wait3A_941 : memref<1x512xf32, #tpu.memory_space<hbm>> -> memref<512xf32, #tpu.memory_space<hbm>>
    %dma_wait3A_943 = arith.constant 0 : i32
    %dma_wait3A_944 = tpu.memref_slice %arg13[%dma_wait3A_934, %dma_wait3A_943] : memref<16x512xf32, #tpu.memory_space<vmem>> -> memref<1x512xf32, #tpu.memory_space<vmem>>
    %dma_wait3A_945 = tpu.memref_squeeze %dma_wait3A_944 : memref<1x512xf32, #tpu.memory_space<vmem>> -> memref<512xf32, #tpu.memory_space<vmem>>
    tpu.wait_dma2 semaphore(%arg20 : memref<!tpu.dma_semaphore, #tpu.memory_space<semaphore_mem>>) src(%dma_wait3A_945 : memref<512xf32, #tpu.memory_space<vmem>>) dst(%dma_wait3A_942 : memref<512xf32, #tpu.memory_space<hbm>>)
    %dma_wait3A_946 = arith.constant 1 : i32
    %dma_wait3A_947 = arith.constant 1 : i32
    %dma_wait3A_948 = arith.constant 0 : i32
    %dma_wait3A_949 = tpu.memref_slice %arg14[%dma_wait3A_946, %dma_wait3A_948] : memref<16x512xf32, #tpu.memory_space<vmem>> -> memref<1x512xf32, #tpu.memory_space<vmem>>
    %dma_wait3A_950 = tpu.memref_squeeze %dma_wait3A_949 : memref<1x512xf32, #tpu.memory_space<vmem>> -> memref<512xf32, #tpu.memory_space<vmem>>
    %dma_wait3A_951 = tpu.memref_slice %arg8[%dma_wait3A_947, %mul3A_2] : memref<16x16384xf32, #tpu.memory_space<hbm>> -> memref<1x512xf32, #tpu.memory_space<hbm>>
    %dma_wait3A_952 = tpu.memref_squeeze %dma_wait3A_951 : memref<1x512xf32, #tpu.memory_space<hbm>> -> memref<512xf32, #tpu.memory_space<hbm>>
    %dma_wait3A_953 = tpu.memref_slice %arg8[%dma_wait3A_947, %mul3A_2] : memref<16x16384xf32, #tpu.memory_space<hbm>> -> memref<1x512xf32, #tpu.memory_space<hbm>>
    %dma_wait3A_954 = tpu.memref_squeeze %dma_wait3A_953 : memref<1x512xf32, #tpu.memory_space<hbm>> -> memref<512xf32, #tpu.memory_space<hbm>>
    %dma_wait3A_955 = arith.constant 0 : i32
    %dma_wait3A_956 = tpu.memref_slice %arg14[%dma_wait3A_946, %dma_wait3A_955] : memref<16x512xf32, #tpu.memory_space<vmem>> -> memref<1x512xf32, #tpu.memory_space<vmem>>
    %dma_wait3A_957 = tpu.memref_squeeze %dma_wait3A_956 : memref<1x512xf32, #tpu.memory_space<vmem>> -> memref<512xf32, #tpu.memory_space<vmem>>
    tpu.wait_dma2 semaphore(%arg20 : memref<!tpu.dma_semaphore, #tpu.memory_space<semaphore_mem>>) src(%dma_wait3A_957 : memref<512xf32, #tpu.memory_space<vmem>>) dst(%dma_wait3A_954 : memref<512xf32, #tpu.memory_space<hbm>>)
    %dma_wait3A_958 = arith.constant 2 : i32
    %dma_wait3A_959 = arith.constant 2 : i32
    %dma_wait3A_960 = arith.constant 0 : i32
    %dma_wait3A_961 = tpu.memref_slice %arg13[%dma_wait3A_958, %dma_wait3A_960] : memref<16x512xf32, #tpu.memory_space<vmem>> -> memref<1x512xf32, #tpu.memory_space<vmem>>
    %dma_wait3A_962 = tpu.memref_squeeze %dma_wait3A_961 : memref<1x512xf32, #tpu.memory_space<vmem>> -> memref<512xf32, #tpu.memory_space<vmem>>
    %dma_wait3A_963 = tpu.memref_slice %arg7[%dma_wait3A_959, %mul3A_2] : memref<16x16384xf32, #tpu.memory_space<hbm>> -> memref<1x512xf32, #tpu.memory_space<hbm>>
    %dma_wait3A_964 = tpu.memref_squeeze %dma_wait3A_963 : memref<1x512xf32, #tpu.memory_space<hbm>> -> memref<512xf32, #tpu.memory_space<hbm>>
    %dma_wait3A_965 = tpu.memref_slice %arg7[%dma_wait3A_959, %mul3A_2] : memref<16x16384xf32, #tpu.memory_space<hbm>> -> memref<1x512xf32, #tpu.memory_space<hbm>>
    %dma_wait3A_966 = tpu.memref_squeeze %dma_wait3A_965 : memref<1x512xf32, #tpu.memory_space<hbm>> -> memref<512xf32, #tpu.memory_space<hbm>>
    %dma_wait3A_967 = arith.constant 0 : i32
    %dma_wait3A_968 = tpu.memref_slice %arg13[%dma_wait3A_958, %dma_wait3A_967] : memref<16x512xf32, #tpu.memory_space<vmem>> -> memref<1x512xf32, #tpu.memory_space<vmem>>
    %dma_wait3A_969 = tpu.memref_squeeze %dma_wait3A_968 : memref<1x512xf32, #tpu.memory_space<vmem>> -> memref<512xf32, #tpu.memory_space<vmem>>
    tpu.wait_dma2 semaphore(%arg20 : memref<!tpu.dma_semaphore, #tpu.memory_space<semaphore_mem>>) src(%dma_wait3A_969 : memref<512xf32, #tpu.memory_space<vmem>>) dst(%dma_wait3A_966 : memref<512xf32, #tpu.memory_space<hbm>>)
    %dma_wait3A_970 = arith.constant 2 : i32
    %dma_wait3A_971 = arith.constant 2 : i32
    %dma_wait3A_972 = arith.constant 0 : i32
    %dma_wait3A_973 = tpu.memref_slice %arg14[%dma_wait3A_970, %dma_wait3A_972] : memref<16x512xf32, #tpu.memory_space<vmem>> -> memref<1x512xf32, #tpu.memory_space<vmem>>
    %dma_wait3A_974 = tpu.memref_squeeze %dma_wait3A_973 : memref<1x512xf32, #tpu.memory_space<vmem>> -> memref<512xf32, #tpu.memory_space<vmem>>
    %dma_wait3A_975 = tpu.memref_slice %arg8[%dma_wait3A_971, %mul3A_2] : memref<16x16384xf32, #tpu.memory_space<hbm>> -> memref<1x512xf32, #tpu.memory_space<hbm>>
    %dma_wait3A_976 = tpu.memref_squeeze %dma_wait3A_975 : memref<1x512xf32, #tpu.memory_space<hbm>> -> memref<512xf32, #tpu.memory_space<hbm>>
    %dma_wait3A_977 = tpu.memref_slice %arg8[%dma_wait3A_971, %mul3A_2] : memref<16x16384xf32, #tpu.memory_space<hbm>> -> memref<1x512xf32, #tpu.memory_space<hbm>>
    %dma_wait3A_978 = tpu.memref_squeeze %dma_wait3A_977 : memref<1x512xf32, #tpu.memory_space<hbm>> -> memref<512xf32, #tpu.memory_space<hbm>>
    %dma_wait3A_979 = arith.constant 0 : i32
    %dma_wait3A_980 = tpu.memref_slice %arg14[%dma_wait3A_970, %dma_wait3A_979] : memref<16x512xf32, #tpu.memory_space<vmem>> -> memref<1x512xf32, #tpu.memory_space<vmem>>
    %dma_wait3A_981 = tpu.memref_squeeze %dma_wait3A_980 : memref<1x512xf32, #tpu.memory_space<vmem>> -> memref<512xf32, #tpu.memory_space<vmem>>
    tpu.wait_dma2 semaphore(%arg20 : memref<!tpu.dma_semaphore, #tpu.memory_space<semaphore_mem>>) src(%dma_wait3A_981 : memref<512xf32, #tpu.memory_space<vmem>>) dst(%dma_wait3A_978 : memref<512xf32, #tpu.memory_space<hbm>>)
    %dma_wait3A_982 = arith.constant 3 : i32
    %dma_wait3A_983 = arith.constant 3 : i32
    %dma_wait3A_984 = arith.constant 0 : i32
    %dma_wait3A_985 = tpu.memref_slice %arg13[%dma_wait3A_982, %dma_wait3A_984] : memref<16x512xf32, #tpu.memory_space<vmem>> -> memref<1x512xf32, #tpu.memory_space<vmem>>
    %dma_wait3A_986 = tpu.memref_squeeze %dma_wait3A_985 : memref<1x512xf32, #tpu.memory_space<vmem>> -> memref<512xf32, #tpu.memory_space<vmem>>
    %dma_wait3A_987 = tpu.memref_slice %arg7[%dma_wait3A_983, %mul3A_2] : memref<16x16384xf32, #tpu.memory_space<hbm>> -> memref<1x512xf32, #tpu.memory_space<hbm>>
    %dma_wait3A_988 = tpu.memref_squeeze %dma_wait3A_987 : memref<1x512xf32, #tpu.memory_space<hbm>> -> memref<512xf32, #tpu.memory_space<hbm>>
    %dma_wait3A_989 = tpu.memref_slice %arg7[%dma_wait3A_983, %mul3A_2] : memref<16x16384xf32, #tpu.memory_space<hbm>> -> memref<1x512xf32, #tpu.memory_space<hbm>>
    %dma_wait3A_990 = tpu.memref_squeeze %dma_wait3A_989 : memref<1x512xf32, #tpu.memory_space<hbm>> -> memref<512xf32, #tpu.memory_space<hbm>>
    %dma_wait3A_991 = arith.constant 0 : i32
    %dma_wait3A_992 = tpu.memref_slice %arg13[%dma_wait3A_982, %dma_wait3A_991] : memref<16x512xf32, #tpu.memory_space<vmem>> -> memref<1x512xf32, #tpu.memory_space<vmem>>
    %dma_wait3A_993 = tpu.memref_squeeze %dma_wait3A_992 : memref<1x512xf32, #tpu.memory_space<vmem>> -> memref<512xf32, #tpu.memory_space<vmem>>
    tpu.wait_dma2 semaphore(%arg20 : memref<!tpu.dma_semaphore, #tpu.memory_space<semaphore_mem>>) src(%dma_wait3A_993 : memref<512xf32, #tpu.memory_space<vmem>>) dst(%dma_wait3A_990 : memref<512xf32, #tpu.memory_space<hbm>>)
    %dma_wait3A_994 = arith.constant 3 : i32
    %dma_wait3A_995 = arith.constant 3 : i32
    %dma_wait3A_996 = arith.constant 0 : i32
    %dma_wait3A_997 = tpu.memref_slice %arg14[%dma_wait3A_994, %dma_wait3A_996] : memref<16x512xf32, #tpu.memory_space<vmem>> -> memref<1x512xf32, #tpu.memory_space<vmem>>
    %dma_wait3A_998 = tpu.memref_squeeze %dma_wait3A_997 : memref<1x512xf32, #tpu.memory_space<vmem>> -> memref<512xf32, #tpu.memory_space<vmem>>
    %dma_wait3A_999 = tpu.memref_slice %arg8[%dma_wait3A_995, %mul3A_2] : memref<16x16384xf32, #tpu.memory_space<hbm>> -> memref<1x512xf32, #tpu.memory_space<hbm>>
    %dma_wait3A_1000 = tpu.memref_squeeze %dma_wait3A_999 : memref<1x512xf32, #tpu.memory_space<hbm>> -> memref<512xf32, #tpu.memory_space<hbm>>
    %dma_wait3A_1001 = tpu.memref_slice %arg8[%dma_wait3A_995, %mul3A_2] : memref<16x16384xf32, #tpu.memory_space<hbm>> -> memref<1x512xf32, #tpu.memory_space<hbm>>
    %dma_wait3A_1002 = tpu.memref_squeeze %dma_wait3A_1001 : memref<1x512xf32, #tpu.memory_space<hbm>> -> memref<512xf32, #tpu.memory_space<hbm>>
    %dma_wait3A_1003 = arith.constant 0 : i32
    %dma_wait3A_1004 = tpu.memref_slice %arg14[%dma_wait3A_994, %dma_wait3A_1003] : memref<16x512xf32, #tpu.memory_space<vmem>> -> memref<1x512xf32, #tpu.memory_space<vmem>>
    %dma_wait3A_1005 = tpu.memref_squeeze %dma_wait3A_1004 : memref<1x512xf32, #tpu.memory_space<vmem>> -> memref<512xf32, #tpu.memory_space<vmem>>
    tpu.wait_dma2 semaphore(%arg20 : memref<!tpu.dma_semaphore, #tpu.memory_space<semaphore_mem>>) src(%dma_wait3A_1005 : memref<512xf32, #tpu.memory_space<vmem>>) dst(%dma_wait3A_1002 : memref<512xf32, #tpu.memory_space<hbm>>)
    %dma_wait3A_1006 = arith.constant 4 : i32
    %dma_wait3A_1007 = arith.constant 4 : i32
    %dma_wait3A_1008 = arith.constant 0 : i32
    %dma_wait3A_1009 = tpu.memref_slice %arg13[%dma_wait3A_1006, %dma_wait3A_1008] : memref<16x512xf32, #tpu.memory_space<vmem>> -> memref<1x512xf32, #tpu.memory_space<vmem>>
    %dma_wait3A_1010 = tpu.memref_squeeze %dma_wait3A_1009 : memref<1x512xf32, #tpu.memory_space<vmem>> -> memref<512xf32, #tpu.memory_space<vmem>>
    %dma_wait3A_1011 = tpu.memref_slice %arg7[%dma_wait3A_1007, %mul3A_2] : memref<16x16384xf32, #tpu.memory_space<hbm>> -> memref<1x512xf32, #tpu.memory_space<hbm>>
    %dma_wait3A_1012 = tpu.memref_squeeze %dma_wait3A_1011 : memref<1x512xf32, #tpu.memory_space<hbm>> -> memref<512xf32, #tpu.memory_space<hbm>>
    %dma_wait3A_1013 = tpu.memref_slice %arg7[%dma_wait3A_1007, %mul3A_2] : memref<16x16384xf32, #tpu.memory_space<hbm>> -> memref<1x512xf32, #tpu.memory_space<hbm>>
    %dma_wait3A_1014 = tpu.memref_squeeze %dma_wait3A_1013 : memref<1x512xf32, #tpu.memory_space<hbm>> -> memref<512xf32, #tpu.memory_space<hbm>>
    %dma_wait3A_1015 = arith.constant 0 : i32
    %dma_wait3A_1016 = tpu.memref_slice %arg13[%dma_wait3A_1006, %dma_wait3A_1015] : memref<16x512xf32, #tpu.memory_space<vmem>> -> memref<1x512xf32, #tpu.memory_space<vmem>>
    %dma_wait3A_1017 = tpu.memref_squeeze %dma_wait3A_1016 : memref<1x512xf32, #tpu.memory_space<vmem>> -> memref<512xf32, #tpu.memory_space<vmem>>
    tpu.wait_dma2 semaphore(%arg20 : memref<!tpu.dma_semaphore, #tpu.memory_space<semaphore_mem>>) src(%dma_wait3A_1017 : memref<512xf32, #tpu.memory_space<vmem>>) dst(%dma_wait3A_1014 : memref<512xf32, #tpu.memory_space<hbm>>)
    %dma_wait3A_1018 = arith.constant 4 : i32
    %dma_wait3A_1019 = arith.constant 4 : i32
    %dma_wait3A_1020 = arith.constant 0 : i32
    %dma_wait3A_1021 = tpu.memref_slice %arg14[%dma_wait3A_1018, %dma_wait3A_1020] : memref<16x512xf32, #tpu.memory_space<vmem>> -> memref<1x512xf32, #tpu.memory_space<vmem>>
    %dma_wait3A_1022 = tpu.memref_squeeze %dma_wait3A_1021 : memref<1x512xf32, #tpu.memory_space<vmem>> -> memref<512xf32, #tpu.memory_space<vmem>>
    %dma_wait3A_1023 = tpu.memref_slice %arg8[%dma_wait3A_1019, %mul3A_2] : memref<16x16384xf32, #tpu.memory_space<hbm>> -> memref<1x512xf32, #tpu.memory_space<hbm>>
    %dma_wait3A_1024 = tpu.memref_squeeze %dma_wait3A_1023 : memref<1x512xf32, #tpu.memory_space<hbm>> -> memref<512xf32, #tpu.memory_space<hbm>>
    %dma_wait3A_1025 = tpu.memref_slice %arg8[%dma_wait3A_1019, %mul3A_2] : memref<16x16384xf32, #tpu.memory_space<hbm>> -> memref<1x512xf32, #tpu.memory_space<hbm>>
    %dma_wait3A_1026 = tpu.memref_squeeze %dma_wait3A_1025 : memref<1x512xf32, #tpu.memory_space<hbm>> -> memref<512xf32, #tpu.memory_space<hbm>>
    %dma_wait3A_1027 = arith.constant 0 : i32
    %dma_wait3A_1028 = tpu.memref_slice %arg14[%dma_wait3A_1018, %dma_wait3A_1027] : memref<16x512xf32, #tpu.memory_space<vmem>> -> memref<1x512xf32, #tpu.memory_space<vmem>>
    %dma_wait3A_1029 = tpu.memref_squeeze %dma_wait3A_1028 : memref<1x512xf32, #tpu.memory_space<vmem>> -> memref<512xf32, #tpu.memory_space<vmem>>
    tpu.wait_dma2 semaphore(%arg20 : memref<!tpu.dma_semaphore, #tpu.memory_space<semaphore_mem>>) src(%dma_wait3A_1029 : memref<512xf32, #tpu.memory_space<vmem>>) dst(%dma_wait3A_1026 : memref<512xf32, #tpu.memory_space<hbm>>)
    %dma_wait3A_1030 = arith.constant 5 : i32
    %dma_wait3A_1031 = arith.constant 5 : i32
    %dma_wait3A_1032 = arith.constant 0 : i32
    %dma_wait3A_1033 = tpu.memref_slice %arg13[%dma_wait3A_1030, %dma_wait3A_1032] : memref<16x512xf32, #tpu.memory_space<vmem>> -> memref<1x512xf32, #tpu.memory_space<vmem>>
    %dma_wait3A_1034 = tpu.memref_squeeze %dma_wait3A_1033 : memref<1x512xf32, #tpu.memory_space<vmem>> -> memref<512xf32, #tpu.memory_space<vmem>>
    %dma_wait3A_1035 = tpu.memref_slice %arg7[%dma_wait3A_1031, %mul3A_2] : memref<16x16384xf32, #tpu.memory_space<hbm>> -> memref<1x512xf32, #tpu.memory_space<hbm>>
    %dma_wait3A_1036 = tpu.memref_squeeze %dma_wait3A_1035 : memref<1x512xf32, #tpu.memory_space<hbm>> -> memref<512xf32, #tpu.memory_space<hbm>>
    %dma_wait3A_1037 = tpu.memref_slice %arg7[%dma_wait3A_1031, %mul3A_2] : memref<16x16384xf32, #tpu.memory_space<hbm>> -> memref<1x512xf32, #tpu.memory_space<hbm>>
    %dma_wait3A_1038 = tpu.memref_squeeze %dma_wait3A_1037 : memref<1x512xf32, #tpu.memory_space<hbm>> -> memref<512xf32, #tpu.memory_space<hbm>>
    %dma_wait3A_1039 = arith.constant 0 : i32
    %dma_wait3A_1040 = tpu.memref_slice %arg13[%dma_wait3A_1030, %dma_wait3A_1039] : memref<16x512xf32, #tpu.memory_space<vmem>> -> memref<1x512xf32, #tpu.memory_space<vmem>>
    %dma_wait3A_1041 = tpu.memref_squeeze %dma_wait3A_1040 : memref<1x512xf32, #tpu.memory_space<vmem>> -> memref<512xf32, #tpu.memory_space<vmem>>
    tpu.wait_dma2 semaphore(%arg20 : memref<!tpu.dma_semaphore, #tpu.memory_space<semaphore_mem>>) src(%dma_wait3A_1041 : memref<512xf32, #tpu.memory_space<vmem>>) dst(%dma_wait3A_1038 : memref<512xf32, #tpu.memory_space<hbm>>)
    %dma_wait3A_1042 = arith.constant 5 : i32
    %dma_wait3A_1043 = arith.constant 5 : i32
    %dma_wait3A_1044 = arith.constant 0 : i32
    %dma_wait3A_1045 = tpu.memref_slice %arg14[%dma_wait3A_1042, %dma_wait3A_1044] : memref<16x512xf32, #tpu.memory_space<vmem>> -> memref<1x512xf32, #tpu.memory_space<vmem>>
    %dma_wait3A_1046 = tpu.memref_squeeze %dma_wait3A_1045 : memref<1x512xf32, #tpu.memory_space<vmem>> -> memref<512xf32, #tpu.memory_space<vmem>>
    %dma_wait3A_1047 = tpu.memref_slice %arg8[%dma_wait3A_1043, %mul3A_2] : memref<16x16384xf32, #tpu.memory_space<hbm>> -> memref<1x512xf32, #tpu.memory_space<hbm>>
    %dma_wait3A_1048 = tpu.memref_squeeze %dma_wait3A_1047 : memref<1x512xf32, #tpu.memory_space<hbm>> -> memref<512xf32, #tpu.memory_space<hbm>>
    %dma_wait3A_1049 = tpu.memref_slice %arg8[%dma_wait3A_1043, %mul3A_2] : memref<16x16384xf32, #tpu.memory_space<hbm>> -> memref<1x512xf32, #tpu.memory_space<hbm>>
    %dma_wait3A_1050 = tpu.memref_squeeze %dma_wait3A_1049 : memref<1x512xf32, #tpu.memory_space<hbm>> -> memref<512xf32, #tpu.memory_space<hbm>>
    %dma_wait3A_1051 = arith.constant 0 : i32
    %dma_wait3A_1052 = tpu.memref_slice %arg14[%dma_wait3A_1042, %dma_wait3A_1051] : memref<16x512xf32, #tpu.memory_space<vmem>> -> memref<1x512xf32, #tpu.memory_space<vmem>>
    %dma_wait3A_1053 = tpu.memref_squeeze %dma_wait3A_1052 : memref<1x512xf32, #tpu.memory_space<vmem>> -> memref<512xf32, #tpu.memory_space<vmem>>
    tpu.wait_dma2 semaphore(%arg20 : memref<!tpu.dma_semaphore, #tpu.memory_space<semaphore_mem>>) src(%dma_wait3A_1053 : memref<512xf32, #tpu.memory_space<vmem>>) dst(%dma_wait3A_1050 : memref<512xf32, #tpu.memory_space<hbm>>)
    %dma_wait3A_1054 = arith.constant 6 : i32
    %dma_wait3A_1055 = arith.constant 6 : i32
    %dma_wait3A_1056 = arith.constant 0 : i32
    %dma_wait3A_1057 = tpu.memref_slice %arg13[%dma_wait3A_1054, %dma_wait3A_1056] : memref<16x512xf32, #tpu.memory_space<vmem>> -> memref<1x512xf32, #tpu.memory_space<vmem>>
    %dma_wait3A_1058 = tpu.memref_squeeze %dma_wait3A_1057 : memref<1x512xf32, #tpu.memory_space<vmem>> -> memref<512xf32, #tpu.memory_space<vmem>>
    %dma_wait3A_1059 = tpu.memref_slice %arg7[%dma_wait3A_1055, %mul3A_2] : memref<16x16384xf32, #tpu.memory_space<hbm>> -> memref<1x512xf32, #tpu.memory_space<hbm>>
    %dma_wait3A_1060 = tpu.memref_squeeze %dma_wait3A_1059 : memref<1x512xf32, #tpu.memory_space<hbm>> -> memref<512xf32, #tpu.memory_space<hbm>>
    %dma_wait3A_1061 = tpu.memref_slice %arg7[%dma_wait3A_1055, %mul3A_2] : memref<16x16384xf32, #tpu.memory_space<hbm>> -> memref<1x512xf32, #tpu.memory_space<hbm>>
    %dma_wait3A_1062 = tpu.memref_squeeze %dma_wait3A_1061 : memref<1x512xf32, #tpu.memory_space<hbm>> -> memref<512xf32, #tpu.memory_space<hbm>>
    %dma_wait3A_1063 = arith.constant 0 : i32
    %dma_wait3A_1064 = tpu.memref_slice %arg13[%dma_wait3A_1054, %dma_wait3A_1063] : memref<16x512xf32, #tpu.memory_space<vmem>> -> memref<1x512xf32, #tpu.memory_space<vmem>>
    %dma_wait3A_1065 = tpu.memref_squeeze %dma_wait3A_1064 : memref<1x512xf32, #tpu.memory_space<vmem>> -> memref<512xf32, #tpu.memory_space<vmem>>
    tpu.wait_dma2 semaphore(%arg20 : memref<!tpu.dma_semaphore, #tpu.memory_space<semaphore_mem>>) src(%dma_wait3A_1065 : memref<512xf32, #tpu.memory_space<vmem>>) dst(%dma_wait3A_1062 : memref<512xf32, #tpu.memory_space<hbm>>)
    %dma_wait3A_1066 = arith.constant 6 : i32
    %dma_wait3A_1067 = arith.constant 6 : i32
    %dma_wait3A_1068 = arith.constant 0 : i32
    %dma_wait3A_1069 = tpu.memref_slice %arg14[%dma_wait3A_1066, %dma_wait3A_1068] : memref<16x512xf32, #tpu.memory_space<vmem>> -> memref<1x512xf32, #tpu.memory_space<vmem>>
    %dma_wait3A_1070 = tpu.memref_squeeze %dma_wait3A_1069 : memref<1x512xf32, #tpu.memory_space<vmem>> -> memref<512xf32, #tpu.memory_space<vmem>>
    %dma_wait3A_1071 = tpu.memref_slice %arg8[%dma_wait3A_1067, %mul3A_2] : memref<16x16384xf32, #tpu.memory_space<hbm>> -> memref<1x512xf32, #tpu.memory_space<hbm>>
    %dma_wait3A_1072 = tpu.memref_squeeze %dma_wait3A_1071 : memref<1x512xf32, #tpu.memory_space<hbm>> -> memref<512xf32, #tpu.memory_space<hbm>>
    %dma_wait3A_1073 = tpu.memref_slice %arg8[%dma_wait3A_1067, %mul3A_2] : memref<16x16384xf32, #tpu.memory_space<hbm>> -> memref<1x512xf32, #tpu.memory_space<hbm>>
    %dma_wait3A_1074 = tpu.memref_squeeze %dma_wait3A_1073 : memref<1x512xf32, #tpu.memory_space<hbm>> -> memref<512xf32, #tpu.memory_space<hbm>>
    %dma_wait3A_1075 = arith.constant 0 : i32
    %dma_wait3A_1076 = tpu.memref_slice %arg14[%dma_wait3A_1066, %dma_wait3A_1075] : memref<16x512xf32, #tpu.memory_space<vmem>> -> memref<1x512xf32, #tpu.memory_space<vmem>>
    %dma_wait3A_1077 = tpu.memref_squeeze %dma_wait3A_1076 : memref<1x512xf32, #tpu.memory_space<vmem>> -> memref<512xf32, #tpu.memory_space<vmem>>
    tpu.wait_dma2 semaphore(%arg20 : memref<!tpu.dma_semaphore, #tpu.memory_space<semaphore_mem>>) src(%dma_wait3A_1077 : memref<512xf32, #tpu.memory_space<vmem>>) dst(%dma_wait3A_1074 : memref<512xf32, #tpu.memory_space<hbm>>)
    %dma_wait3A_1078 = arith.constant 7 : i32
    %dma_wait3A_1079 = arith.constant 7 : i32
    %dma_wait3A_1080 = arith.constant 0 : i32
    %dma_wait3A_1081 = tpu.memref_slice %arg13[%dma_wait3A_1078, %dma_wait3A_1080] : memref<16x512xf32, #tpu.memory_space<vmem>> -> memref<1x512xf32, #tpu.memory_space<vmem>>
    %dma_wait3A_1082 = tpu.memref_squeeze %dma_wait3A_1081 : memref<1x512xf32, #tpu.memory_space<vmem>> -> memref<512xf32, #tpu.memory_space<vmem>>
    %dma_wait3A_1083 = tpu.memref_slice %arg7[%dma_wait3A_1079, %mul3A_2] : memref<16x16384xf32, #tpu.memory_space<hbm>> -> memref<1x512xf32, #tpu.memory_space<hbm>>
    %dma_wait3A_1084 = tpu.memref_squeeze %dma_wait3A_1083 : memref<1x512xf32, #tpu.memory_space<hbm>> -> memref<512xf32, #tpu.memory_space<hbm>>
    %dma_wait3A_1085 = tpu.memref_slice %arg7[%dma_wait3A_1079, %mul3A_2] : memref<16x16384xf32, #tpu.memory_space<hbm>> -> memref<1x512xf32, #tpu.memory_space<hbm>>
    %dma_wait3A_1086 = tpu.memref_squeeze %dma_wait3A_1085 : memref<1x512xf32, #tpu.memory_space<hbm>> -> memref<512xf32, #tpu.memory_space<hbm>>
    %dma_wait3A_1087 = arith.constant 0 : i32
    %dma_wait3A_1088 = tpu.memref_slice %arg13[%dma_wait3A_1078, %dma_wait3A_1087] : memref<16x512xf32, #tpu.memory_space<vmem>> -> memref<1x512xf32, #tpu.memory_space<vmem>>
    %dma_wait3A_1089 = tpu.memref_squeeze %dma_wait3A_1088 : memref<1x512xf32, #tpu.memory_space<vmem>> -> memref<512xf32, #tpu.memory_space<vmem>>
    tpu.wait_dma2 semaphore(%arg20 : memref<!tpu.dma_semaphore, #tpu.memory_space<semaphore_mem>>) src(%dma_wait3A_1089 : memref<512xf32, #tpu.memory_space<vmem>>) dst(%dma_wait3A_1086 : memref<512xf32, #tpu.memory_space<hbm>>)
    %dma_wait3A_1090 = arith.constant 7 : i32
    %dma_wait3A_1091 = arith.constant 7 : i32
    %dma_wait3A_1092 = arith.constant 0 : i32
    %dma_wait3A_1093 = tpu.memref_slice %arg14[%dma_wait3A_1090, %dma_wait3A_1092] : memref<16x512xf32, #tpu.memory_space<vmem>> -> memref<1x512xf32, #tpu.memory_space<vmem>>
    %dma_wait3A_1094 = tpu.memref_squeeze %dma_wait3A_1093 : memref<1x512xf32, #tpu.memory_space<vmem>> -> memref<512xf32, #tpu.memory_space<vmem>>
    %dma_wait3A_1095 = tpu.memref_slice %arg8[%dma_wait3A_1091, %mul3A_2] : memref<16x16384xf32, #tpu.memory_space<hbm>> -> memref<1x512xf32, #tpu.memory_space<hbm>>
    %dma_wait3A_1096 = tpu.memref_squeeze %dma_wait3A_1095 : memref<1x512xf32, #tpu.memory_space<hbm>> -> memref<512xf32, #tpu.memory_space<hbm>>
    %dma_wait3A_1097 = tpu.memref_slice %arg8[%dma_wait3A_1091, %mul3A_2] : memref<16x16384xf32, #tpu.memory_space<hbm>> -> memref<1x512xf32, #tpu.memory_space<hbm>>
    %dma_wait3A_1098 = tpu.memref_squeeze %dma_wait3A_1097 : memref<1x512xf32, #tpu.memory_space<hbm>> -> memref<512xf32, #tpu.memory_space<hbm>>
    %dma_wait3A_1099 = arith.constant 0 : i32
    %dma_wait3A_1100 = tpu.memref_slice %arg14[%dma_wait3A_1090, %dma_wait3A_1099] : memref<16x512xf32, #tpu.memory_space<vmem>> -> memref<1x512xf32, #tpu.memory_space<vmem>>
    %dma_wait3A_1101 = tpu.memref_squeeze %dma_wait3A_1100 : memref<1x512xf32, #tpu.memory_space<vmem>> -> memref<512xf32, #tpu.memory_space<vmem>>
    tpu.wait_dma2 semaphore(%arg20 : memref<!tpu.dma_semaphore, #tpu.memory_space<semaphore_mem>>) src(%dma_wait3A_1101 : memref<512xf32, #tpu.memory_space<vmem>>) dst(%dma_wait3A_1098 : memref<512xf32, #tpu.memory_space<hbm>>)
    %dma_wait3A_1102 = arith.constant 8 : i32
    %dma_wait3A_1103 = arith.constant 8 : i32
    %dma_wait3A_1104 = arith.constant 0 : i32
    %dma_wait3A_1105 = tpu.memref_slice %arg13[%dma_wait3A_1102, %dma_wait3A_1104] : memref<16x512xf32, #tpu.memory_space<vmem>> -> memref<1x512xf32, #tpu.memory_space<vmem>>
    %dma_wait3A_1106 = tpu.memref_squeeze %dma_wait3A_1105 : memref<1x512xf32, #tpu.memory_space<vmem>> -> memref<512xf32, #tpu.memory_space<vmem>>
    %dma_wait3A_1107 = tpu.memref_slice %arg7[%dma_wait3A_1103, %mul3A_2] : memref<16x16384xf32, #tpu.memory_space<hbm>> -> memref<1x512xf32, #tpu.memory_space<hbm>>
    %dma_wait3A_1108 = tpu.memref_squeeze %dma_wait3A_1107 : memref<1x512xf32, #tpu.memory_space<hbm>> -> memref<512xf32, #tpu.memory_space<hbm>>
    %dma_wait3A_1109 = tpu.memref_slice %arg7[%dma_wait3A_1103, %mul3A_2] : memref<16x16384xf32, #tpu.memory_space<hbm>> -> memref<1x512xf32, #tpu.memory_space<hbm>>
    %dma_wait3A_1110 = tpu.memref_squeeze %dma_wait3A_1109 : memref<1x512xf32, #tpu.memory_space<hbm>> -> memref<512xf32, #tpu.memory_space<hbm>>
    %dma_wait3A_1111 = arith.constant 0 : i32
    %dma_wait3A_1112 = tpu.memref_slice %arg13[%dma_wait3A_1102, %dma_wait3A_1111] : memref<16x512xf32, #tpu.memory_space<vmem>> -> memref<1x512xf32, #tpu.memory_space<vmem>>
    %dma_wait3A_1113 = tpu.memref_squeeze %dma_wait3A_1112 : memref<1x512xf32, #tpu.memory_space<vmem>> -> memref<512xf32, #tpu.memory_space<vmem>>
    tpu.wait_dma2 semaphore(%arg20 : memref<!tpu.dma_semaphore, #tpu.memory_space<semaphore_mem>>) src(%dma_wait3A_1113 : memref<512xf32, #tpu.memory_space<vmem>>) dst(%dma_wait3A_1110 : memref<512xf32, #tpu.memory_space<hbm>>)
    %dma_wait3A_1114 = arith.constant 8 : i32
    %dma_wait3A_1115 = arith.constant 8 : i32
    %dma_wait3A_1116 = arith.constant 0 : i32
    %dma_wait3A_1117 = tpu.memref_slice %arg14[%dma_wait3A_1114, %dma_wait3A_1116] : memref<16x512xf32, #tpu.memory_space<vmem>> -> memref<1x512xf32, #tpu.memory_space<vmem>>
    %dma_wait3A_1118 = tpu.memref_squeeze %dma_wait3A_1117 : memref<1x512xf32, #tpu.memory_space<vmem>> -> memref<512xf32, #tpu.memory_space<vmem>>
    %dma_wait3A_1119 = tpu.memref_slice %arg8[%dma_wait3A_1115, %mul3A_2] : memref<16x16384xf32, #tpu.memory_space<hbm>> -> memref<1x512xf32, #tpu.memory_space<hbm>>
    %dma_wait3A_1120 = tpu.memref_squeeze %dma_wait3A_1119 : memref<1x512xf32, #tpu.memory_space<hbm>> -> memref<512xf32, #tpu.memory_space<hbm>>
    %dma_wait3A_1121 = tpu.memref_slice %arg8[%dma_wait3A_1115, %mul3A_2] : memref<16x16384xf32, #tpu.memory_space<hbm>> -> memref<1x512xf32, #tpu.memory_space<hbm>>
    %dma_wait3A_1122 = tpu.memref_squeeze %dma_wait3A_1121 : memref<1x512xf32, #tpu.memory_space<hbm>> -> memref<512xf32, #tpu.memory_space<hbm>>
    %dma_wait3A_1123 = arith.constant 0 : i32
    %dma_wait3A_1124 = tpu.memref_slice %arg14[%dma_wait3A_1114, %dma_wait3A_1123] : memref<16x512xf32, #tpu.memory_space<vmem>> -> memref<1x512xf32, #tpu.memory_space<vmem>>
    %dma_wait3A_1125 = tpu.memref_squeeze %dma_wait3A_1124 : memref<1x512xf32, #tpu.memory_space<vmem>> -> memref<512xf32, #tpu.memory_space<vmem>>
    tpu.wait_dma2 semaphore(%arg20 : memref<!tpu.dma_semaphore, #tpu.memory_space<semaphore_mem>>) src(%dma_wait3A_1125 : memref<512xf32, #tpu.memory_space<vmem>>) dst(%dma_wait3A_1122 : memref<512xf32, #tpu.memory_space<hbm>>)
    %dma_wait3A_1126 = arith.constant 9 : i32
    %dma_wait3A_1127 = arith.constant 9 : i32
    %dma_wait3A_1128 = arith.constant 0 : i32
    %dma_wait3A_1129 = tpu.memref_slice %arg13[%dma_wait3A_1126, %dma_wait3A_1128] : memref<16x512xf32, #tpu.memory_space<vmem>> -> memref<1x512xf32, #tpu.memory_space<vmem>>
    %dma_wait3A_1130 = tpu.memref_squeeze %dma_wait3A_1129 : memref<1x512xf32, #tpu.memory_space<vmem>> -> memref<512xf32, #tpu.memory_space<vmem>>
    %dma_wait3A_1131 = tpu.memref_slice %arg7[%dma_wait3A_1127, %mul3A_2] : memref<16x16384xf32, #tpu.memory_space<hbm>> -> memref<1x512xf32, #tpu.memory_space<hbm>>
    %dma_wait3A_1132 = tpu.memref_squeeze %dma_wait3A_1131 : memref<1x512xf32, #tpu.memory_space<hbm>> -> memref<512xf32, #tpu.memory_space<hbm>>
    %dma_wait3A_1133 = tpu.memref_slice %arg7[%dma_wait3A_1127, %mul3A_2] : memref<16x16384xf32, #tpu.memory_space<hbm>> -> memref<1x512xf32, #tpu.memory_space<hbm>>
    %dma_wait3A_1134 = tpu.memref_squeeze %dma_wait3A_1133 : memref<1x512xf32, #tpu.memory_space<hbm>> -> memref<512xf32, #tpu.memory_space<hbm>>
    %dma_wait3A_1135 = arith.constant 0 : i32
    %dma_wait3A_1136 = tpu.memref_slice %arg13[%dma_wait3A_1126, %dma_wait3A_1135] : memref<16x512xf32, #tpu.memory_space<vmem>> -> memref<1x512xf32, #tpu.memory_space<vmem>>
    %dma_wait3A_1137 = tpu.memref_squeeze %dma_wait3A_1136 : memref<1x512xf32, #tpu.memory_space<vmem>> -> memref<512xf32, #tpu.memory_space<vmem>>
    tpu.wait_dma2 semaphore(%arg20 : memref<!tpu.dma_semaphore, #tpu.memory_space<semaphore_mem>>) src(%dma_wait3A_1137 : memref<512xf32, #tpu.memory_space<vmem>>) dst(%dma_wait3A_1134 : memref<512xf32, #tpu.memory_space<hbm>>)
    %dma_wait3A_1138 = arith.constant 9 : i32
    %dma_wait3A_1139 = arith.constant 9 : i32
    %dma_wait3A_1140 = arith.constant 0 : i32
    %dma_wait3A_1141 = tpu.memref_slice %arg14[%dma_wait3A_1138, %dma_wait3A_1140] : memref<16x512xf32, #tpu.memory_space<vmem>> -> memref<1x512xf32, #tpu.memory_space<vmem>>
    %dma_wait3A_1142 = tpu.memref_squeeze %dma_wait3A_1141 : memref<1x512xf32, #tpu.memory_space<vmem>> -> memref<512xf32, #tpu.memory_space<vmem>>
    %dma_wait3A_1143 = tpu.memref_slice %arg8[%dma_wait3A_1139, %mul3A_2] : memref<16x16384xf32, #tpu.memory_space<hbm>> -> memref<1x512xf32, #tpu.memory_space<hbm>>
    %dma_wait3A_1144 = tpu.memref_squeeze %dma_wait3A_1143 : memref<1x512xf32, #tpu.memory_space<hbm>> -> memref<512xf32, #tpu.memory_space<hbm>>
    %dma_wait3A_1145 = tpu.memref_slice %arg8[%dma_wait3A_1139, %mul3A_2] : memref<16x16384xf32, #tpu.memory_space<hbm>> -> memref<1x512xf32, #tpu.memory_space<hbm>>
    %dma_wait3A_1146 = tpu.memref_squeeze %dma_wait3A_1145 : memref<1x512xf32, #tpu.memory_space<hbm>> -> memref<512xf32, #tpu.memory_space<hbm>>
    %dma_wait3A_1147 = arith.constant 0 : i32
    %dma_wait3A_1148 = tpu.memref_slice %arg14[%dma_wait3A_1138, %dma_wait3A_1147] : memref<16x512xf32, #tpu.memory_space<vmem>> -> memref<1x512xf32, #tpu.memory_space<vmem>>
    %dma_wait3A_1149 = tpu.memref_squeeze %dma_wait3A_1148 : memref<1x512xf32, #tpu.memory_space<vmem>> -> memref<512xf32, #tpu.memory_space<vmem>>
    tpu.wait_dma2 semaphore(%arg20 : memref<!tpu.dma_semaphore, #tpu.memory_space<semaphore_mem>>) src(%dma_wait3A_1149 : memref<512xf32, #tpu.memory_space<vmem>>) dst(%dma_wait3A_1146 : memref<512xf32, #tpu.memory_space<hbm>>)
    %dma_wait3A_1150 = arith.constant 10 : i32
    %dma_wait3A_1151 = arith.constant 10 : i32
    %dma_wait3A_1152 = arith.constant 0 : i32
    %dma_wait3A_1153 = tpu.memref_slice %arg13[%dma_wait3A_1150, %dma_wait3A_1152] : memref<16x512xf32, #tpu.memory_space<vmem>> -> memref<1x512xf32, #tpu.memory_space<vmem>>
    %dma_wait3A_1154 = tpu.memref_squeeze %dma_wait3A_1153 : memref<1x512xf32, #tpu.memory_space<vmem>> -> memref<512xf32, #tpu.memory_space<vmem>>
    %dma_wait3A_1155 = tpu.memref_slice %arg7[%dma_wait3A_1151, %mul3A_2] : memref<16x16384xf32, #tpu.memory_space<hbm>> -> memref<1x512xf32, #tpu.memory_space<hbm>>
    %dma_wait3A_1156 = tpu.memref_squeeze %dma_wait3A_1155 : memref<1x512xf32, #tpu.memory_space<hbm>> -> memref<512xf32, #tpu.memory_space<hbm>>
    %dma_wait3A_1157 = tpu.memref_slice %arg7[%dma_wait3A_1151, %mul3A_2] : memref<16x16384xf32, #tpu.memory_space<hbm>> -> memref<1x512xf32, #tpu.memory_space<hbm>>
    %dma_wait3A_1158 = tpu.memref_squeeze %dma_wait3A_1157 : memref<1x512xf32, #tpu.memory_space<hbm>> -> memref<512xf32, #tpu.memory_space<hbm>>
    %dma_wait3A_1159 = arith.constant 0 : i32
    %dma_wait3A_1160 = tpu.memref_slice %arg13[%dma_wait3A_1150, %dma_wait3A_1159] : memref<16x512xf32, #tpu.memory_space<vmem>> -> memref<1x512xf32, #tpu.memory_space<vmem>>
    %dma_wait3A_1161 = tpu.memref_squeeze %dma_wait3A_1160 : memref<1x512xf32, #tpu.memory_space<vmem>> -> memref<512xf32, #tpu.memory_space<vmem>>
    tpu.wait_dma2 semaphore(%arg20 : memref<!tpu.dma_semaphore, #tpu.memory_space<semaphore_mem>>) src(%dma_wait3A_1161 : memref<512xf32, #tpu.memory_space<vmem>>) dst(%dma_wait3A_1158 : memref<512xf32, #tpu.memory_space<hbm>>)
    %dma_wait3A_1162 = arith.constant 10 : i32
    %dma_wait3A_1163 = arith.constant 10 : i32
    %dma_wait3A_1164 = arith.constant 0 : i32
    %dma_wait3A_1165 = tpu.memref_slice %arg14[%dma_wait3A_1162, %dma_wait3A_1164] : memref<16x512xf32, #tpu.memory_space<vmem>> -> memref<1x512xf32, #tpu.memory_space<vmem>>
    %dma_wait3A_1166 = tpu.memref_squeeze %dma_wait3A_1165 : memref<1x512xf32, #tpu.memory_space<vmem>> -> memref<512xf32, #tpu.memory_space<vmem>>
    %dma_wait3A_1167 = tpu.memref_slice %arg8[%dma_wait3A_1163, %mul3A_2] : memref<16x16384xf32, #tpu.memory_space<hbm>> -> memref<1x512xf32, #tpu.memory_space<hbm>>
    %dma_wait3A_1168 = tpu.memref_squeeze %dma_wait3A_1167 : memref<1x512xf32, #tpu.memory_space<hbm>> -> memref<512xf32, #tpu.memory_space<hbm>>
    %dma_wait3A_1169 = tpu.memref_slice %arg8[%dma_wait3A_1163, %mul3A_2] : memref<16x16384xf32, #tpu.memory_space<hbm>> -> memref<1x512xf32, #tpu.memory_space<hbm>>
    %dma_wait3A_1170 = tpu.memref_squeeze %dma_wait3A_1169 : memref<1x512xf32, #tpu.memory_space<hbm>> -> memref<512xf32, #tpu.memory_space<hbm>>
    %dma_wait3A_1171 = arith.constant 0 : i32
    %dma_wait3A_1172 = tpu.memref_slice %arg14[%dma_wait3A_1162, %dma_wait3A_1171] : memref<16x512xf32, #tpu.memory_space<vmem>> -> memref<1x512xf32, #tpu.memory_space<vmem>>
    %dma_wait3A_1173 = tpu.memref_squeeze %dma_wait3A_1172 : memref<1x512xf32, #tpu.memory_space<vmem>> -> memref<512xf32, #tpu.memory_space<vmem>>
    tpu.wait_dma2 semaphore(%arg20 : memref<!tpu.dma_semaphore, #tpu.memory_space<semaphore_mem>>) src(%dma_wait3A_1173 : memref<512xf32, #tpu.memory_space<vmem>>) dst(%dma_wait3A_1170 : memref<512xf32, #tpu.memory_space<hbm>>)
    %dma_wait3A_1174 = arith.constant 11 : i32
    %dma_wait3A_1175 = arith.constant 11 : i32
    %dma_wait3A_1176 = arith.constant 0 : i32
    %dma_wait3A_1177 = tpu.memref_slice %arg13[%dma_wait3A_1174, %dma_wait3A_1176] : memref<16x512xf32, #tpu.memory_space<vmem>> -> memref<1x512xf32, #tpu.memory_space<vmem>>
    %dma_wait3A_1178 = tpu.memref_squeeze %dma_wait3A_1177 : memref<1x512xf32, #tpu.memory_space<vmem>> -> memref<512xf32, #tpu.memory_space<vmem>>
    %dma_wait3A_1179 = tpu.memref_slice %arg7[%dma_wait3A_1175, %mul3A_2] : memref<16x16384xf32, #tpu.memory_space<hbm>> -> memref<1x512xf32, #tpu.memory_space<hbm>>
    %dma_wait3A_1180 = tpu.memref_squeeze %dma_wait3A_1179 : memref<1x512xf32, #tpu.memory_space<hbm>> -> memref<512xf32, #tpu.memory_space<hbm>>
    %dma_wait3A_1181 = tpu.memref_slice %arg7[%dma_wait3A_1175, %mul3A_2] : memref<16x16384xf32, #tpu.memory_space<hbm>> -> memref<1x512xf32, #tpu.memory_space<hbm>>
    %dma_wait3A_1182 = tpu.memref_squeeze %dma_wait3A_1181 : memref<1x512xf32, #tpu.memory_space<hbm>> -> memref<512xf32, #tpu.memory_space<hbm>>
    %dma_wait3A_1183 = arith.constant 0 : i32
    %dma_wait3A_1184 = tpu.memref_slice %arg13[%dma_wait3A_1174, %dma_wait3A_1183] : memref<16x512xf32, #tpu.memory_space<vmem>> -> memref<1x512xf32, #tpu.memory_space<vmem>>
    %dma_wait3A_1185 = tpu.memref_squeeze %dma_wait3A_1184 : memref<1x512xf32, #tpu.memory_space<vmem>> -> memref<512xf32, #tpu.memory_space<vmem>>
    tpu.wait_dma2 semaphore(%arg20 : memref<!tpu.dma_semaphore, #tpu.memory_space<semaphore_mem>>) src(%dma_wait3A_1185 : memref<512xf32, #tpu.memory_space<vmem>>) dst(%dma_wait3A_1182 : memref<512xf32, #tpu.memory_space<hbm>>)
    %dma_wait3A_1186 = arith.constant 11 : i32
    %dma_wait3A_1187 = arith.constant 11 : i32
    %dma_wait3A_1188 = arith.constant 0 : i32
    %dma_wait3A_1189 = tpu.memref_slice %arg14[%dma_wait3A_1186, %dma_wait3A_1188] : memref<16x512xf32, #tpu.memory_space<vmem>> -> memref<1x512xf32, #tpu.memory_space<vmem>>
    %dma_wait3A_1190 = tpu.memref_squeeze %dma_wait3A_1189 : memref<1x512xf32, #tpu.memory_space<vmem>> -> memref<512xf32, #tpu.memory_space<vmem>>
    %dma_wait3A_1191 = tpu.memref_slice %arg8[%dma_wait3A_1187, %mul3A_2] : memref<16x16384xf32, #tpu.memory_space<hbm>> -> memref<1x512xf32, #tpu.memory_space<hbm>>
    %dma_wait3A_1192 = tpu.memref_squeeze %dma_wait3A_1191 : memref<1x512xf32, #tpu.memory_space<hbm>> -> memref<512xf32, #tpu.memory_space<hbm>>
    %dma_wait3A_1193 = tpu.memref_slice %arg8[%dma_wait3A_1187, %mul3A_2] : memref<16x16384xf32, #tpu.memory_space<hbm>> -> memref<1x512xf32, #tpu.memory_space<hbm>>
    %dma_wait3A_1194 = tpu.memref_squeeze %dma_wait3A_1193 : memref<1x512xf32, #tpu.memory_space<hbm>> -> memref<512xf32, #tpu.memory_space<hbm>>
    %dma_wait3A_1195 = arith.constant 0 : i32
    %dma_wait3A_1196 = tpu.memref_slice %arg14[%dma_wait3A_1186, %dma_wait3A_1195] : memref<16x512xf32, #tpu.memory_space<vmem>> -> memref<1x512xf32, #tpu.memory_space<vmem>>
    %dma_wait3A_1197 = tpu.memref_squeeze %dma_wait3A_1196 : memref<1x512xf32, #tpu.memory_space<vmem>> -> memref<512xf32, #tpu.memory_space<vmem>>
    tpu.wait_dma2 semaphore(%arg20 : memref<!tpu.dma_semaphore, #tpu.memory_space<semaphore_mem>>) src(%dma_wait3A_1197 : memref<512xf32, #tpu.memory_space<vmem>>) dst(%dma_wait3A_1194 : memref<512xf32, #tpu.memory_space<hbm>>)
    %dma_wait3A_1198 = arith.constant 12 : i32
    %dma_wait3A_1199 = arith.constant 12 : i32
    %dma_wait3A_1200 = arith.constant 0 : i32
    %dma_wait3A_1201 = tpu.memref_slice %arg13[%dma_wait3A_1198, %dma_wait3A_1200] : memref<16x512xf32, #tpu.memory_space<vmem>> -> memref<1x512xf32, #tpu.memory_space<vmem>>
    %dma_wait3A_1202 = tpu.memref_squeeze %dma_wait3A_1201 : memref<1x512xf32, #tpu.memory_space<vmem>> -> memref<512xf32, #tpu.memory_space<vmem>>
    %dma_wait3A_1203 = tpu.memref_slice %arg7[%dma_wait3A_1199, %mul3A_2] : memref<16x16384xf32, #tpu.memory_space<hbm>> -> memref<1x512xf32, #tpu.memory_space<hbm>>
    %dma_wait3A_1204 = tpu.memref_squeeze %dma_wait3A_1203 : memref<1x512xf32, #tpu.memory_space<hbm>> -> memref<512xf32, #tpu.memory_space<hbm>>
    %dma_wait3A_1205 = tpu.memref_slice %arg7[%dma_wait3A_1199, %mul3A_2] : memref<16x16384xf32, #tpu.memory_space<hbm>> -> memref<1x512xf32, #tpu.memory_space<hbm>>
    %dma_wait3A_1206 = tpu.memref_squeeze %dma_wait3A_1205 : memref<1x512xf32, #tpu.memory_space<hbm>> -> memref<512xf32, #tpu.memory_space<hbm>>
    %dma_wait3A_1207 = arith.constant 0 : i32
    %dma_wait3A_1208 = tpu.memref_slice %arg13[%dma_wait3A_1198, %dma_wait3A_1207] : memref<16x512xf32, #tpu.memory_space<vmem>> -> memref<1x512xf32, #tpu.memory_space<vmem>>
    %dma_wait3A_1209 = tpu.memref_squeeze %dma_wait3A_1208 : memref<1x512xf32, #tpu.memory_space<vmem>> -> memref<512xf32, #tpu.memory_space<vmem>>
    tpu.wait_dma2 semaphore(%arg20 : memref<!tpu.dma_semaphore, #tpu.memory_space<semaphore_mem>>) src(%dma_wait3A_1209 : memref<512xf32, #tpu.memory_space<vmem>>) dst(%dma_wait3A_1206 : memref<512xf32, #tpu.memory_space<hbm>>)
    %dma_wait3A_1210 = arith.constant 12 : i32
    %dma_wait3A_1211 = arith.constant 12 : i32
    %dma_wait3A_1212 = arith.constant 0 : i32
    %dma_wait3A_1213 = tpu.memref_slice %arg14[%dma_wait3A_1210, %dma_wait3A_1212] : memref<16x512xf32, #tpu.memory_space<vmem>> -> memref<1x512xf32, #tpu.memory_space<vmem>>
    %dma_wait3A_1214 = tpu.memref_squeeze %dma_wait3A_1213 : memref<1x512xf32, #tpu.memory_space<vmem>> -> memref<512xf32, #tpu.memory_space<vmem>>
    %dma_wait3A_1215 = tpu.memref_slice %arg8[%dma_wait3A_1211, %mul3A_2] : memref<16x16384xf32, #tpu.memory_space<hbm>> -> memref<1x512xf32, #tpu.memory_space<hbm>>
    %dma_wait3A_1216 = tpu.memref_squeeze %dma_wait3A_1215 : memref<1x512xf32, #tpu.memory_space<hbm>> -> memref<512xf32, #tpu.memory_space<hbm>>
    %dma_wait3A_1217 = tpu.memref_slice %arg8[%dma_wait3A_1211, %mul3A_2] : memref<16x16384xf32, #tpu.memory_space<hbm>> -> memref<1x512xf32, #tpu.memory_space<hbm>>
    %dma_wait3A_1218 = tpu.memref_squeeze %dma_wait3A_1217 : memref<1x512xf32, #tpu.memory_space<hbm>> -> memref<512xf32, #tpu.memory_space<hbm>>
    %dma_wait3A_1219 = arith.constant 0 : i32
    %dma_wait3A_1220 = tpu.memref_slice %arg14[%dma_wait3A_1210, %dma_wait3A_1219] : memref<16x512xf32, #tpu.memory_space<vmem>> -> memref<1x512xf32, #tpu.memory_space<vmem>>
    %dma_wait3A_1221 = tpu.memref_squeeze %dma_wait3A_1220 : memref<1x512xf32, #tpu.memory_space<vmem>> -> memref<512xf32, #tpu.memory_space<vmem>>
    tpu.wait_dma2 semaphore(%arg20 : memref<!tpu.dma_semaphore, #tpu.memory_space<semaphore_mem>>) src(%dma_wait3A_1221 : memref<512xf32, #tpu.memory_space<vmem>>) dst(%dma_wait3A_1218 : memref<512xf32, #tpu.memory_space<hbm>>)
    %dma_wait3A_1222 = arith.constant 13 : i32
    %dma_wait3A_1223 = arith.constant 13 : i32
    %dma_wait3A_1224 = arith.constant 0 : i32
    %dma_wait3A_1225 = tpu.memref_slice %arg13[%dma_wait3A_1222, %dma_wait3A_1224] : memref<16x512xf32, #tpu.memory_space<vmem>> -> memref<1x512xf32, #tpu.memory_space<vmem>>
    %dma_wait3A_1226 = tpu.memref_squeeze %dma_wait3A_1225 : memref<1x512xf32, #tpu.memory_space<vmem>> -> memref<512xf32, #tpu.memory_space<vmem>>
    %dma_wait3A_1227 = tpu.memref_slice %arg7[%dma_wait3A_1223, %mul3A_2] : memref<16x16384xf32, #tpu.memory_space<hbm>> -> memref<1x512xf32, #tpu.memory_space<hbm>>
    %dma_wait3A_1228 = tpu.memref_squeeze %dma_wait3A_1227 : memref<1x512xf32, #tpu.memory_space<hbm>> -> memref<512xf32, #tpu.memory_space<hbm>>
    %dma_wait3A_1229 = tpu.memref_slice %arg7[%dma_wait3A_1223, %mul3A_2] : memref<16x16384xf32, #tpu.memory_space<hbm>> -> memref<1x512xf32, #tpu.memory_space<hbm>>
    %dma_wait3A_1230 = tpu.memref_squeeze %dma_wait3A_1229 : memref<1x512xf32, #tpu.memory_space<hbm>> -> memref<512xf32, #tpu.memory_space<hbm>>
    %dma_wait3A_1231 = arith.constant 0 : i32
    %dma_wait3A_1232 = tpu.memref_slice %arg13[%dma_wait3A_1222, %dma_wait3A_1231] : memref<16x512xf32, #tpu.memory_space<vmem>> -> memref<1x512xf32, #tpu.memory_space<vmem>>
    %dma_wait3A_1233 = tpu.memref_squeeze %dma_wait3A_1232 : memref<1x512xf32, #tpu.memory_space<vmem>> -> memref<512xf32, #tpu.memory_space<vmem>>
    tpu.wait_dma2 semaphore(%arg20 : memref<!tpu.dma_semaphore, #tpu.memory_space<semaphore_mem>>) src(%dma_wait3A_1233 : memref<512xf32, #tpu.memory_space<vmem>>) dst(%dma_wait3A_1230 : memref<512xf32, #tpu.memory_space<hbm>>)
    %dma_wait3A_1234 = arith.constant 13 : i32
    %dma_wait3A_1235 = arith.constant 13 : i32
    %dma_wait3A_1236 = arith.constant 0 : i32
    %dma_wait3A_1237 = tpu.memref_slice %arg14[%dma_wait3A_1234, %dma_wait3A_1236] : memref<16x512xf32, #tpu.memory_space<vmem>> -> memref<1x512xf32, #tpu.memory_space<vmem>>
    %dma_wait3A_1238 = tpu.memref_squeeze %dma_wait3A_1237 : memref<1x512xf32, #tpu.memory_space<vmem>> -> memref<512xf32, #tpu.memory_space<vmem>>
    %dma_wait3A_1239 = tpu.memref_slice %arg8[%dma_wait3A_1235, %mul3A_2] : memref<16x16384xf32, #tpu.memory_space<hbm>> -> memref<1x512xf32, #tpu.memory_space<hbm>>
    %dma_wait3A_1240 = tpu.memref_squeeze %dma_wait3A_1239 : memref<1x512xf32, #tpu.memory_space<hbm>> -> memref<512xf32, #tpu.memory_space<hbm>>
    %dma_wait3A_1241 = tpu.memref_slice %arg8[%dma_wait3A_1235, %mul3A_2] : memref<16x16384xf32, #tpu.memory_space<hbm>> -> memref<1x512xf32, #tpu.memory_space<hbm>>
    %dma_wait3A_1242 = tpu.memref_squeeze %dma_wait3A_1241 : memref<1x512xf32, #tpu.memory_space<hbm>> -> memref<512xf32, #tpu.memory_space<hbm>>
    %dma_wait3A_1243 = arith.constant 0 : i32
    %dma_wait3A_1244 = tpu.memref_slice %arg14[%dma_wait3A_1234, %dma_wait3A_1243] : memref<16x512xf32, #tpu.memory_space<vmem>> -> memref<1x512xf32, #tpu.memory_space<vmem>>
    %dma_wait3A_1245 = tpu.memref_squeeze %dma_wait3A_1244 : memref<1x512xf32, #tpu.memory_space<vmem>> -> memref<512xf32, #tpu.memory_space<vmem>>
    tpu.wait_dma2 semaphore(%arg20 : memref<!tpu.dma_semaphore, #tpu.memory_space<semaphore_mem>>) src(%dma_wait3A_1245 : memref<512xf32, #tpu.memory_space<vmem>>) dst(%dma_wait3A_1242 : memref<512xf32, #tpu.memory_space<hbm>>)
    %dma_wait3A_1246 = arith.constant 14 : i32
    %dma_wait3A_1247 = arith.constant 14 : i32
    %dma_wait3A_1248 = arith.constant 0 : i32
    %dma_wait3A_1249 = tpu.memref_slice %arg13[%dma_wait3A_1246, %dma_wait3A_1248] : memref<16x512xf32, #tpu.memory_space<vmem>> -> memref<1x512xf32, #tpu.memory_space<vmem>>
    %dma_wait3A_1250 = tpu.memref_squeeze %dma_wait3A_1249 : memref<1x512xf32, #tpu.memory_space<vmem>> -> memref<512xf32, #tpu.memory_space<vmem>>
    %dma_wait3A_1251 = tpu.memref_slice %arg7[%dma_wait3A_1247, %mul3A_2] : memref<16x16384xf32, #tpu.memory_space<hbm>> -> memref<1x512xf32, #tpu.memory_space<hbm>>
    %dma_wait3A_1252 = tpu.memref_squeeze %dma_wait3A_1251 : memref<1x512xf32, #tpu.memory_space<hbm>> -> memref<512xf32, #tpu.memory_space<hbm>>
    %dma_wait3A_1253 = tpu.memref_slice %arg7[%dma_wait3A_1247, %mul3A_2] : memref<16x16384xf32, #tpu.memory_space<hbm>> -> memref<1x512xf32, #tpu.memory_space<hbm>>
    %dma_wait3A_1254 = tpu.memref_squeeze %dma_wait3A_1253 : memref<1x512xf32, #tpu.memory_space<hbm>> -> memref<512xf32, #tpu.memory_space<hbm>>
    %dma_wait3A_1255 = arith.constant 0 : i32
    %dma_wait3A_1256 = tpu.memref_slice %arg13[%dma_wait3A_1246, %dma_wait3A_1255] : memref<16x512xf32, #tpu.memory_space<vmem>> -> memref<1x512xf32, #tpu.memory_space<vmem>>
    %dma_wait3A_1257 = tpu.memref_squeeze %dma_wait3A_1256 : memref<1x512xf32, #tpu.memory_space<vmem>> -> memref<512xf32, #tpu.memory_space<vmem>>
    tpu.wait_dma2 semaphore(%arg20 : memref<!tpu.dma_semaphore, #tpu.memory_space<semaphore_mem>>) src(%dma_wait3A_1257 : memref<512xf32, #tpu.memory_space<vmem>>) dst(%dma_wait3A_1254 : memref<512xf32, #tpu.memory_space<hbm>>)
    %dma_wait3A_1258 = arith.constant 14 : i32
    %dma_wait3A_1259 = arith.constant 14 : i32
    %dma_wait3A_1260 = arith.constant 0 : i32
    %dma_wait3A_1261 = tpu.memref_slice %arg14[%dma_wait3A_1258, %dma_wait3A_1260] : memref<16x512xf32, #tpu.memory_space<vmem>> -> memref<1x512xf32, #tpu.memory_space<vmem>>
    %dma_wait3A_1262 = tpu.memref_squeeze %dma_wait3A_1261 : memref<1x512xf32, #tpu.memory_space<vmem>> -> memref<512xf32, #tpu.memory_space<vmem>>
    %dma_wait3A_1263 = tpu.memref_slice %arg8[%dma_wait3A_1259, %mul3A_2] : memref<16x16384xf32, #tpu.memory_space<hbm>> -> memref<1x512xf32, #tpu.memory_space<hbm>>
    %dma_wait3A_1264 = tpu.memref_squeeze %dma_wait3A_1263 : memref<1x512xf32, #tpu.memory_space<hbm>> -> memref<512xf32, #tpu.memory_space<hbm>>
    %dma_wait3A_1265 = tpu.memref_slice %arg8[%dma_wait3A_1259, %mul3A_2] : memref<16x16384xf32, #tpu.memory_space<hbm>> -> memref<1x512xf32, #tpu.memory_space<hbm>>
    %dma_wait3A_1266 = tpu.memref_squeeze %dma_wait3A_1265 : memref<1x512xf32, #tpu.memory_space<hbm>> -> memref<512xf32, #tpu.memory_space<hbm>>
    %dma_wait3A_1267 = arith.constant 0 : i32
    %dma_wait3A_1268 = tpu.memref_slice %arg14[%dma_wait3A_1258, %dma_wait3A_1267] : memref<16x512xf32, #tpu.memory_space<vmem>> -> memref<1x512xf32, #tpu.memory_space<vmem>>
    %dma_wait3A_1269 = tpu.memref_squeeze %dma_wait3A_1268 : memref<1x512xf32, #tpu.memory_space<vmem>> -> memref<512xf32, #tpu.memory_space<vmem>>
    tpu.wait_dma2 semaphore(%arg20 : memref<!tpu.dma_semaphore, #tpu.memory_space<semaphore_mem>>) src(%dma_wait3A_1269 : memref<512xf32, #tpu.memory_space<vmem>>) dst(%dma_wait3A_1266 : memref<512xf32, #tpu.memory_space<hbm>>)
    %dma_wait3A_1270 = arith.constant 15 : i32
    %dma_wait3A_1271 = arith.constant 15 : i32
    %dma_wait3A_1272 = arith.constant 0 : i32
    %dma_wait3A_1273 = tpu.memref_slice %arg13[%dma_wait3A_1270, %dma_wait3A_1272] : memref<16x512xf32, #tpu.memory_space<vmem>> -> memref<1x512xf32, #tpu.memory_space<vmem>>
    %dma_wait3A_1274 = tpu.memref_squeeze %dma_wait3A_1273 : memref<1x512xf32, #tpu.memory_space<vmem>> -> memref<512xf32, #tpu.memory_space<vmem>>
    %dma_wait3A_1275 = tpu.memref_slice %arg7[%dma_wait3A_1271, %mul3A_2] : memref<16x16384xf32, #tpu.memory_space<hbm>> -> memref<1x512xf32, #tpu.memory_space<hbm>>
    %dma_wait3A_1276 = tpu.memref_squeeze %dma_wait3A_1275 : memref<1x512xf32, #tpu.memory_space<hbm>> -> memref<512xf32, #tpu.memory_space<hbm>>
    %dma_wait3A_1277 = tpu.memref_slice %arg7[%dma_wait3A_1271, %mul3A_2] : memref<16x16384xf32, #tpu.memory_space<hbm>> -> memref<1x512xf32, #tpu.memory_space<hbm>>
    %dma_wait3A_1278 = tpu.memref_squeeze %dma_wait3A_1277 : memref<1x512xf32, #tpu.memory_space<hbm>> -> memref<512xf32, #tpu.memory_space<hbm>>
    %dma_wait3A_1279 = arith.constant 0 : i32
    %dma_wait3A_1280 = tpu.memref_slice %arg13[%dma_wait3A_1270, %dma_wait3A_1279] : memref<16x512xf32, #tpu.memory_space<vmem>> -> memref<1x512xf32, #tpu.memory_space<vmem>>
    %dma_wait3A_1281 = tpu.memref_squeeze %dma_wait3A_1280 : memref<1x512xf32, #tpu.memory_space<vmem>> -> memref<512xf32, #tpu.memory_space<vmem>>
    tpu.wait_dma2 semaphore(%arg20 : memref<!tpu.dma_semaphore, #tpu.memory_space<semaphore_mem>>) src(%dma_wait3A_1281 : memref<512xf32, #tpu.memory_space<vmem>>) dst(%dma_wait3A_1278 : memref<512xf32, #tpu.memory_space<hbm>>)
    %dma_wait3A_1282 = arith.constant 15 : i32
    %dma_wait3A_1283 = arith.constant 15 : i32
    %dma_wait3A_1284 = arith.constant 0 : i32
    %dma_wait3A_1285 = tpu.memref_slice %arg14[%dma_wait3A_1282, %dma_wait3A_1284] : memref<16x512xf32, #tpu.memory_space<vmem>> -> memref<1x512xf32, #tpu.memory_space<vmem>>
    %dma_wait3A_1286 = tpu.memref_squeeze %dma_wait3A_1285 : memref<1x512xf32, #tpu.memory_space<vmem>> -> memref<512xf32, #tpu.memory_space<vmem>>
    %dma_wait3A_1287 = tpu.memref_slice %arg8[%dma_wait3A_1283, %mul3A_2] : memref<16x16384xf32, #tpu.memory_space<hbm>> -> memref<1x512xf32, #tpu.memory_space<hbm>>
    %dma_wait3A_1288 = tpu.memref_squeeze %dma_wait3A_1287 : memref<1x512xf32, #tpu.memory_space<hbm>> -> memref<512xf32, #tpu.memory_space<hbm>>
    %dma_wait3A_1289 = tpu.memref_slice %arg8[%dma_wait3A_1283, %mul3A_2] : memref<16x16384xf32, #tpu.memory_space<hbm>> -> memref<1x512xf32, #tpu.memory_space<hbm>>
    %dma_wait3A_1290 = tpu.memref_squeeze %dma_wait3A_1289 : memref<1x512xf32, #tpu.memory_space<hbm>> -> memref<512xf32, #tpu.memory_space<hbm>>
    %dma_wait3A_1291 = arith.constant 0 : i32
    %dma_wait3A_1292 = tpu.memref_slice %arg14[%dma_wait3A_1282, %dma_wait3A_1291] : memref<16x512xf32, #tpu.memory_space<vmem>> -> memref<1x512xf32, #tpu.memory_space<vmem>>
    %dma_wait3A_1293 = tpu.memref_squeeze %dma_wait3A_1292 : memref<1x512xf32, #tpu.memory_space<vmem>> -> memref<512xf32, #tpu.memory_space<vmem>>
    tpu.wait_dma2 semaphore(%arg20 : memref<!tpu.dma_semaphore, #tpu.memory_space<semaphore_mem>>) src(%dma_wait3A_1293 : memref<512xf32, #tpu.memory_space<vmem>>) dst(%dma_wait3A_1290 : memref<512xf32, #tpu.memory_space<hbm>>)
    return
  }
}

</mosaic_0001>

<sc_bundles>
// kernel: kernel.4.cloned.1.call-start
scs
__scs_entry_jumppad:
0x0: {  	(pc) =	sbr.rel $0x88, $3  }
0x1: {  	(tag) =	ssettag $0x0;
	lr =	simm.s32 $0x1  }
0x2: {  	[smem:$0x3F9D] =	sst lr;
	_ =	strace $0xD0000000  }
0x3: {  	_ = 	snop  }
0x4: {  	_ = 	snop  }
0x5: {  	_ = 	snop  }
0x6: {  	_ = 	snop  }
0x7: {  	_ = 	snop  }
__scs_overlays_trampoline_lowered:
0x8: {  	[smem:$0x3FAC] =	sst s0  }
0x9: {  	[smem:$0x3FAD] =	sst s1  }
0xa: {  	[smem:$0x3FAE] =	sst s2  }
0xb: {  	[smem:$0x3FAF] =	sst s3  }
0xc: {  	[smem:$0x3FB0] =	sst s4  }
0xd: {  	[smem:$0x3FB1] =	sst s5  }
0xe: {  	[smem:$0x3FB2] =	sst s6  }
0xf: {  	[smem:$0x3FB3] =	sst s7  }
0x10: {  	[smem:$0x3FB4] =	sst s8  }
0x11: {  	[smem:$0x3FB5] =	sst s9;
	s0 =	simm.s32 @!p0 $0x0  }
0x12: {  	s1 =	sld [smem:$0x3F9B];
	s0 =	simm.s32 @p0 $0x1  }
0x13: {  	[smem:$0x3FB6] =	sst s0;
	s0 =	simm.s32 @!p1 $0x0  }
0x14: {  	s2 =	sld [smem:$0x3F9A];
	s0 =	simm.s32 @p1 $0x1  }
0x15: {  	[smem:$0x3FB7] =	sst s0;
	s0 =	simm.s32 @!p2 $0x0  }
0x16: {  	s3 =	sld [smem:$0x3FDB];
	s0 =	simm.s32 @p2 $0x1  }
0x17: {  	s4 =	simm.s32 $0x1BF5;
	[smem:$0x3FB9] =	sst s0  }
0x18: {  	s0 =	sld [smem:$0x3F9C];
	_ =	swait.ge [sflag:s4], $0x0  }
0x19: {  	s7 =	sld [smem:$0x3F9D]  }
0x1a: {  	s8 =	sadd.s32 $0xFFFFE003, lr  }
0x1b: {  	s9 =	sadd.s32 $0xFFFFFEF7, lr;
	s5 =	simm.s32 $0xFFFFFFFF;
	p2 =	slt.u32 s8, $0xFFFFF086  }
0x1c: {  	p1 =	slt.u32 s9, $0xF7A;
	s5 =	simm.s32 @!p2 $0x0  }
0x1d: {  	s5 =	simm.s32 @p1 $0x1;
	p0 =	seq.s32 s7, s2  }
0x1e: {  	s7 =	smul.u32 @!p0 $0xF7A, s2;
	p2 =	seq.s32 @!p0 s5, $0x0  }
0x1f: {  	s9 =	smul.u32 $0xF7A, s1;
	s8 =	simm.s32 @!p0 $0x1BF5;
	p2 =	por !p2, p0  }
0x20: {  	[sflag:s8] =	ssyncset.s32 @!p0 $0xFFFFF086;
	s6 =	sadd.s32 @!p0 s3, s7;
	s7 =	simm.s32 @!p0 $0x108  }
0x21: {  	s3 =	sadd.s32 s3, s9;
	s6 =	sadd.s32 @!p0 $0x88, s6;
	s7 =	simm.s32 @p2 $0x1082  }
0x22: {  	[simem:s7], [sflag:s8] =	dma.local @!p0 [hbm:s6], $0xF7A  }
0x23: {  	s9 =	sor.u32 $0xD0000000, s2;
	s6 =	simm.s32 $0x108;
	_ =	swait.ge @!p0 [sflag:s8], $0x0  }
0x24: {  	s3 =	sadd.s32 $0x88, s3;
	s6 =	simm.s32 @!p1 $0x1082;
	[sflag:s4] =	ssyncset.s32 $0xFFFFF086  }
0x25: {  	[simem:s6], [sflag:s4] =	dma.local [hbm:s3], $0xF7A  }
0x26: {  	[smem:$0x3F9D] =	sst s1;
	(tag) =	ssettag s2;
	_ =	strace s9  }
0x27: {  	s1 =	sld [smem:$0x3FAD]  }
0x28: {  	s2 =	sld [smem:$0x3FAE]  }
0x29: {  	s4 =	sld [smem:$0x3FB0]  }
0x2a: {  	p0 =	seq.s32 s5, $0x0;
	s5 =	sld [smem:$0x3FB1]  }
0x2b: {  	s6 =	sld [smem:$0x3FB2]  }
0x2c: {  	s7 =	sld [smem:$0x3FB3]  }
0x2d: {  	s3 =	simm.s32 $0x108;
	s8 =	sld [smem:$0x3FB4]  }
0x2e: {  	s3 =	simm.s32 @!p0 $0x1082;
	s9 =	sld [smem:$0x3FB5]  }
0x2f: {  	lr =	sadd.s32 s0, s3;
	s0 =	sld [smem:$0x3FAC]  }
0x30: {  	s3 =	sld [smem:$0x3FAF]  }
0x31: {  	[smem:$0x3FB8] =	sst s10  }
0x32: {  	s10 =	sld [smem:$0x3FB6];
	_ =	sdelay $0x3  }
0x33: {  	p0 =	seq.s32 s10, $0x1;
	s10 =	sld [smem:$0x3FB8];
	_ =	sdelay $0x3  }
0x34: {  	[smem:$0x3FB8] =	sst s10  }
0x35: {  	s10 =	sld [smem:$0x3FB7];
	_ =	sdelay $0x3  }
0x36: {  	p1 =	seq.s32 s10, $0x1;
	s10 =	sld [smem:$0x3FB8];
	_ =	sdelay $0x3  }
0x37: {  	[smem:$0x3FB8] =	sst s10  }
0x38: {  	s10 =	sld [smem:$0x3FB9]  }
0x39: {  	_ = 	snop;
	(pc) =	sbr.ind lr, $3  }
0x3a: {  	_ = 	snop  }
0x3b: {  	_ = 	snop  }
0x3c: {  	p2 =	seq.s32 s10, $0x1;
	s10 =	sld [smem:$0x3FB8]  }
0x3d: {  	_ =	shalt  }
0x3e: {  	_ =	shalt  }
0x3f: {  	_ =	shalt  }
0x40: {  	_ =	shalt  }
0x41: {  	_ =	shalt  }
0x42: {  	_ =	shalt  }
0x43: {  	_ =	shalt  }
0x44: {  	_ =	shalt  }
0x45: {  	_ =	shalt  }
0x46: {  	_ =	shalt  }
0x47: {  	_ =	shalt  }
0x48: {  	_ =	shalt  }
0x49: {  	_ =	shalt  }
0x4a: {  	_ =	shalt  }
0x4b: {  	_ =	shalt  }
0x4c: {  	_ =	shalt  }
0x4d: {  	_ =	shalt  }
0x4e: {  	_ =	shalt  }
0x4f: {  	_ =	shalt  }
0x50: {  	_ =	shalt  }
0x51: {  	_ =	shalt  }
0x52: {  	_ =	shalt  }
0x53: {  	_ =	shalt  }
0x54: {  	_ =	shalt  }
0x55: {  	_ =	shalt  }
0x56: {  	_ =	shalt  }
0x57: {  	_ =	shalt  }
0x58: {  	_ =	shalt  }
0x59: {  	_ =	shalt  }
0x5a: {  	_ =	shalt  }
0x5b: {  	_ =	shalt  }
0x5c: {  	_ =	shalt  }
0x5d: {  	_ =	shalt  }
0x5e: {  	_ =	shalt  }
0x5f: {  	_ =	shalt  }
0x60: {  	_ =	shalt  }
0x61: {  	_ =	shalt  }
0x62: {  	_ =	shalt  }
0x63: {  	_ =	shalt  }
0x64: {  	_ =	shalt  }
0x65: {  	_ =	shalt  }
0x66: {  	_ =	shalt  }
0x67: {  	_ =	shalt  }
0x68: {  	_ =	shalt  }
0x69: {  	_ =	shalt  }
0x6a: {  	_ =	shalt  }
0x6b: {  	_ =	shalt  }
0x6c: {  	_ =	shalt  }
0x6d: {  	_ =	shalt  }
0x6e: {  	_ =	shalt  }
0x6f: {  	_ =	shalt  }
0x70: {  	_ =	shalt  }
0x71: {  	_ =	shalt  }
0x72: {  	_ =	shalt  }
0x73: {  	_ =	shalt  }
0x74: {  	_ =	shalt  }
0x75: {  	_ =	shalt  }
0x76: {  	_ =	shalt  }
0x77: {  	_ =	shalt  }
0x78: {  	_ =	shalt  }
0x79: {  	_ =	shalt  }
0x7a: {  	_ =	shalt  }
0x7b: {  	_ =	shalt  }
0x7c: {  	_ =	shalt  }
0x7d: {  	_ =	shalt  }
0x7e: {  	_ =	shalt  }
0x7f: {  	_ =	shalt  }
0x80: {  	_ =	shalt  }
0x81: {  	_ =	shalt  }
0x82: {  	_ =	shalt  }
0x83: {  	_ =	shalt  }
0x84: {  	_ =	shalt  }
0x85: {  	_ =	shalt  }
0x86: {  	_ =	shalt  }
0x87: {  	_ =	shalt  }
.Lfunc_end0:
.L_simem_size_0:
called_computation_lowered:
.L_overlay_start_0:
0x88: {  	s2 =	sld [smem:$0x3FD9]  }
0x89: {  	s3 =	sld [smem:$0x3FFE];
	_ =	sdelay $0x1  }
0x8a: {  	s1 =	srdreg.scid  }
0x8b: {  	s0 =	sand.u32 $0x1, s1  }
0x8c: {  	s14 =	sshll.u32 s0, $0xA;
	s2 =	sadd.s32 s3, s2  }
0x8d: {  	s2 =	sadd.s32 s2, s14  }
0x8e: {  	[smem:$0x3FC4] =	sst s2  }
0x8f: {  	_ = 	snop  }
0x90: {  	s2 =	sld [smem:$0x3FD0];
	_ =	sdelay $0x2  }
0x91: {  	s4 =	simm.s32 $0xA;
	s5 =	simm.s32 $0x10;
	s15 =	sld [smem:$0x3FC9]  }
0x92: {  	[smem:s5], [sflag:s4] =	dma.local [hbm:s2], $0x1  }
0x93: {  	_ =	swait.eq [sflag:s4], $0x1  }
0x94: {  	[sflag:s4] =	ssyncset.done $0x0  }
0x95: {  	[sflag:s4] =	ssyncadd.s32 $0xFFFFFFFF  }
0x96: {  	s16 =	sld [smem:$0x13];
	(tm) =	ssettm $0x1  }
0x97: {  	s17 =	sld [smem:$0x3FFB];
	_ =	sdelay $0x3  }
0x98: {  	_ =	strace s17  }
0x99: {  	s4 =	sld [smem:$0x3FFC];
	_ =	sdelay $0x3  }
0x9a: {  	_ =	strace s4  }
0x9b: {  	s4 =	sld [smem:$0x3FFD];
	_ =	sdelay $0x3  }
0x9c: {  	_ =	strace s4  }
0x9d: {  	_ =	strace $0x8FFFFFFF  }
0x9e: {  	s18 =	sld [smem:$0x3FDB];
	_ =	sdelay $0x1  }
0x9f: {  	s19 =	simm.s32 $_scs_section_size  }
0xa0: {  	s6 =	simm.s32 $_size__tile_overlayer_lowered;
	s7 =	simm.s32 $_tile_overlayer_lowered  }
0xa1: {  	s22 =	simm.s32 $0x1BFF;
	s21 =	sshll.u32 s7, $0x1;
	s4 =	sadd.s32 s19, s18  }
0xa2: {  	s8 =	simm.s32 $0x0;
	s20 =	sshll.u32 s6, $0x1;
	s6 =	sadd.s32 s21, s4  }
0xa3: {  	[timem:s8], [sflag:s22] =	dma.local [hbm:s6], s20  }
0xa4: {  	_ =	swait.ge [sflag:s22], s20  }
0xa5: {  	s5 =	ssub.s32 $0x0, s20;
	[sflag:s22] =	ssyncset.done $0x0  }
0xa6: {  	[sflag:s22] =	ssyncadd.s32 s5;
	_ =	sdelay $0x1  }
0xa7: {  	s23 =	simm.s32 $0x1B8B  }
0xa8: {  	_ =	swait.ge [sflag:s23], $0x1  }
0xa9: {  	[sflag:s23] =	ssyncset.done $0x0  }
0xaa: {  	s25 =	simm.s32 $0x1B8E;
	s24 =	sld [smem:$0x3FFE];
	[sflag:s23] =	ssyncadd.s32 $0xFFFFFFFF  }
0xab: {  	s26 =	simm.s32 $execute0_lowered;
	[smem:$0x3FD2] =	sst s25  }
0xac: {  	s6 =	sshll.u32 s26, $0x1;
	_ =	strace $0x80000046;
	[dreg:$0x1] =	wrdreg $0xFFFFFFFF  }
0xad: {  	s28 =	simm.s32 $_size_execute0_lowered;
	s4 =	sadd.s32 s4, s6;
	[dreg:$0x0] =	wrdreg $0x0  }
0xae: {  	s6 =	sshll.u32 s28, $0x1;
	[dreg:$0x2] =	wrdreg s4  }
0xaf: {  	[dreg:$0x3] =	wrdreg s6  }
0xb0: {  	[dreg:$0x4] =	wrdreg $0xC0  }
0xb1: {  	_ =	task [dreg:s8], $0x5FFFF  }
0xb2: {  	[dreg:$0x1] =	wrdreg $0xFFFFFFFF  }
0xb3: {  	[dreg:$0x0] =	wrdreg $0x60  }
0xb4: {  	[dreg:$0x2] =	wrdreg s15  }
0xb5: {  	[dreg:$0x3] =	wrdreg s16  }
0xb6: {  	[dreg:$0x4] =	wrdreg s24  }
0xb7: {  	[dreg:$0x5] =	wrdreg $0x9  }
0xb8: {  	_ =	task.clear_ibuf [dreg:s8], $0x6FFFF;
	_ =	strace $0x90000046  }
0xb9: {  	s29 =	simm.s32 $0x9;
	_ =	strace $0x80000048  }
0xba: {  	_ =	swait.ge [sflag:s29], $0x1  }
0xbb: {  	[sflag:s29] =	ssyncadd.s32 $0xFFFFFFFF  }
0xbc: {  	_ =	strace $0x90000048  }
0xbd: {  	_ =	sfence  }
0xbe: {  	s30 =	sld [smem:$0x0];
	_ =	sdelay $0x2  }
0xbf: {  	s31 =	sshll.u32 s1, $0xD;
	s1 =	sshrl.u32 s1, $0x2  }
0xc0: {  	s3 =	sand.u32 $0x4000, s31;
	s1 =	sadd.s32 s1, s30  }
0xc1: {  	s0 =	sor.u32 s3, s0;
	s1 =	sshll.u32 s1, $0x11  }
0xc2: {  	s0 =	sor.u32 s1, s0  }
0xc3: {  	s0 =	sadd.s32 $0x8F2B, s0  }
0xc4: {  	[sflag:s0] =	ssyncadd.remote.s32 $0x1  }
0xc5: {  	_ =	sfence.sel $0xFFFF  }
0xc6: {  	[dreg:$0x0] =	wrdreg $0xFFFFFFFF;
	(pc) =	sbr.abs _section_cstart, $3  }
0xc7: {  	[dreg:$0x1] =	wrdreg $0xFFFFFFFF  }
0xc8: {  	_ =	task.clear_ibuf [dreg:s8], $0x2FFFF;
	_ =	strace $0x9FFFFFFF  }
0xc9: {  	(tm) =	ssettm $0x7FFFFFFF  }
tec
execute0_lowered:
.L_overlay_start_1:
0x0: {  	(tag) =	ssettag $0x1  }
0x1: {  	s5 =	rddreg [dreg:$0x0]  }
0x2: {  	s0 =	srdreg.scid;
	s1 =	rddreg [dreg:$0x2];
	s4 =	simm.s32 $0x0  }
0x3: {  	s3 =	sand.u32 $0x1, s0;
	[smem:$0x7FF] =	sst s4  }
0x4: {  	s6 =	sadd.s32 $0xC00, s1;
	s21 =	sadd.s32 $0x1F440, s1;
	s22 =	sadd.s32 $0x3DC90, s1  }
0x5: {  	s23 =	sadd.s32 $0x5C4E0, s1;
	s24 =	sadd.s32 $0x7AD30, s1;
	s25 =	sadd.s32 $0x99580, s1  }
0x6: {  	s26 =	sadd.s32 $0xB7DD0, s1;
	s28 =	sadd.s32 $0xD6620, s1;
	s18 =	sadd.s32 $0x1AC050, s1  }
0x7: {  	s20 =	rddreg [dreg:$0x1];
	s19 =	sadd.s32 $0x1CA8A0, s1;
	s7 =	smul.u32 $0x7A1400, s3  }
0x8: {  	_ =	strace $0x80000047;
	s2 =	ssub.s32 $0x2, s3;
	[dreg:$0x9] =	wrdreg s18  }
0x9: {  	s31 =	sadd.s32 $0x150760, s1;
	[dreg:$0xa] =	wrdreg s19;
	s17 =	sshrl.u32 s2, $0x1  }
0xa: {  	[dreg:$0x6] =	wrdreg s31;
	s16 =	sshrl.u32 s7, $0x3;
	s2 =	ssub.s32 s2, s17  }
0xb: {  	s17 =	stileid.u32;
	s18 =	sadd.s32 $0x1E8500, s7;
	s19 =	sadd.s32 $0x2DC780, s7  }
0xc: {  	[dreg:$0x4] =	wrdreg s7;
	s5 =	sadd.s32 s5, s16;
	s0 =	sadd.s32 s6, s16  }
0xd: {  	s16 =	sadd.s32 $0x18D800, s1;
	s2 =	smax.u32 s2, $0x1;
	[dreg:$0xe] =	wrdreg s18  }
0xe: {  	[dreg:$0xf] =	wrdreg s19;
	s18 =	sadd.s32 $0x5B8F00, s7;
	s19 =	sadd.s32 $0x6AD180, s7  }
0xf: {  	s5 =	sadd.s32 $0xF3C00, s5;
	s8 =	sadd.s32 $0x1E780, s0;
	[dreg:$0x8] =	wrdreg s16  }
0x10: {  	s9 =	sadd.s32 $0x3CFD0, s0;
	s10 =	sadd.s32 $0x5B820, s0;
	[dreg:$0xc] =	wrdreg s2  }
0x11: {  	s11 =	sadd.s32 $0x7A070, s0;
	s12 =	sadd.s32 $0x988C0, s0;
	[dreg:$0x13] =	wrdreg s18  }
0x12: {  	s13 =	sadd.s32 $0xB7110, s0;
	s14 =	sadd.s32 $0xD5960, s0;
	[dreg:$0x14] =	wrdreg s19  }
0x13: {  	s15 =	sadd.s32 $0xF41B0, s0;
	s16 =	sadd.s32 $0xF4280, s7;
	[dreg:$0x5] =	wrdreg s5  }
0x14: {  	s2 =	sshll.u32 s17, $0x1;
	s17 =	sadd.s32 $0x4C4C80, s7;
	[dreg:$0xd] =	wrdreg s16  }
.Ltmp0:
0x15: {  	s0 =	sadd.s32 $0x16EFB0, s1;
	[dreg:$0x12] =	wrdreg s17;
	(pc) =	sbr.rel .LBB2_1-.Ltmp0, $4  }
0x16: {  	s29 =	sadd.s32 $0xF4E70, s1;
	s30 =	sadd.s32 $0x131F10, s1;
	[dreg:$0x7] =	wrdreg s0  }
0x17: {  	s5 =	sadd.s32 $0x1136C0, s1;
	s1 =	sadd.s32 $0x1E90F0, s1;
	[dreg:$0x10] =	wrdreg s2  }
0x18: {  	p0 =	seq.s32 s3, $0x1;
	s16 =	sadd.s32 $0x3D0A00, s7;
	[dreg:$0xb] =	wrdreg s1  }
0x19: {  	s7 =	simm.s32 $0x2;
	[dreg:$0x11] =	wrdreg s16;
	s16 =	simm.s32 $0x0  }
.LBB2_25:
0x1a: {  	s16 =	rddreg [dreg:$0x15]  }
0x1b: {  	s1 =	rddreg [dreg:$0xc];
	s16 =	sadd.s32 $0x1, s16  }
0x1c: {  	p1 =	sne.s32 s16, s1  }
.Ltmp1:
0x1d: {  	_ = 	snop;
	(pc) =	sbr.rel @!p1 .LBB2_26-.Ltmp1, $1  }
0x1e: {  	_ =	sdelay $0x3  }
.LBB2_1:
.Ltmp2:
0x1f: {  	(pc) =	sbr.rel .LBB2_2-.Ltmp2, $2  }
0x20: {  	_ =	sdelay $0x2  }
0x21: {  	[dreg:$0x15] =	wrdreg s16;
	s16 =	simm.s32 $0x0  }
.LBB2_24:
0x22: {  	s16 =	sadd.s32 $0x1, s16  }
0x23: {  	p1 =	sne.s32 s16, $0x5  }
.Ltmp3:
0x24: {  	_ = 	snop;
	(pc) =	sbr.rel @!p1 .LBB2_25-.Ltmp3, $1  }
0x25: {  	_ =	sdelay $0x3  }
.LBB2_2:
0x26: {  	s17 =	sshll.u32 s16, $0x5  }
0x27: {  	s18 =	sor.u32 s2, s17  }
0x28: {  	p1 =	sgt.u32 s18, $0x9D  }
.Ltmp4:
0x29: {  	_ = 	snop;
	(pc) =	sbr.rel @p1 .LBB2_22-.Ltmp4, $2  }
0x2a: {  	_ =	sdelay $0x2  }
0x2b: {  	s17 =	sor.u32 s3, s18  }
0x2c: {  	p1 =	seq.s32 s17, $0x0  }
0x2d: {  	p1 =	por !p1, !p0  }
0x2e: {  	s19 =	simm.s32 $0x1;
	p1 =	por !p1, !p1  }
0x2f: {  	s18 =	sshrl.u32 s18, $0x1;
	s19 =	simm.s32 @!p1 $0x0  }
0x30: {  	s18 =	ssub.s32 s18, s19  }
0x31: {  	p1 =	sgt.s32 s18, $0x4D  }
.Ltmp5:
0x32: {  	_ = 	snop;
	(pc) =	sbr.rel @p1 .LBB2_21-.Ltmp5, $1  }
0x33: {  	_ =	sdelay $0x3  }
0x34: {  	s1 =	smov.u32 s3;
	s3 =	smov.u32 s30  }
0x35: {  	s2 =	smov.u32 s5;
	s5 =	smov.u32 s29;
	s31 =	smov.u32 s28  }
0x36: {  	s0 =	smov.u32 s26;
	s30 =	smov.u32 s25;
	s19 =	smul.u32 $0x19000, s18  }
0x37: {  	s29 =	smov.u32 s24;
	s28 =	smov.u32 s23;
	s23 =	rddreg [dreg:$0x4]  }
0x38: {  	s26 =	smov.u32 s22;
	s18 =	smul.u32 $0x3200, s18;
	s19 =	sadd.s32 s23, s19  }
0x39: {  	s24 =	smov.u32 s20;
	s22 =	rddreg [dreg:$0x0];
	s19 =	sshrl.u32 s19, $0x3  }
0x3a: {  	s23 =	sadd.s32 s23, s18;
	s20 =	sadd.s32 s22, s19;
	s19 =	simm.s32 $0x0  }
0x3b: {  	[tilespmem:s19], [sflag:$0x2] =	stream.linear.gather [hbm4b:s20+s19], $0x19000, $0x38;
	[tilespmem:$0x1C800] =	vst v63  }
0x3c: {  	s25 =	smov.u32 s21;
	s20 =	sshrl.u32 s23, $0x3;
	_ =	swait.ge [sflag:s7], $0x19000  }
0x3d: {  	s21 =	simm.s32 $0x10;
	s20 =	sadd.s32 s6, s20;
	[sflag:s7] =	ssyncset.done $0x0  }
0x3e: {  	s22 =	simm.s32 $0x400;
	s23 =	sadd.s32 $0x0, s20;
	[sflag:s7] =	ssyncadd.s32 $0xFFFE7000  }
.LBB2_5:
0x3f: {  	[hbm4b:s23+s4] =	stream.linear.scatter [tilespmem:s19], [sflag:$0x2], $0x80, $0x38;
	[tilespmem:$0x1C800] =	vst v63  }
0x40: {  	s23 =	smov.u32 s21;
	s19 =	smov.u32 s22;
	p1 =	sne.s32 s21, $0x630  }
.Ltmp6:
0x41: {  	s21 =	sadd.s32 $0x10, s21;
	(pc) =	sbr.rel @p1 .LBB2_5-.Ltmp6, $2  }
0x42: {  	_ =	sdelay $0x2  }
0x43: {  	s22 =	sadd.s32 $0x400, s22;
	s23 =	sadd.s32 s23, s20  }
0x44: {  	[hbm4b:s23+s4] =	stream.linear.scatter [tilespmem:s19], [sflag:$0x2], $0x80, $0x38;
	[tilespmem:$0x1C800] =	vst v63  }
0x45: {  	_ =	swait.ge [sflag:s7], $0x3200  }
0x46: {  	s23 =	rddreg [dreg:$0xd]  }
0x47: {  	s19 =	sadd.s32 s23, s18  }
0x48: {  	s20 =	simm.s32 $0x80;
	s19 =	sshrl.u32 s19, $0x3  }
0x49: {  	s21 =	simm.s32 $0x10;
	[sflag:s7] =	ssyncset.done $0x0;
	s19 =	sadd.s32 s6, s19  }
0x4a: {  	s22 =	simm.s32 $0x480;
	[sflag:s7] =	ssyncadd.s32 $0xFFFFCE00;
	s23 =	sadd.s32 $0x0, s19  }
.LBB2_7:
0x4b: {  	[hbm4b:s23+s4] =	stream.linear.scatter [tilespmem:s20], [sflag:$0x2], $0x80, $0x38;
	[tilespmem:$0x1C800] =	vst v63  }
0x4c: {  	s23 =	smov.u32 s21;
	s20 =	smov.u32 s22;
	p1 =	sne.s32 s21, $0x630  }
.Ltmp7:
0x4d: {  	s21 =	sadd.s32 $0x10, s21;
	(pc) =	sbr.rel @p1 .LBB2_7-.Ltmp7, $2  }
0x4e: {  	_ =	sdelay $0x2  }
0x4f: {  	s22 =	sadd.s32 $0x400, s22;
	s23 =	sadd.s32 s23, s19  }
0x50: {  	[hbm4b:s23+s4] =	stream.linear.scatter [tilespmem:s20], [sflag:$0x2], $0x80, $0x38;
	[tilespmem:$0x1C800] =	vst v63  }
0x51: {  	_ =	swait.ge [sflag:s7], $0x3200  }
0x52: {  	s19 =	rddreg [dreg:$0xe]  }
0x53: {  	s19 =	sadd.s32 s19, s18  }
0x54: {  	s20 =	simm.s32 $0x100;
	s19 =	sshrl.u32 s19, $0x3  }
0x55: {  	s21 =	simm.s32 $0x10;
	[sflag:s7] =	ssyncset.done $0x0;
	s19 =	sadd.s32 s6, s19  }
0x56: {  	s22 =	simm.s32 $0x500;
	[sflag:s7] =	ssyncadd.s32 $0xFFFFCE00;
	s23 =	sadd.s32 $0x0, s19  }
.LBB2_9:
0x57: {  	[hbm4b:s23+s4] =	stream.linear.scatter [tilespmem:s20], [sflag:$0x2], $0x80, $0x38;
	[tilespmem:$0x1C800] =	vst v63  }
0x58: {  	s23 =	smov.u32 s21;
	s20 =	smov.u32 s22;
	p1 =	sne.s32 s21, $0x630  }
.Ltmp8:
0x59: {  	s21 =	sadd.s32 $0x10, s21;
	(pc) =	sbr.rel @p1 .LBB2_9-.Ltmp8, $2  }
0x5a: {  	_ =	sdelay $0x2  }
0x5b: {  	s22 =	sadd.s32 $0x400, s22;
	s23 =	sadd.s32 s23, s19  }
0x5c: {  	[hbm4b:s23+s4] =	stream.linear.scatter [tilespmem:s20], [sflag:$0x2], $0x80, $0x38;
	[tilespmem:$0x1C800] =	vst v63  }
0x5d: {  	_ =	swait.ge [sflag:s7], $0x3200  }
0x5e: {  	s19 =	rddreg [dreg:$0xf]  }
0x5f: {  	s19 =	sadd.s32 s19, s18  }
0x60: {  	s20 =	simm.s32 $0x180;
	s19 =	sshrl.u32 s19, $0x3  }
0x61: {  	s21 =	simm.s32 $0x10;
	[sflag:s7] =	ssyncset.done $0x0;
	s19 =	sadd.s32 s6, s19  }
0x62: {  	s22 =	simm.s32 $0x580;
	[sflag:s7] =	ssyncadd.s32 $0xFFFFCE00;
	s23 =	sadd.s32 $0x0, s19  }
.LBB2_11:
0x63: {  	[hbm4b:s23+s4] =	stream.linear.scatter [tilespmem:s20], [sflag:$0x2], $0x80, $0x38;
	[tilespmem:$0x1C800] =	vst v63  }
0x64: {  	s23 =	smov.u32 s21;
	s20 =	smov.u32 s22;
	p1 =	sne.s32 s21, $0x630  }
.Ltmp9:
0x65: {  	s21 =	sadd.s32 $0x10, s21;
	(pc) =	sbr.rel @p1 .LBB2_11-.Ltmp9, $2  }
0x66: {  	_ =	sdelay $0x2  }
0x67: {  	s22 =	sadd.s32 $0x400, s22;
	s23 =	sadd.s32 s23, s19  }
0x68: {  	[hbm4b:s23+s4] =	stream.linear.scatter [tilespmem:s20], [sflag:$0x2], $0x80, $0x38;
	[tilespmem:$0x1C800] =	vst v63  }
0x69: {  	_ =	swait.ge [sflag:s7], $0x3200  }
0x6a: {  	s19 =	rddreg [dreg:$0x11]  }
0x6b: {  	s19 =	sadd.s32 s19, s18  }
0x6c: {  	s20 =	simm.s32 $0x200;
	s19 =	sshrl.u32 s19, $0x3  }
0x6d: {  	s21 =	simm.s32 $0x10;
	[sflag:s7] =	ssyncset.done $0x0;
	s19 =	sadd.s32 s6, s19  }
0x6e: {  	s22 =	simm.s32 $0x600;
	[sflag:s7] =	ssyncadd.s32 $0xFFFFCE00;
	s23 =	sadd.s32 $0x0, s19  }
.LBB2_13:
0x6f: {  	[hbm4b:s23+s4] =	stream.linear.scatter [tilespmem:s20], [sflag:$0x2], $0x80, $0x38;
	[tilespmem:$0x1C800] =	vst v63  }
0x70: {  	s23 =	smov.u32 s21;
	s20 =	smov.u32 s22;
	p1 =	sne.s32 s21, $0x630  }
.Ltmp10:
0x71: {  	s21 =	sadd.s32 $0x10, s21;
	(pc) =	sbr.rel @p1 .LBB2_13-.Ltmp10, $2  }
0x72: {  	_ =	sdelay $0x2  }
0x73: {  	s22 =	sadd.s32 $0x400, s22;
	s23 =	sadd.s32 s23, s19  }
0x74: {  	[hbm4b:s23+s4] =	stream.linear.scatter [tilespmem:s20], [sflag:$0x2], $0x80, $0x38;
	[tilespmem:$0x1C800] =	vst v63  }
0x75: {  	_ =	swait.ge [sflag:s7], $0x3200  }
0x76: {  	s19 =	rddreg [dreg:$0x12]  }
0x77: {  	s19 =	sadd.s32 s19, s18  }
0x78: {  	s20 =	simm.s32 $0x280;
	s19 =	sshrl.u32 s19, $0x3  }
0x79: {  	s21 =	simm.s32 $0x10;
	[sflag:s7] =	ssyncset.done $0x0;
	s19 =	sadd.s32 s6, s19  }
0x7a: {  	s22 =	simm.s32 $0x680;
	[sflag:s7] =	ssyncadd.s32 $0xFFFFCE00;
	s23 =	sadd.s32 $0x0, s19  }
.LBB2_15:
0x7b: {  	[hbm4b:s23+s4] =	stream.linear.scatter [tilespmem:s20], [sflag:$0x2], $0x80, $0x38;
	[tilespmem:$0x1C800] =	vst v63  }
0x7c: {  	s23 =	smov.u32 s21;
	s20 =	smov.u32 s22;
	p1 =	sne.s32 s21, $0x630  }
.Ltmp11:
0x7d: {  	s21 =	sadd.s32 $0x10, s21;
	(pc) =	sbr.rel @p1 .LBB2_15-.Ltmp11, $2  }
0x7e: {  	_ =	sdelay $0x2  }
0x7f: {  	s22 =	sadd.s32 $0x400, s22;
	s23 =	sadd.s32 s23, s19  }
0x80: {  	[hbm4b:s23+s4] =	stream.linear.scatter [tilespmem:s20], [sflag:$0x2], $0x80, $0x38;
	[tilespmem:$0x1C800] =	vst v63  }
0x81: {  	_ =	swait.ge [sflag:s7], $0x3200  }
0x82: {  	s19 =	rddreg [dreg:$0x13]  }
0x83: {  	s19 =	sadd.s32 s19, s18  }
0x84: {  	s20 =	simm.s32 $0x300;
	s19 =	sshrl.u32 s19, $0x3  }
0x85: {  	s21 =	simm.s32 $0x10;
	[sflag:s7] =	ssyncset.done $0x0;
	s19 =	sadd.s32 s6, s19  }
0x86: {  	s22 =	simm.s32 $0x700;
	[sflag:s7] =	ssyncadd.s32 $0xFFFFCE00;
	s23 =	sadd.s32 $0x0, s19  }
.LBB2_17:
0x87: {  	[hbm4b:s23+s4] =	stream.linear.scatter [tilespmem:s20], [sflag:$0x2], $0x80, $0x38;
	[tilespmem:$0x1C800] =	vst v63  }
0x88: {  	s23 =	smov.u32 s21;
	s20 =	smov.u32 s22;
	p1 =	sne.s32 s21, $0x630  }
.Ltmp12:
0x89: {  	s21 =	sadd.s32 $0x10, s21;
	(pc) =	sbr.rel @p1 .LBB2_17-.Ltmp12, $2  }
0x8a: {  	_ =	sdelay $0x2  }
0x8b: {  	s22 =	sadd.s32 $0x400, s22;
	s23 =	sadd.s32 s23, s19  }
0x8c: {  	[hbm4b:s23+s4] =	stream.linear.scatter [tilespmem:s20], [sflag:$0x2], $0x80, $0x38;
	[tilespmem:$0x1C800] =	vst v63  }
0x8d: {  	_ =	swait.ge [sflag:s7], $0x3200  }
0x8e: {  	s19 =	rddreg [dreg:$0x14]  }
0x8f: {  	s18 =	sadd.s32 s19, s18  }
0x90: {  	s20 =	simm.s32 $0x10;
	s18 =	sshrl.u32 s18, $0x3  }
0x91: {  	s21 =	simm.s32 $0x780;
	[sflag:s7] =	ssyncset.done $0x0;
	s18 =	sadd.s32 s6, s18  }
0x92: {  	[sflag:s7] =	ssyncadd.s32 $0xFFFFCE00;
	s19 =	simm.s32 $0x380;
	s22 =	sadd.s32 $0x0, s18  }
.LBB2_19:
0x93: {  	[hbm4b:s22+s4] =	stream.linear.scatter [tilespmem:s19], [sflag:$0x2], $0x80, $0x38;
	[tilespmem:$0x1C800] =	vst v63  }
0x94: {  	s22 =	smov.u32 s20;
	s19 =	smov.u32 s21;
	p1 =	sne.s32 s20, $0x630  }
.Ltmp13:
0x95: {  	s20 =	sadd.s32 $0x10, s20;
	(pc) =	sbr.rel @p1 .LBB2_19-.Ltmp13, $2  }
0x96: {  	_ =	sdelay $0x2  }
0x97: {  	s21 =	sadd.s32 $0x400, s21;
	s22 =	sadd.s32 s22, s18  }
0x98: {  	[hbm4b:s22+s4] =	stream.linear.scatter [tilespmem:s19], [sflag:$0x2], $0x80, $0x38;
	[tilespmem:$0x1C800] =	vst v63  }
0x99: {  	s20 =	smov.u32 s24  }
0x9a: {  	s21 =	smov.u32 s25;
	s22 =	smov.u32 s26;
	s23 =	smov.u32 s28  }
.Ltmp14:
0x9b: {  	s24 =	smov.u32 s29;
	s25 =	smov.u32 s30;
	(pc) =	sbr.rel .LBB2_22-.Ltmp14, $4  }
0x9c: {  	s26 =	smov.u32 s0;
	s28 =	smov.u32 s31;
	_ =	swait.ge [sflag:s7], $0x3200  }
0x9d: {  	s29 =	smov.u32 s5;
	s5 =	smov.u32 s2;
	s31 =	rddreg [dreg:$0x6]  }
0x9e: {  	s30 =	smov.u32 s3;
	[sflag:s7] =	ssyncset.done $0x0;
	s0 =	rddreg [dreg:$0x7]  }
0x9f: {  	s3 =	smov.u32 s1;
	s2 =	rddreg [dreg:$0x10];
	[sflag:s7] =	ssyncadd.s32 $0xFFFFCE00  }
.LBB2_21:
0xa0: {  	s18 =	rddreg [dreg:$0x5];
	s1 =	simm.s32 $0x19000  }
0xa1: {  	[tilespmem:s1], [sflag:$0x2] =	stream.linear.gather [hbm4b:s18+s4], $0x3000, $0x38;
	[tilespmem:$0x1C800] =	vst v63  }
0xa2: {  	_ =	swait.ge [sflag:s7], $0x3000  }
0xa3: {  	[sflag:s7] =	ssyncset.done $0x0  }
0xa4: {  	[sflag:s7] =	ssyncadd.s32 $0xFFFFD000  }
0xa5: {  	[hbm4b:s8+s4] =	stream.linear.scatter [tilespmem:s1], [sflag:$0x2], $0x80, $0x38;
	[tilespmem:$0x1C800] =	vst v63  }
0xa6: {  	s19 =	simm.s32 $0x19400;
	s1 =	sadd.s32 $0x10, s8  }
0xa7: {  	[hbm4b:s1+s4] =	stream.linear.scatter [tilespmem:s19], [sflag:$0x2], $0x80, $0x38;
	[tilespmem:$0x1C800] =	vst v63  }
0xa8: {  	s1 =	sadd.s32 $0x20, s8;
	s19 =	simm.s32 $0x19800  }
0xa9: {  	[hbm4b:s1+s4] =	stream.linear.scatter [tilespmem:s19], [sflag:$0x2], $0x80, $0x38;
	[tilespmem:$0x1C800] =	vst v63  }
0xaa: {  	s1 =	sadd.s32 $0x30, s8;
	s19 =	simm.s32 $0x19C00  }
0xab: {  	[hbm4b:s1+s4] =	stream.linear.scatter [tilespmem:s19], [sflag:$0x2], $0x80, $0x38;
	[tilespmem:$0x1C800] =	vst v63  }
0xac: {  	s1 =	sadd.s32 $0x40, s8;
	s19 =	simm.s32 $0x1A000  }
0xad: {  	[hbm4b:s1+s4] =	stream.linear.scatter [tilespmem:s19], [sflag:$0x2], $0x80, $0x38;
	[tilespmem:$0x1C800] =	vst v63  }
0xae: {  	s1 =	sadd.s32 $0x50, s8;
	s19 =	simm.s32 $0x1A400  }
0xaf: {  	[hbm4b:s1+s4] =	stream.linear.scatter [tilespmem:s19], [sflag:$0x2], $0x80, $0x38;
	[tilespmem:$0x1C800] =	vst v63  }
0xb0: {  	s1 =	sadd.s32 $0x60, s8;
	s19 =	simm.s32 $0x1A800  }
0xb1: {  	[hbm4b:s1+s4] =	stream.linear.scatter [tilespmem:s19], [sflag:$0x2], $0x80, $0x38;
	[tilespmem:$0x1C800] =	vst v63  }
0xb2: {  	s1 =	sadd.s32 $0x70, s8;
	s19 =	simm.s32 $0x1AC00  }
0xb3: {  	[hbm4b:s1+s4] =	stream.linear.scatter [tilespmem:s19], [sflag:$0x2], $0x80, $0x38;
	[tilespmem:$0x1C800] =	vst v63  }
0xb4: {  	s1 =	sadd.s32 $0x80, s8;
	s19 =	simm.s32 $0x1B000  }
0xb5: {  	[hbm4b:s1+s4] =	stream.linear.scatter [tilespmem:s19], [sflag:$0x2], $0x80, $0x38;
	[tilespmem:$0x1C800] =	vst v63  }
0xb6: {  	s1 =	sadd.s32 $0x90, s8;
	s19 =	simm.s32 $0x1B400  }
0xb7: {  	[hbm4b:s1+s4] =	stream.linear.scatter [tilespmem:s19], [sflag:$0x2], $0x80, $0x38;
	[tilespmem:$0x1C800] =	vst v63  }
0xb8: {  	s1 =	sadd.s32 $0xA0, s8;
	s19 =	simm.s32 $0x1B800  }
0xb9: {  	[hbm4b:s1+s4] =	stream.linear.scatter [tilespmem:s19], [sflag:$0x2], $0x80, $0x38;
	[tilespmem:$0x1C800] =	vst v63  }
0xba: {  	s1 =	sadd.s32 $0xB0, s8;
	s19 =	simm.s32 $0x1BC00  }
0xbb: {  	[hbm4b:s1+s4] =	stream.linear.scatter [tilespmem:s19], [sflag:$0x2], $0x80, $0x38;
	[tilespmem:$0x1C800] =	vst v63  }
0xbc: {  	_ =	swait.ge [sflag:s7], $0x600  }
0xbd: {  	[sflag:s7] =	ssyncset.done $0x0  }
0xbe: {  	s19 =	simm.s32 $0x19080;
	[sflag:s7] =	ssyncadd.s32 $0xFFFFFA00  }
0xbf: {  	[hbm4b:s9+s4] =	stream.linear.scatter [tilespmem:s19], [sflag:$0x2], $0x80, $0x38;
	[tilespmem:$0x1C800] =	vst v63  }
0xc0: {  	s1 =	sadd.s32 $0x10, s9;
	s19 =	simm.s32 $0x19480  }
0xc1: {  	[hbm4b:s1+s4] =	stream.linear.scatter [tilespmem:s19], [sflag:$0x2], $0x80, $0x38;
	[tilespmem:$0x1C800] =	vst v63  }
0xc2: {  	s1 =	sadd.s32 $0x20, s9;
	s19 =	simm.s32 $0x19880  }
0xc3: {  	[hbm4b:s1+s4] =	stream.linear.scatter [tilespmem:s19], [sflag:$0x2], $0x80, $0x38;
	[tilespmem:$0x1C800] =	vst v63  }
0xc4: {  	s1 =	sadd.s32 $0x30, s9;
	s19 =	simm.s32 $0x19C80  }
0xc5: {  	[hbm4b:s1+s4] =	stream.linear.scatter [tilespmem:s19], [sflag:$0x2], $0x80, $0x38;
	[tilespmem:$0x1C800] =	vst v63  }
0xc6: {  	s1 =	sadd.s32 $0x40, s9;
	s19 =	simm.s32 $0x1A080  }
0xc7: {  	[hbm4b:s1+s4] =	stream.linear.scatter [tilespmem:s19], [sflag:$0x2], $0x80, $0x38;
	[tilespmem:$0x1C800] =	vst v63  }
0xc8: {  	s1 =	sadd.s32 $0x50, s9;
	s19 =	simm.s32 $0x1A480  }
0xc9: {  	[hbm4b:s1+s4] =	stream.linear.scatter [tilespmem:s19], [sflag:$0x2], $0x80, $0x38;
	[tilespmem:$0x1C800] =	vst v63  }
0xca: {  	s1 =	sadd.s32 $0x60, s9;
	s19 =	simm.s32 $0x1A880  }
0xcb: {  	[hbm4b:s1+s4] =	stream.linear.scatter [tilespmem:s19], [sflag:$0x2], $0x80, $0x38;
	[tilespmem:$0x1C800] =	vst v63  }
0xcc: {  	s1 =	sadd.s32 $0x70, s9;
	s19 =	simm.s32 $0x1AC80  }
0xcd: {  	[hbm4b:s1+s4] =	stream.linear.scatter [tilespmem:s19], [sflag:$0x2], $0x80, $0x38;
	[tilespmem:$0x1C800] =	vst v63  }
0xce: {  	s1 =	sadd.s32 $0x80, s9;
	s19 =	simm.s32 $0x1B080  }
0xcf: {  	[hbm4b:s1+s4] =	stream.linear.scatter [tilespmem:s19], [sflag:$0x2], $0x80, $0x38;
	[tilespmem:$0x1C800] =	vst v63  }
0xd0: {  	s1 =	sadd.s32 $0x90, s9;
	s19 =	simm.s32 $0x1B480  }
0xd1: {  	[hbm4b:s1+s4] =	stream.linear.scatter [tilespmem:s19], [sflag:$0x2], $0x80, $0x38;
	[tilespmem:$0x1C800] =	vst v63  }
0xd2: {  	s1 =	sadd.s32 $0xA0, s9;
	s19 =	simm.s32 $0x1B880  }
0xd3: {  	[hbm4b:s1+s4] =	stream.linear.scatter [tilespmem:s19], [sflag:$0x2], $0x80, $0x38;
	[tilespmem:$0x1C800] =	vst v63  }
0xd4: {  	s1 =	sadd.s32 $0xB0, s9;
	s19 =	simm.s32 $0x1BC80  }
0xd5: {  	[hbm4b:s1+s4] =	stream.linear.scatter [tilespmem:s19], [sflag:$0x2], $0x80, $0x38;
	[tilespmem:$0x1C800] =	vst v63  }
0xd6: {  	_ =	swait.ge [sflag:s7], $0x600  }
0xd7: {  	[sflag:s7] =	ssyncset.done $0x0  }
0xd8: {  	s19 =	simm.s32 $0x19100;
	[sflag:s7] =	ssyncadd.s32 $0xFFFFFA00  }
0xd9: {  	[hbm4b:s10+s4] =	stream.linear.scatter [tilespmem:s19], [sflag:$0x2], $0x80, $0x38;
	[tilespmem:$0x1C800] =	vst v63  }
0xda: {  	s1 =	sadd.s32 $0x10, s10;
	s19 =	simm.s32 $0x19500  }
0xdb: {  	[hbm4b:s1+s4] =	stream.linear.scatter [tilespmem:s19], [sflag:$0x2], $0x80, $0x38;
	[tilespmem:$0x1C800] =	vst v63  }
0xdc: {  	s1 =	sadd.s32 $0x20, s10;
	s19 =	simm.s32 $0x19900  }
0xdd: {  	[hbm4b:s1+s4] =	stream.linear.scatter [tilespmem:s19], [sflag:$0x2], $0x80, $0x38;
	[tilespmem:$0x1C800] =	vst v63  }
0xde: {  	s1 =	sadd.s32 $0x30, s10;
	s19 =	simm.s32 $0x19D00  }
0xdf: {  	[hbm4b:s1+s4] =	stream.linear.scatter [tilespmem:s19], [sflag:$0x2], $0x80, $0x38;
	[tilespmem:$0x1C800] =	vst v63  }
0xe0: {  	s1 =	sadd.s32 $0x40, s10;
	s19 =	simm.s32 $0x1A100  }
0xe1: {  	[hbm4b:s1+s4] =	stream.linear.scatter [tilespmem:s19], [sflag:$0x2], $0x80, $0x38;
	[tilespmem:$0x1C800] =	vst v63  }
0xe2: {  	s1 =	sadd.s32 $0x50, s10;
	s19 =	simm.s32 $0x1A500  }
0xe3: {  	[hbm4b:s1+s4] =	stream.linear.scatter [tilespmem:s19], [sflag:$0x2], $0x80, $0x38;
	[tilespmem:$0x1C800] =	vst v63  }
0xe4: {  	s1 =	sadd.s32 $0x60, s10;
	s19 =	simm.s32 $0x1A900  }
0xe5: {  	[hbm4b:s1+s4] =	stream.linear.scatter [tilespmem:s19], [sflag:$0x2], $0x80, $0x38;
	[tilespmem:$0x1C800] =	vst v63  }
0xe6: {  	s1 =	sadd.s32 $0x70, s10;
	s19 =	simm.s32 $0x1AD00  }
0xe7: {  	[hbm4b:s1+s4] =	stream.linear.scatter [tilespmem:s19], [sflag:$0x2], $0x80, $0x38;
	[tilespmem:$0x1C800] =	vst v63  }
0xe8: {  	s1 =	sadd.s32 $0x80, s10;
	s19 =	simm.s32 $0x1B100  }
0xe9: {  	[hbm4b:s1+s4] =	stream.linear.scatter [tilespmem:s19], [sflag:$0x2], $0x80, $0x38;
	[tilespmem:$0x1C800] =	vst v63  }
0xea: {  	s1 =	sadd.s32 $0x90, s10;
	s19 =	simm.s32 $0x1B500  }
0xeb: {  	[hbm4b:s1+s4] =	stream.linear.scatter [tilespmem:s19], [sflag:$0x2], $0x80, $0x38;
	[tilespmem:$0x1C800] =	vst v63  }
0xec: {  	s1 =	sadd.s32 $0xA0, s10;
	s19 =	simm.s32 $0x1B900  }
0xed: {  	[hbm4b:s1+s4] =	stream.linear.scatter [tilespmem:s19], [sflag:$0x2], $0x80, $0x38;
	[tilespmem:$0x1C800] =	vst v63  }
0xee: {  	s1 =	sadd.s32 $0xB0, s10;
	s19 =	simm.s32 $0x1BD00  }
0xef: {  	[hbm4b:s1+s4] =	stream.linear.scatter [tilespmem:s19], [sflag:$0x2], $0x80, $0x38;
	[tilespmem:$0x1C800] =	vst v63  }
0xf0: {  	_ =	swait.ge [sflag:s7], $0x600  }
0xf1: {  	[sflag:s7] =	ssyncset.done $0x0  }
0xf2: {  	s19 =	simm.s32 $0x19180;
	[sflag:s7] =	ssyncadd.s32 $0xFFFFFA00  }
0xf3: {  	[hbm4b:s11+s4] =	stream.linear.scatter [tilespmem:s19], [sflag:$0x2], $0x80, $0x38;
	[tilespmem:$0x1C800] =	vst v63  }
0xf4: {  	s1 =	sadd.s32 $0x10, s11;
	s19 =	simm.s32 $0x19580  }
0xf5: {  	[hbm4b:s1+s4] =	stream.linear.scatter [tilespmem:s19], [sflag:$0x2], $0x80, $0x38;
	[tilespmem:$0x1C800] =	vst v63  }
0xf6: {  	s1 =	sadd.s32 $0x20, s11;
	s19 =	simm.s32 $0x19980  }
0xf7: {  	[hbm4b:s1+s4] =	stream.linear.scatter [tilespmem:s19], [sflag:$0x2], $0x80, $0x38;
	[tilespmem:$0x1C800] =	vst v63  }
0xf8: {  	s1 =	sadd.s32 $0x30, s11;
	s19 =	simm.s32 $0x19D80  }
0xf9: {  	[hbm4b:s1+s4] =	stream.linear.scatter [tilespmem:s19], [sflag:$0x2], $0x80, $0x38;
	[tilespmem:$0x1C800] =	vst v63  }
0xfa: {  	s1 =	sadd.s32 $0x40, s11;
	s19 =	simm.s32 $0x1A180  }
0xfb: {  	[hbm4b:s1+s4] =	stream.linear.scatter [tilespmem:s19], [sflag:$0x2], $0x80, $0x38;
	[tilespmem:$0x1C800] =	vst v63  }
0xfc: {  	s1 =	sadd.s32 $0x50, s11;
	s19 =	simm.s32 $0x1A580  }
0xfd: {  	[hbm4b:s1+s4] =	stream.linear.scatter [tilespmem:s19], [sflag:$0x2], $0x80, $0x38;
	[tilespmem:$0x1C800] =	vst v63  }
0xfe: {  	s1 =	sadd.s32 $0x60, s11;
	s19 =	simm.s32 $0x1A980  }
0xff: {  	[hbm4b:s1+s4] =	stream.linear.scatter [tilespmem:s19], [sflag:$0x2], $0x80, $0x38;
	[tilespmem:$0x1C800] =	vst v63  }
0x100: {  	s1 =	sadd.s32 $0x70, s11;
	s19 =	simm.s32 $0x1AD80  }
0x101: {  	[hbm4b:s1+s4] =	stream.linear.scatter [tilespmem:s19], [sflag:$0x2], $0x80, $0x38;
	[tilespmem:$0x1C800] =	vst v63  }
0x102: {  	s1 =	sadd.s32 $0x80, s11;
	s19 =	simm.s32 $0x1B180  }
0x103: {  	[hbm4b:s1+s4] =	stream.linear.scatter [tilespmem:s19], [sflag:$0x2], $0x80, $0x38;
	[tilespmem:$0x1C800] =	vst v63  }
0x104: {  	s1 =	sadd.s32 $0x90, s11;
	s19 =	simm.s32 $0x1B580  }
0x105: {  	[hbm4b:s1+s4] =	stream.linear.scatter [tilespmem:s19], [sflag:$0x2], $0x80, $0x38;
	[tilespmem:$0x1C800] =	vst v63  }
0x106: {  	s1 =	sadd.s32 $0xA0, s11;
	s19 =	simm.s32 $0x1B980  }
0x107: {  	[hbm4b:s1+s4] =	stream.linear.scatter [tilespmem:s19], [sflag:$0x2], $0x80, $0x38;
	[tilespmem:$0x1C800] =	vst v63  }
0x108: {  	s1 =	sadd.s32 $0xB0, s11;
	s19 =	simm.s32 $0x1BD80  }
0x109: {  	[hbm4b:s1+s4] =	stream.linear.scatter [tilespmem:s19], [sflag:$0x2], $0x80, $0x38;
	[tilespmem:$0x1C800] =	vst v63  }
0x10a: {  	_ =	swait.ge [sflag:s7], $0x600  }
0x10b: {  	[sflag:s7] =	ssyncset.done $0x0  }
0x10c: {  	s19 =	simm.s32 $0x19200;
	[sflag:s7] =	ssyncadd.s32 $0xFFFFFA00  }
0x10d: {  	[hbm4b:s12+s4] =	stream.linear.scatter [tilespmem:s19], [sflag:$0x2], $0x80, $0x38;
	[tilespmem:$0x1C800] =	vst v63  }
0x10e: {  	s1 =	sadd.s32 $0x10, s12;
	s19 =	simm.s32 $0x19600  }
0x10f: {  	[hbm4b:s1+s4] =	stream.linear.scatter [tilespmem:s19], [sflag:$0x2], $0x80, $0x38;
	[tilespmem:$0x1C800] =	vst v63  }
0x110: {  	s1 =	sadd.s32 $0x20, s12;
	s19 =	simm.s32 $0x19A00  }
0x111: {  	[hbm4b:s1+s4] =	stream.linear.scatter [tilespmem:s19], [sflag:$0x2], $0x80, $0x38;
	[tilespmem:$0x1C800] =	vst v63  }
0x112: {  	s1 =	sadd.s32 $0x30, s12;
	s19 =	simm.s32 $0x19E00  }
0x113: {  	[hbm4b:s1+s4] =	stream.linear.scatter [tilespmem:s19], [sflag:$0x2], $0x80, $0x38;
	[tilespmem:$0x1C800] =	vst v63  }
0x114: {  	s1 =	sadd.s32 $0x40, s12;
	s19 =	simm.s32 $0x1A200  }
0x115: {  	[hbm4b:s1+s4] =	stream.linear.scatter [tilespmem:s19], [sflag:$0x2], $0x80, $0x38;
	[tilespmem:$0x1C800] =	vst v63  }
0x116: {  	s1 =	sadd.s32 $0x50, s12;
	s19 =	simm.s32 $0x1A600  }
0x117: {  	[hbm4b:s1+s4] =	stream.linear.scatter [tilespmem:s19], [sflag:$0x2], $0x80, $0x38;
	[tilespmem:$0x1C800] =	vst v63  }
0x118: {  	s1 =	sadd.s32 $0x60, s12;
	s19 =	simm.s32 $0x1AA00  }
0x119: {  	[hbm4b:s1+s4] =	stream.linear.scatter [tilespmem:s19], [sflag:$0x2], $0x80, $0x38;
	[tilespmem:$0x1C800] =	vst v63  }
0x11a: {  	s1 =	sadd.s32 $0x70, s12;
	s19 =	simm.s32 $0x1AE00  }
0x11b: {  	[hbm4b:s1+s4] =	stream.linear.scatter [tilespmem:s19], [sflag:$0x2], $0x80, $0x38;
	[tilespmem:$0x1C800] =	vst v63  }
0x11c: {  	s1 =	sadd.s32 $0x80, s12;
	s19 =	simm.s32 $0x1B200  }
0x11d: {  	[hbm4b:s1+s4] =	stream.linear.scatter [tilespmem:s19], [sflag:$0x2], $0x80, $0x38;
	[tilespmem:$0x1C800] =	vst v63  }
0x11e: {  	s1 =	sadd.s32 $0x90, s12;
	s19 =	simm.s32 $0x1B600  }
0x11f: {  	[hbm4b:s1+s4] =	stream.linear.scatter [tilespmem:s19], [sflag:$0x2], $0x80, $0x38;
	[tilespmem:$0x1C800] =	vst v63  }
0x120: {  	s1 =	sadd.s32 $0xA0, s12;
	s19 =	simm.s32 $0x1BA00  }
0x121: {  	[hbm4b:s1+s4] =	stream.linear.scatter [tilespmem:s19], [sflag:$0x2], $0x80, $0x38;
	[tilespmem:$0x1C800] =	vst v63  }
0x122: {  	s1 =	sadd.s32 $0xB0, s12;
	s19 =	simm.s32 $0x1BE00  }
0x123: {  	[hbm4b:s1+s4] =	stream.linear.scatter [tilespmem:s19], [sflag:$0x2], $0x80, $0x38;
	[tilespmem:$0x1C800] =	vst v63  }
0x124: {  	_ =	swait.ge [sflag:s7], $0x600  }
0x125: {  	[sflag:s7] =	ssyncset.done $0x0  }
0x126: {  	s19 =	simm.s32 $0x19280;
	[sflag:s7] =	ssyncadd.s32 $0xFFFFFA00  }
0x127: {  	[hbm4b:s13+s4] =	stream.linear.scatter [tilespmem:s19], [sflag:$0x2], $0x80, $0x38;
	[tilespmem:$0x1C800] =	vst v63  }
0x128: {  	s1 =	sadd.s32 $0x10, s13;
	s19 =	simm.s32 $0x19680  }
0x129: {  	[hbm4b:s1+s4] =	stream.linear.scatter [tilespmem:s19], [sflag:$0x2], $0x80, $0x38;
	[tilespmem:$0x1C800] =	vst v63  }
0x12a: {  	s1 =	sadd.s32 $0x20, s13;
	s19 =	simm.s32 $0x19A80  }
0x12b: {  	[hbm4b:s1+s4] =	stream.linear.scatter [tilespmem:s19], [sflag:$0x2], $0x80, $0x38;
	[tilespmem:$0x1C800] =	vst v63  }
0x12c: {  	s1 =	sadd.s32 $0x30, s13;
	s19 =	simm.s32 $0x19E80  }
0x12d: {  	[hbm4b:s1+s4] =	stream.linear.scatter [tilespmem:s19], [sflag:$0x2], $0x80, $0x38;
	[tilespmem:$0x1C800] =	vst v63  }
0x12e: {  	s1 =	sadd.s32 $0x40, s13;
	s19 =	simm.s32 $0x1A280  }
0x12f: {  	[hbm4b:s1+s4] =	stream.linear.scatter [tilespmem:s19], [sflag:$0x2], $0x80, $0x38;
	[tilespmem:$0x1C800] =	vst v63  }
0x130: {  	s1 =	sadd.s32 $0x50, s13;
	s19 =	simm.s32 $0x1A680  }
0x131: {  	[hbm4b:s1+s4] =	stream.linear.scatter [tilespmem:s19], [sflag:$0x2], $0x80, $0x38;
	[tilespmem:$0x1C800] =	vst v63  }
0x132: {  	s1 =	sadd.s32 $0x60, s13;
	s19 =	simm.s32 $0x1AA80  }
0x133: {  	[hbm4b:s1+s4] =	stream.linear.scatter [tilespmem:s19], [sflag:$0x2], $0x80, $0x38;
	[tilespmem:$0x1C800] =	vst v63  }
0x134: {  	s1 =	sadd.s32 $0x70, s13;
	s19 =	simm.s32 $0x1AE80  }
0x135: {  	[hbm4b:s1+s4] =	stream.linear.scatter [tilespmem:s19], [sflag:$0x2], $0x80, $0x38;
	[tilespmem:$0x1C800] =	vst v63  }
0x136: {  	s1 =	sadd.s32 $0x80, s13;
	s19 =	simm.s32 $0x1B280  }
0x137: {  	[hbm4b:s1+s4] =	stream.linear.scatter [tilespmem:s19], [sflag:$0x2], $0x80, $0x38;
	[tilespmem:$0x1C800] =	vst v63  }
0x138: {  	s1 =	sadd.s32 $0x90, s13;
	s19 =	simm.s32 $0x1B680  }
0x139: {  	[hbm4b:s1+s4] =	stream.linear.scatter [tilespmem:s19], [sflag:$0x2], $0x80, $0x38;
	[tilespmem:$0x1C800] =	vst v63  }
0x13a: {  	s1 =	sadd.s32 $0xA0, s13;
	s19 =	simm.s32 $0x1BA80  }
0x13b: {  	[hbm4b:s1+s4] =	stream.linear.scatter [tilespmem:s19], [sflag:$0x2], $0x80, $0x38;
	[tilespmem:$0x1C800] =	vst v63  }
0x13c: {  	s1 =	sadd.s32 $0xB0, s13;
	s19 =	simm.s32 $0x1BE80  }
0x13d: {  	[hbm4b:s1+s4] =	stream.linear.scatter [tilespmem:s19], [sflag:$0x2], $0x80, $0x38;
	[tilespmem:$0x1C800] =	vst v63  }
0x13e: {  	_ =	swait.ge [sflag:s7], $0x600  }
0x13f: {  	[sflag:s7] =	ssyncset.done $0x0  }
0x140: {  	s19 =	simm.s32 $0x19300;
	[sflag:s7] =	ssyncadd.s32 $0xFFFFFA00  }
0x141: {  	[hbm4b:s14+s4] =	stream.linear.scatter [tilespmem:s19], [sflag:$0x2], $0x80, $0x38;
	[tilespmem:$0x1C800] =	vst v63  }
0x142: {  	s1 =	sadd.s32 $0x10, s14;
	s19 =	simm.s32 $0x19700  }
0x143: {  	[hbm4b:s1+s4] =	stream.linear.scatter [tilespmem:s19], [sflag:$0x2], $0x80, $0x38;
	[tilespmem:$0x1C800] =	vst v63  }
0x144: {  	s1 =	sadd.s32 $0x20, s14;
	s19 =	simm.s32 $0x19B00  }
0x145: {  	[hbm4b:s1+s4] =	stream.linear.scatter [tilespmem:s19], [sflag:$0x2], $0x80, $0x38;
	[tilespmem:$0x1C800] =	vst v63  }
0x146: {  	s1 =	sadd.s32 $0x30, s14;
	s19 =	simm.s32 $0x19F00  }
0x147: {  	[hbm4b:s1+s4] =	stream.linear.scatter [tilespmem:s19], [sflag:$0x2], $0x80, $0x38;
	[tilespmem:$0x1C800] =	vst v63  }
0x148: {  	s1 =	sadd.s32 $0x40, s14;
	s19 =	simm.s32 $0x1A300  }
0x149: {  	[hbm4b:s1+s4] =	stream.linear.scatter [tilespmem:s19], [sflag:$0x2], $0x80, $0x38;
	[tilespmem:$0x1C800] =	vst v63  }
0x14a: {  	s1 =	sadd.s32 $0x50, s14;
	s19 =	simm.s32 $0x1A700  }
0x14b: {  	[hbm4b:s1+s4] =	stream.linear.scatter [tilespmem:s19], [sflag:$0x2], $0x80, $0x38;
	[tilespmem:$0x1C800] =	vst v63  }
0x14c: {  	s1 =	sadd.s32 $0x60, s14;
	s19 =	simm.s32 $0x1AB00  }
0x14d: {  	[hbm4b:s1+s4] =	stream.linear.scatter [tilespmem:s19], [sflag:$0x2], $0x80, $0x38;
	[tilespmem:$0x1C800] =	vst v63  }
0x14e: {  	s1 =	sadd.s32 $0x70, s14;
	s19 =	simm.s32 $0x1AF00  }
0x14f: {  	[hbm4b:s1+s4] =	stream.linear.scatter [tilespmem:s19], [sflag:$0x2], $0x80, $0x38;
	[tilespmem:$0x1C800] =	vst v63  }
0x150: {  	s1 =	sadd.s32 $0x80, s14;
	s19 =	simm.s32 $0x1B300  }
0x151: {  	[hbm4b:s1+s4] =	stream.linear.scatter [tilespmem:s19], [sflag:$0x2], $0x80, $0x38;
	[tilespmem:$0x1C800] =	vst v63  }
0x152: {  	s1 =	sadd.s32 $0x90, s14;
	s19 =	simm.s32 $0x1B700  }
0x153: {  	[hbm4b:s1+s4] =	stream.linear.scatter [tilespmem:s19], [sflag:$0x2], $0x80, $0x38;
	[tilespmem:$0x1C800] =	vst v63  }
0x154: {  	s1 =	sadd.s32 $0xA0, s14;
	s19 =	simm.s32 $0x1BB00  }
0x155: {  	[hbm4b:s1+s4] =	stream.linear.scatter [tilespmem:s19], [sflag:$0x2], $0x80, $0x38;
	[tilespmem:$0x1C800] =	vst v63  }
0x156: {  	s1 =	sadd.s32 $0xB0, s14;
	s19 =	simm.s32 $0x1BF00  }
0x157: {  	[hbm4b:s1+s4] =	stream.linear.scatter [tilespmem:s19], [sflag:$0x2], $0x80, $0x38;
	[tilespmem:$0x1C800] =	vst v63  }
0x158: {  	_ =	swait.ge [sflag:s7], $0x600  }
0x159: {  	[sflag:s7] =	ssyncset.done $0x0  }
0x15a: {  	s19 =	simm.s32 $0x19380;
	[sflag:s7] =	ssyncadd.s32 $0xFFFFFA00  }
0x15b: {  	[hbm4b:s15+s4] =	stream.linear.scatter [tilespmem:s19], [sflag:$0x2], $0x80, $0x38;
	[tilespmem:$0x1C800] =	vst v63  }
0x15c: {  	s1 =	sadd.s32 $0x10, s15;
	s19 =	simm.s32 $0x19780  }
0x15d: {  	[hbm4b:s1+s4] =	stream.linear.scatter [tilespmem:s19], [sflag:$0x2], $0x80, $0x38;
	[tilespmem:$0x1C800] =	vst v63  }
0x15e: {  	s1 =	sadd.s32 $0x20, s15;
	s19 =	simm.s32 $0x19B80  }
0x15f: {  	[hbm4b:s1+s4] =	stream.linear.scatter [tilespmem:s19], [sflag:$0x2], $0x80, $0x38;
	[tilespmem:$0x1C800] =	vst v63  }
0x160: {  	s1 =	sadd.s32 $0x30, s15;
	s19 =	simm.s32 $0x19F80  }
0x161: {  	[hbm4b:s1+s4] =	stream.linear.scatter [tilespmem:s19], [sflag:$0x2], $0x80, $0x38;
	[tilespmem:$0x1C800] =	vst v63  }
0x162: {  	s1 =	sadd.s32 $0x40, s15;
	s19 =	simm.s32 $0x1A380  }
0x163: {  	[hbm4b:s1+s4] =	stream.linear.scatter [tilespmem:s19], [sflag:$0x2], $0x80, $0x38;
	[tilespmem:$0x1C800] =	vst v63  }
0x164: {  	s1 =	sadd.s32 $0x50, s15;
	s19 =	simm.s32 $0x1A780  }
0x165: {  	[hbm4b:s1+s4] =	stream.linear.scatter [tilespmem:s19], [sflag:$0x2], $0x80, $0x38;
	[tilespmem:$0x1C800] =	vst v63  }
0x166: {  	s1 =	sadd.s32 $0x60, s15;
	s19 =	simm.s32 $0x1AB80  }
0x167: {  	[hbm4b:s1+s4] =	stream.linear.scatter [tilespmem:s19], [sflag:$0x2], $0x80, $0x38;
	[tilespmem:$0x1C800] =	vst v63  }
0x168: {  	s1 =	sadd.s32 $0x70, s15;
	s19 =	simm.s32 $0x1AF80  }
0x169: {  	[hbm4b:s1+s4] =	stream.linear.scatter [tilespmem:s19], [sflag:$0x2], $0x80, $0x38;
	[tilespmem:$0x1C800] =	vst v63  }
0x16a: {  	s1 =	sadd.s32 $0x80, s15;
	s19 =	simm.s32 $0x1B380  }
0x16b: {  	[hbm4b:s1+s4] =	stream.linear.scatter [tilespmem:s19], [sflag:$0x2], $0x80, $0x38;
	[tilespmem:$0x1C800] =	vst v63  }
0x16c: {  	s1 =	sadd.s32 $0x90, s15;
	s19 =	simm.s32 $0x1B780  }
0x16d: {  	[hbm4b:s1+s4] =	stream.linear.scatter [tilespmem:s19], [sflag:$0x2], $0x80, $0x38;
	[tilespmem:$0x1C800] =	vst v63  }
0x16e: {  	s1 =	sadd.s32 $0xA0, s15;
	s19 =	simm.s32 $0x1BB80  }
0x16f: {  	[hbm4b:s1+s4] =	stream.linear.scatter [tilespmem:s19], [sflag:$0x2], $0x80, $0x38;
	[tilespmem:$0x1C800] =	vst v63  }
0x170: {  	s1 =	sadd.s32 $0xB0, s15;
	s19 =	simm.s32 $0x1BF80  }
0x171: {  	[hbm4b:s1+s4] =	stream.linear.scatter [tilespmem:s19], [sflag:$0x2], $0x80, $0x38;
	[tilespmem:$0x1C800] =	vst v63  }
0x172: {  	_ =	swait.ge [sflag:s7], $0x600  }
0x173: {  	[sflag:s7] =	ssyncset.done $0x0  }
0x174: {  	[sflag:s7] =	ssyncadd.s32 $0xFFFFFA00  }
.LBB2_22:
0x175: {  	p1 =	sne.s32 s17, $0x9E  }
.Ltmp15:
0x176: {  	_ = 	snop;
	(pc) =	sbr.rel @p1 .LBB2_24-.Ltmp15, $1  }
0x177: {  	_ =	sdelay $0x3  }
0x178: {  	s1 =	simm.s32 $0x1C000  }
0x179: {  	[tilespmem:s1], [sflag:$0x2] =	stream.linear.gather [hbm4b:s20+s4], $0x800, $0x38;
	[tilespmem:$0x1C800] =	vst v63  }
0x17a: {  	_ =	swait.ge [sflag:s7], $0x800  }
0x17b: {  	[sflag:s7] =	ssyncset.done $0x0  }
0x17c: {  	[sflag:s7] =	ssyncadd.s32 $0xFFFFF800  }
0x17d: {  	[hbm4b:s21+s4] =	stream.linear.scatter [tilespmem:s1], [sflag:$0x2], $0x40, $0x38;
	[tilespmem:$0x1C800] =	vst v63  }
0x17e: {  	_ =	swait.ge [sflag:s7], $0x40  }
0x17f: {  	[sflag:s7] =	ssyncset.done $0x0  }
0x180: {  	s17 =	simm.s32 $0x1C080;
	[sflag:s7] =	ssyncadd.s32 $0xFFFFFFC0  }
0x181: {  	[hbm4b:s22+s4] =	stream.linear.scatter [tilespmem:s17], [sflag:$0x2], $0x40, $0x38;
	[tilespmem:$0x1C800] =	vst v63  }
0x182: {  	_ =	swait.ge [sflag:s7], $0x40  }
0x183: {  	[sflag:s7] =	ssyncset.done $0x0  }
0x184: {  	s18 =	simm.s32 $0x1C100;
	[sflag:s7] =	ssyncadd.s32 $0xFFFFFFC0  }
0x185: {  	[hbm4b:s23+s4] =	stream.linear.scatter [tilespmem:s18], [sflag:$0x2], $0x40, $0x38;
	[tilespmem:$0x1C800] =	vst v63  }
0x186: {  	_ =	swait.ge [sflag:s7], $0x40  }
0x187: {  	[sflag:s7] =	ssyncset.done $0x0  }
0x188: {  	s19 =	simm.s32 $0x1C180;
	[sflag:s7] =	ssyncadd.s32 $0xFFFFFFC0  }
0x189: {  	[hbm4b:s24+s4] =	stream.linear.scatter [tilespmem:s19], [sflag:$0x2], $0x40, $0x38;
	[tilespmem:$0x1C800] =	vst v63  }
0x18a: {  	_ =	swait.ge [sflag:s7], $0x40  }
0x18b: {  	[sflag:s7] =	ssyncset.done $0x0  }
0x18c: {  	s17 =	simm.s32 $0x1C200;
	[sflag:s7] =	ssyncadd.s32 $0xFFFFFFC0  }
0x18d: {  	[hbm4b:s25+s4] =	stream.linear.scatter [tilespmem:s17], [sflag:$0x2], $0x40, $0x38;
	[tilespmem:$0x1C800] =	vst v63  }
0x18e: {  	_ =	swait.ge [sflag:s7], $0x40  }
0x18f: {  	[sflag:s7] =	ssyncset.done $0x0  }
0x190: {  	s18 =	simm.s32 $0x1C280;
	[sflag:s7] =	ssyncadd.s32 $0xFFFFFFC0  }
0x191: {  	[hbm4b:s26+s4] =	stream.linear.scatter [tilespmem:s18], [sflag:$0x2], $0x40, $0x38;
	[tilespmem:$0x1C800] =	vst v63  }
0x192: {  	_ =	swait.ge [sflag:s7], $0x40  }
0x193: {  	[sflag:s7] =	ssyncset.done $0x0  }
0x194: {  	s19 =	simm.s32 $0x1C300;
	[sflag:s7] =	ssyncadd.s32 $0xFFFFFFC0  }
0x195: {  	[hbm4b:s28+s4] =	stream.linear.scatter [tilespmem:s19], [sflag:$0x2], $0x40, $0x38;
	[tilespmem:$0x1C800] =	vst v63  }
0x196: {  	_ =	swait.ge [sflag:s7], $0x40  }
0x197: {  	[sflag:s7] =	ssyncset.done $0x0  }
0x198: {  	s17 =	simm.s32 $0x1C380;
	[sflag:s7] =	ssyncadd.s32 $0xFFFFFFC0  }
0x199: {  	[hbm4b:s29+s4] =	stream.linear.scatter [tilespmem:s17], [sflag:$0x2], $0x40, $0x38;
	[tilespmem:$0x1C800] =	vst v63  }
0x19a: {  	_ =	swait.ge [sflag:s7], $0x40  }
0x19b: {  	[sflag:s7] =	ssyncset.done $0x0  }
0x19c: {  	s18 =	simm.s32 $0x1C400;
	[sflag:s7] =	ssyncadd.s32 $0xFFFFFFC0  }
0x19d: {  	[hbm4b:s5+s4] =	stream.linear.scatter [tilespmem:s18], [sflag:$0x2], $0x40, $0x38;
	[tilespmem:$0x1C800] =	vst v63  }
0x19e: {  	_ =	swait.ge [sflag:s7], $0x40  }
0x19f: {  	[sflag:s7] =	ssyncset.done $0x0  }
0x1a0: {  	s19 =	simm.s32 $0x1C480;
	[sflag:s7] =	ssyncadd.s32 $0xFFFFFFC0  }
0x1a1: {  	[hbm4b:s30+s4] =	stream.linear.scatter [tilespmem:s19], [sflag:$0x2], $0x40, $0x38;
	[tilespmem:$0x1C800] =	vst v63  }
0x1a2: {  	_ =	swait.ge [sflag:s7], $0x40  }
0x1a3: {  	[sflag:s7] =	ssyncset.done $0x0  }
0x1a4: {  	s17 =	simm.s32 $0x1C500;
	[sflag:s7] =	ssyncadd.s32 $0xFFFFFFC0  }
0x1a5: {  	[hbm4b:s31+s4] =	stream.linear.scatter [tilespmem:s17], [sflag:$0x2], $0x40, $0x38;
	[tilespmem:$0x1C800] =	vst v63  }
0x1a6: {  	_ =	swait.ge [sflag:s7], $0x40  }
0x1a7: {  	[sflag:s7] =	ssyncset.done $0x0  }
0x1a8: {  	s18 =	simm.s32 $0x1C580;
	[sflag:s7] =	ssyncadd.s32 $0xFFFFFFC0  }
0x1a9: {  	[hbm4b:s0+s4] =	stream.linear.scatter [tilespmem:s18], [sflag:$0x2], $0x40, $0x38;
	[tilespmem:$0x1C800] =	vst v63  }
0x1aa: {  	_ =	swait.ge [sflag:s7], $0x40  }
0x1ab: {  	[sflag:s7] =	ssyncset.done $0x0  }
0x1ac: {  	s17 =	simm.s32 $0x1C600;
	s19 =	rddreg [dreg:$0x8];
	[sflag:s7] =	ssyncadd.s32 $0xFFFFFFC0  }
0x1ad: {  	[hbm4b:s19+s4] =	stream.linear.scatter [tilespmem:s17], [sflag:$0x2], $0x40, $0x38;
	[tilespmem:$0x1C800] =	vst v63  }
0x1ae: {  	_ =	swait.ge [sflag:s7], $0x40  }
0x1af: {  	[sflag:s7] =	ssyncset.done $0x0  }
0x1b0: {  	s19 =	simm.s32 $0x1C680;
	s18 =	rddreg [dreg:$0x9];
	[sflag:s7] =	ssyncadd.s32 $0xFFFFFFC0  }
0x1b1: {  	[hbm4b:s18+s4] =	stream.linear.scatter [tilespmem:s19], [sflag:$0x2], $0x40, $0x38;
	[tilespmem:$0x1C800] =	vst v63  }
0x1b2: {  	_ =	swait.ge [sflag:s7], $0x40  }
0x1b3: {  	[sflag:s7] =	ssyncset.done $0x0  }
0x1b4: {  	s19 =	simm.s32 $0x1C700;
	s18 =	rddreg [dreg:$0xa];
	[sflag:s7] =	ssyncadd.s32 $0xFFFFFFC0  }
0x1b5: {  	[hbm4b:s18+s4] =	stream.linear.scatter [tilespmem:s19], [sflag:$0x2], $0x40, $0x38;
	[tilespmem:$0x1C800] =	vst v63  }
0x1b6: {  	_ =	swait.ge [sflag:s7], $0x40  }
0x1b7: {  	s18 =	simm.s32 $0x1C780;
	s19 =	simm.s32 $0x1;
	[sflag:s7] =	ssyncset.done $0x0  }
.Ltmp16:
0x1b8: {  	s17 =	rddreg [dreg:$0xb];
	[sflag:s7] =	ssyncadd.s32 $0xFFFFFFC0;
	(pc) =	sbr.rel .LBB2_24-.Ltmp16, $4  }
0x1b9: {  	[hbm4b:s17+s4] =	stream.linear.scatter [tilespmem:s18], [sflag:$0x1], $0x40, $0x38;
	[tilespmem:$0x1C800] =	vst v63  }
0x1ba: {  	_ =	swait.ge [sflag:s19], $0x40  }
0x1bb: {  	[sflag:s19] =	ssyncset.done $0x0  }
0x1bc: {  	[sflag:s19] =	ssyncadd.s32 $0xFFFFFFC0  }
.LBB2_26:
0x1bd: {  	_ =	sfence.sel $0x180000  }
0x1be: {  	[bflag:$0x0] =	sbarrier.arrive $0xFFFF  }
0x1bf: {  	_ =	strace $0x90000047  }
0x1c0: {  	s0 =	stileid.u32;
	[bflag:$0x2] =	sbarrier.arrive $0xFFFF  }
0x1c1: {  	p0 =	sne.s32 s0, $0x0;
	s0 =	rddreg [dreg:$0x3]  }
0x1c2: {  	s0 =	sadd.s32 @!p0 $0x100000, s0  }
0x1c3: {  	[sflag:s0] =	ssyncadd.tile.s32 @!p0 $0x1;
	_ =	shalt  }
.Lfunc_end2:
_tile_overlayer_lowered:
.L_overlay_start_2:
0x1c4: {  	(tag) =	ssettag $0x2  }
0x1c5: {  	s0 =	rddreg [dreg:$0x0];
	s2 =	stileid.u32  }
0x1c6: {  	s1 =	rddreg [dreg:$0x1];
	p0 =	sne.s32 s2, $0x0  }
0x1c7: {  	s3 =	rddreg [dreg:$0x2];
	[bflag:$0x3] =	sbarrier.arrive $0xFFFF;
	s2 =	simm.s32 @!p0 $0x1C01  }
0x1c8: {  	[timem:s3], [sflag:s2] =	dma.local @!p0 [hbm:s0], s1  }
0x1c9: {  	s0 =	simm.s32 @!p0 $0x1  }
0x1ca: {  	_ =	swait.ge @!p0 [sflag:s0], s1  }
0x1cb: {  	s1 =	ssub.s32 @!p0 $0x0, s1;
	[sflag:s0] =	ssyncset.done @!p0 $0x0  }
0x1cc: {  	[sflag:s0] =	ssyncadd.s32 @!p0 s1  }
0x1cd: {  	[bflag:$0x3] =	sbarrier.arrive $0xFFFF  }
0x1ce: {  	_ =	shalt  }

// kernel: kernel.7.cloned.1.call-start
scs
__scs_entry_jumppad:
0x0: {  	(pc) =	sbr.rel $0x88, $3  }
0x1: {  	(tag) =	ssettag $0x0;
	lr =	simm.s32 $0x1  }
0x2: {  	[smem:$0x3F9D] =	sst lr;
	_ =	strace $0xD0000000  }
0x3: {  	_ = 	snop  }
0x4: {  	_ = 	snop  }
0x5: {  	_ = 	snop  }
0x6: {  	_ = 	snop  }
0x7: {  	_ = 	snop  }
__scs_overlays_trampoline_lowered:
0x8: {  	[smem:$0x3FAC] =	sst s0  }
0x9: {  	[smem:$0x3FAD] =	sst s1  }
0xa: {  	[smem:$0x3FAE] =	sst s2  }
0xb: {  	[smem:$0x3FAF] =	sst s3  }
0xc: {  	[smem:$0x3FB0] =	sst s4  }
0xd: {  	[smem:$0x3FB1] =	sst s5  }
0xe: {  	[smem:$0x3FB2] =	sst s6  }
0xf: {  	[smem:$0x3FB3] =	sst s7  }
0x10: {  	[smem:$0x3FB4] =	sst s8  }
0x11: {  	[smem:$0x3FB5] =	sst s9;
	s0 =	simm.s32 @!p0 $0x0  }
0x12: {  	s1 =	sld [smem:$0x3F9B];
	s0 =	simm.s32 @p0 $0x1  }
0x13: {  	[smem:$0x3FB6] =	sst s0;
	s0 =	simm.s32 @!p1 $0x0  }
0x14: {  	s2 =	sld [smem:$0x3F9A];
	s0 =	simm.s32 @p1 $0x1  }
0x15: {  	[smem:$0x3FB7] =	sst s0;
	s0 =	simm.s32 @!p2 $0x0  }
0x16: {  	s3 =	sld [smem:$0x3FDB];
	s0 =	simm.s32 @p2 $0x1  }
0x17: {  	s4 =	simm.s32 $0x1BF5;
	[smem:$0x3FB9] =	sst s0  }
0x18: {  	s0 =	sld [smem:$0x3F9C];
	_ =	swait.ge [sflag:s4], $0x0  }
0x19: {  	s7 =	sld [smem:$0x3F9D]  }
0x1a: {  	s8 =	sadd.s32 $0xFFFFE003, lr  }
0x1b: {  	s9 =	sadd.s32 $0xFFFFFEF7, lr;
	s5 =	simm.s32 $0xFFFFFFFF;
	p2 =	slt.u32 s8, $0xFFFFF086  }
0x1c: {  	p1 =	slt.u32 s9, $0xF7A;
	s5 =	simm.s32 @!p2 $0x0  }
0x1d: {  	s5 =	simm.s32 @p1 $0x1;
	p0 =	seq.s32 s7, s2  }
0x1e: {  	s7 =	smul.u32 @!p0 $0xF7A, s2;
	p2 =	seq.s32 @!p0 s5, $0x0  }
0x1f: {  	s9 =	smul.u32 $0xF7A, s1;
	s8 =	simm.s32 @!p0 $0x1BF5;
	p2 =	por !p2, p0  }
0x20: {  	[sflag:s8] =	ssyncset.s32 @!p0 $0xFFFFF086;
	s6 =	sadd.s32 @!p0 s3, s7;
	s7 =	simm.s32 @!p0 $0x108  }
0x21: {  	s3 =	sadd.s32 s3, s9;
	s6 =	sadd.s32 @!p0 $0x88, s6;
	s7 =	simm.s32 @p2 $0x1082  }
0x22: {  	[simem:s7], [sflag:s8] =	dma.local @!p0 [hbm:s6], $0xF7A  }
0x23: {  	s9 =	sor.u32 $0xD0000000, s2;
	s6 =	simm.s32 $0x108;
	_ =	swait.ge @!p0 [sflag:s8], $0x0  }
0x24: {  	s3 =	sadd.s32 $0x88, s3;
	s6 =	simm.s32 @!p1 $0x1082;
	[sflag:s4] =	ssyncset.s32 $0xFFFFF086  }
0x25: {  	[simem:s6], [sflag:s4] =	dma.local [hbm:s3], $0xF7A  }
0x26: {  	[smem:$0x3F9D] =	sst s1;
	(tag) =	ssettag s2;
	_ =	strace s9  }
0x27: {  	s1 =	sld [smem:$0x3FAD]  }
0x28: {  	s2 =	sld [smem:$0x3FAE]  }
0x29: {  	s4 =	sld [smem:$0x3FB0]  }
0x2a: {  	p0 =	seq.s32 s5, $0x0;
	s5 =	sld [smem:$0x3FB1]  }
0x2b: {  	s6 =	sld [smem:$0x3FB2]  }
0x2c: {  	s7 =	sld [smem:$0x3FB3]  }
0x2d: {  	s3 =	simm.s32 $0x108;
	s8 =	sld [smem:$0x3FB4]  }
0x2e: {  	s3 =	simm.s32 @!p0 $0x1082;
	s9 =	sld [smem:$0x3FB5]  }
0x2f: {  	lr =	sadd.s32 s0, s3;
	s0 =	sld [smem:$0x3FAC]  }
0x30: {  	s3 =	sld [smem:$0x3FAF]  }
0x31: {  	[smem:$0x3FB8] =	sst s10  }
0x32: {  	s10 =	sld [smem:$0x3FB6];
	_ =	sdelay $0x3  }
0x33: {  	p0 =	seq.s32 s10, $0x1;
	s10 =	sld [smem:$0x3FB8];
	_ =	sdelay $0x3  }
0x34: {  	[smem:$0x3FB8] =	sst s10  }
0x35: {  	s10 =	sld [smem:$0x3FB7];
	_ =	sdelay $0x3  }
0x36: {  	p1 =	seq.s32 s10, $0x1;
	s10 =	sld [smem:$0x3FB8];
	_ =	sdelay $0x3  }
0x37: {  	[smem:$0x3FB8] =	sst s10  }
0x38: {  	s10 =	sld [smem:$0x3FB9]  }
0x39: {  	_ = 	snop;
	(pc) =	sbr.ind lr, $3  }
0x3a: {  	_ = 	snop  }
0x3b: {  	_ = 	snop  }
0x3c: {  	p2 =	seq.s32 s10, $0x1;
	s10 =	sld [smem:$0x3FB8]  }
0x3d: {  	_ =	shalt  }
0x3e: {  	_ =	shalt  }
0x3f: {  	_ =	shalt  }
0x40: {  	_ =	shalt  }
0x41: {  	_ =	shalt  }
0x42: {  	_ =	shalt  }
0x43: {  	_ =	shalt  }
0x44: {  	_ =	shalt  }
0x45: {  	_ =	shalt  }
0x46: {  	_ =	shalt  }
0x47: {  	_ =	shalt  }
0x48: {  	_ =	shalt  }
0x49: {  	_ =	shalt  }
0x4a: {  	_ =	shalt  }
0x4b: {  	_ =	shalt  }
0x4c: {  	_ =	shalt  }
0x4d: {  	_ =	shalt  }
0x4e: {  	_ =	shalt  }
0x4f: {  	_ =	shalt  }
0x50: {  	_ =	shalt  }
0x51: {  	_ =	shalt  }
0x52: {  	_ =	shalt  }
0x53: {  	_ =	shalt  }
0x54: {  	_ =	shalt  }
0x55: {  	_ =	shalt  }
0x56: {  	_ =	shalt  }
0x57: {  	_ =	shalt  }
0x58: {  	_ =	shalt  }
0x59: {  	_ =	shalt  }
0x5a: {  	_ =	shalt  }
0x5b: {  	_ =	shalt  }
0x5c: {  	_ =	shalt  }
0x5d: {  	_ =	shalt  }
0x5e: {  	_ =	shalt  }
0x5f: {  	_ =	shalt  }
0x60: {  	_ =	shalt  }
0x61: {  	_ =	shalt  }
0x62: {  	_ =	shalt  }
0x63: {  	_ =	shalt  }
0x64: {  	_ =	shalt  }
0x65: {  	_ =	shalt  }
0x66: {  	_ =	shalt  }
0x67: {  	_ =	shalt  }
0x68: {  	_ =	shalt  }
0x69: {  	_ =	shalt  }
0x6a: {  	_ =	shalt  }
0x6b: {  	_ =	shalt  }
0x6c: {  	_ =	shalt  }
0x6d: {  	_ =	shalt  }
0x6e: {  	_ =	shalt  }
0x6f: {  	_ =	shalt  }
0x70: {  	_ =	shalt  }
0x71: {  	_ =	shalt  }
0x72: {  	_ =	shalt  }
0x73: {  	_ =	shalt  }
0x74: {  	_ =	shalt  }
0x75: {  	_ =	shalt  }
0x76: {  	_ =	shalt  }
0x77: {  	_ =	shalt  }
0x78: {  	_ =	shalt  }
0x79: {  	_ =	shalt  }
0x7a: {  	_ =	shalt  }
0x7b: {  	_ =	shalt  }
0x7c: {  	_ =	shalt  }
0x7d: {  	_ =	shalt  }
0x7e: {  	_ =	shalt  }
0x7f: {  	_ =	shalt  }
0x80: {  	_ =	shalt  }
0x81: {  	_ =	shalt  }
0x82: {  	_ =	shalt  }
0x83: {  	_ =	shalt  }
0x84: {  	_ =	shalt  }
0x85: {  	_ =	shalt  }
0x86: {  	_ =	shalt  }
0x87: {  	_ =	shalt  }
.Lfunc_end0:
.L_simem_size_0:
called_computation.1_lowered:
.L_overlay_start_0:
0x88: {  	s2 =	sld [smem:$0x3FD9]  }
0x89: {  	s3 =	sld [smem:$0x3FFE];
	_ =	sdelay $0x1  }
0x8a: {  	s1 =	srdreg.scid  }
0x8b: {  	s0 =	sand.u32 $0x1, s1  }
0x8c: {  	s14 =	sshll.u32 s0, $0xA;
	s2 =	sadd.s32 s3, s2  }
0x8d: {  	s2 =	sadd.s32 s2, s14  }
0x8e: {  	[smem:$0x3FC4] =	sst s2  }
0x8f: {  	_ = 	snop  }
0x90: {  	s2 =	sld [smem:$0x3FD0]  }
0x91: {  	s15 =	sld [smem:$0x3FC8]  }
0x92: {  	s4 =	sld [smem:$0x3FC7]  }
0x93: {  	s6 =	simm.s32 $0xA;
	s7 =	simm.s32 $0x10;
	s5 =	sld [smem:$0x3FC6]  }
0x94: {  	[smem:s7], [sflag:s6] =	dma.local [hbm:s2], $0x1  }
0x95: {  	_ =	swait.eq [sflag:s6], $0x1  }
0x96: {  	s16 =	sld [smem:$0x10];
	[sflag:s6] =	ssyncset.done $0x0  }
0x97: {  	s17 =	sld [smem:$0x12];
	[sflag:s6] =	ssyncadd.s32 $0xFFFFFFFF  }
0x98: {  	s18 =	sld [smem:$0x13];
	(tm) =	ssettm $0x1  }
0x99: {  	s8 =	sld [smem:$0x3FFB];
	_ =	sdelay $0x3  }
0x9a: {  	_ =	strace s8  }
0x9b: {  	s8 =	sld [smem:$0x3FFC];
	_ =	sdelay $0x3  }
0x9c: {  	_ =	strace s8  }
0x9d: {  	s8 =	sld [smem:$0x3FFD];
	_ =	sdelay $0x3  }
0x9e: {  	_ =	strace s8  }
0x9f: {  	_ =	strace $0x8FFFFFFF  }
0xa0: {  	s19 =	sld [smem:$0x3FDB];
	_ =	sdelay $0x1  }
0xa1: {  	s9 =	simm.s32 $_scs_section_size  }
0xa2: {  	s10 =	simm.s32 $_size__tile_overlayer_lowered;
	s11 =	simm.s32 $_tile_overlayer_lowered  }
0xa3: {  	s22 =	simm.s32 $0x1BFF;
	s21 =	sshll.u32 s11, $0x1;
	s8 =	sadd.s32 s9, s19  }
0xa4: {  	s12 =	simm.s32 $0x0;
	s20 =	sshll.u32 s10, $0x1;
	s10 =	sadd.s32 s21, s8  }
0xa5: {  	[timem:s12], [sflag:s22] =	dma.local [hbm:s10], s20  }
0xa6: {  	_ =	swait.ge [sflag:s22], s20  }
0xa7: {  	s9 =	ssub.s32 $0x0, s20;
	[sflag:s22] =	ssyncset.done $0x0  }
0xa8: {  	[sflag:s22] =	ssyncadd.s32 s9;
	_ =	sdelay $0x1  }
0xa9: {  	s23 =	simm.s32 $0x1B8B  }
0xaa: {  	_ =	swait.ge [sflag:s23], $0x1  }
0xab: {  	[sflag:s23] =	ssyncset.done $0x0  }
0xac: {  	s25 =	simm.s32 $0x1B8E;
	s24 =	sld [smem:$0x3FFE];
	[sflag:s23] =	ssyncadd.s32 $0xFFFFFFFF  }
0xad: {  	s26 =	simm.s32 $execute0_lowered;
	[smem:$0x3FD2] =	sst s25  }
0xae: {  	s10 =	sshll.u32 s26, $0x1;
	_ =	strace $0x80000049;
	[dreg:$0x1] =	wrdreg $0xFFFFFFFF  }
0xaf: {  	s28 =	simm.s32 $_size_execute0_lowered;
	s8 =	sadd.s32 s8, s10;
	[dreg:$0x0] =	wrdreg $0x0  }
0xb0: {  	s10 =	sshll.u32 s28, $0x1;
	[dreg:$0x2] =	wrdreg s8  }
0xb1: {  	[dreg:$0x3] =	wrdreg s10  }
0xb2: {  	[dreg:$0x4] =	wrdreg $0xC0  }
0xb3: {  	_ =	task [dreg:s12], $0x5FFFF  }
0xb4: {  	[dreg:$0x1] =	wrdreg $0xFFFFFFFF  }
0xb5: {  	[dreg:$0x0] =	wrdreg $0x60  }
0xb6: {  	[dreg:$0x2] =	wrdreg s24  }
0xb7: {  	[dreg:$0x3] =	wrdreg s15  }
0xb8: {  	[dreg:$0x4] =	wrdreg s4  }
0xb9: {  	[dreg:$0x5] =	wrdreg s5  }
0xba: {  	[dreg:$0x6] =	wrdreg s16  }
0xbb: {  	[dreg:$0x7] =	wrdreg s17  }
0xbc: {  	[dreg:$0x8] =	wrdreg s18  }
0xbd: {  	[dreg:$0x9] =	wrdreg $0x9  }
0xbe: {  	_ =	task.clear_ibuf [dreg:s12], $0xAFFFF;
	_ =	strace $0x90000049  }
0xbf: {  	s29 =	simm.s32 $0x9;
	_ =	strace $0x8000004B  }
0xc0: {  	_ =	swait.ge [sflag:s29], $0x1  }
0xc1: {  	[sflag:s29] =	ssyncadd.s32 $0xFFFFFFFF  }
0xc2: {  	_ =	strace $0x9000004B  }
0xc3: {  	_ =	sfence  }
0xc4: {  	s30 =	sld [smem:$0x0];
	_ =	sdelay $0x2  }
0xc5: {  	s31 =	sshll.u32 s1, $0xD;
	s1 =	sshrl.u32 s1, $0x2  }
0xc6: {  	s3 =	sand.u32 $0x4000, s31;
	s1 =	sadd.s32 s1, s30  }
0xc7: {  	s0 =	sor.u32 s3, s0;
	s1 =	sshll.u32 s1, $0x11  }
0xc8: {  	s0 =	sor.u32 s1, s0  }
0xc9: {  	s0 =	sadd.s32 $0x8F2B, s0  }
0xca: {  	[sflag:s0] =	ssyncadd.remote.s32 $0x1  }
0xcb: {  	_ =	sfence.sel $0xFFFF  }
0xcc: {  	[dreg:$0x0] =	wrdreg $0xFFFFFFFF;
	(pc) =	sbr.abs _section_cstart, $3  }
0xcd: {  	[dreg:$0x1] =	wrdreg $0xFFFFFFFF  }
0xce: {  	_ =	task.clear_ibuf [dreg:s12], $0x2FFFF;
	_ =	strace $0x9FFFFFFF  }
0xcf: {  	(tm) =	ssettm $0x7FFFFFFF  }
tec
execute0_lowered:
.L_overlay_start_1:
0x0: {  	(tag) =	ssettag $0x1  }
0x1: {  	s0 =	rddreg [dreg:$0x0]  }
0x2: {  	s7 =	rddreg [dreg:$0x2]  }
0x3: {  	s8 =	rddreg [dreg:$0x3]  }
0x4: {  	s1 =	rddreg [dreg:$0x4];
	s2 =	srdreg.scid  }
0x5: {  	s5 =	rddreg [dreg:$0x5];
	s4 =	stileid.u32;
	s2 =	sand.u32 $0x1, s2  }
0x6: {  	s4 =	sshll.u32 s4, $0x7;
	s10 =	ssub.s32 $0x2, s2;
	s2 =	sshll.u32 s2, $0x6  }
0x7: {  	s9 =	rddreg [dreg:$0x6];
	s3 =	simm.s32 $0x0;
	s4 =	sor.u32 s2, s4  }
0x8: {  	[smem:$0x7FF] =	sst s3;
	s7 =	sadd.s32 s7, s4  }
0x9: {  	_ =	strace $0x8000004A;
	s14 =	sadd.s32 s8, s4;
	[dreg:$0x8] =	wrdreg s7  }
0xa: {  	s6 =	sadd.s32 $0x1E9200, s0;
	s15 =	sadd.s32 s9, s4;
	[dreg:$0x9] =	wrdreg s14  }
0xb: {  	s11 =	sshrl.u32 s10, $0x1;
	s8 =	sadd.s32 $0xC00, s0;
	[dreg:$0xa] =	wrdreg s15  }
0xc: {  	s16 =	sor.u32 $0x800, s4;
	s1 =	sadd.s32 s1, s4;
	[smem:$0x7EA] =	sst s8  }
0xd: {  	s2 =	ssub.s32 s10, s11;
	s17 =	sadd.s32 s5, s16;
	[smem:$0x7FA] =	sst s1  }
0xe: {  	s18 =	sor.u32 $0x1000, s4;
	s7 =	sadd.s32 s6, s16;
	[dreg:$0xb] =	wrdreg s17  }
0xf: {  	s20 =	sor.u32 $0x1800, s4;
	s19 =	sadd.s32 s5, s18;
	[dreg:$0xc] =	wrdreg s7  }
0x10: {  	s22 =	sor.u32 $0x2000, s4;
	s21 =	sadd.s32 s5, s20;
	[dreg:$0xd] =	wrdreg s19  }
0x11: {  	s24 =	sor.u32 $0x2800, s4;
	s23 =	sadd.s32 s5, s22;
	[dreg:$0xf] =	wrdreg s21  }
0x12: {  	s26 =	sor.u32 $0x3000, s4;
	s25 =	sadd.s32 s5, s24;
	[dreg:$0x11] =	wrdreg s23  }
0x13: {  	s10 =	sor.u32 $0x3800, s4;
	s9 =	sadd.s32 s5, s26;
	[dreg:$0x13] =	wrdreg s25  }
0x14: {  	s12 =	sor.u32 $0x4000, s4;
	s11 =	sadd.s32 s5, s10;
	[dreg:$0x15] =	wrdreg s9  }
0x15: {  	s13 =	sadd.s32 s5, s12;
	[dreg:$0x17] =	wrdreg s11  }
0x16: {  	s14 =	sor.u32 $0x4800, s4;
	s7 =	sadd.s32 s6, s18;
	[dreg:$0x19] =	wrdreg s13  }
0x17: {  	s16 =	sor.u32 $0x5000, s4;
	s15 =	sadd.s32 s5, s14;
	[dreg:$0xe] =	wrdreg s7  }
0x18: {  	s17 =	sadd.s32 s5, s16;
	[dreg:$0x1b] =	wrdreg s15  }
0x19: {  	s9 =	sadd.s32 $0x1F450, s0;
	[dreg:$0x1d] =	wrdreg s17  }
0x1a: {  	s11 =	sadd.s32 $0x5C4F0, s0;
	[smem:$0x7EB] =	sst s9  }
0x1b: {  	s13 =	sadd.s32 $0x99590, s0;
	[smem:$0x7ED] =	sst s11  }
0x1c: {  	s18 =	sor.u32 $0x5800, s4;
	s7 =	sadd.s32 s6, s20;
	[smem:$0x7EF] =	sst s13  }
0x1d: {  	s19 =	sadd.s32 s5, s18;
	[dreg:$0x10] =	wrdreg s7  }
0x1e: {  	s15 =	sadd.s32 $0xD6630, s0;
	[dreg:$0x1f] =	wrdreg s19  }
0x1f: {  	s20 =	sor.u32 $0x6000, s4;
	s7 =	sadd.s32 s6, s22;
	[smem:$0x7F1] =	sst s15  }
0x20: {  	s17 =	sor.u32 $0x7800, s4;
	s21 =	sadd.s32 s5, s20;
	[dreg:$0x12] =	wrdreg s7  }
0x21: {  	s19 =	sadd.s32 s6, s17;
	[smem:$0x7E2] =	sst s21  }
0x22: {  	s22 =	sor.u32 $0x6800, s4;
	s7 =	sadd.s32 s6, s24;
	[smem:$0x7F4] =	sst s19  }
0x23: {  	s23 =	sadd.s32 s5, s22;
	[dreg:$0x14] =	wrdreg s7  }
0x24: {  	s21 =	sadd.s32 $0x150770, s0;
	[smem:$0x7E4] =	sst s23  }
0x25: {  	s24 =	sor.u32 $0x7000, s4;
	s7 =	sadd.s32 s6, s26;
	[smem:$0x7F6] =	sst s21  }
0x26: {  	s25 =	sadd.s32 s5, s24;
	[dreg:$0x16] =	wrdreg s7  }
0x27: {  	s29 =	simm.s32 $0x200;
	s26 =	sadd.s32 s5, s4;
	[smem:$0x7E6] =	sst s25  }
0x28: {  	s30 =	simm.s32 $0x1;
	s5 =	sadd.s32 s5, s17;
	[smem:$0x7E8] =	sst s26  }
0x29: {  	s31 =	simm.s32 $0x2800;
	s23 =	sadd.s32 $0x16EFC0, s0;
	[smem:$0x7E9] =	sst s5  }
0x2a: {  	s28 =	simm.s32 $0x1A00;
	s7 =	sadd.s32 s6, s10;
	[smem:$0x7F8] =	sst s23  }
0x2b: {  	s8 =	simm.s32 $0x1E00;
	s10 =	sadd.s32 $0x3DCA0, s0;
	[dreg:$0x18] =	wrdreg s7  }
0x2c: {  	s9 =	simm.s32 $0x3E00;
	s25 =	sadd.s32 $0x1AC060, s0;
	[smem:$0x7EC] =	sst s10  }
0x2d: {  	s11 =	simm.s32 $0x4000;
	s26 =	smax.u32 s2, $0x1;
	[smem:$0x7FB] =	sst s25  }
0x2e: {  	s13 =	simm.s32 $0x4200;
	s7 =	sadd.s32 s6, s12;
	[smem:$0x7FD] =	sst s26  }
0x2f: {  	s15 =	simm.s32 $0x1200;
	s12 =	sadd.s32 $0x7AD40, s0;
	[dreg:$0x1a] =	wrdreg s7  }
0x30: {  	s19 =	simm.s32 $0x3400;
	s7 =	sadd.s32 s6, s14;
	[smem:$0x7EE] =	sst s12  }
0x31: {  	s17 =	simm.s32 $0x800;
	s14 =	sadd.s32 $0xB7DE0, s0;
	[dreg:$0x1c] =	wrdreg s7  }
0x32: {  	s21 =	simm.s32 $0x1600;
	s7 =	sadd.s32 s6, s16;
	[smem:$0x7F0] =	sst s14  }
0x33: {  	s2 =	simm.s32 $0x0;
	s16 =	sadd.s32 $0xF4E80, s0;
	[dreg:$0x1e] =	wrdreg s7  }
0x34: {  	s26 =	simm.s32 $0x600;
	s7 =	sadd.s32 s6, s18;
	[smem:$0x7F2] =	sst s16  }
0x35: {  	s25 =	simm.s32 $0x3800;
	s18 =	sadd.s32 $0x1136D0, s0;
	[smem:$0x7E1] =	sst s7  }
0x36: {  	s10 =	simm.s32 $0x2000;
	s7 =	sadd.s32 s6, s20;
	[smem:$0x7F3] =	sst s18  }
0x37: {  	s12 =	simm.s32 $0x2200;
	s20 =	sadd.s32 $0x131F20, s0;
	[smem:$0x7E3] =	sst s7  }
0x38: {  	s14 =	simm.s32 $0x3000;
	s7 =	sadd.s32 s6, s22;
	[smem:$0x7F5] =	sst s20  }
0x39: {  	s16 =	simm.s32 $0x3200;
	s22 =	sadd.s32 s6, s4;
	[smem:$0x7E5] =	sst s7  }
0x3a: {  	s18 =	simm.s32 $0x1400;
	s7 =	sadd.s32 s6, s24;
	[smem:$0x7F7] =	sst s22  }
0x3b: {  	s4 =	simm.s32 $0x5;
	s24 =	sadd.s32 $0x18D810, s0;
	[smem:$0x7E7] =	sst s7  }
0x3c: {  	s20 =	simm.s32 $0x2;
	s0 =	sadd.s32 $0x1CA8B0, s0;
	[smem:$0x7F9] =	sst s24  }
0x3d: {  	s22 =	simm.s32 $0x3600;
	s6 =	simm.s32 $0x1C00;
	[smem:$0x7FC] =	sst s0  }
0x3e: {  	s0 =	simm.s32 $0x4;
	s24 =	simm.s32 $0x1800;
	s7 =	simm.s32 $0x3C00  }
.LBB2_1:
0x3f: {  	s1 =	rddreg [dreg:$0x8]  }
0x40: {  	[tilespmem:s3], [sflag:$0x5] =	stream.linear.gather [hbm4b:s1+s3], $0x200, $0x38;
	[tilespmem:$0x4800] =	vst v63  }
0x41: {  	_ =	swait.ge [sflag:s4], $0x200  }
0x42: {  	[sflag:s4] =	ssyncset.done $0x0  }
0x43: {  	s5 =	rddreg [dreg:$0x9];
	[sflag:s4] =	ssyncadd.s32 $0xFFFFFE00  }
0x44: {  	[tilespmem:s29], [sflag:$0x5] =	stream.linear.gather [hbm4b:s5+s3], $0x200, $0x38;
	[tilespmem:$0x4800] =	vst v63  }
0x45: {  	_ =	swait.ge [sflag:s4], $0x200  }
0x46: {  	[sflag:s4] =	ssyncset.done $0x0  }
0x47: {  	s1 =	sld [smem:$0x7EA];
	[sflag:s4] =	ssyncadd.s32 $0xFFFFFE00  }
0x48: {  	s4 =	simm.s32 $0x4400;
	s23 =	rddreg [dreg:$0x1]  }
0x49: {  	[tilespmem:s4], [sflag:$0x3] =	stream.indirect.gather [hbm4b:s23+s29], $0x1, s29, s29, $0xb8;
	[tilespmem:$0x4800] =	vst v63  }
0x4a: {  	s23 =	simm.s32 $0x400  }
0x4b: {  	[tilespmem:s23], [sflag:$0x1] =	stream.indirect.gather [hbm4b:s1+s29], $0x1, s3, s29, $0xb8;
	[tilespmem:$0x4800] =	vst v63  }
0x4c: {  	s5 =	simm.s32 $0x2400  }
0x4d: {  	[tilespmem:s5], [sflag:$0x2] =	stream.indirect.gather [hbm4b:s1+s29], $0x1, s29, s29, $0xb8;
	[tilespmem:$0x4800] =	vst v63  }
0x4e: {  	s1 =	sld [smem:$0x7EB];
	_ =	sdelay $0x2  }
0x4f: {  	[tilespmem:s26], [sflag:$0x1] =	stream.indirect.gather [hbm4b:s1+s29], $0x1, s3, s29, $0xb8;
	[tilespmem:$0x4800] =	vst v63  }
0x50: {  	s5 =	simm.s32 $0x2600  }
0x51: {  	[tilespmem:s5], [sflag:$0x2] =	stream.indirect.gather [hbm4b:s1+s29], $0x1, s29, s29, $0xb8;
	[tilespmem:$0x4800] =	vst v63  }
0x52: {  	s5 =	sld [smem:$0x7EC];
	_ =	sdelay $0x2  }
0x53: {  	[tilespmem:s17], [sflag:$0x1] =	stream.indirect.gather [hbm4b:s5+s29], $0x1, s3, s29, $0xb8;
	[tilespmem:$0x4800] =	vst v63  }
0x54: {  	s1 =	sld [smem:$0x7ED]  }
0x55: {  	[tilespmem:s31], [sflag:$0x2] =	stream.indirect.gather [hbm4b:s5+s29], $0x1, s29, s29, $0xb8;
	[tilespmem:$0x4800] =	vst v63  }
0x56: {  	s5 =	simm.s32 $0xA00  }
0x57: {  	[tilespmem:s5], [sflag:$0x1] =	stream.indirect.gather [hbm4b:s1+s29], $0x1, s3, s29, $0xb8;
	[tilespmem:$0x4800] =	vst v63  }
0x58: {  	s5 =	simm.s32 $0x2A00  }
0x59: {  	[tilespmem:s5], [sflag:$0x2] =	stream.indirect.gather [hbm4b:s1+s29], $0x1, s29, s29, $0xb8;
	[tilespmem:$0x4800] =	vst v63  }
0x5a: {  	s1 =	sld [smem:$0x7EE];
	_ =	sdelay $0x1  }
0x5b: {  	s5 =	simm.s32 $0xC00  }
0x5c: {  	[tilespmem:s5], [sflag:$0x1] =	stream.indirect.gather [hbm4b:s1+s29], $0x1, s3, s29, $0xb8;
	[tilespmem:$0x4800] =	vst v63  }
0x5d: {  	s5 =	simm.s32 $0x2C00  }
0x5e: {  	[tilespmem:s5], [sflag:$0x2] =	stream.indirect.gather [hbm4b:s1+s29], $0x1, s29, s29, $0xb8;
	[tilespmem:$0x4800] =	vst v63  }
0x5f: {  	s1 =	sld [smem:$0x7EF];
	_ =	sdelay $0x1  }
0x60: {  	s5 =	simm.s32 $0xE00  }
0x61: {  	[tilespmem:s5], [sflag:$0x1] =	stream.indirect.gather [hbm4b:s1+s29], $0x1, s3, s29, $0xb8;
	[tilespmem:$0x4800] =	vst v63  }
0x62: {  	s5 =	simm.s32 $0x2E00  }
0x63: {  	[tilespmem:s5], [sflag:$0x2] =	stream.indirect.gather [hbm4b:s1+s29], $0x1, s29, s29, $0xb8;
	[tilespmem:$0x4800] =	vst v63  }
0x64: {  	s1 =	sld [smem:$0x7F0];
	_ =	sdelay $0x1  }
0x65: {  	s5 =	simm.s32 $0x1000  }
0x66: {  	[tilespmem:s5], [sflag:$0x1] =	stream.indirect.gather [hbm4b:s1+s29], $0x1, s3, s29, $0xb8;
	[tilespmem:$0x4800] =	vst v63  }
0x67: {  	s5 =	sld [smem:$0x7F1]  }
0x68: {  	[tilespmem:s14], [sflag:$0x2] =	stream.indirect.gather [hbm4b:s1+s29], $0x1, s29, s29, $0xb8;
	[tilespmem:$0x4800] =	vst v63  }
0x69: {  	_ = 	snop  }
0x6a: {  	[tilespmem:s15], [sflag:$0x1] =	stream.indirect.gather [hbm4b:s5+s29], $0x1, s3, s29, $0xb8;
	[tilespmem:$0x4800] =	vst v63  }
0x6b: {  	_ = 	snop  }
0x6c: {  	[tilespmem:s16], [sflag:$0x2] =	stream.indirect.gather [hbm4b:s5+s29], $0x1, s29, s29, $0xb8;
	[tilespmem:$0x4800] =	vst v63  }
0x6d: {  	s5 =	sld [smem:$0x7F2];
	_ =	sdelay $0x2  }
0x6e: {  	[tilespmem:s18], [sflag:$0x1] =	stream.indirect.gather [hbm4b:s5+s29], $0x1, s3, s29, $0xb8;
	[tilespmem:$0x4800] =	vst v63  }
0x6f: {  	_ = 	snop  }
0x70: {  	[tilespmem:s19], [sflag:$0x2] =	stream.indirect.gather [hbm4b:s5+s29], $0x1, s29, s29, $0xb8;
	[tilespmem:$0x4800] =	vst v63  }
0x71: {  	s5 =	sld [smem:$0x7F3];
	_ =	sdelay $0x2  }
0x72: {  	[tilespmem:s21], [sflag:$0x1] =	stream.indirect.gather [hbm4b:s5+s29], $0x1, s3, s29, $0xb8;
	[tilespmem:$0x4800] =	vst v63  }
0x73: {  	_ = 	snop  }
0x74: {  	[tilespmem:s22], [sflag:$0x2] =	stream.indirect.gather [hbm4b:s5+s29], $0x1, s29, s29, $0xb8;
	[tilespmem:$0x4800] =	vst v63  }
0x75: {  	s5 =	sld [smem:$0x7F5];
	_ =	sdelay $0x2  }
0x76: {  	[tilespmem:s24], [sflag:$0x1] =	stream.indirect.gather [hbm4b:s5+s29], $0x1, s3, s29, $0xb8;
	[tilespmem:$0x4800] =	vst v63  }
0x77: {  	s1 =	sld [smem:$0x7F6]  }
0x78: {  	[tilespmem:s25], [sflag:$0x2] =	stream.indirect.gather [hbm4b:s5+s29], $0x1, s29, s29, $0xb8;
	[tilespmem:$0x4800] =	vst v63  }
0x79: {  	_ = 	snop  }
0x7a: {  	[tilespmem:s28], [sflag:$0x1] =	stream.indirect.gather [hbm4b:s1+s29], $0x1, s3, s29, $0xb8;
	[tilespmem:$0x4800] =	vst v63  }
0x7b: {  	s5 =	simm.s32 $0x3A00  }
0x7c: {  	[tilespmem:s5], [sflag:$0x2] =	stream.indirect.gather [hbm4b:s1+s29], $0x1, s29, s29, $0xb8;
	[tilespmem:$0x4800] =	vst v63  }
0x7d: {  	s1 =	sld [smem:$0x7F8];
	_ =	sdelay $0x2  }
0x7e: {  	[tilespmem:s6], [sflag:$0x1] =	stream.indirect.gather [hbm4b:s1+s29], $0x1, s3, s29, $0xb8;
	[tilespmem:$0x4800] =	vst v63  }
0x7f: {  	_ = 	snop  }
0x80: {  	[tilespmem:s7], [sflag:$0x2] =	stream.indirect.gather [hbm4b:s1+s29], $0x1, s29, s29, $0xb8;
	[tilespmem:$0x4800] =	vst v63  }
0x81: {  	s1 =	sld [smem:$0x7F9];
	_ =	sdelay $0x2  }
0x82: {  	[tilespmem:s8], [sflag:$0x1] =	stream.indirect.gather [hbm4b:s1+s29], $0x1, s3, s29, $0xb8;
	[tilespmem:$0x4800] =	vst v63  }
0x83: {  	_ = 	snop  }
0x84: {  	[tilespmem:s9], [sflag:$0x2] =	stream.indirect.gather [hbm4b:s1+s29], $0x1, s29, s29, $0xb8;
	[tilespmem:$0x4800] =	vst v63  }
0x85: {  	s1 =	sld [smem:$0x7FB];
	_ =	sdelay $0x2  }
0x86: {  	[tilespmem:s10], [sflag:$0x1] =	stream.indirect.gather [hbm4b:s1+s29], $0x1, s3, s29, $0xb8;
	[tilespmem:$0x4800] =	vst v63  }
0x87: {  	_ = 	snop  }
0x88: {  	[tilespmem:s11], [sflag:$0x2] =	stream.indirect.gather [hbm4b:s1+s29], $0x1, s29, s29, $0xb8;
	[tilespmem:$0x4800] =	vst v63  }
0x89: {  	s1 =	sld [smem:$0x7FC];
	_ =	sdelay $0x2  }
0x8a: {  	[tilespmem:s12], [sflag:$0x1] =	stream.indirect.gather [hbm4b:s1+s29], $0x1, s3, s29, $0xb8;
	[tilespmem:$0x4800] =	vst v63  }
0x8b: {  	_ = 	snop  }
0x8c: {  	[tilespmem:s13], [sflag:$0x2] =	stream.indirect.gather [hbm4b:s1+s29], $0x1, s29, s29, $0xb8;
	[tilespmem:$0x4800] =	vst v63  }
0x8d: {  	_ =	swait.ge [sflag:s30], $0x200  }
0x8e: {  	[sflag:s30] =	ssyncset.done $0x0  }
0x8f: {  	[sflag:s30] =	ssyncadd.s32 $0xFFFFFE00  }
0x90: {  	_ =	swait.ge [sflag:s20], $0x200  }
0x91: {  	[sflag:s20] =	ssyncset.done $0x0  }
0x92: {  	[sflag:s20] =	ssyncadd.s32 $0xFFFFFE00  }
0x93: {  	_ =	swait.ge [sflag:s30], $0x200  }
0x94: {  	[sflag:s30] =	ssyncset.done $0x0  }
0x95: {  	[sflag:s30] =	ssyncadd.s32 $0xFFFFFE00  }
0x96: {  	_ =	swait.ge [sflag:s20], $0x200  }
0x97: {  	[sflag:s20] =	ssyncset.done $0x0  }
0x98: {  	[sflag:s20] =	ssyncadd.s32 $0xFFFFFE00  }
0x99: {  	_ =	swait.ge [sflag:s30], $0x200  }
0x9a: {  	[sflag:s30] =	ssyncset.done $0x0  }
0x9b: {  	[sflag:s30] =	ssyncadd.s32 $0xFFFFFE00  }
0x9c: {  	_ =	swait.ge [sflag:s20], $0x200  }
0x9d: {  	[sflag:s20] =	ssyncset.done $0x0  }
0x9e: {  	[sflag:s20] =	ssyncadd.s32 $0xFFFFFE00  }
0x9f: {  	_ =	swait.ge [sflag:s30], $0x200  }
0xa0: {  	[sflag:s30] =	ssyncset.done $0x0  }
0xa1: {  	[sflag:s30] =	ssyncadd.s32 $0xFFFFFE00  }
0xa2: {  	_ =	swait.ge [sflag:s20], $0x200  }
0xa3: {  	[sflag:s20] =	ssyncset.done $0x0  }
0xa4: {  	[sflag:s20] =	ssyncadd.s32 $0xFFFFFE00  }
0xa5: {  	_ =	swait.ge [sflag:s30], $0x200  }
0xa6: {  	[sflag:s30] =	ssyncset.done $0x0  }
0xa7: {  	[sflag:s30] =	ssyncadd.s32 $0xFFFFFE00  }
0xa8: {  	_ =	swait.ge [sflag:s20], $0x200  }
0xa9: {  	[sflag:s20] =	ssyncset.done $0x0  }
0xaa: {  	[sflag:s20] =	ssyncadd.s32 $0xFFFFFE00  }
0xab: {  	_ =	swait.ge [sflag:s30], $0x200  }
0xac: {  	[sflag:s30] =	ssyncset.done $0x0  }
0xad: {  	[sflag:s30] =	ssyncadd.s32 $0xFFFFFE00  }
0xae: {  	_ =	swait.ge [sflag:s20], $0x200  }
0xaf: {  	[sflag:s20] =	ssyncset.done $0x0  }
0xb0: {  	[sflag:s20] =	ssyncadd.s32 $0xFFFFFE00  }
0xb1: {  	_ =	swait.ge [sflag:s30], $0x200  }
0xb2: {  	[sflag:s30] =	ssyncset.done $0x0  }
0xb3: {  	[sflag:s30] =	ssyncadd.s32 $0xFFFFFE00  }
0xb4: {  	_ =	swait.ge [sflag:s20], $0x200  }
0xb5: {  	[sflag:s20] =	ssyncset.done $0x0  }
0xb6: {  	[sflag:s20] =	ssyncadd.s32 $0xFFFFFE00  }
0xb7: {  	_ =	swait.ge [sflag:s30], $0x200  }
0xb8: {  	[sflag:s30] =	ssyncset.done $0x0  }
0xb9: {  	[sflag:s30] =	ssyncadd.s32 $0xFFFFFE00  }
0xba: {  	_ =	swait.ge [sflag:s20], $0x200  }
0xbb: {  	[sflag:s20] =	ssyncset.done $0x0  }
0xbc: {  	[sflag:s20] =	ssyncadd.s32 $0xFFFFFE00  }
0xbd: {  	_ =	swait.ge [sflag:s30], $0x200  }
0xbe: {  	[sflag:s30] =	ssyncset.done $0x0  }
0xbf: {  	[sflag:s30] =	ssyncadd.s32 $0xFFFFFE00  }
0xc0: {  	_ =	swait.ge [sflag:s20], $0x200  }
0xc1: {  	[sflag:s20] =	ssyncset.done $0x0  }
0xc2: {  	[sflag:s20] =	ssyncadd.s32 $0xFFFFFE00  }
0xc3: {  	_ =	swait.ge [sflag:s30], $0x200  }
0xc4: {  	[sflag:s30] =	ssyncset.done $0x0  }
0xc5: {  	[sflag:s30] =	ssyncadd.s32 $0xFFFFFE00  }
0xc6: {  	_ =	swait.ge [sflag:s20], $0x200  }
0xc7: {  	[sflag:s20] =	ssyncset.done $0x0  }
0xc8: {  	[sflag:s20] =	ssyncadd.s32 $0xFFFFFE00  }
0xc9: {  	_ =	swait.ge [sflag:s30], $0x200  }
0xca: {  	[sflag:s30] =	ssyncset.done $0x0  }
0xcb: {  	[sflag:s30] =	ssyncadd.s32 $0xFFFFFE00  }
0xcc: {  	_ =	swait.ge [sflag:s20], $0x200  }
0xcd: {  	[sflag:s20] =	ssyncset.done $0x0  }
0xce: {  	[sflag:s20] =	ssyncadd.s32 $0xFFFFFE00  }
0xcf: {  	_ =	swait.ge [sflag:s30], $0x200  }
0xd0: {  	[sflag:s30] =	ssyncset.done $0x0  }
0xd1: {  	[sflag:s30] =	ssyncadd.s32 $0xFFFFFE00  }
0xd2: {  	_ =	swait.ge [sflag:s20], $0x200  }
0xd3: {  	[sflag:s20] =	ssyncset.done $0x0  }
0xd4: {  	[sflag:s20] =	ssyncadd.s32 $0xFFFFFE00  }
0xd5: {  	_ =	swait.ge [sflag:s30], $0x200  }
0xd6: {  	[sflag:s30] =	ssyncset.done $0x0  }
0xd7: {  	[sflag:s30] =	ssyncadd.s32 $0xFFFFFE00  }
0xd8: {  	_ =	swait.ge [sflag:s20], $0x200  }
0xd9: {  	[sflag:s20] =	ssyncset.done $0x0  }
0xda: {  	[sflag:s20] =	ssyncadd.s32 $0xFFFFFE00  }
0xdb: {  	_ =	swait.ge [sflag:s30], $0x200  }
0xdc: {  	[sflag:s30] =	ssyncset.done $0x0  }
0xdd: {  	[sflag:s30] =	ssyncadd.s32 $0xFFFFFE00  }
0xde: {  	_ =	swait.ge [sflag:s20], $0x200  }
0xdf: {  	[sflag:s20] =	ssyncset.done $0x0  }
0xe0: {  	[sflag:s20] =	ssyncadd.s32 $0xFFFFFE00  }
0xe1: {  	_ =	swait.ge [sflag:s30], $0x200  }
0xe2: {  	[sflag:s30] =	ssyncset.done $0x0  }
0xe3: {  	[sflag:s30] =	ssyncadd.s32 $0xFFFFFE00  }
0xe4: {  	_ =	swait.ge [sflag:s20], $0x200  }
0xe5: {  	[sflag:s20] =	ssyncset.done $0x0  }
0xe6: {  	[sflag:s20] =	ssyncadd.s32 $0xFFFFFE00  }
0xe7: {  	_ =	swait.ge [sflag:s30], $0x200  }
0xe8: {  	[sflag:s30] =	ssyncset.done $0x0  }
0xe9: {  	[sflag:s30] =	ssyncadd.s32 $0xFFFFFE00  }
0xea: {  	_ =	swait.ge [sflag:s20], $0x200  }
0xeb: {  	[sflag:s20] =	ssyncset.done $0x0  }
0xec: {  	s1 =	simm.s32 $0x3;
	[sflag:s20] =	ssyncadd.s32 $0xFFFFFE00  }
0xed: {  	_ =	swait.ge [sflag:s1], $0x200  }
0xee: {  	[sflag:s1] =	ssyncset.done $0x0  }
0xef: {  	[sflag:s1] =	ssyncadd.s32 $0xFFFFFE00;
	s1 =	rddreg [dreg:$0xa]  }
0xf0: {  	[hbm4b:s1+s3] =	stream.linear.scatter [tilespmem:s4], [sflag:$0x4], $0x200, $0x38;
	[tilespmem:$0x4800] =	vst v63  }
0xf1: {  	s4 =	sld [smem:$0x7E8];
	_ =	sdelay $0x2  }
0xf2: {  	[hbm4b:s4+s3] =	stream.linear.scatter [tilespmem:s23], [sflag:$0x4], $0x200, $0x38;
	[tilespmem:$0x4800] =	vst v63  }
0xf3: {  	s4 =	sld [smem:$0x7F7];
	_ =	sdelay $0x1  }
0xf4: {  	s23 =	simm.s32 $0x2400  }
0xf5: {  	[hbm4b:s4+s3] =	stream.linear.scatter [tilespmem:s23], [sflag:$0x4], $0x200, $0x38;
	[tilespmem:$0x4800] =	vst v63  }
0xf6: {  	s23 =	rddreg [dreg:$0xb]  }
0xf7: {  	[hbm4b:s23+s3] =	stream.linear.scatter [tilespmem:s26], [sflag:$0x4], $0x200, $0x38;
	[tilespmem:$0x4800] =	vst v63  }
0xf8: {  	s4 =	rddreg [dreg:$0xc];
	s23 =	simm.s32 $0x2600  }
0xf9: {  	[hbm4b:s4+s3] =	stream.linear.scatter [tilespmem:s23], [sflag:$0x4], $0x200, $0x38;
	[tilespmem:$0x4800] =	vst v63  }
0xfa: {  	s4 =	rddreg [dreg:$0xd]  }
0xfb: {  	[hbm4b:s4+s3] =	stream.linear.scatter [tilespmem:s17], [sflag:$0x4], $0x200, $0x38;
	[tilespmem:$0x4800] =	vst v63  }
0xfc: {  	s23 =	rddreg [dreg:$0xe]  }
0xfd: {  	[hbm4b:s23+s3] =	stream.linear.scatter [tilespmem:s31], [sflag:$0x4], $0x200, $0x38;
	[tilespmem:$0x4800] =	vst v63  }
0xfe: {  	s4 =	rddreg [dreg:$0xf];
	s23 =	simm.s32 $0xA00  }
0xff: {  	[hbm4b:s4+s3] =	stream.linear.scatter [tilespmem:s23], [sflag:$0x4], $0x200, $0x38;
	[tilespmem:$0x4800] =	vst v63  }
0x100: {  	s4 =	rddreg [dreg:$0x10];
	s23 =	simm.s32 $0x2A00  }
0x101: {  	[hbm4b:s4+s3] =	stream.linear.scatter [tilespmem:s23], [sflag:$0x4], $0x200, $0x38;
	[tilespmem:$0x4800] =	vst v63  }
0x102: {  	s4 =	rddreg [dreg:$0x11];
	s23 =	simm.s32 $0xC00  }
0x103: {  	[hbm4b:s4+s3] =	stream.linear.scatter [tilespmem:s23], [sflag:$0x4], $0x200, $0x38;
	[tilespmem:$0x4800] =	vst v63  }
0x104: {  	s4 =	rddreg [dreg:$0x12];
	s23 =	simm.s32 $0x2C00  }
0x105: {  	[hbm4b:s4+s3] =	stream.linear.scatter [tilespmem:s23], [sflag:$0x4], $0x200, $0x38;
	[tilespmem:$0x4800] =	vst v63  }
0x106: {  	s4 =	rddreg [dreg:$0x13];
	s23 =	simm.s32 $0xE00  }
0x107: {  	[hbm4b:s4+s3] =	stream.linear.scatter [tilespmem:s23], [sflag:$0x4], $0x200, $0x38;
	[tilespmem:$0x4800] =	vst v63  }
0x108: {  	s4 =	rddreg [dreg:$0x14];
	s23 =	simm.s32 $0x2E00  }
0x109: {  	[hbm4b:s4+s3] =	stream.linear.scatter [tilespmem:s23], [sflag:$0x4], $0x200, $0x38;
	[tilespmem:$0x4800] =	vst v63  }
0x10a: {  	s4 =	rddreg [dreg:$0x15];
	s23 =	simm.s32 $0x1000  }
0x10b: {  	[hbm4b:s4+s3] =	stream.linear.scatter [tilespmem:s23], [sflag:$0x4], $0x200, $0x38;
	[tilespmem:$0x4800] =	vst v63  }
0x10c: {  	s4 =	rddreg [dreg:$0x16]  }
0x10d: {  	s23 =	rddreg [dreg:$0x17]  }
0x10e: {  	[hbm4b:s4+s3] =	stream.linear.scatter [tilespmem:s14], [sflag:$0x4], $0x200, $0x38;
	[tilespmem:$0x4800] =	vst v63  }
0x10f: {  	s4 =	rddreg [dreg:$0x18]  }
0x110: {  	[hbm4b:s23+s3] =	stream.linear.scatter [tilespmem:s15], [sflag:$0x4], $0x200, $0x38;
	[tilespmem:$0x4800] =	vst v63  }
0x111: {  	s23 =	rddreg [dreg:$0x19]  }
0x112: {  	[hbm4b:s4+s3] =	stream.linear.scatter [tilespmem:s16], [sflag:$0x4], $0x200, $0x38;
	[tilespmem:$0x4800] =	vst v63  }
0x113: {  	s4 =	rddreg [dreg:$0x1a]  }
0x114: {  	[hbm4b:s23+s3] =	stream.linear.scatter [tilespmem:s18], [sflag:$0x4], $0x200, $0x38;
	[tilespmem:$0x4800] =	vst v63  }
0x115: {  	s23 =	rddreg [dreg:$0x1b]  }
0x116: {  	[hbm4b:s4+s3] =	stream.linear.scatter [tilespmem:s19], [sflag:$0x4], $0x200, $0x38;
	[tilespmem:$0x4800] =	vst v63  }
0x117: {  	s4 =	rddreg [dreg:$0x1c]  }
0x118: {  	[hbm4b:s23+s3] =	stream.linear.scatter [tilespmem:s21], [sflag:$0x4], $0x200, $0x38;
	[tilespmem:$0x4800] =	vst v63  }
0x119: {  	s23 =	rddreg [dreg:$0x1d]  }
0x11a: {  	[hbm4b:s4+s3] =	stream.linear.scatter [tilespmem:s22], [sflag:$0x4], $0x200, $0x38;
	[tilespmem:$0x4800] =	vst v63  }
0x11b: {  	s4 =	rddreg [dreg:$0x1e]  }
0x11c: {  	[hbm4b:s23+s3] =	stream.linear.scatter [tilespmem:s24], [sflag:$0x4], $0x200, $0x38;
	[tilespmem:$0x4800] =	vst v63  }
0x11d: {  	s23 =	rddreg [dreg:$0x1f]  }
0x11e: {  	[hbm4b:s4+s3] =	stream.linear.scatter [tilespmem:s25], [sflag:$0x4], $0x200, $0x38;
	[tilespmem:$0x4800] =	vst v63  }
0x11f: {  	s4 =	sld [smem:$0x7E1]  }
0x120: {  	[hbm4b:s23+s3] =	stream.linear.scatter [tilespmem:s28], [sflag:$0x4], $0x200, $0x38;
	[tilespmem:$0x4800] =	vst v63  }
0x121: {  	_ = 	snop  }
0x122: {  	[hbm4b:s4+s3] =	stream.linear.scatter [tilespmem:s5], [sflag:$0x4], $0x200, $0x38;
	[tilespmem:$0x4800] =	vst v63  }
0x123: {  	s5 =	sld [smem:$0x7E2];
	_ =	sdelay $0x1  }
0x124: {  	s23 =	sld [smem:$0x7E3]  }
0x125: {  	[hbm4b:s5+s3] =	stream.linear.scatter [tilespmem:s6], [sflag:$0x4], $0x200, $0x38;
	[tilespmem:$0x4800] =	vst v63  }
0x126: {  	s4 =	sld [smem:$0x7E4]  }
0x127: {  	[hbm4b:s23+s3] =	stream.linear.scatter [tilespmem:s7], [sflag:$0x4], $0x200, $0x38;
	[tilespmem:$0x4800] =	vst v63  }
0x128: {  	s5 =	sld [smem:$0x7E5]  }
0x129: {  	[hbm4b:s4+s3] =	stream.linear.scatter [tilespmem:s8], [sflag:$0x4], $0x200, $0x38;
	[tilespmem:$0x4800] =	vst v63  }
0x12a: {  	s23 =	sld [smem:$0x7E6]  }
0x12b: {  	[hbm4b:s5+s3] =	stream.linear.scatter [tilespmem:s9], [sflag:$0x4], $0x200, $0x38;
	[tilespmem:$0x4800] =	vst v63  }
0x12c: {  	s4 =	sld [smem:$0x7E7]  }
0x12d: {  	[hbm4b:s23+s3] =	stream.linear.scatter [tilespmem:s10], [sflag:$0x4], $0x200, $0x38;
	[tilespmem:$0x4800] =	vst v63  }
0x12e: {  	s5 =	sld [smem:$0x7E9]  }
0x12f: {  	[hbm4b:s4+s3] =	stream.linear.scatter [tilespmem:s11], [sflag:$0x4], $0x200, $0x38;
	[tilespmem:$0x4800] =	vst v63  }
0x130: {  	s23 =	sld [smem:$0x7F4]  }
0x131: {  	[hbm4b:s5+s3] =	stream.linear.scatter [tilespmem:s12], [sflag:$0x4], $0x200, $0x38;
	[tilespmem:$0x4800] =	vst v63  }
0x132: {  	_ = 	snop  }
0x133: {  	[hbm4b:s23+s3] =	stream.linear.scatter [tilespmem:s13], [sflag:$0x4], $0x200, $0x38;
	[tilespmem:$0x4800] =	vst v63  }
0x134: {  	s23 =	simm.s32 $0x0  }
0x135: {  	v0 =	vld [tilespmem:s23+$0x4400]  }
0x136: {  	v1 =	vld [tilespmem:s23+$0x400]  }
0x137: {  	v2 =	vld [tilespmem:s23+$0x2400]  }
0x138: {  	v3 =	vld [tilespmem:s23+$0x600]  }
0x139: {  	v4 =	vld [tilespmem:s23+$0x2600]  }
0x13a: {  	v5 =	vld [tilespmem:s23+$0x800]  }
0x13b: {  	v6 =	vld [tilespmem:s23+$0x2800]  }
0x13c: {  	v7 =	vld [tilespmem:s23+$0xA00];
	v1 =	vmul.f32 v2, v1  }
0x13d: {  	v2 =	vld [tilespmem:s23+$0x2A00]  }
0x13e: {  	v8 =	vld [tilespmem:s23+$0xC00];
	v0 =	vadd.f32 v1, v0;
	v1 =	vmul.f32 v4, v3  }
0x13f: {  	v3 =	vld [tilespmem:s23+$0x2C00]  }
0x140: {  	v4 =	vld [tilespmem:s23+$0xE00];
	v0 =	vadd.f32 v1, v0;
	v1 =	vmul.f32 v6, v5  }
0x141: {  	v5 =	vld [tilespmem:s23+$0x2E00]  }
0x142: {  	v6 =	vld [tilespmem:s23+$0x1000];
	v0 =	vadd.f32 v1, v0;
	v1 =	vmul.f32 v2, v7  }
0x143: {  	v2 =	vld [tilespmem:s23+$0x3000]  }
0x144: {  	v7 =	vld [tilespmem:s23+$0x1200];
	v0 =	vadd.f32 v1, v0;
	v1 =	vmul.f32 v3, v8  }
0x145: {  	v3 =	vld [tilespmem:s23+$0x3200]  }
0x146: {  	v8 =	vld [tilespmem:s23+$0x1400];
	v0 =	vadd.f32 v1, v0;
	v1 =	vmul.f32 v5, v4  }
0x147: {  	v4 =	vld [tilespmem:s23+$0x3400]  }
0x148: {  	v5 =	vld [tilespmem:s23+$0x1600];
	v0 =	vadd.f32 v1, v0;
	v1 =	vmul.f32 v2, v6  }
0x149: {  	v2 =	vld [tilespmem:s23+$0x3600]  }
0x14a: {  	v6 =	vld [tilespmem:s23+$0x1800];
	v0 =	vadd.f32 v1, v0;
	v1 =	vmul.f32 v3, v7  }
0x14b: {  	v3 =	vld [tilespmem:s23+$0x3800]  }
0x14c: {  	v7 =	vld [tilespmem:s23+$0x1A00];
	v0 =	vadd.f32 v1, v0;
	v1 =	vmul.f32 v4, v8  }
0x14d: {  	v4 =	vld [tilespmem:s23+$0x3A00]  }
0x14e: {  	v8 =	vld [tilespmem:s23+$0x1C00];
	v0 =	vadd.f32 v1, v0;
	v1 =	vmul.f32 v2, v5  }
0x14f: {  	v5 =	vld [tilespmem:s23+$0x3C00]  }
0x150: {  	v9 =	vld [tilespmem:s23+$0x1E00];
	v2 =	vmul.f32 v3, v6;
	v0 =	vadd.f32 v1, v0  }
0x151: {  	v10 =	vld [tilespmem:s23+$0x3E00]  }
0x152: {  	v3 =	vld [tilespmem:s23+$0x4000];
	v4 =	vmul.f32 v4, v7;
	v0 =	vadd.f32 v2, v0  }
0x153: {  	v1 =	vld [tilespmem:s23+$0x2000]  }
0x154: {  	v2 =	vld [tilespmem:s23+$0x2200];
	v6 =	vmul.f32 v5, v8;
	v4 =	vadd.f32 v4, v0  }
0x155: {  	s1 =	simm.s32 $0x10;
	v5 =	vld [tilespmem:s23+$0x4200]  }
0x156: {  	v7 =	vmul.f32 v10, v9;
	v0 =	vld [tilespmem:s1+$0x4400];
	v6 =	vadd.f32 v6, v4  }
0x157: {  	s4 =	simm.s32 $0x80;
	v4 =	vld [tilespmem:s1+$0x400]  }
.LBB2_2:
0x158: {  	p0 =	sne.s32 s4, $0x7C0;
	v8 =	vld [tilespmem:s1+$0x2400];
	v6 =	vadd.f32 v7, v6;
	v1 =	vmul.f32 v3, v1  }
0x159: {  	v3 =	vld [tilespmem:s1+$0x600]  }
0x15a: {  	v7 =	vld [tilespmem:s1+$0x2600];
	v1 =	vadd.f32 v1, v6;
	v2 =	vmul.f32 v5, v2  }
0x15b: {  	v5 =	vld [tilespmem:s1+$0x800]  }
0x15c: {  	v6 =	vld [tilespmem:s1+$0x2800];
	v1 =	vadd.f32 v2, v1  }
0x15d: {  	v2 =	vmul.f32 v8, v4;
	v4 =	vld [tilespmem:s1+$0xA00]  }
0x15e: {  	v8 =	vld [tilespmem:s1+$0x2A00];
	v1 =	vmax.f32 v1, $-1.000000000e+01  }
0x15f: {  	v0 =	vadd.f32 v2, v0;
	v2 =	vmul.f32 v7, v3;
	v3 =	vld [tilespmem:s1+$0xC00];
	v1 =	vmin.f32 v1, $1.000000000e+01  }
0x160: {  	v7 =	vld [tilespmem:s1+$0x2C00];
	[tilespmem:s23+$0x4600] =	vst v1;
	s23 =	smov.u32 s1  }
0x161: {  	v0 =	vadd.f32 v2, v0;
	v1 =	vmul.f32 v6, v5;
	v2 =	vld [tilespmem:s23+$0xE00]  }
0x162: {  	v5 =	vld [tilespmem:s23+$0x2E00]  }
0x163: {  	v0 =	vadd.f32 v1, v0;
	v1 =	vmul.f32 v8, v4;
	v4 =	vld [tilespmem:s23+$0x1000]  }
0x164: {  	v6 =	vld [tilespmem:s23+$0x3000]  }
0x165: {  	v0 =	vadd.f32 v1, v0;
	v1 =	vmul.f32 v7, v3;
	v3 =	vld [tilespmem:s23+$0x1200]  }
0x166: {  	v7 =	vld [tilespmem:s23+$0x3200]  }
0x167: {  	v0 =	vadd.f32 v1, v0;
	v1 =	vmul.f32 v5, v2;
	v2 =	vld [tilespmem:s23+$0x1400]  }
0x168: {  	v5 =	vld [tilespmem:s23+$0x3400]  }
0x169: {  	v0 =	vadd.f32 v1, v0;
	v1 =	vmul.f32 v6, v4;
	v4 =	vld [tilespmem:s23+$0x1600]  }
0x16a: {  	v6 =	vld [tilespmem:s23+$0x3600]  }
0x16b: {  	v0 =	vadd.f32 v1, v0;
	v1 =	vmul.f32 v7, v3;
	v3 =	vld [tilespmem:s23+$0x1800]  }
0x16c: {  	v7 =	vld [tilespmem:s23+$0x3800]  }
0x16d: {  	v0 =	vadd.f32 v1, v0;
	v1 =	vmul.f32 v5, v2;
	v2 =	vld [tilespmem:s23+$0x1A00]  }
0x16e: {  	v5 =	vld [tilespmem:s23+$0x3A00]  }
0x16f: {  	v0 =	vadd.f32 v1, v0;
	v1 =	vmul.f32 v6, v4;
	v4 =	vld [tilespmem:s23+$0x1C00]  }
0x170: {  	v6 =	vld [tilespmem:s23+$0x3C00]  }
0x171: {  	v0 =	vadd.f32 v1, v0;
	v1 =	vmul.f32 v7, v3;
	v7 =	vld [tilespmem:s23+$0x1E00]  }
0x172: {  	v8 =	vld [tilespmem:s23+$0x3E00]  }
0x173: {  	v0 =	vadd.f32 v1, v0;
	v2 =	vmul.f32 v5, v2;
	v1 =	vld [tilespmem:s23+$0x2000]  }
.Ltmp0:
0x174: {  	v3 =	vld [tilespmem:s23+$0x4000];
	(pc) =	sbr.rel @p0 .LBB2_2-.Ltmp0, $4  }
0x175: {  	v9 =	vadd.f32 v2, v0;
	v4 =	vmul.f32 v6, v4;
	v2 =	vld [tilespmem:s23+$0x2200]  }
0x176: {  	s1 =	sshra.s32 s4, $0x2;
	v5 =	vld [tilespmem:s23+$0x4200]  }
0x177: {  	v0 =	vld [tilespmem:s1+$0x4400];
	v6 =	vadd.f32 v4, v9;
	v7 =	vmul.f32 v8, v7  }
0x178: {  	s4 =	sadd.s32 $0x40, s4;
	v4 =	vld [tilespmem:s1+$0x400]  }
0x179: {  	v8 =	vld [tilespmem:s1+$0x2400];
	v6 =	vadd.f32 v7, v6;
	v1 =	vmul.f32 v3, v1  }
0x17a: {  	v21 =	vld [tilespmem:s1+$0x600]  }
0x17b: {  	v22 =	vld [tilespmem:s1+$0x2600];
	v1 =	vadd.f32 v1, v6;
	v2 =	vmul.f32 v5, v2  }
0x17c: {  	v23 =	vld [tilespmem:s1+$0x800]  }
0x17d: {  	v24 =	vld [tilespmem:s1+$0x2800];
	v1 =	vadd.f32 v2, v1  }
0x17e: {  	v25 =	vld [tilespmem:s1+$0xA00];
	v4 =	vmul.f32 v8, v4  }
0x17f: {  	v26 =	vld [tilespmem:s1+$0x2A00];
	v1 =	vmax.f32 v1, $-1.000000000e+01  }
0x180: {  	v9 =	vld [tilespmem:s1+$0xC00];
	v3 =	vmul.f32 v22, v21;
	v0 =	vadd.f32 v4, v0;
	v1 =	vmin.f32 v1, $1.000000000e+01  }
0x181: {  	v27 =	vld [tilespmem:s1+$0x2C00];
	[tilespmem:s23+$0x4600] =	vst v1  }
0x182: {  	v28 =	vmul.f32 v24, v23;
	v0 =	vadd.f32 v3, v0;
	v29 =	vld [tilespmem:s1+$0xE00]  }
0x183: {  	v30 =	vld [tilespmem:s1+$0x2E00]  }
0x184: {  	v31 =	vmul.f32 v26, v25;
	v32 =	vld [tilespmem:s1+$0x1000];
	v0 =	vadd.f32 v28, v0  }
0x185: {  	v33 =	vld [tilespmem:s1+$0x3000]  }
0x186: {  	v34 =	vmul.f32 v27, v9;
	v35 =	vld [tilespmem:s1+$0x1200];
	v0 =	vadd.f32 v31, v0  }
0x187: {  	v36 =	vld [tilespmem:s1+$0x3200]  }
0x188: {  	v38 =	vld [tilespmem:s1+$0x1400];
	v37 =	vmul.f32 v30, v29;
	v0 =	vadd.f32 v34, v0  }
0x189: {  	v39 =	vld [tilespmem:s1+$0x3400]  }
0x18a: {  	v41 =	vld [tilespmem:s1+$0x1600];
	v40 =	vmul.f32 v33, v32;
	v0 =	vadd.f32 v37, v0  }
0x18b: {  	v42 =	vld [tilespmem:s1+$0x3600]  }
0x18c: {  	v44 =	vld [tilespmem:s1+$0x1800];
	v43 =	vmul.f32 v36, v35;
	v0 =	vadd.f32 v40, v0  }
0x18d: {  	v45 =	vld [tilespmem:s1+$0x3800]  }
0x18e: {  	v47 =	vld [tilespmem:s1+$0x1A00];
	v46 =	vmul.f32 v39, v38;
	v0 =	vadd.f32 v43, v0  }
0x18f: {  	v48 =	vld [tilespmem:s1+$0x3A00]  }
0x190: {  	v50 =	vld [tilespmem:s1+$0x1C00];
	v49 =	vmul.f32 v42, v41;
	v0 =	vadd.f32 v46, v0  }
0x191: {  	v51 =	vld [tilespmem:s1+$0x3C00]  }
0x192: {  	v53 =	vld [tilespmem:s1+$0x1E00];
	v52 =	vmul.f32 v45, v44;
	v0 =	vadd.f32 v49, v0  }
0x193: {  	v54 =	vld [tilespmem:s1+$0x3E00]  }
0x194: {  	v56 =	vld [tilespmem:s1+$0x2000];
	v55 =	vmul.f32 v48, v47;
	v0 =	vadd.f32 v52, v0  }
0x195: {  	v57 =	vld [tilespmem:s1+$0x4000]  }
0x196: {  	v59 =	vld [tilespmem:s1+$0x2200];
	v58 =	vmul.f32 v51, v50;
	v0 =	vadd.f32 v55, v0  }
0x197: {  	v60 =	vld [tilespmem:s1+$0x4200]  }
0x198: {  	v61 =	vmul.f32 v54, v53;
	v0 =	vadd.f32 v58, v0;
	_ =	sdelay $0x1  }
0x199: {  	v62 =	vmul.f32 v57, v56;
	v0 =	vadd.f32 v61, v0;
	_ =	sdelay $0x1  }
0x19a: {  	v63 =	vmul.f32 v60, v59;
	v0 =	vadd.f32 v62, v0;
	_ =	sdelay $0x1  }
0x19b: {  	v0 =	vadd.f32 v63, v0;
	_ =	sdelay $0x1  }
0x19c: {  	s5 =	sld [smem:$0x7FA];
	v0 =	vmax.f32 v0, $-1.000000000e+01  }
0x19d: {  	v0 =	vmin.f32 v0, $1.000000000e+01  }
0x19e: {  	s4 =	simm.s32 $0x4600;
	[tilespmem:s1+$0x4600] =	vst v0  }
0x19f: {  	[hbm4b:s5+s3] =	stream.linear.scatter [tilespmem:s4], [sflag:$0x5], $0x200, $0x38;
	[tilespmem:$0x4800] =	vst v63  }
0x1a0: {  	s4 =	simm.s32 $0x5  }
0x1a1: {  	_ =	swait.ge [sflag:s4], $0x200  }
0x1a2: {  	[sflag:s4] =	ssyncset.done $0x0  }
0x1a3: {  	[sflag:s4] =	ssyncadd.s32 $0xFFFFFE00  }
0x1a4: {  	_ =	swait.ge [sflag:s0], $0x200  }
0x1a5: {  	[sflag:s0] =	ssyncset.done $0x0  }
0x1a6: {  	[sflag:s0] =	ssyncadd.s32 $0xFFFFFE00  }
0x1a7: {  	_ =	swait.ge [sflag:s0], $0x200  }
0x1a8: {  	[sflag:s0] =	ssyncset.done $0x0  }
0x1a9: {  	[sflag:s0] =	ssyncadd.s32 $0xFFFFFE00  }
0x1aa: {  	_ =	swait.ge [sflag:s0], $0x200  }
0x1ab: {  	[sflag:s0] =	ssyncset.done $0x0  }
0x1ac: {  	[sflag:s0] =	ssyncadd.s32 $0xFFFFFE00  }
0x1ad: {  	_ =	swait.ge [sflag:s0], $0x200  }
0x1ae: {  	[sflag:s0] =	ssyncset.done $0x0  }
0x1af: {  	[sflag:s0] =	ssyncadd.s32 $0xFFFFFE00  }
0x1b0: {  	_ =	swait.ge [sflag:s0], $0x200  }
0x1b1: {  	[sflag:s0] =	ssyncset.done $0x0  }
0x1b2: {  	[sflag:s0] =	ssyncadd.s32 $0xFFFFFE00  }
0x1b3: {  	_ =	swait.ge [sflag:s0], $0x200  }
0x1b4: {  	[sflag:s0] =	ssyncset.done $0x0  }
0x1b5: {  	[sflag:s0] =	ssyncadd.s32 $0xFFFFFE00  }
0x1b6: {  	_ =	swait.ge [sflag:s0], $0x200  }
0x1b7: {  	[sflag:s0] =	ssyncset.done $0x0  }
0x1b8: {  	[sflag:s0] =	ssyncadd.s32 $0xFFFFFE00  }
0x1b9: {  	_ =	swait.ge [sflag:s0], $0x200  }
0x1ba: {  	[sflag:s0] =	ssyncset.done $0x0  }
0x1bb: {  	[sflag:s0] =	ssyncadd.s32 $0xFFFFFE00  }
0x1bc: {  	_ =	swait.ge [sflag:s0], $0x200  }
0x1bd: {  	[sflag:s0] =	ssyncset.done $0x0  }
0x1be: {  	[sflag:s0] =	ssyncadd.s32 $0xFFFFFE00  }
0x1bf: {  	_ =	swait.ge [sflag:s0], $0x200  }
0x1c0: {  	[sflag:s0] =	ssyncset.done $0x0  }
0x1c1: {  	[sflag:s0] =	ssyncadd.s32 $0xFFFFFE00  }
0x1c2: {  	_ =	swait.ge [sflag:s0], $0x200  }
0x1c3: {  	[sflag:s0] =	ssyncset.done $0x0  }
0x1c4: {  	[sflag:s0] =	ssyncadd.s32 $0xFFFFFE00  }
0x1c5: {  	_ =	swait.ge [sflag:s0], $0x200  }
0x1c6: {  	[sflag:s0] =	ssyncset.done $0x0  }
0x1c7: {  	[sflag:s0] =	ssyncadd.s32 $0xFFFFFE00  }
0x1c8: {  	_ =	swait.ge [sflag:s0], $0x200  }
0x1c9: {  	[sflag:s0] =	ssyncset.done $0x0  }
0x1ca: {  	[sflag:s0] =	ssyncadd.s32 $0xFFFFFE00  }
0x1cb: {  	_ =	swait.ge [sflag:s0], $0x200  }
0x1cc: {  	[sflag:s0] =	ssyncset.done $0x0  }
0x1cd: {  	[sflag:s0] =	ssyncadd.s32 $0xFFFFFE00  }
0x1ce: {  	_ =	swait.ge [sflag:s0], $0x200  }
0x1cf: {  	[sflag:s0] =	ssyncset.done $0x0  }
0x1d0: {  	[sflag:s0] =	ssyncadd.s32 $0xFFFFFE00  }
0x1d1: {  	_ =	swait.ge [sflag:s0], $0x200  }
0x1d2: {  	[sflag:s0] =	ssyncset.done $0x0  }
0x1d3: {  	[sflag:s0] =	ssyncadd.s32 $0xFFFFFE00  }
0x1d4: {  	_ =	swait.ge [sflag:s0], $0x200  }
0x1d5: {  	[sflag:s0] =	ssyncset.done $0x0  }
0x1d6: {  	[sflag:s0] =	ssyncadd.s32 $0xFFFFFE00  }
0x1d7: {  	_ =	swait.ge [sflag:s0], $0x200  }
0x1d8: {  	[sflag:s0] =	ssyncset.done $0x0  }
0x1d9: {  	[sflag:s0] =	ssyncadd.s32 $0xFFFFFE00  }
0x1da: {  	_ =	swait.ge [sflag:s0], $0x200  }
0x1db: {  	[sflag:s0] =	ssyncset.done $0x0  }
0x1dc: {  	[sflag:s0] =	ssyncadd.s32 $0xFFFFFE00  }
0x1dd: {  	_ =	swait.ge [sflag:s0], $0x200  }
0x1de: {  	[sflag:s0] =	ssyncset.done $0x0  }
0x1df: {  	[sflag:s0] =	ssyncadd.s32 $0xFFFFFE00  }
0x1e0: {  	_ =	swait.ge [sflag:s0], $0x200  }
0x1e1: {  	[sflag:s0] =	ssyncset.done $0x0  }
0x1e2: {  	[sflag:s0] =	ssyncadd.s32 $0xFFFFFE00  }
0x1e3: {  	_ =	swait.ge [sflag:s0], $0x200  }
0x1e4: {  	[sflag:s0] =	ssyncset.done $0x0  }
0x1e5: {  	[sflag:s0] =	ssyncadd.s32 $0xFFFFFE00  }
0x1e6: {  	_ =	swait.ge [sflag:s0], $0x200  }
0x1e7: {  	[sflag:s0] =	ssyncset.done $0x0  }
0x1e8: {  	[sflag:s0] =	ssyncadd.s32 $0xFFFFFE00  }
0x1e9: {  	_ =	swait.ge [sflag:s0], $0x200  }
0x1ea: {  	[sflag:s0] =	ssyncset.done $0x0  }
0x1eb: {  	[sflag:s0] =	ssyncadd.s32 $0xFFFFFE00  }
0x1ec: {  	_ =	swait.ge [sflag:s0], $0x200  }
0x1ed: {  	[sflag:s0] =	ssyncset.done $0x0  }
0x1ee: {  	[sflag:s0] =	ssyncadd.s32 $0xFFFFFE00  }
0x1ef: {  	_ =	swait.ge [sflag:s0], $0x200  }
0x1f0: {  	[sflag:s0] =	ssyncset.done $0x0  }
0x1f1: {  	[sflag:s0] =	ssyncadd.s32 $0xFFFFFE00  }
0x1f2: {  	_ =	swait.ge [sflag:s0], $0x200  }
0x1f3: {  	[sflag:s0] =	ssyncset.done $0x0  }
0x1f4: {  	[sflag:s0] =	ssyncadd.s32 $0xFFFFFE00  }
0x1f5: {  	_ =	swait.ge [sflag:s0], $0x200  }
0x1f6: {  	[sflag:s0] =	ssyncset.done $0x0  }
0x1f7: {  	[sflag:s0] =	ssyncadd.s32 $0xFFFFFE00  }
0x1f8: {  	_ =	swait.ge [sflag:s0], $0x200  }
0x1f9: {  	[sflag:s0] =	ssyncset.done $0x0  }
0x1fa: {  	[sflag:s0] =	ssyncadd.s32 $0xFFFFFE00  }
0x1fb: {  	_ =	swait.ge [sflag:s0], $0x200  }
0x1fc: {  	[sflag:s0] =	ssyncset.done $0x0  }
0x1fd: {  	[sflag:s0] =	ssyncadd.s32 $0xFFFFFE00  }
0x1fe: {  	_ =	swait.ge [sflag:s0], $0x200  }
0x1ff: {  	[sflag:s0] =	ssyncset.done $0x0  }
0x200: {  	[sflag:s0] =	ssyncadd.s32 $0xFFFFFE00  }
0x201: {  	_ =	swait.ge [sflag:s0], $0x200  }
0x202: {  	[sflag:s0] =	ssyncset.done $0x0  }
0x203: {  	[sflag:s0] =	ssyncadd.s32 $0xFFFFFE00  }
0x204: {  	_ =	swait.ge [sflag:s0], $0x200  }
0x205: {  	s23 =	sld [smem:$0x7FD];
	_ =	sdelay $0x1  }
0x206: {  	s2 =	sadd.s32 $0x1, s2  }
0x207: {  	p0 =	sne.s32 s2, s23  }
.Ltmp1:
0x208: {  	_ = 	snop;
	(pc) =	sbr.rel @p0 .LBB2_1-.Ltmp1, $3  }
0x209: {  	_ =	sdelay $0x1  }
0x20a: {  	[sflag:s0] =	ssyncset.done $0x0  }
0x20b: {  	[sflag:s0] =	ssyncadd.s32 $0xFFFFFE00  }
0x20c: {  	_ =	sfence.sel $0x180000  }
0x20d: {  	[bflag:$0x0] =	sbarrier.arrive $0xFFFF  }
0x20e: {  	_ =	strace $0x9000004A  }
0x20f: {  	s0 =	stileid.u32;
	[bflag:$0x2] =	sbarrier.arrive $0xFFFF  }
0x210: {  	p0 =	sne.s32 s0, $0x0;
	s0 =	rddreg [dreg:$0x7]  }
0x211: {  	s0 =	sadd.s32 @!p0 $0x100000, s0  }
0x212: {  	[sflag:s0] =	ssyncadd.tile.s32 @!p0 $0x1;
	_ =	shalt  }
.Lfunc_end2:
_tile_overlayer_lowered:
.L_overlay_start_2:
0x213: {  	(tag) =	ssettag $0x2  }
0x214: {  	s0 =	rddreg [dreg:$0x0];
	s2 =	stileid.u32  }
0x215: {  	s1 =	rddreg [dreg:$0x1];
	p0 =	sne.s32 s2, $0x0  }
0x216: {  	s3 =	rddreg [dreg:$0x2];
	[bflag:$0x3] =	sbarrier.arrive $0xFFFF;
	s2 =	simm.s32 @!p0 $0x1C05  }
0x217: {  	[timem:s3], [sflag:s2] =	dma.local @!p0 [hbm:s0], s1  }
0x218: {  	s0 =	simm.s32 @!p0 $0x5  }
0x219: {  	_ =	swait.ge @!p0 [sflag:s0], s1  }
0x21a: {  	s1 =	ssub.s32 @!p0 $0x0, s1;
	[sflag:s0] =	ssyncset.done @!p0 $0x0  }
0x21b: {  	[sflag:s0] =	ssyncadd.s32 @!p0 s1  }
0x21c: {  	[bflag:$0x3] =	sbarrier.arrive $0xFFFF  }
0x21d: {  	_ =	shalt  }

</sc_bundles>
